<compile_context>
chip_gen: v7x
topology: tpu7x:2x2x1
jax: 0.10.2.dev20260603
libtpu: 0.0.44.dev20260713+nightly
codegen_flags: <defaults>
</compile_context>

<pallas_src>
import functools
import math

import jax
import jax.numpy as jnp
from jax import lax
from jax.experimental import pallas as pl
from jax.experimental.pallas import tpu as pltpu
from jax.experimental.pallas import tpu_sc as plsc

SC_CORES = 2
SC_TILES = 16
SC_WORKERS = SC_CORES * SC_TILES

MAX_N = 3
MAX_L = 3
CUTOFF = 5.0
THREE_CUTOFF = 4.0
NNF = 16
NEF = 16
UNITS = 64
N_BLOCKS = 3
N_ELEM = 16
DEGREE = MAX_N * MAX_L

TE = 2000
TT = 2000
TN = 2000


def _sigmoid(x):
    return 1.0 / (1.0 + jnp.exp(-x))


def _swish(x):
    return x * _sigmoid(x)


def _smooth_sbf_cols(bd):
    pi = math.pi
    cols = []
    for n in range(MAX_N):
        x1 = bd * ((n + 1.0) * pi / CUTOFF)
        x2 = bd * ((n + 2.0) * pi / CUTOFF)
        c = ((-1.0) ** n) * math.sqrt(2.0) * pi / CUTOFF ** 1.5 \
            * (n + 1.0) * (n + 2.0) / math.sqrt((n + 1.0) ** 2 + (n + 2.0) ** 2)
        cols.append(c * (jnp.sin(x1) / x1 + jnp.sin(x2) / x2))
    dn = [1.0]
    for i in range(1, MAX_N):
        e_i = i ** 2 * (i + 2) ** 2 / (4.0 * (i + 1) ** 4 + 1.0)
        dn.append(1.0 - e_i / dn[-1])
    gn = [cols[0]]
    for i in range(1, MAX_N):
        e_i = i ** 2 * (i + 2) ** 2 / (4.0 * (i + 1) ** 4 + 1.0)
        gn.append((cols[i] + math.sqrt(e_i / dn[i - 1]) * gn[-1]) / math.sqrt(dn[i]))
    return jnp.concatenate(gn, axis=1)


def _poly_cutoff(r, rc):
    ratio = r / rc
    v = 1.0 - 6.0 * ratio ** 5 + 15.0 * ratio ** 4 - 10.0 * ratio ** 3
    return jnp.where(r <= rc, v, 0.0)


def _geom_body(psrc, pdst, wee, bee, wew, wnw, g_out, ef0, ew, nw):
    bv = pdst[:, 0:3] - psrc[:, 0:3]
    bd = jnp.sqrt(jnp.sum(bv * bv, axis=1, keepdims=True) + 1e-12)
    cut = _poly_cutoff(bd, THREE_CUTOFF)
    rbf = _smooth_sbf_cols(bd)
    zcols = jnp.zeros((psrc.shape[0], 11), jnp.float32)
    g_out[...] = jnp.concatenate([bv, bd, cut, zcols], axis=1)
    ef0[...] = _swish(jnp.dot(rbf, wee[...], preferred_element_type=jnp.float32)
                      + bee[...])
    ew[...] = jnp.dot(rbf, wew[...], preferred_element_type=jnp.float32)
    nw[...] = jnp.dot(rbf, wnw[...], preferred_element_type=jnp.float32)


def _geom_call(psrc, pdst, wee, bee, wew, wnw):
    e = psrc.shape[0]
    grid = e // TE
    eb = lambda w: pl.BlockSpec((TE, w), lambda i: (i, 0))
    wb = lambda a: pl.BlockSpec(a.shape, lambda i: (0,) * a.ndim)
    return pl.pallas_call(
        _geom_body,
        grid=(grid,),
        in_specs=[eb(16), eb(16), wb(wee), wb(bee), wb(wew), wb(wnw)],
        out_specs=[eb(16), eb(16), eb(16), eb(16)],
        out_shape=[jax.ShapeDtypeStruct((e, 16), jnp.float32)] * 4,
        compiler_params=pltpu.CompilerParams(
            dimension_semantics=("parallel",)),
    )(psrc, pdst, wee, bee, wew, wnw)


def _triple_body(ga, gb, basisw):
    va = ga[:, 0:3]
    vb = gb[:, 0:3]
    na = ga[:, 3:4]
    nb = gb[:, 3:4]
    cos_t = jnp.clip(jnp.sum(va * vb, axis=1, keepdims=True) / (na * nb),
                     -1.0, 1.0)
    sbf = _smooth_sbf_cols(nb)
    p0 = jnp.ones_like(cos_t)
    p1 = cos_t
    p2 = (3.0 * cos_t * cos_t - 1.0) * 0.5
    leg = jnp.concatenate([p0, p1, p2], axis=1)
    w = ga[:, 4:5] * gb[:, 4:5]
    outer = [sbf[:, i:i + 1] * leg for i in range(MAX_N)]
    z = jnp.zeros((ga.shape[0], 16 - DEGREE), jnp.float32)
    basisw[...] = jnp.concatenate(outer + [z], axis=1) * w


def _triple_call(ga, gb):
    t = ga.shape[0]
    grid = t // TT
    tb = lambda w: pl.BlockSpec((TT, w), lambda i: (i, 0))
    return pl.pallas_call(
        _triple_body,
        grid=(grid,),
        in_specs=[tb(16), tb(16)],
        out_specs=tb(16),
        out_shape=jax.ShapeDtypeStruct((t, 16), jnp.float32),
        compiler_params=pltpu.CompilerParams(
            dimension_semantics=("parallel",)),
    )(ga, gb)


def _prep0_body(nt, wemb, bemb, watom, batom, table):
    n = nt.shape[0]
    oh = (nt[...] == lax.broadcasted_iota(jnp.int32, (n, N_ELEM), 1)).astype(jnp.float32)
    nf = _swish(jnp.dot(oh, wemb[...], preferred_element_type=jnp.float32)
                + bemb[...])
    atoms = _sigmoid(jnp.dot(nf, watom[...], preferred_element_type=jnp.float32)
                     + batom[...])
    z = jnp.zeros((n, 32 - NNF - DEGREE), jnp.float32)
    table[...] = jnp.concatenate([nf, atoms, z], axis=1)


def _prep0_call(node_type, wemb, bemb, watom, batom):
    n = node_type.shape[0]
    grid = n // TN
    wb = lambda a: pl.BlockSpec(a.shape, lambda i: (0,) * a.ndim)
    return pl.pallas_call(
        _prep0_body,
        grid=(grid,),
        in_specs=[pl.BlockSpec((TN, 1), lambda i: (i, 0)),
                  wb(wemb), wb(bemb), wb(watom), wb(batom)],
        out_specs=pl.BlockSpec((TN, 32), lambda i: (i, 0)),
        out_shape=jax.ShapeDtypeStruct((n, 32), jnp.float32),
        compiler_params=pltpu.CompilerParams(
            dimension_semantics=("parallel",)),
    )(node_type, wemb, bemb, watom, batom)


def _prep_body(tprev, p0, p1, watom, batom, table):
    n = tprev.shape[0]
    nf = tprev[:, 0:NNF] + p0[...] + p1[...]
    atoms = _sigmoid(jnp.dot(nf, watom[...], preferred_element_type=jnp.float32)
                     + batom[...])
    z = jnp.zeros((n, 32 - NNF - DEGREE), jnp.float32)
    table[...] = jnp.concatenate([nf, atoms, z], axis=1)


def _prep_call(tprev, p0, p1, watom, batom):
    n = tprev.shape[0]
    grid = n // TN
    wb = lambda a: pl.BlockSpec(a.shape, lambda i: (0,) * a.ndim)
    nb = lambda w: pl.BlockSpec((TN, w), lambda i: (i, 0))
    return pl.pallas_call(
        _prep_body,
        grid=(grid,),
        in_specs=[nb(32), nb(16), nb(16), wb(watom), wb(batom)],
        out_specs=nb(32),
        out_shape=jax.ShapeDtypeStruct((n, 32), jnp.float32),
        compiler_params=pltpu.CompilerParams(
            dimension_semantics=("parallel",)),
    )(tprev, p0, p1, watom, batom)


def _conv_body(gsrc, gdst, s, ef, ew, nw, wbp, wbg,
               ep1, ep2, ep3, eg1, eg2, eg3, np1, np2, np3, ng1, ng2, ng3,
               ef_out, msg_out):
    f32 = jnp.float32
    dot = lambda a, b: jnp.dot(a, b, preferred_element_type=f32)
    src16 = gsrc[:, 0:16]
    dst16 = gdst[:, 0:16]
    atoms = gdst[:, 16:32]
    nb = s[...] * atoms
    bond = _swish(dot(nb, wbp[...])) * _sigmoid(dot(nb, wbg[...]))
    e1 = ef[...] + bond

    def sd(w1):
        return dot(src16, w1[0:16, :]) + dot(dst16, w1[16:32, :])

    sd_ep, sd_eg = sd(ep1[...]), sd(eg1[...])
    hp = _swish(sd_ep + dot(e1, ep1[32:48, :]))
    hp = _swish(dot(hp, ep2[...]))
    hp = _swish(dot(hp, ep3[...]))
    hg = _swish(sd_eg + dot(e1, eg1[32:48, :]))
    hg = _swish(dot(hg, eg2[...]))
    hg = _sigmoid(dot(hg, eg3[...]))
    e2 = e1 + hp * hg * ew[...]

    sd_np, sd_ng = sd(np1[...]), sd(ng1[...])
    qp = _swish(sd_np + dot(e2, np1[32:48, :]))
    qp = _swish(dot(qp, np2[...]))
    qp = _swish(dot(qp, np3[...]))
    qg = _swish(sd_ng + dot(e2, ng1[32:48, :]))
    qg = _swish(dot(qg, ng2[...]))
    qg = _sigmoid(dot(qg, ng3[...]))
    ef_out[...] = e2
    msg_out[...] = qp * qg * nw[...]


def _conv_call(gsrc, gdst, s, ef, ew, nw, wbp, wbg, gc):
    e = gsrc.shape[0]
    grid = e // TE
    eb = lambda w: pl.BlockSpec((TE, w), lambda i: (i, 0))
    wb = lambda a: pl.BlockSpec(a.shape, lambda i: (0,) * a.ndim)
    ws = [wbp, wbg] + gc['edge_proj'] + gc['edge_gate'] + gc['node_proj'] + gc['node_gate']
    return pl.pallas_call(
        _conv_body,
        grid=(grid,),
        in_specs=[eb(32), eb(32), eb(16), eb(16), eb(16), eb(16)]
                 + [wb(w) for w in ws],
        out_specs=[eb(16), eb(16)],
        out_shape=[jax.ShapeDtypeStruct((e, 16), jnp.float32)] * 2,
        compiler_params=pltpu.CompilerParams(
            dimension_semantics=("parallel",)),
    )(gsrc, gdst, s, ef, ew, nw, *ws)


def _readout_body(tprev, p0, p1, nt, elem_ref, w1, b1, w2, b2, w3, b3,
                  out, acc, offacc):
    i = pl.program_id(0)
    n = tprev.shape[0]

    @pl.when(i == 0)
    def _init():
        acc[...] = jnp.zeros_like(acc)
        offacc[...] = jnp.zeros_like(offacc)

    nf = tprev[:, 0:NNF] + p0[...] + p1[...]
    acc[...] += jnp.sum(nf, axis=0, keepdims=True)
    oh = (nt[...] == lax.broadcasted_iota(jnp.int32, (n, N_ELEM), 1)).astype(jnp.float32)
    offacc[...] = offacc[...] + jnp.sum(oh * elem_ref[...])

    @pl.when(i == pl.num_programs(0) - 1)
    def _final():
        dot = lambda a, b: jnp.dot(a, b, preferred_element_type=jnp.float32)
        nv = acc[...] / float(N_TOTAL_NODES)
        h = _swish(dot(nv, w1[...]) + b1[...])
        h = _swish(dot(h, w2[...]) + b2[...])
        out[...] = dot(h, w3[...]) + b3[...] + offacc[...]


N_TOTAL_NODES = 50000


def _readout_call(tprev, p0, p1, node_type, elem_ref, fin):
    n = tprev.shape[0]
    global N_TOTAL_NODES
    N_TOTAL_NODES = n
    grid = n // TN
    wb = lambda a: pl.BlockSpec(a.shape, lambda i: (0,) * a.ndim)
    nb = lambda w: pl.BlockSpec((TN, w), lambda i: (i, 0))
    ws = [elem_ref.reshape(1, N_ELEM), fin['W1'], fin['b1'].reshape(1, -1),
          fin['W2'], fin['b2'].reshape(1, -1), fin['W3'], fin['b3'].reshape(1, 1)]
    return pl.pallas_call(
        _readout_body,
        grid=(grid,),
        in_specs=[nb(32), nb(16), nb(16), pl.BlockSpec((TN, 1), lambda i: (i, 0))]
                 + [wb(w) for w in ws],
        out_specs=pl.BlockSpec((1, 1), lambda i: (0, 0)),
        out_shape=jax.ShapeDtypeStruct((1, 1), jnp.float32),
        scratch_shapes=[pltpu.VMEM((1, 16), jnp.float32),
                        pltpu.VMEM((1, 1), jnp.float32)],
    )(tprev, p0, p1, node_type, *ws)


def _sc_gather2(table, idx0, idx1):
    k = idx0.shape[0]
    d = table.shape[1]
    kpw = k // SC_WORKERS
    ch = 1000
    n_ch = kpw // ch
    mesh = plsc.VectorSubcoreMesh(core_axis_name="c", subcore_axis_name="s")

    @functools.partial(
        pl.kernel, mesh=mesh,
        compiler_params=pltpu.CompilerParams(use_tc_tiling_on_sc=False),
        out_type=[jax.ShapeDtypeStruct((k, d), jnp.float32)] * 2,
        scratch_types=[pltpu.VMEM((ch,), jnp.int32),
                       pltpu.VMEM((ch, d), jnp.float32),
                       pltpu.SemaphoreType.DMA],
    )
    def gk(table_h, i0_h, i1_h, o0_h, o1_h, idx_v, rows_v, sem):
        wid = lax.axis_index("c") * SC_TILES + lax.axis_index("s")
        base = wid * kpw

        @pl.loop(0, n_ch)
        def _chunk(c):
            off = base + c * ch
            for ih, oh in ((i0_h, o0_h), (i1_h, o1_h)):
                pltpu.sync_copy(ih.at[pl.ds(off, ch)], idx_v)
                pltpu.async_copy(table_h.at[idx_v], rows_v, sem).wait()
                pltpu.sync_copy(rows_v, oh.at[pl.ds(off, ch)])

    return gk(table, idx0, idx1)


def _sc_scatter_node(msg, dst, n):
    e = msg.shape[0]
    epw = e // SC_WORKERS
    ch = 1000
    n_ch = epw // ch
    npt = n // SC_TILES
    zeros = jnp.zeros((n, 16), jnp.float32)
    mesh = plsc.VectorSubcoreMesh(core_axis_name="c", subcore_axis_name="s")

    @functools.partial(
        pl.kernel, mesh=mesh,
        compiler_params=pltpu.CompilerParams(use_tc_tiling_on_sc=False),
        out_type=jax.ShapeDtypeStruct((SC_CORES, n, 16), jnp.float32),
        scratch_types=[pltpu.VMEM((ch,), jnp.int32),
                       pltpu.VMEM((ch, 16), jnp.float32),
                       pltpu.VMEM_SHARED((n, 16), jnp.float32)],
    )
    def sk(msg_h, dst_h, zero_h, out_h, idx_v, rows_v, acc_sh):
        cid = lax.axis_index("c")
        sid = lax.axis_index("s")
        pltpu.sync_copy(zero_h.at[pl.ds(sid * npt, npt)],
                        acc_sh.at[pl.ds(sid * npt, npt)])
        plsc.subcore_barrier()
        base = (cid * SC_TILES + sid) * epw

        @pl.loop(0, n_ch)
        def _chunk(c):
            off = base + c * ch
            pltpu.sync_copy(dst_h.at[pl.ds(off, ch)], idx_v)
            pltpu.sync_copy(msg_h.at[pl.ds(off, ch)], rows_v)
            pltpu.sync_copy(rows_v, acc_sh.at[idx_v], add=True)

        plsc.subcore_barrier()
        pltpu.sync_copy(acc_sh.at[pl.ds(sid * npt, npt)],
                        out_h.at[cid, pl.ds(sid * npt, npt)])

    out = sk(msg, dst, zeros)
    return out[0], out[1]


def _sc_scatter_s(vals, b, e):
    t = vals.shape[0]
    chs = 80000
    n_chunks = e // chs
    cpc = n_chunks // SC_CORES
    tpt = t // SC_TILES
    ch2 = 2000
    n_ch2 = tpt // ch2
    zpt = (chs + SC_TILES) // SC_TILES
    wpt = chs // SC_TILES
    dummy = jnp.int32(chs)
    zeros = jnp.zeros((chs + SC_TILES, 16), jnp.float32)
    mesh = plsc.VectorSubcoreMesh(core_axis_name="c", subcore_axis_name="s")

    @functools.partial(
        pl.kernel, mesh=mesh,
        compiler_params=pltpu.CompilerParams(use_tc_tiling_on_sc=False),
        out_type=jax.ShapeDtypeStruct((e, 16), jnp.float32),
        scratch_types=[pltpu.VMEM((ch2,), jnp.int32),
                       pltpu.VMEM((ch2,), jnp.int32),
                       pltpu.VMEM((ch2, 16), jnp.float32),
                       pltpu.VMEM_SHARED((chs + SC_TILES, 16), jnp.float32)],
    )
    def sk(vals_h, b_h, zero_h, out_h, idx_v, idx2_v, rows_v, acc_sh):
        cid = lax.axis_index("c")
        sid = lax.axis_index("s")
        tb = sid * tpt
        for ci in range(cpc):
            chunk = ci * SC_CORES + cid
            lo = chunk * chs
            pltpu.sync_copy(zero_h.at[pl.ds(sid * zpt, zpt)],
                            acc_sh.at[pl.ds(sid * zpt, zpt)])
            plsc.subcore_barrier()

            @pl.loop(0, n_ch2)
            def _chunk(c2):
                off = tb + c2 * ch2
                pltpu.sync_copy(b_h.at[pl.ds(off, ch2)], idx_v)
                pltpu.sync_copy(vals_h.at[pl.ds(off, ch2)], rows_v)

                @pl.loop(0, ch2 // 16)
                def _vreg(j):
                    v = idx_v[pl.ds(j * 16, 16)]
                    lv = v - lo
                    m = (v >= lo) & (v < lo + chs)
                    idx2_v[pl.ds(j * 16, 16)] = jnp.where(m, lv, dummy)

                pltpu.sync_copy(rows_v, acc_sh.at[idx2_v], add=True)

            plsc.subcore_barrier()
            pltpu.sync_copy(acc_sh.at[pl.ds(sid * wpt, wpt)],
                            out_h.at[pl.ds(lo + sid * wpt, wpt)])
            plsc.subcore_barrier()

    return sk(vals, b, zeros)


def kernel(pos, state_attr, params, node_type, edge_index, lg_edge_index):
    n = pos.shape[0]
    e = edge_index.shape[1]
    src, dst = edge_index[0], edge_index[1]
    a, b = lg_edge_index[0], lg_edge_index[1]
    gc = params['conv']

    pos16 = jnp.pad(pos, ((0, 0), (0, 13)))
    psrc, pdst = _sc_gather2(pos16, src, dst)

    bee = params['b_edge_emb'].reshape(1, NEF)
    g_tab, ef0, ew, nw = _geom_call(psrc, pdst, params['W_edge_emb'], bee,
                                    gc['W_edge_w'], gc['W_node_w'])

    ga, gb = _sc_gather2(g_tab, a, b)
    basisw = _triple_call(ga, gb)
    s_tab = _sc_scatter_s(basisw, b, e)

    pad_w = lambda w: jnp.pad(w, ((0, 16 - DEGREE), (0, 0)))
    pad_b = lambda v: jnp.pad(v, (0, 16 - DEGREE)).reshape(1, 16)

    tb0 = params['three_body'][0]
    table = _prep0_call(node_type.reshape(n, 1),
                        params['W_node_emb'], params['b_node_emb'].reshape(1, NNF),
                        tb0['W_atom'], tb0['b_atom'].reshape(1, DEGREE))

    ef = ef0
    for i in range(N_BLOCKS):
        gsrc, gdst = _sc_gather2(table, src, dst)
        tb = params['three_body'][i]
        wbp = jnp.pad(tb['W_bond_p'], ((0, 16 - DEGREE), (0, 0)))
        wbg = jnp.pad(tb['W_bond_g'], ((0, 16 - DEGREE), (0, 0)))
        ef, msg = _conv_call(gsrc, gdst, s_tab, ef, ew, nw, wbp, wbg, gc)
        p0, p1 = _sc_scatter_node(msg, dst, n)
        if i < N_BLOCKS - 1:
            tbn = params['three_body'][i + 1]
            table = _prep_call(table, p0, p1, tbn['W_atom'],
                               tbn['b_atom'].reshape(1, DEGREE))
        else:
            out = _readout_call(table, p0, p1, node_type.reshape(n, 1),
                                params['elem_ref'], params['final'])
    return out

# --- scband reference (transcript-rebuilt; emitter-appended) ---
"""Pipeline reference for scband-m3-gnet-74998718922914 (READ-ONLY COPY).

The authoritative reference and input builder live on the scoring server;
editing this copy changes nothing except your own understanding.
"""

import jax, jax.numpy as jnp
import numpy as np

MAX_N = 3
MAX_L = 3
CUTOFF = 5.0
THREE_CUTOFF = 4.0
NNF = 16
NEF = 16
UNITS = 64
N_BLOCKS = 3
N_ELEM = 16
DEGREE = MAX_N * MAX_L
N_NODES = 50000
N_EDGES = 800000
N_TRIPLES = 800000


def swish(x):
    return x * jax.nn.sigmoid(x)


def smooth_sbf(r, cutoff, max_n):
    # Smooth spherical Bessel basis (matgl SphericalBesselFunction, smooth=True)
    r = r[:, None]
    n = jnp.arange(max_n, dtype=jnp.float32)[None, :]
    x1 = r * (n + 1.0) * jnp.pi / cutoff
    x2 = r * (n + 2.0) * jnp.pi / cutoff
    fnr = ((-1.0) ** n) * jnp.sqrt(2.0) * jnp.pi / cutoff ** 1.5 \
        * (n + 1.0) * (n + 2.0) / jnp.sqrt((n + 1.0) ** 2 + (n + 2.0) ** 2) \
        * (jnp.sin(x1) / x1 + jnp.sin(x2) / x2)
    dn = [1.0]
    for i in range(1, max_n):
        e_i = i ** 2 * (i + 2) ** 2 / (4.0 * (i + 1) ** 4 + 1.0)
        dn.append(1.0 - e_i / dn[-1])
    gn = [fnr[:, 0]]
    for i in range(1, max_n):
        e_i = i ** 2 * (i + 2) ** 2 / (4.0 * (i + 1) ** 4 + 1.0)
        gn.append((fnr[:, i] + jnp.sqrt(e_i / dn[i - 1]) * gn[-1]) / jnp.sqrt(dn[i]))
    return jnp.stack(gn, axis=1)


def poly_cutoff(r, rc):
    ratio = r / rc
    v = 1.0 - 6.0 * ratio ** 5 + 15.0 * ratio ** 4 - 10.0 * ratio ** 3
    return jnp.where(r <= rc, v, 0.0)


def legendre_cos(cos_t, max_l):
    p = [jnp.ones_like(cos_t), cos_t]
    for l in range(2, max_l):
        p.append(((2.0 * l - 1.0) * cos_t * p[-1] - (l - 1.0) * p[-2]) / l)
    return jnp.stack(p[:max_l], axis=1)


def gated_mlp(x, Ws_proj, Ws_gate):
    h = x
    for W in Ws_proj:
        h = swish(h @ W)
    g = x
    for i, W in enumerate(Ws_gate):
        g = g @ W
        g = jax.nn.sigmoid(g) if i == len(Ws_gate) - 1 else swish(g)
    return h * g


def _w(key, shape):
    return 0.1 * jax.random.normal(key, shape, dtype=jnp.float32)


def setup_inputs(seed: int = 0):
    key = jax.random.key(seed)
    ks = jax.random.split(key, 64)
    pos = 3.0 * jax.random.normal(ks[0], (N_NODES, 3), dtype=jnp.float32)
    node_type = jax.random.randint(ks[1], (N_NODES,), 0, N_ELEM, dtype=jnp.int32)
    edge_index = jax.random.randint(ks[2], (2, N_EDGES), 0, N_NODES, dtype=jnp.int32)
    lg_edge_index = jax.random.randint(ks[3], (2, N_TRIPLES), 0, N_EDGES, dtype=jnp.int32)
    state_attr = jnp.zeros((1, 2), dtype=jnp.float32)
    three_body = []
    for i in range(N_BLOCKS):
        k = jax.random.split(ks[4 + i], 4)
        three_body.append({
            'W_atom': _w(k[0], (NNF, DEGREE)),
            'b_atom': jnp.zeros((DEGREE,), jnp.float32),
            'W_bond_p': _w(k[1], (DEGREE, NEF)),
            'W_bond_g': _w(k[2], (DEGREE, NEF)),
        })
    kc = jax.random.split(ks[10], 16)
    in_dim = 2 * NNF + NEF
    conv = {
        'edge_proj': [_w(kc[0], (in_dim, UNITS)), _w(kc[1], (UNITS, UNITS)), _w(kc[2], (UNITS, NEF))],
        'edge_gate': [_w(kc[3], (in_dim, UNITS)), _w(kc[4], (UNITS, UNITS)), _w(kc[5], (UNITS, NEF))],
        'node_proj': [_w(kc[6], (in_dim, UNITS)), _w(kc[7], (UNITS, UNITS)), _w(kc[8], (UNITS, NNF))],
        'node_gate': [_w(kc[9], (in_dim, UNITS)), _w(kc[10], (UNITS, UNITS)), _w(kc[11], (UNITS, NNF))],
        'W_edge_w': _w(kc[12], (MAX_N, NEF)),
        'W_node_w': _w(kc[13], (MAX_N, NNF)),
    }
    params = {
        'elem_ref': jnp.zeros((N_ELEM,), jnp.float32),
        'W_node_emb': _w(ks[11], (N_ELEM, NNF)),
        'b_node_emb': jnp.zeros((NNF,), jnp.float32),
        'W_edge_emb': _w(ks[12], (MAX_N, NEF)),
        'b_edge_emb': jnp.zeros((NEF,), jnp.float32),
        'three_body': three_body,
        'conv': conv,
        'final': {'W1': _w(ks[13], (NNF, UNITS)), 'b1': jnp.zeros((UNITS,), jnp.float32),
                  'W2': _w(ks[14], (UNITS, UNITS)), 'b2': jnp.zeros((UNITS,), jnp.float32),
                  'W3': _w(ks[15], (UNITS, 1)), 'b3': jnp.zeros((1,), jnp.float32)},
    }
    return {'pos': pos, 'state_attr': state_attr, 'params': params,
            'node_type': node_type, 'edge_index': edge_index, 'lg_edge_index': lg_edge_index}


def reference(pos, state_attr, params, node_type, edge_index, lg_edge_index):
    N = pos.shape[0]
    E = edge_index.shape[1]
    src, dst = edge_index[0], edge_index[1]
    bv = pos[dst] - pos[src]
    bd = jnp.sqrt(jnp.sum(bv * bv, axis=1) + 1e-12)
    # element reference offset (AtomRef with zero offsets)
    offset = jnp.sum(params['elem_ref'][node_type])
    # bond expansion (smooth spherical Bessel, degree_rbf = max_n)
    rbf = smooth_sbf(bd, CUTOFF, MAX_N)
    # three-body basis from line graph (theta between bond vectors)
    a, b = lg_edge_index[0], lg_edge_index[1]
    va, vb = bv[a], bv[b]
    na = jnp.sqrt(jnp.sum(va * va, axis=1) + 1e-12)
    nb = jnp.sqrt(jnp.sum(vb * vb, axis=1) + 1e-12)
    cos_t = jnp.clip(jnp.sum(va * vb, axis=1) / (na * nb), -1.0, 1.0)
    sbf_b = smooth_sbf(bd[b], CUTOFF, MAX_N)
    leg = legendre_cos(cos_t, MAX_L)
    three_basis = (sbf_b[:, :, None] * leg[:, None, :]).reshape(-1, DEGREE)
    three_cut = poly_cutoff(bd, THREE_CUTOFF)
    # embedding block
    node_feat = swish(params['W_node_emb'][node_type] + params['b_node_emb'])
    edge_feat = swish(rbf @ params['W_edge_emb'] + params['b_edge_emb'])
    state_feat = state_attr
    end_atom = dst[b]
    gc = params['conv']  # NOTE: original code shares one M3GNetBlock across all blocks
    for i in range(N_BLOCKS):
        tb = params['three_body'][i]
        atoms = jax.nn.sigmoid(node_feat @ tb['W_atom'] + tb['b_atom'])
        basis = three_basis * atoms[end_atom]
        w = three_cut[a] * three_cut[b]
        basis = basis * w[:, None]
        new_bonds = jnp.zeros((E, DEGREE), dtype=basis.dtype).at[b].add(basis)
        edge_feat = edge_feat + gated_mlp(new_bonds, [tb['W_bond_p']], [tb['W_bond_g']])
        feats = jnp.concatenate([node_feat[src], node_feat[dst], edge_feat], axis=1)
        edge_feat = edge_feat + gated_mlp(feats, gc['edge_proj'], gc['edge_gate']) * (rbf @ gc['W_edge_w'])
        feats2 = jnp.concatenate([node_feat[src], node_feat[dst], edge_feat], axis=1)
        msg = gated_mlp(feats2, gc['node_proj'], gc['node_gate']) * (rbf @ gc['W_node_w'])
        node_feat = node_feat + jnp.zeros((N, NNF), dtype=msg.dtype).at[dst].add(msg)
    # intensive readout: ReduceReadOut('mean') over nodes, single-graph batch
    node_vec = jnp.mean(node_feat, axis=0, keepdims=True)
    f = params['final']
    h = swish(node_vec @ f['W1'] + f['b1'])
    h = swish(h @ f['W2'] + f['b2'])
    out = h @ f['W3'] + f['b3']
    out = out * 1.0 + 0.0  # std=1, mean=0
    out = out + offset.reshape(1, 1)
    return out

if __name__ == "__main__":
    import jax
    _d = setup_inputs()
    print(jax.jit(kernel)(*tuple(_d.values())))

</pallas_src>

<mosaic_0001>
#map = affine_map<(d0, d1) -> (0, 0)>
#map1 = affine_map<(d0, d1) -> (0)>
module attributes {stable_mosaic.version = 14 : i64} {
  func.func @gk(%arg0: i32, %arg1: i32, %arg2: memref<50000x16xf32, #tpu.memory_space<hbm>>, %arg3: memref<800000xi32, #tpu.memory_space<hbm>>, %arg4: memref<800000xi32, #tpu.memory_space<hbm>>, %arg5: memref<800000x16xf32, #tpu.memory_space<hbm>>, %arg6: memref<800000x16xf32, #tpu.memory_space<hbm>>, %arg7: memref<1000xi32, #tpu.memory_space<vmem>>, %arg8: memref<1000x16xf32, #tpu.memory_space<vmem>>, %arg9: memref<!tpu.dma_semaphore, #tpu.memory_space<semaphore_mem>>) attributes {dimension_semantics = [#tpu.dimension_semantics<core_parallel>, #tpu.dimension_semantics<subcore_parallel>], iteration_bounds = array<i64: 2, 16>, scalar_prefetch = 0 : i64, scratch_operands = 3 : i64, tpu.core_type = #tpu.core_type<sc_vector_subcore>, window_params = [{transform_indices = #map}, {transform_indices = #map1}, {transform_indices = #map1}, {transform_indices = #map}, {transform_indices = #map}]} {
    %mul3A = arith.constant 16 : i32
    %mul3A_0 = arith.muli %arg0, %mul3A : i32
    %add3A = arith.addi %mul3A_0, %arg1 : i32
    %mul3A_1 = arith.constant 25000 : i32
    %mul3A_2 = arith.muli %add3A, %mul3A_1 : i32
    %scan3A = arith.constant 0 : i32
    %scan3A_3 = arith.constant 25 : i32
    %scan3A_4 = arith.addi %scan3A, %scan3A_3 : i32
    %scan3A_5 = arith.constant 1 : i32
    scf.for %scan3A_7 = %scan3A to %scan3A_4 step %scan3A_5  : i32 {
      %mul3A_8 = arith.constant 1 : i32
      %mul3A_9 = arith.muli %scan3A_7, %mul3A_8 : i32
      %add3A_10 = arith.constant 0 : i32
      %add3A_11 = arith.addi %add3A_10, %mul3A_9 : i32
      %mul3A_12 = arith.constant 1000 : i32
      %mul3A_13 = arith.muli %add3A_11, %mul3A_12 : i32
      %add3A_14 = arith.addi %mul3A_2, %mul3A_13 : i32
      "tpu.region"() ({
        %run_scoped3A = tpu.sem_alloc : memref<!tpu.dma_semaphore, #tpu.memory_space<semaphore_mem>>
        %dma_start3A_25 = tpu.memref_slice %arg3[%add3A_14] : memref<800000xi32, #tpu.memory_space<hbm>> -> memref<1000xi32, #tpu.memory_space<hbm>>
        %dma_start3A_26 = tpu.memref_slice %arg3[%add3A_14] : memref<800000xi32, #tpu.memory_space<hbm>> -> memref<1000xi32, #tpu.memory_space<hbm>>
        tpu.enqueue_dma source(%dma_start3A_26 : memref<1000xi32, #tpu.memory_space<hbm>>) target(%arg7 : memref<1000xi32, #tpu.memory_space<vmem>>) target_semaphore(%run_scoped3A : memref<!tpu.dma_semaphore, #tpu.memory_space<semaphore_mem>>)
        %dma_wait3A_27 = tpu.memref_slice %arg3[%add3A_14] : memref<800000xi32, #tpu.memory_space<hbm>> -> memref<1000xi32, #tpu.memory_space<hbm>>
        %dma_wait3A_28 = tpu.memref_slice %arg3[%add3A_14] : memref<800000xi32, #tpu.memory_space<hbm>> -> memref<1000xi32, #tpu.memory_space<hbm>>
        tpu.wait_dma2 semaphore(%run_scoped3A : memref<!tpu.dma_semaphore, #tpu.memory_space<semaphore_mem>>) src(%dma_wait3A_28 : memref<1000xi32, #tpu.memory_space<hbm>>) dst(%arg7 : memref<1000xi32, #tpu.memory_space<vmem>>)
        tpu.yield
      }) : () -> ()
      %dma_start3A = arith.constant 0 : i32
      %dma_start3A_15 = arith.constant 0 : i32
      %dma_start3A_16 = tpu.memref_slice %arg2[%dma_start3A, %dma_start3A_15] : memref<50000x16xf32, #tpu.memory_space<hbm>> -> memref<50000x16xf32, #tpu.memory_space<hbm>>
      tpu.enqueue_indirect_dma source(%dma_start3A_16 : memref<50000x16xf32, #tpu.memory_space<hbm>>) target(%arg8 : memref<1000x16xf32, #tpu.memory_space<vmem>>) offsets(%arg7 : memref<1000xi32, #tpu.memory_space<vmem>>) semaphore(%arg9 : memref<!tpu.dma_semaphore, #tpu.memory_space<semaphore_mem>>)
      %dma_wait3A = arith.constant 0 : i32
      %dma_wait3A_17 = arith.constant 0 : i32
      %dma_wait3A_18 = tpu.memref_slice %arg2[%dma_wait3A, %dma_wait3A_17] : memref<50000x16xf32, #tpu.memory_space<hbm>> -> memref<50000x16xf32, #tpu.memory_space<hbm>>
      tpu.wait_indirect_dma semaphore(%arg9 : memref<!tpu.dma_semaphore, #tpu.memory_space<semaphore_mem>>) src(%dma_wait3A_18 : memref<50000x16xf32, #tpu.memory_space<hbm>>) dst(%arg8 : memref<1000x16xf32, #tpu.memory_space<vmem>>)
      "tpu.region"() ({
        %run_scoped3A = tpu.sem_alloc : memref<!tpu.dma_semaphore, #tpu.memory_space<semaphore_mem>>
        %dma_start3A_25 = arith.constant 0 : i32
        %dma_start3A_26 = tpu.memref_slice %arg5[%add3A_14, %dma_start3A_25] : memref<800000x16xf32, #tpu.memory_space<hbm>> -> memref<1000x16xf32, #tpu.memory_space<hbm>>
        %dma_start3A_27 = arith.constant 0 : i32
        %dma_start3A_28 = tpu.memref_slice %arg5[%add3A_14, %dma_start3A_27] : memref<800000x16xf32, #tpu.memory_space<hbm>> -> memref<1000x16xf32, #tpu.memory_space<hbm>>
        tpu.enqueue_dma source(%arg8 : memref<1000x16xf32, #tpu.memory_space<vmem>>) target(%dma_start3A_28 : memref<1000x16xf32, #tpu.memory_space<hbm>>) target_semaphore(%run_scoped3A : memref<!tpu.dma_semaphore, #tpu.memory_space<semaphore_mem>>)
        %dma_wait3A_29 = arith.constant 0 : i32
        %dma_wait3A_30 = tpu.memref_slice %arg5[%add3A_14, %dma_wait3A_29] : memref<800000x16xf32, #tpu.memory_space<hbm>> -> memref<1000x16xf32, #tpu.memory_space<hbm>>
        %dma_wait3A_31 = arith.constant 0 : i32
        %dma_wait3A_32 = tpu.memref_slice %arg5[%add3A_14, %dma_wait3A_31] : memref<800000x16xf32, #tpu.memory_space<hbm>> -> memref<1000x16xf32, #tpu.memory_space<hbm>>
        tpu.wait_dma2 semaphore(%run_scoped3A : memref<!tpu.dma_semaphore, #tpu.memory_space<semaphore_mem>>) src(%arg8 : memref<1000x16xf32, #tpu.memory_space<vmem>>) dst(%dma_wait3A_32 : memref<1000x16xf32, #tpu.memory_space<hbm>>)
        tpu.yield
      }) : () -> ()
      "tpu.region"() ({
        %run_scoped3A = tpu.sem_alloc : memref<!tpu.dma_semaphore, #tpu.memory_space<semaphore_mem>>
        %dma_start3A_25 = tpu.memref_slice %arg4[%add3A_14] : memref<800000xi32, #tpu.memory_space<hbm>> -> memref<1000xi32, #tpu.memory_space<hbm>>
        %dma_start3A_26 = tpu.memref_slice %arg4[%add3A_14] : memref<800000xi32, #tpu.memory_space<hbm>> -> memref<1000xi32, #tpu.memory_space<hbm>>
        tpu.enqueue_dma source(%dma_start3A_26 : memref<1000xi32, #tpu.memory_space<hbm>>) target(%arg7 : memref<1000xi32, #tpu.memory_space<vmem>>) target_semaphore(%run_scoped3A : memref<!tpu.dma_semaphore, #tpu.memory_space<semaphore_mem>>)
        %dma_wait3A_27 = tpu.memref_slice %arg4[%add3A_14] : memref<800000xi32, #tpu.memory_space<hbm>> -> memref<1000xi32, #tpu.memory_space<hbm>>
        %dma_wait3A_28 = tpu.memref_slice %arg4[%add3A_14] : memref<800000xi32, #tpu.memory_space<hbm>> -> memref<1000xi32, #tpu.memory_space<hbm>>
        tpu.wait_dma2 semaphore(%run_scoped3A : memref<!tpu.dma_semaphore, #tpu.memory_space<semaphore_mem>>) src(%dma_wait3A_28 : memref<1000xi32, #tpu.memory_space<hbm>>) dst(%arg7 : memref<1000xi32, #tpu.memory_space<vmem>>)
        tpu.yield
      }) : () -> ()
      %dma_start3A_19 = arith.constant 0 : i32
      %dma_start3A_20 = arith.constant 0 : i32
      %dma_start3A_21 = tpu.memref_slice %arg2[%dma_start3A_19, %dma_start3A_20] : memref<50000x16xf32, #tpu.memory_space<hbm>> -> memref<50000x16xf32, #tpu.memory_space<hbm>>
      tpu.enqueue_indirect_dma source(%dma_start3A_21 : memref<50000x16xf32, #tpu.memory_space<hbm>>) target(%arg8 : memref<1000x16xf32, #tpu.memory_space<vmem>>) offsets(%arg7 : memref<1000xi32, #tpu.memory_space<vmem>>) semaphore(%arg9 : memref<!tpu.dma_semaphore, #tpu.memory_space<semaphore_mem>>)
      %dma_wait3A_22 = arith.constant 0 : i32
      %dma_wait3A_23 = arith.constant 0 : i32
      %dma_wait3A_24 = tpu.memref_slice %arg2[%dma_wait3A_22, %dma_wait3A_23] : memref<50000x16xf32, #tpu.memory_space<hbm>> -> memref<50000x16xf32, #tpu.memory_space<hbm>>
      tpu.wait_indirect_dma semaphore(%arg9 : memref<!tpu.dma_semaphore, #tpu.memory_space<semaphore_mem>>) src(%dma_wait3A_24 : memref<50000x16xf32, #tpu.memory_space<hbm>>) dst(%arg8 : memref<1000x16xf32, #tpu.memory_space<vmem>>)
      "tpu.region"() ({
        %run_scoped3A = tpu.sem_alloc : memref<!tpu.dma_semaphore, #tpu.memory_space<semaphore_mem>>
        %dma_start3A_25 = arith.constant 0 : i32
        %dma_start3A_26 = tpu.memref_slice %arg6[%add3A_14, %dma_start3A_25] : memref<800000x16xf32, #tpu.memory_space<hbm>> -> memref<1000x16xf32, #tpu.memory_space<hbm>>
        %dma_start3A_27 = arith.constant 0 : i32
        %dma_start3A_28 = tpu.memref_slice %arg6[%add3A_14, %dma_start3A_27] : memref<800000x16xf32, #tpu.memory_space<hbm>> -> memref<1000x16xf32, #tpu.memory_space<hbm>>
        tpu.enqueue_dma source(%arg8 : memref<1000x16xf32, #tpu.memory_space<vmem>>) target(%dma_start3A_28 : memref<1000x16xf32, #tpu.memory_space<hbm>>) target_semaphore(%run_scoped3A : memref<!tpu.dma_semaphore, #tpu.memory_space<semaphore_mem>>)
        %dma_wait3A_29 = arith.constant 0 : i32
        %dma_wait3A_30 = tpu.memref_slice %arg6[%add3A_14, %dma_wait3A_29] : memref<800000x16xf32, #tpu.memory_space<hbm>> -> memref<1000x16xf32, #tpu.memory_space<hbm>>
        %dma_wait3A_31 = arith.constant 0 : i32
        %dma_wait3A_32 = tpu.memref_slice %arg6[%add3A_14, %dma_wait3A_31] : memref<800000x16xf32, #tpu.memory_space<hbm>> -> memref<1000x16xf32, #tpu.memory_space<hbm>>
        tpu.wait_dma2 semaphore(%run_scoped3A : memref<!tpu.dma_semaphore, #tpu.memory_space<semaphore_mem>>) src(%arg8 : memref<1000x16xf32, #tpu.memory_space<vmem>>) dst(%dma_wait3A_32 : memref<1000x16xf32, #tpu.memory_space<hbm>>)
        tpu.yield
      }) : () -> ()
    }
    %scan3A_6 = arith.constant 25 : i32
    return
  }
}

#map = affine_map<(d0, d1) -> (0, 0)>
#map1 = affine_map<(d0, d1) -> (0)>
module attributes {stable_mosaic.version = 14 : i64} {
  func.func @gk(%arg0: i32, %arg1: i32, %arg2: memref<800000x16xf32, #tpu.memory_space<hbm>>, %arg3: memref<800000xi32, #tpu.memory_space<hbm>>, %arg4: memref<800000xi32, #tpu.memory_space<hbm>>, %arg5: memref<800000x16xf32, #tpu.memory_space<hbm>>, %arg6: memref<800000x16xf32, #tpu.memory_space<hbm>>, %arg7: memref<1000xi32, #tpu.memory_space<vmem>>, %arg8: memref<1000x16xf32, #tpu.memory_space<vmem>>, %arg9: memref<!tpu.dma_semaphore, #tpu.memory_space<semaphore_mem>>) attributes {dimension_semantics = [#tpu.dimension_semantics<core_parallel>, #tpu.dimension_semantics<subcore_parallel>], iteration_bounds = array<i64: 2, 16>, scalar_prefetch = 0 : i64, scratch_operands = 3 : i64, tpu.core_type = #tpu.core_type<sc_vector_subcore>, window_params = [{transform_indices = #map}, {transform_indices = #map1}, {transform_indices = #map1}, {transform_indices = #map}, {transform_indices = #map}]} {
    %mul3A = arith.constant 16 : i32
    %mul3A_0 = arith.muli %arg0, %mul3A : i32
    %add3A = arith.addi %mul3A_0, %arg1 : i32
    %mul3A_1 = arith.constant 25000 : i32
    %mul3A_2 = arith.muli %add3A, %mul3A_1 : i32
    %scan3A = arith.constant 0 : i32
    %scan3A_3 = arith.constant 25 : i32
    %scan3A_4 = arith.addi %scan3A, %scan3A_3 : i32
    %scan3A_5 = arith.constant 1 : i32
    scf.for %scan3A_7 = %scan3A to %scan3A_4 step %scan3A_5  : i32 {
      %mul3A_8 = arith.constant 1 : i32
      %mul3A_9 = arith.muli %scan3A_7, %mul3A_8 : i32
      %add3A_10 = arith.constant 0 : i32
      %add3A_11 = arith.addi %add3A_10, %mul3A_9 : i32
      %mul3A_12 = arith.constant 1000 : i32
      %mul3A_13 = arith.muli %add3A_11, %mul3A_12 : i32
      %add3A_14 = arith.addi %mul3A_2, %mul3A_13 : i32
      "tpu.region"() ({
        %run_scoped3A = tpu.sem_alloc : memref<!tpu.dma_semaphore, #tpu.memory_space<semaphore_mem>>
        %dma_start3A_25 = tpu.memref_slice %arg3[%add3A_14] : memref<800000xi32, #tpu.memory_space<hbm>> -> memref<1000xi32, #tpu.memory_space<hbm>>
        %dma_start3A_26 = tpu.memref_slice %arg3[%add3A_14] : memref<800000xi32, #tpu.memory_space<hbm>> -> memref<1000xi32, #tpu.memory_space<hbm>>
        tpu.enqueue_dma source(%dma_start3A_26 : memref<1000xi32, #tpu.memory_space<hbm>>) target(%arg7 : memref<1000xi32, #tpu.memory_space<vmem>>) target_semaphore(%run_scoped3A : memref<!tpu.dma_semaphore, #tpu.memory_space<semaphore_mem>>)
        %dma_wait3A_27 = tpu.memref_slice %arg3[%add3A_14] : memref<800000xi32, #tpu.memory_space<hbm>> -> memref<1000xi32, #tpu.memory_space<hbm>>
        %dma_wait3A_28 = tpu.memref_slice %arg3[%add3A_14] : memref<800000xi32, #tpu.memory_space<hbm>> -> memref<1000xi32, #tpu.memory_space<hbm>>
        tpu.wait_dma2 semaphore(%run_scoped3A : memref<!tpu.dma_semaphore, #tpu.memory_space<semaphore_mem>>) src(%dma_wait3A_28 : memref<1000xi32, #tpu.memory_space<hbm>>) dst(%arg7 : memref<1000xi32, #tpu.memory_space<vmem>>)
        tpu.yield
      }) : () -> ()
      %dma_start3A = arith.constant 0 : i32
      %dma_start3A_15 = arith.constant 0 : i32
      %dma_start3A_16 = tpu.memref_slice %arg2[%dma_start3A, %dma_start3A_15] : memref<800000x16xf32, #tpu.memory_space<hbm>> -> memref<800000x16xf32, #tpu.memory_space<hbm>>
      tpu.enqueue_indirect_dma source(%dma_start3A_16 : memref<800000x16xf32, #tpu.memory_space<hbm>>) target(%arg8 : memref<1000x16xf32, #tpu.memory_space<vmem>>) offsets(%arg7 : memref<1000xi32, #tpu.memory_space<vmem>>) semaphore(%arg9 : memref<!tpu.dma_semaphore, #tpu.memory_space<semaphore_mem>>)
      %dma_wait3A = arith.constant 0 : i32
      %dma_wait3A_17 = arith.constant 0 : i32
      %dma_wait3A_18 = tpu.memref_slice %arg2[%dma_wait3A, %dma_wait3A_17] : memref<800000x16xf32, #tpu.memory_space<hbm>> -> memref<800000x16xf32, #tpu.memory_space<hbm>>
      tpu.wait_indirect_dma semaphore(%arg9 : memref<!tpu.dma_semaphore, #tpu.memory_space<semaphore_mem>>) src(%dma_wait3A_18 : memref<800000x16xf32, #tpu.memory_space<hbm>>) dst(%arg8 : memref<1000x16xf32, #tpu.memory_space<vmem>>)
      "tpu.region"() ({
        %run_scoped3A = tpu.sem_alloc : memref<!tpu.dma_semaphore, #tpu.memory_space<semaphore_mem>>
        %dma_start3A_25 = arith.constant 0 : i32
        %dma_start3A_26 = tpu.memref_slice %arg5[%add3A_14, %dma_start3A_25] : memref<800000x16xf32, #tpu.memory_space<hbm>> -> memref<1000x16xf32, #tpu.memory_space<hbm>>
        %dma_start3A_27 = arith.constant 0 : i32
        %dma_start3A_28 = tpu.memref_slice %arg5[%add3A_14, %dma_start3A_27] : memref<800000x16xf32, #tpu.memory_space<hbm>> -> memref<1000x16xf32, #tpu.memory_space<hbm>>
        tpu.enqueue_dma source(%arg8 : memref<1000x16xf32, #tpu.memory_space<vmem>>) target(%dma_start3A_28 : memref<1000x16xf32, #tpu.memory_space<hbm>>) target_semaphore(%run_scoped3A : memref<!tpu.dma_semaphore, #tpu.memory_space<semaphore_mem>>)
        %dma_wait3A_29 = arith.constant 0 : i32
        %dma_wait3A_30 = tpu.memref_slice %arg5[%add3A_14, %dma_wait3A_29] : memref<800000x16xf32, #tpu.memory_space<hbm>> -> memref<1000x16xf32, #tpu.memory_space<hbm>>
        %dma_wait3A_31 = arith.constant 0 : i32
        %dma_wait3A_32 = tpu.memref_slice %arg5[%add3A_14, %dma_wait3A_31] : memref<800000x16xf32, #tpu.memory_space<hbm>> -> memref<1000x16xf32, #tpu.memory_space<hbm>>
        tpu.wait_dma2 semaphore(%run_scoped3A : memref<!tpu.dma_semaphore, #tpu.memory_space<semaphore_mem>>) src(%arg8 : memref<1000x16xf32, #tpu.memory_space<vmem>>) dst(%dma_wait3A_32 : memref<1000x16xf32, #tpu.memory_space<hbm>>)
        tpu.yield
      }) : () -> ()
      "tpu.region"() ({
        %run_scoped3A = tpu.sem_alloc : memref<!tpu.dma_semaphore, #tpu.memory_space<semaphore_mem>>
        %dma_start3A_25 = tpu.memref_slice %arg4[%add3A_14] : memref<800000xi32, #tpu.memory_space<hbm>> -> memref<1000xi32, #tpu.memory_space<hbm>>
        %dma_start3A_26 = tpu.memref_slice %arg4[%add3A_14] : memref<800000xi32, #tpu.memory_space<hbm>> -> memref<1000xi32, #tpu.memory_space<hbm>>
        tpu.enqueue_dma source(%dma_start3A_26 : memref<1000xi32, #tpu.memory_space<hbm>>) target(%arg7 : memref<1000xi32, #tpu.memory_space<vmem>>) target_semaphore(%run_scoped3A : memref<!tpu.dma_semaphore, #tpu.memory_space<semaphore_mem>>)
        %dma_wait3A_27 = tpu.memref_slice %arg4[%add3A_14] : memref<800000xi32, #tpu.memory_space<hbm>> -> memref<1000xi32, #tpu.memory_space<hbm>>
        %dma_wait3A_28 = tpu.memref_slice %arg4[%add3A_14] : memref<800000xi32, #tpu.memory_space<hbm>> -> memref<1000xi32, #tpu.memory_space<hbm>>
        tpu.wait_dma2 semaphore(%run_scoped3A : memref<!tpu.dma_semaphore, #tpu.memory_space<semaphore_mem>>) src(%dma_wait3A_28 : memref<1000xi32, #tpu.memory_space<hbm>>) dst(%arg7 : memref<1000xi32, #tpu.memory_space<vmem>>)
        tpu.yield
      }) : () -> ()
      %dma_start3A_19 = arith.constant 0 : i32
      %dma_start3A_20 = arith.constant 0 : i32
      %dma_start3A_21 = tpu.memref_slice %arg2[%dma_start3A_19, %dma_start3A_20] : memref<800000x16xf32, #tpu.memory_space<hbm>> -> memref<800000x16xf32, #tpu.memory_space<hbm>>
      tpu.enqueue_indirect_dma source(%dma_start3A_21 : memref<800000x16xf32, #tpu.memory_space<hbm>>) target(%arg8 : memref<1000x16xf32, #tpu.memory_space<vmem>>) offsets(%arg7 : memref<1000xi32, #tpu.memory_space<vmem>>) semaphore(%arg9 : memref<!tpu.dma_semaphore, #tpu.memory_space<semaphore_mem>>)
      %dma_wait3A_22 = arith.constant 0 : i32
      %dma_wait3A_23 = arith.constant 0 : i32
      %dma_wait3A_24 = tpu.memref_slice %arg2[%dma_wait3A_22, %dma_wait3A_23] : memref<800000x16xf32, #tpu.memory_space<hbm>> -> memref<800000x16xf32, #tpu.memory_space<hbm>>
      tpu.wait_indirect_dma semaphore(%arg9 : memref<!tpu.dma_semaphore, #tpu.memory_space<semaphore_mem>>) src(%dma_wait3A_24 : memref<800000x16xf32, #tpu.memory_space<hbm>>) dst(%arg8 : memref<1000x16xf32, #tpu.memory_space<vmem>>)
      "tpu.region"() ({
        %run_scoped3A = tpu.sem_alloc : memref<!tpu.dma_semaphore, #tpu.memory_space<semaphore_mem>>
        %dma_start3A_25 = arith.constant 0 : i32
        %dma_start3A_26 = tpu.memref_slice %arg6[%add3A_14, %dma_start3A_25] : memref<800000x16xf32, #tpu.memory_space<hbm>> -> memref<1000x16xf32, #tpu.memory_space<hbm>>
        %dma_start3A_27 = arith.constant 0 : i32
        %dma_start3A_28 = tpu.memref_slice %arg6[%add3A_14, %dma_start3A_27] : memref<800000x16xf32, #tpu.memory_space<hbm>> -> memref<1000x16xf32, #tpu.memory_space<hbm>>
        tpu.enqueue_dma source(%arg8 : memref<1000x16xf32, #tpu.memory_space<vmem>>) target(%dma_start3A_28 : memref<1000x16xf32, #tpu.memory_space<hbm>>) target_semaphore(%run_scoped3A : memref<!tpu.dma_semaphore, #tpu.memory_space<semaphore_mem>>)
        %dma_wait3A_29 = arith.constant 0 : i32
        %dma_wait3A_30 = tpu.memref_slice %arg6[%add3A_14, %dma_wait3A_29] : memref<800000x16xf32, #tpu.memory_space<hbm>> -> memref<1000x16xf32, #tpu.memory_space<hbm>>
        %dma_wait3A_31 = arith.constant 0 : i32
        %dma_wait3A_32 = tpu.memref_slice %arg6[%add3A_14, %dma_wait3A_31] : memref<800000x16xf32, #tpu.memory_space<hbm>> -> memref<1000x16xf32, #tpu.memory_space<hbm>>
        tpu.wait_dma2 semaphore(%run_scoped3A : memref<!tpu.dma_semaphore, #tpu.memory_space<semaphore_mem>>) src(%arg8 : memref<1000x16xf32, #tpu.memory_space<vmem>>) dst(%dma_wait3A_32 : memref<1000x16xf32, #tpu.memory_space<hbm>>)
        tpu.yield
      }) : () -> ()
    }
    %scan3A_6 = arith.constant 25 : i32
    return
  }
}

#map = affine_map<(d0, d1) -> (0, 0)>
#map1 = affine_map<(d0, d1) -> (0)>
module attributes {stable_mosaic.version = 14 : i64} {
  func.func @gk(%arg0: i32, %arg1: i32, %arg2: memref<50000x32xf32, #tpu.memory_space<hbm>>, %arg3: memref<800000xi32, #tpu.memory_space<hbm>>, %arg4: memref<800000xi32, #tpu.memory_space<hbm>>, %arg5: memref<800000x32xf32, #tpu.memory_space<hbm>>, %arg6: memref<800000x32xf32, #tpu.memory_space<hbm>>, %arg7: memref<1000xi32, #tpu.memory_space<vmem>>, %arg8: memref<1000x32xf32, #tpu.memory_space<vmem>>, %arg9: memref<!tpu.dma_semaphore, #tpu.memory_space<semaphore_mem>>) attributes {dimension_semantics = [#tpu.dimension_semantics<core_parallel>, #tpu.dimension_semantics<subcore_parallel>], iteration_bounds = array<i64: 2, 16>, scalar_prefetch = 0 : i64, scratch_operands = 3 : i64, tpu.core_type = #tpu.core_type<sc_vector_subcore>, window_params = [{transform_indices = #map}, {transform_indices = #map1}, {transform_indices = #map1}, {transform_indices = #map}, {transform_indices = #map}]} {
    %mul3A = arith.constant 16 : i32
    %mul3A_0 = arith.muli %arg0, %mul3A : i32
    %add3A = arith.addi %mul3A_0, %arg1 : i32
    %mul3A_1 = arith.constant 25000 : i32
    %mul3A_2 = arith.muli %add3A, %mul3A_1 : i32
    %scan3A = arith.constant 0 : i32
    %scan3A_3 = arith.constant 25 : i32
    %scan3A_4 = arith.addi %scan3A, %scan3A_3 : i32
    %scan3A_5 = arith.constant 1 : i32
    scf.for %scan3A_7 = %scan3A to %scan3A_4 step %scan3A_5  : i32 {
      %mul3A_8 = arith.constant 1 : i32
      %mul3A_9 = arith.muli %scan3A_7, %mul3A_8 : i32
      %add3A_10 = arith.constant 0 : i32
      %add3A_11 = arith.addi %add3A_10, %mul3A_9 : i32
      %mul3A_12 = arith.constant 1000 : i32
      %mul3A_13 = arith.muli %add3A_11, %mul3A_12 : i32
      %add3A_14 = arith.addi %mul3A_2, %mul3A_13 : i32
      "tpu.region"() ({
        %run_scoped3A = tpu.sem_alloc : memref<!tpu.dma_semaphore, #tpu.memory_space<semaphore_mem>>
        %dma_start3A_25 = tpu.memref_slice %arg3[%add3A_14] : memref<800000xi32, #tpu.memory_space<hbm>> -> memref<1000xi32, #tpu.memory_space<hbm>>
        %dma_start3A_26 = tpu.memref_slice %arg3[%add3A_14] : memref<800000xi32, #tpu.memory_space<hbm>> -> memref<1000xi32, #tpu.memory_space<hbm>>
        tpu.enqueue_dma source(%dma_start3A_26 : memref<1000xi32, #tpu.memory_space<hbm>>) target(%arg7 : memref<1000xi32, #tpu.memory_space<vmem>>) target_semaphore(%run_scoped3A : memref<!tpu.dma_semaphore, #tpu.memory_space<semaphore_mem>>)
        %dma_wait3A_27 = tpu.memref_slice %arg3[%add3A_14] : memref<800000xi32, #tpu.memory_space<hbm>> -> memref<1000xi32, #tpu.memory_space<hbm>>
        %dma_wait3A_28 = tpu.memref_slice %arg3[%add3A_14] : memref<800000xi32, #tpu.memory_space<hbm>> -> memref<1000xi32, #tpu.memory_space<hbm>>
        tpu.wait_dma2 semaphore(%run_scoped3A : memref<!tpu.dma_semaphore, #tpu.memory_space<semaphore_mem>>) src(%dma_wait3A_28 : memref<1000xi32, #tpu.memory_space<hbm>>) dst(%arg7 : memref<1000xi32, #tpu.memory_space<vmem>>)
        tpu.yield
      }) : () -> ()
      %dma_start3A = arith.constant 0 : i32
      %dma_start3A_15 = arith.constant 0 : i32
      %dma_start3A_16 = tpu.memref_slice %arg2[%dma_start3A, %dma_start3A_15] : memref<50000x32xf32, #tpu.memory_space<hbm>> -> memref<50000x32xf32, #tpu.memory_space<hbm>>
      tpu.enqueue_indirect_dma source(%dma_start3A_16 : memref<50000x32xf32, #tpu.memory_space<hbm>>) target(%arg8 : memref<1000x32xf32, #tpu.memory_space<vmem>>) offsets(%arg7 : memref<1000xi32, #tpu.memory_space<vmem>>) semaphore(%arg9 : memref<!tpu.dma_semaphore, #tpu.memory_space<semaphore_mem>>)
      %dma_wait3A = arith.constant 0 : i32
      %dma_wait3A_17 = arith.constant 0 : i32
      %dma_wait3A_18 = tpu.memref_slice %arg2[%dma_wait3A, %dma_wait3A_17] : memref<50000x32xf32, #tpu.memory_space<hbm>> -> memref<50000x32xf32, #tpu.memory_space<hbm>>
      tpu.wait_indirect_dma semaphore(%arg9 : memref<!tpu.dma_semaphore, #tpu.memory_space<semaphore_mem>>) src(%dma_wait3A_18 : memref<50000x32xf32, #tpu.memory_space<hbm>>) dst(%arg8 : memref<1000x32xf32, #tpu.memory_space<vmem>>)
      "tpu.region"() ({
        %run_scoped3A = tpu.sem_alloc : memref<!tpu.dma_semaphore, #tpu.memory_space<semaphore_mem>>
        %dma_start3A_25 = arith.constant 0 : i32
        %dma_start3A_26 = tpu.memref_slice %arg5[%add3A_14, %dma_start3A_25] : memref<800000x32xf32, #tpu.memory_space<hbm>> -> memref<1000x32xf32, #tpu.memory_space<hbm>>
        %dma_start3A_27 = arith.constant 0 : i32
        %dma_start3A_28 = tpu.memref_slice %arg5[%add3A_14, %dma_start3A_27] : memref<800000x32xf32, #tpu.memory_space<hbm>> -> memref<1000x32xf32, #tpu.memory_space<hbm>>
        tpu.enqueue_dma source(%arg8 : memref<1000x32xf32, #tpu.memory_space<vmem>>) target(%dma_start3A_28 : memref<1000x32xf32, #tpu.memory_space<hbm>>) target_semaphore(%run_scoped3A : memref<!tpu.dma_semaphore, #tpu.memory_space<semaphore_mem>>)
        %dma_wait3A_29 = arith.constant 0 : i32
        %dma_wait3A_30 = tpu.memref_slice %arg5[%add3A_14, %dma_wait3A_29] : memref<800000x32xf32, #tpu.memory_space<hbm>> -> memref<1000x32xf32, #tpu.memory_space<hbm>>
        %dma_wait3A_31 = arith.constant 0 : i32
        %dma_wait3A_32 = tpu.memref_slice %arg5[%add3A_14, %dma_wait3A_31] : memref<800000x32xf32, #tpu.memory_space<hbm>> -> memref<1000x32xf32, #tpu.memory_space<hbm>>
        tpu.wait_dma2 semaphore(%run_scoped3A : memref<!tpu.dma_semaphore, #tpu.memory_space<semaphore_mem>>) src(%arg8 : memref<1000x32xf32, #tpu.memory_space<vmem>>) dst(%dma_wait3A_32 : memref<1000x32xf32, #tpu.memory_space<hbm>>)
        tpu.yield
      }) : () -> ()
      "tpu.region"() ({
        %run_scoped3A = tpu.sem_alloc : memref<!tpu.dma_semaphore, #tpu.memory_space<semaphore_mem>>
        %dma_start3A_25 = tpu.memref_slice %arg4[%add3A_14] : memref<800000xi32, #tpu.memory_space<hbm>> -> memref<1000xi32, #tpu.memory_space<hbm>>
        %dma_start3A_26 = tpu.memref_slice %arg4[%add3A_14] : memref<800000xi32, #tpu.memory_space<hbm>> -> memref<1000xi32, #tpu.memory_space<hbm>>
        tpu.enqueue_dma source(%dma_start3A_26 : memref<1000xi32, #tpu.memory_space<hbm>>) target(%arg7 : memref<1000xi32, #tpu.memory_space<vmem>>) target_semaphore(%run_scoped3A : memref<!tpu.dma_semaphore, #tpu.memory_space<semaphore_mem>>)
        %dma_wait3A_27 = tpu.memref_slice %arg4[%add3A_14] : memref<800000xi32, #tpu.memory_space<hbm>> -> memref<1000xi32, #tpu.memory_space<hbm>>
        %dma_wait3A_28 = tpu.memref_slice %arg4[%add3A_14] : memref<800000xi32, #tpu.memory_space<hbm>> -> memref<1000xi32, #tpu.memory_space<hbm>>
        tpu.wait_dma2 semaphore(%run_scoped3A : memref<!tpu.dma_semaphore, #tpu.memory_space<semaphore_mem>>) src(%dma_wait3A_28 : memref<1000xi32, #tpu.memory_space<hbm>>) dst(%arg7 : memref<1000xi32, #tpu.memory_space<vmem>>)
        tpu.yield
      }) : () -> ()
      %dma_start3A_19 = arith.constant 0 : i32
      %dma_start3A_20 = arith.constant 0 : i32
      %dma_start3A_21 = tpu.memref_slice %arg2[%dma_start3A_19, %dma_start3A_20] : memref<50000x32xf32, #tpu.memory_space<hbm>> -> memref<50000x32xf32, #tpu.memory_space<hbm>>
      tpu.enqueue_indirect_dma source(%dma_start3A_21 : memref<50000x32xf32, #tpu.memory_space<hbm>>) target(%arg8 : memref<1000x32xf32, #tpu.memory_space<vmem>>) offsets(%arg7 : memref<1000xi32, #tpu.memory_space<vmem>>) semaphore(%arg9 : memref<!tpu.dma_semaphore, #tpu.memory_space<semaphore_mem>>)
      %dma_wait3A_22 = arith.constant 0 : i32
      %dma_wait3A_23 = arith.constant 0 : i32
      %dma_wait3A_24 = tpu.memref_slice %arg2[%dma_wait3A_22, %dma_wait3A_23] : memref<50000x32xf32, #tpu.memory_space<hbm>> -> memref<50000x32xf32, #tpu.memory_space<hbm>>
      tpu.wait_indirect_dma semaphore(%arg9 : memref<!tpu.dma_semaphore, #tpu.memory_space<semaphore_mem>>) src(%dma_wait3A_24 : memref<50000x32xf32, #tpu.memory_space<hbm>>) dst(%arg8 : memref<1000x32xf32, #tpu.memory_space<vmem>>)
      "tpu.region"() ({
        %run_scoped3A = tpu.sem_alloc : memref<!tpu.dma_semaphore, #tpu.memory_space<semaphore_mem>>
        %dma_start3A_25 = arith.constant 0 : i32
        %dma_start3A_26 = tpu.memref_slice %arg6[%add3A_14, %dma_start3A_25] : memref<800000x32xf32, #tpu.memory_space<hbm>> -> memref<1000x32xf32, #tpu.memory_space<hbm>>
        %dma_start3A_27 = arith.constant 0 : i32
        %dma_start3A_28 = tpu.memref_slice %arg6[%add3A_14, %dma_start3A_27] : memref<800000x32xf32, #tpu.memory_space<hbm>> -> memref<1000x32xf32, #tpu.memory_space<hbm>>
        tpu.enqueue_dma source(%arg8 : memref<1000x32xf32, #tpu.memory_space<vmem>>) target(%dma_start3A_28 : memref<1000x32xf32, #tpu.memory_space<hbm>>) target_semaphore(%run_scoped3A : memref<!tpu.dma_semaphore, #tpu.memory_space<semaphore_mem>>)
        %dma_wait3A_29 = arith.constant 0 : i32
        %dma_wait3A_30 = tpu.memref_slice %arg6[%add3A_14, %dma_wait3A_29] : memref<800000x32xf32, #tpu.memory_space<hbm>> -> memref<1000x32xf32, #tpu.memory_space<hbm>>
        %dma_wait3A_31 = arith.constant 0 : i32
        %dma_wait3A_32 = tpu.memref_slice %arg6[%add3A_14, %dma_wait3A_31] : memref<800000x32xf32, #tpu.memory_space<hbm>> -> memref<1000x32xf32, #tpu.memory_space<hbm>>
        tpu.wait_dma2 semaphore(%run_scoped3A : memref<!tpu.dma_semaphore, #tpu.memory_space<semaphore_mem>>) src(%arg8 : memref<1000x32xf32, #tpu.memory_space<vmem>>) dst(%dma_wait3A_32 : memref<1000x32xf32, #tpu.memory_space<hbm>>)
        tpu.yield
      }) : () -> ()
    }
    %scan3A_6 = arith.constant 25 : i32
    return
  }
}

#map = affine_map<(d0, d1) -> (0, 0)>
#map1 = affine_map<(d0, d1) -> (0)>
module attributes {stable_mosaic.version = 14 : i64} {
  func.func @_rewritten_body(%arg0: i32, %arg1: i32, %arg2: memref<800000x16xf32, #tpu.memory_space<hbm>>, %arg3: memref<800000xi32, #tpu.memory_space<hbm>>, %arg4: memref<80016x16xf32, #tpu.memory_space<hbm>>, %arg5: memref<1xi32, #tpu.memory_space<hbm>>, %arg6: memref<800000x16xf32, #tpu.memory_space<hbm>>, %arg7: memref<2000xi32, #tpu.memory_space<vmem>>, %arg8: memref<2000xi32, #tpu.memory_space<vmem>>, %arg9: memref<2000x16xf32, #tpu.memory_space<vmem>>, %arg10: memref<80016x16xf32, #tpu.memory_space<vmem_shared>>) attributes {dimension_semantics = [#tpu.dimension_semantics<core_parallel>, #tpu.dimension_semantics<subcore_parallel>], iteration_bounds = array<i64: 2, 16>, scalar_prefetch = 0 : i64, scratch_operands = 4 : i64, tpu.core_type = #tpu.core_type<sc_vector_subcore>, window_params = [{transform_indices = #map}, {transform_indices = #map1}, {transform_indices = #map}, {transform_indices = #map1}, {transform_indices = #map}]} {
    %empty_ref3A = memref.alloca() : memref<16xi32, #tpu.memory_space<vmem>>
    "tpu.region"() ({
      %run_scoped3A = tpu.sem_alloc : memref<!tpu.dma_semaphore, #tpu.memory_space<semaphore_mem>>
      %dma_start3A = arith.constant 0 : i32
      %dma_start3A_105 = tpu.memref_slice %empty_ref3A[%dma_start3A] : memref<16xi32, #tpu.memory_space<vmem>> -> memref<1xi32, #tpu.memory_space<vmem>>
      %dma_start3A_106 = arith.constant 0 : i32
      %dma_start3A_107 = tpu.memref_slice %empty_ref3A[%dma_start3A_106] : memref<16xi32, #tpu.memory_space<vmem>> -> memref<1xi32, #tpu.memory_space<vmem>>
      tpu.enqueue_dma source(%arg5 : memref<1xi32, #tpu.memory_space<hbm>>) target(%dma_start3A_107 : memref<1xi32, #tpu.memory_space<vmem>>) target_semaphore(%run_scoped3A : memref<!tpu.dma_semaphore, #tpu.memory_space<semaphore_mem>>)
      %dma_wait3A = arith.constant 0 : i32
      %dma_wait3A_108 = tpu.memref_slice %empty_ref3A[%dma_wait3A] : memref<16xi32, #tpu.memory_space<vmem>> -> memref<1xi32, #tpu.memory_space<vmem>>
      %dma_wait3A_109 = arith.constant 0 : i32
      %dma_wait3A_110 = tpu.memref_slice %empty_ref3A[%dma_wait3A_109] : memref<16xi32, #tpu.memory_space<vmem>> -> memref<1xi32, #tpu.memory_space<vmem>>
      tpu.wait_dma2 semaphore(%run_scoped3A : memref<!tpu.dma_semaphore, #tpu.memory_space<semaphore_mem>>) src(%arg5 : memref<1xi32, #tpu.memory_space<hbm>>) dst(%dma_wait3A_110 : memref<1xi32, #tpu.memory_space<vmem>>)
      tpu.yield
    }) : () -> ()
    %get3A = arith.constant 0 : index
    %get3A_0 = tpu.vector_load %empty_ref3A[%get3A] {strides = array<i32>} : memref<16xi32, #tpu.memory_space<vmem>>, vector<16xi32>,
    %get3A_1 = vector.shape_cast %get3A_0 : vector<16xi32> to vector<16xi32>
    %slice3A = vector.extract_strided_slice %get3A_1 {offsets = [0], sizes = [1], strides = [1]} : vector<16xi32> to vector<1xi32>
    %squeeze3A = vector.extract %slice3A[0] : i32 from vector<1xi32>
    %mul3A = arith.constant 50000 : i32
    %mul3A_2 = arith.muli %arg1, %mul3A : i32
    %add3A = arith.constant 0 : i32
    %add3A_3 = arith.addi %add3A, %arg0 : i32
    %mul3A_4 = arith.constant 80000 : i32
    %mul3A_5 = arith.muli %add3A_3, %mul3A_4 : i32
    %mul3A_6 = arith.constant 5001 : i32
    %mul3A_7 = arith.muli %arg1, %mul3A_6 : i32
    %mul3A_8 = arith.constant 5001 : i32
    %mul3A_9 = arith.muli %arg1, %mul3A_8 : i32
    "tpu.region"() ({
      %run_scoped3A = tpu.sem_alloc : memref<!tpu.dma_semaphore, #tpu.memory_space<semaphore_mem>>
      %dma_start3A = arith.constant 0 : i32
      %dma_start3A_105 = tpu.memref_slice %arg10[%mul3A_9, %dma_start3A] : memref<80016x16xf32, #tpu.memory_space<vmem_shared>> -> memref<5001x16xf32, #tpu.memory_space<vmem_shared>>
      %dma_start3A_106 = arith.constant 0 : i32
      %dma_start3A_107 = tpu.memref_slice %arg4[%mul3A_7, %dma_start3A_106] : memref<80016x16xf32, #tpu.memory_space<hbm>> -> memref<5001x16xf32, #tpu.memory_space<hbm>>
      tpu.enqueue_dma source(%dma_start3A_107 : memref<5001x16xf32, #tpu.memory_space<hbm>>) target(%dma_start3A_105 : memref<5001x16xf32, #tpu.memory_space<vmem_shared>>) target_semaphore(%run_scoped3A : memref<!tpu.dma_semaphore, #tpu.memory_space<semaphore_mem>>)
      %dma_wait3A = arith.constant 0 : i32
      %dma_wait3A_108 = tpu.memref_slice %arg10[%mul3A_9, %dma_wait3A] : memref<80016x16xf32, #tpu.memory_space<vmem_shared>> -> memref<5001x16xf32, #tpu.memory_space<vmem_shared>>
      %dma_wait3A_109 = arith.constant 0 : i32
      %dma_wait3A_110 = tpu.memref_slice %arg4[%mul3A_7, %dma_wait3A_109] : memref<80016x16xf32, #tpu.memory_space<hbm>> -> memref<5001x16xf32, #tpu.memory_space<hbm>>
      tpu.wait_dma2 semaphore(%run_scoped3A : memref<!tpu.dma_semaphore, #tpu.memory_space<semaphore_mem>>) src(%dma_wait3A_110 : memref<5001x16xf32, #tpu.memory_space<hbm>>) dst(%dma_wait3A_108 : memref<5001x16xf32, #tpu.memory_space<vmem_shared>>)
      tpu.yield
    }) : () -> ()
    %barrier3A = arith.constant 0 : index
    tpu.barrier barrier_id(%barrier3A)
    %scan3A = arith.constant 0 : i32
    %scan3A_10 = arith.constant 25 : i32
    %scan3A_11 = arith.addi %scan3A, %scan3A_10 : i32
    %scan3A_12 = arith.constant 1 : i32
    scf.for %scan3A_105 = %scan3A to %scan3A_11 step %scan3A_12  : i32 {
      %mul3A_106 = arith.constant 1 : i32
      %mul3A_107 = arith.muli %scan3A_105, %mul3A_106 : i32
      %add3A_108 = arith.constant 0 : i32
      %add3A_109 = arith.addi %add3A_108, %mul3A_107 : i32
      %mul3A_110 = arith.constant 2000 : i32
      %mul3A_111 = arith.muli %add3A_109, %mul3A_110 : i32
      %add3A_112 = arith.addi %mul3A_2, %mul3A_111 : i32
      "tpu.region"() ({
        %run_scoped3A = tpu.sem_alloc : memref<!tpu.dma_semaphore, #tpu.memory_space<semaphore_mem>>
        %dma_start3A = tpu.memref_slice %arg3[%add3A_112] : memref<800000xi32, #tpu.memory_space<hbm>> -> memref<2000xi32, #tpu.memory_space<hbm>>
        %dma_start3A_118 = tpu.memref_slice %arg3[%add3A_112] : memref<800000xi32, #tpu.memory_space<hbm>> -> memref<2000xi32, #tpu.memory_space<hbm>>
        tpu.enqueue_dma source(%dma_start3A_118 : memref<2000xi32, #tpu.memory_space<hbm>>) target(%arg7 : memref<2000xi32, #tpu.memory_space<vmem>>) target_semaphore(%run_scoped3A : memref<!tpu.dma_semaphore, #tpu.memory_space<semaphore_mem>>)
        %dma_wait3A = tpu.memref_slice %arg3[%add3A_112] : memref<800000xi32, #tpu.memory_space<hbm>> -> memref<2000xi32, #tpu.memory_space<hbm>>
        %dma_wait3A_119 = tpu.memref_slice %arg3[%add3A_112] : memref<800000xi32, #tpu.memory_space<hbm>> -> memref<2000xi32, #tpu.memory_space<hbm>>
        tpu.wait_dma2 semaphore(%run_scoped3A : memref<!tpu.dma_semaphore, #tpu.memory_space<semaphore_mem>>) src(%dma_wait3A_119 : memref<2000xi32, #tpu.memory_space<hbm>>) dst(%arg7 : memref<2000xi32, #tpu.memory_space<vmem>>)
        tpu.yield
      }) : () -> ()
      "tpu.region"() ({
        %run_scoped3A = tpu.sem_alloc : memref<!tpu.dma_semaphore, #tpu.memory_space<semaphore_mem>>
        %dma_start3A = arith.constant 0 : i32
        %dma_start3A_118 = tpu.memref_slice %arg2[%add3A_112, %dma_start3A] : memref<800000x16xf32, #tpu.memory_space<hbm>> -> memref<2000x16xf32, #tpu.memory_space<hbm>>
        %dma_start3A_119 = arith.constant 0 : i32
        %dma_start3A_120 = tpu.memref_slice %arg2[%add3A_112, %dma_start3A_119] : memref<800000x16xf32, #tpu.memory_space<hbm>> -> memref<2000x16xf32, #tpu.memory_space<hbm>>
        tpu.enqueue_dma source(%dma_start3A_120 : memref<2000x16xf32, #tpu.memory_space<hbm>>) target(%arg9 : memref<2000x16xf32, #tpu.memory_space<vmem>>) target_semaphore(%run_scoped3A : memref<!tpu.dma_semaphore, #tpu.memory_space<semaphore_mem>>)
        %dma_wait3A = arith.constant 0 : i32
        %dma_wait3A_121 = tpu.memref_slice %arg2[%add3A_112, %dma_wait3A] : memref<800000x16xf32, #tpu.memory_space<hbm>> -> memref<2000x16xf32, #tpu.memory_space<hbm>>
        %dma_wait3A_122 = arith.constant 0 : i32
        %dma_wait3A_123 = tpu.memref_slice %arg2[%add3A_112, %dma_wait3A_122] : memref<800000x16xf32, #tpu.memory_space<hbm>> -> memref<2000x16xf32, #tpu.memory_space<hbm>>
        tpu.wait_dma2 semaphore(%run_scoped3A : memref<!tpu.dma_semaphore, #tpu.memory_space<semaphore_mem>>) src(%dma_wait3A_123 : memref<2000x16xf32, #tpu.memory_space<hbm>>) dst(%arg9 : memref<2000x16xf32, #tpu.memory_space<vmem>>)
        tpu.yield
      }) : () -> ()
      %scan3A_113 = arith.constant 0 : i32
      %scan3A_114 = arith.constant 125 : i32
      %scan3A_115 = arith.addi %scan3A_113, %scan3A_114 : i32
      %scan3A_116 = arith.constant 1 : i32
      scf.for %scan3A_118 = %scan3A_113 to %scan3A_115 step %scan3A_116  : i32 {
        %mul3A_119 = arith.constant 1 : i32
        %mul3A_120 = arith.muli %scan3A_118, %mul3A_119 : i32
        %add3A_121 = arith.constant 0 : i32
        %add3A_122 = arith.addi %add3A_121, %mul3A_120 : i32
        %mul3A_123 = arith.constant 16 : i32
        %mul3A_124 = arith.muli %add3A_122, %mul3A_123 : i32
        %get3A_125 = arith.index_cast %mul3A_124 : i32 to index
        %get3A_126 = tpu.vector_load %arg7[%get3A_125] {strides = array<i32>} : memref<2000xi32, #tpu.memory_space<vmem>>, vector<16xi32>,
        %get3A_127 = vector.shape_cast %get3A_126 : vector<16xi32> to vector<16xi32>
        %sub3A = vector.broadcast %mul3A_5 : i32 to vector<16xi32>
        %sub3A_128 = arith.subi %get3A_127, %sub3A : vector<16xi32>
        %ge3A = vector.broadcast %mul3A_5 : i32 to vector<16xi32>
        %ge3A_129 = arith.cmpi sge, %get3A_127, %ge3A : vector<16xi32>
        %add3A_130 = arith.constant 80000 : i32
        %add3A_131 = arith.addi %mul3A_5, %add3A_130 : i32
        %lt3A = vector.broadcast %add3A_131 : i32 to vector<16xi32>
        %lt3A_132 = arith.cmpi slt, %get3A_127, %lt3A : vector<16xi32>
        %and3A = arith.andi %ge3A_129, %lt3A_132 : vector<16xi1>
        %broadcast_in_dim3A = vector.broadcast %squeeze3A : i32 to vector<16xi32>
        %select_n3A = arith.select %and3A, %sub3A_128, %broadcast_in_dim3A : vector<16xi1>, vector<16xi32>
        %mul3A_133 = arith.constant 16 : i32
        %mul3A_134 = arith.muli %add3A_122, %mul3A_133 : i32
        %swap3A = arith.index_cast %mul3A_134 : i32 to index
        %swap3A_135 = tpu.vector_load %arg8[%swap3A] {strides = array<i32>} : memref<2000xi32, #tpu.memory_space<vmem>>, vector<16xi32>,
        %swap3A_136 = vector.shape_cast %swap3A_135 : vector<16xi32> to vector<16xi32>
        %swap3A_137 = vector.shape_cast %select_n3A : vector<16xi32> to vector<16xi32>
        tpu.vector_store %arg8[%swap3A], %swap3A_137 {strides = array<i32>} : memref<2000xi32, #tpu.memory_space<vmem>>, vector<16xi32>,
      }
      %scan3A_117 = arith.constant 125 : i32
      "tpu.region"() ({
        %run_scoped3A = tpu.sem_alloc : memref<!tpu.dma_semaphore, #tpu.memory_space<semaphore_mem>>
        %dma_start3A = arith.constant 0 : i32
        %dma_start3A_118 = arith.constant 0 : i32
        %dma_start3A_119 = tpu.memref_slice %arg10[%dma_start3A, %dma_start3A_118] : memref<80016x16xf32, #tpu.memory_space<vmem_shared>> -> memref<80016x16xf32, #tpu.memory_space<vmem_shared>>
        tpu.enqueue_indirect_dma source(%arg9 : memref<2000x16xf32, #tpu.memory_space<vmem>>) target(%dma_start3A_119 : memref<80016x16xf32, #tpu.memory_space<vmem_shared>>) offsets(%arg8 : memref<2000xi32, #tpu.memory_space<vmem>>) semaphore(%run_scoped3A : memref<!tpu.dma_semaphore, #tpu.memory_space<semaphore_mem>>) {add = true}
        %dma_wait3A = arith.constant 0 : i32
        %dma_wait3A_120 = arith.constant 0 : i32
        %dma_wait3A_121 = tpu.memref_slice %arg10[%dma_wait3A, %dma_wait3A_120] : memref<80016x16xf32, #tpu.memory_space<vmem_shared>> -> memref<80016x16xf32, #tpu.memory_space<vmem_shared>>
        tpu.wait_indirect_dma semaphore(%run_scoped3A : memref<!tpu.dma_semaphore, #tpu.memory_space<semaphore_mem>>) src(%arg9 : memref<2000x16xf32, #tpu.memory_space<vmem>>) dst(%dma_wait3A_121 : memref<80016x16xf32, #tpu.memory_space<vmem_shared>>)
        tpu.yield
      }) : () -> ()
    }
    %scan3A_13 = arith.constant 25 : i32
    %barrier3A_14 = arith.constant 0 : index
    tpu.barrier barrier_id(%barrier3A_14)
    %mul3A_15 = arith.constant 5000 : i32
    %mul3A_16 = arith.muli %arg1, %mul3A_15 : i32
    %mul3A_17 = arith.constant 5000 : i32
    %mul3A_18 = arith.muli %arg1, %mul3A_17 : i32
    %add3A_19 = arith.addi %mul3A_5, %mul3A_18 : i32
    "tpu.region"() ({
      %run_scoped3A = tpu.sem_alloc : memref<!tpu.dma_semaphore, #tpu.memory_space<semaphore_mem>>
      %dma_start3A = arith.constant 0 : i32
      %dma_start3A_105 = tpu.memref_slice %arg6[%add3A_19, %dma_start3A] : memref<800000x16xf32, #tpu.memory_space<hbm>> -> memref<5000x16xf32, #tpu.memory_space<hbm>>
      %dma_start3A_106 = arith.constant 0 : i32
      %dma_start3A_107 = tpu.memref_slice %arg10[%mul3A_16, %dma_start3A_106] : memref<80016x16xf32, #tpu.memory_space<vmem_shared>> -> memref<5000x16xf32, #tpu.memory_space<vmem_shared>>
      tpu.enqueue_dma source(%dma_start3A_107 : memref<5000x16xf32, #tpu.memory_space<vmem_shared>>) target(%dma_start3A_105 : memref<5000x16xf32, #tpu.memory_space<hbm>>) target_semaphore(%run_scoped3A : memref<!tpu.dma_semaphore, #tpu.memory_space<semaphore_mem>>)
      %dma_wait3A = arith.constant 0 : i32
      %dma_wait3A_108 = tpu.memref_slice %arg6[%add3A_19, %dma_wait3A] : memref<800000x16xf32, #tpu.memory_space<hbm>> -> memref<5000x16xf32, #tpu.memory_space<hbm>>
      %dma_wait3A_109 = arith.constant 0 : i32
      %dma_wait3A_110 = tpu.memref_slice %arg10[%mul3A_16, %dma_wait3A_109] : memref<80016x16xf32, #tpu.memory_space<vmem_shared>> -> memref<5000x16xf32, #tpu.memory_space<vmem_shared>>
      tpu.wait_dma2 semaphore(%run_scoped3A : memref<!tpu.dma_semaphore, #tpu.memory_space<semaphore_mem>>) src(%dma_wait3A_110 : memref<5000x16xf32, #tpu.memory_space<vmem_shared>>) dst(%dma_wait3A_108 : memref<5000x16xf32, #tpu.memory_space<hbm>>)
      tpu.yield
    }) : () -> ()
    %barrier3A_20 = arith.constant 0 : index
    tpu.barrier barrier_id(%barrier3A_20)
    %add3A_21 = arith.constant 2 : i32
    %add3A_22 = arith.addi %add3A_21, %arg0 : i32
    %mul3A_23 = arith.constant 80000 : i32
    %mul3A_24 = arith.muli %add3A_22, %mul3A_23 : i32
    %mul3A_25 = arith.constant 5001 : i32
    %mul3A_26 = arith.muli %arg1, %mul3A_25 : i32
    %mul3A_27 = arith.constant 5001 : i32
    %mul3A_28 = arith.muli %arg1, %mul3A_27 : i32
    "tpu.region"() ({
      %run_scoped3A = tpu.sem_alloc : memref<!tpu.dma_semaphore, #tpu.memory_space<semaphore_mem>>
      %dma_start3A = arith.constant 0 : i32
      %dma_start3A_105 = tpu.memref_slice %arg10[%mul3A_28, %dma_start3A] : memref<80016x16xf32, #tpu.memory_space<vmem_shared>> -> memref<5001x16xf32, #tpu.memory_space<vmem_shared>>
      %dma_start3A_106 = arith.constant 0 : i32
      %dma_start3A_107 = tpu.memref_slice %arg4[%mul3A_26, %dma_start3A_106] : memref<80016x16xf32, #tpu.memory_space<hbm>> -> memref<5001x16xf32, #tpu.memory_space<hbm>>
      tpu.enqueue_dma source(%dma_start3A_107 : memref<5001x16xf32, #tpu.memory_space<hbm>>) target(%dma_start3A_105 : memref<5001x16xf32, #tpu.memory_space<vmem_shared>>) target_semaphore(%run_scoped3A : memref<!tpu.dma_semaphore, #tpu.memory_space<semaphore_mem>>)
      %dma_wait3A = arith.constant 0 : i32
      %dma_wait3A_108 = tpu.memref_slice %arg10[%mul3A_28, %dma_wait3A] : memref<80016x16xf32, #tpu.memory_space<vmem_shared>> -> memref<5001x16xf32, #tpu.memory_space<vmem_shared>>
      %dma_wait3A_109 = arith.constant 0 : i32
      %dma_wait3A_110 = tpu.memref_slice %arg4[%mul3A_26, %dma_wait3A_109] : memref<80016x16xf32, #tpu.memory_space<hbm>> -> memref<5001x16xf32, #tpu.memory_space<hbm>>
      tpu.wait_dma2 semaphore(%run_scoped3A : memref<!tpu.dma_semaphore, #tpu.memory_space<semaphore_mem>>) src(%dma_wait3A_110 : memref<5001x16xf32, #tpu.memory_space<hbm>>) dst(%dma_wait3A_108 : memref<5001x16xf32, #tpu.memory_space<vmem_shared>>)
      tpu.yield
    }) : () -> ()
    %barrier3A_29 = arith.constant 0 : index
    tpu.barrier barrier_id(%barrier3A_29)
    %scan3A_30 = arith.constant 0 : i32
    %scan3A_31 = arith.constant 25 : i32
    %scan3A_32 = arith.addi %scan3A_30, %scan3A_31 : i32
    %scan3A_33 = arith.constant 1 : i32
    scf.for %scan3A_105 = %scan3A_30 to %scan3A_32 step %scan3A_33  : i32 {
      %mul3A_106 = arith.constant 1 : i32
      %mul3A_107 = arith.muli %scan3A_105, %mul3A_106 : i32
      %add3A_108 = arith.constant 0 : i32
      %add3A_109 = arith.addi %add3A_108, %mul3A_107 : i32
      %mul3A_110 = arith.constant 2000 : i32
      %mul3A_111 = arith.muli %add3A_109, %mul3A_110 : i32
      %add3A_112 = arith.addi %mul3A_2, %mul3A_111 : i32
      "tpu.region"() ({
        %run_scoped3A = tpu.sem_alloc : memref<!tpu.dma_semaphore, #tpu.memory_space<semaphore_mem>>
        %dma_start3A = tpu.memref_slice %arg3[%add3A_112] : memref<800000xi32, #tpu.memory_space<hbm>> -> memref<2000xi32, #tpu.memory_space<hbm>>
        %dma_start3A_118 = tpu.memref_slice %arg3[%add3A_112] : memref<800000xi32, #tpu.memory_space<hbm>> -> memref<2000xi32, #tpu.memory_space<hbm>>
        tpu.enqueue_dma source(%dma_start3A_118 : memref<2000xi32, #tpu.memory_space<hbm>>) target(%arg7 : memref<2000xi32, #tpu.memory_space<vmem>>) target_semaphore(%run_scoped3A : memref<!tpu.dma_semaphore, #tpu.memory_space<semaphore_mem>>)
        %dma_wait3A = tpu.memref_slice %arg3[%add3A_112] : memref<800000xi32, #tpu.memory_space<hbm>> -> memref<2000xi32, #tpu.memory_space<hbm>>
        %dma_wait3A_119 = tpu.memref_slice %arg3[%add3A_112] : memref<800000xi32, #tpu.memory_space<hbm>> -> memref<2000xi32, #tpu.memory_space<hbm>>
        tpu.wait_dma2 semaphore(%run_scoped3A : memref<!tpu.dma_semaphore, #tpu.memory_space<semaphore_mem>>) src(%dma_wait3A_119 : memref<2000xi32, #tpu.memory_space<hbm>>) dst(%arg7 : memref<2000xi32, #tpu.memory_space<vmem>>)
        tpu.yield
      }) : () -> ()
      "tpu.region"() ({
        %run_scoped3A = tpu.sem_alloc : memref<!tpu.dma_semaphore, #tpu.memory_space<semaphore_mem>>
        %dma_start3A = arith.constant 0 : i32
        %dma_start3A_118 = tpu.memref_slice %arg2[%add3A_112, %dma_start3A] : memref<800000x16xf32, #tpu.memory_space<hbm>> -> memref<2000x16xf32, #tpu.memory_space<hbm>>
        %dma_start3A_119 = arith.constant 0 : i32
        %dma_start3A_120 = tpu.memref_slice %arg2[%add3A_112, %dma_start3A_119] : memref<800000x16xf32, #tpu.memory_space<hbm>> -> memref<2000x16xf32, #tpu.memory_space<hbm>>
        tpu.enqueue_dma source(%dma_start3A_120 : memref<2000x16xf32, #tpu.memory_space<hbm>>) target(%arg9 : memref<2000x16xf32, #tpu.memory_space<vmem>>) target_semaphore(%run_scoped3A : memref<!tpu.dma_semaphore, #tpu.memory_space<semaphore_mem>>)
        %dma_wait3A = arith.constant 0 : i32
        %dma_wait3A_121 = tpu.memref_slice %arg2[%add3A_112, %dma_wait3A] : memref<800000x16xf32, #tpu.memory_space<hbm>> -> memref<2000x16xf32, #tpu.memory_space<hbm>>
        %dma_wait3A_122 = arith.constant 0 : i32
        %dma_wait3A_123 = tpu.memref_slice %arg2[%add3A_112, %dma_wait3A_122] : memref<800000x16xf32, #tpu.memory_space<hbm>> -> memref<2000x16xf32, #tpu.memory_space<hbm>>
        tpu.wait_dma2 semaphore(%run_scoped3A : memref<!tpu.dma_semaphore, #tpu.memory_space<semaphore_mem>>) src(%dma_wait3A_123 : memref<2000x16xf32, #tpu.memory_space<hbm>>) dst(%arg9 : memref<2000x16xf32, #tpu.memory_space<vmem>>)
        tpu.yield
      }) : () -> ()
      %scan3A_113 = arith.constant 0 : i32
      %scan3A_114 = arith.constant 125 : i32
      %scan3A_115 = arith.addi %scan3A_113, %scan3A_114 : i32
      %scan3A_116 = arith.constant 1 : i32
      scf.for %scan3A_118 = %scan3A_113 to %scan3A_115 step %scan3A_116  : i32 {
        %mul3A_119 = arith.constant 1 : i32
        %mul3A_120 = arith.muli %scan3A_118, %mul3A_119 : i32
        %add3A_121 = arith.constant 0 : i32
        %add3A_122 = arith.addi %add3A_121, %mul3A_120 : i32
        %mul3A_123 = arith.constant 16 : i32
        %mul3A_124 = arith.muli %add3A_122, %mul3A_123 : i32
        %get3A_125 = arith.index_cast %mul3A_124 : i32 to index
        %get3A_126 = tpu.vector_load %arg7[%get3A_125] {strides = array<i32>} : memref<2000xi32, #tpu.memory_space<vmem>>, vector<16xi32>,
        %get3A_127 = vector.shape_cast %get3A_126 : vector<16xi32> to vector<16xi32>
        %sub3A = vector.broadcast %mul3A_24 : i32 to vector<16xi32>
        %sub3A_128 = arith.subi %get3A_127, %sub3A : vector<16xi32>
        %ge3A = vector.broadcast %mul3A_24 : i32 to vector<16xi32>
        %ge3A_129 = arith.cmpi sge, %get3A_127, %ge3A : vector<16xi32>
        %add3A_130 = arith.constant 80000 : i32
        %add3A_131 = arith.addi %mul3A_24, %add3A_130 : i32
        %lt3A = vector.broadcast %add3A_131 : i32 to vector<16xi32>
        %lt3A_132 = arith.cmpi slt, %get3A_127, %lt3A : vector<16xi32>
        %and3A = arith.andi %ge3A_129, %lt3A_132 : vector<16xi1>
        %broadcast_in_dim3A = vector.broadcast %squeeze3A : i32 to vector<16xi32>
        %select_n3A = arith.select %and3A, %sub3A_128, %broadcast_in_dim3A : vector<16xi1>, vector<16xi32>
        %mul3A_133 = arith.constant 16 : i32
        %mul3A_134 = arith.muli %add3A_122, %mul3A_133 : i32
        %swap3A = arith.index_cast %mul3A_134 : i32 to index
        %swap3A_135 = tpu.vector_load %arg8[%swap3A] {strides = array<i32>} : memref<2000xi32, #tpu.memory_space<vmem>>, vector<16xi32>,
        %swap3A_136 = vector.shape_cast %swap3A_135 : vector<16xi32> to vector<16xi32>
        %swap3A_137 = vector.shape_cast %select_n3A : vector<16xi32> to vector<16xi32>
        tpu.vector_store %arg8[%swap3A], %swap3A_137 {strides = array<i32>} : memref<2000xi32, #tpu.memory_space<vmem>>, vector<16xi32>,
      }
      %scan3A_117 = arith.constant 125 : i32
      "tpu.region"() ({
        %run_scoped3A = tpu.sem_alloc : memref<!tpu.dma_semaphore, #tpu.memory_space<semaphore_mem>>
        %dma_start3A = arith.constant 0 : i32
        %dma_start3A_118 = arith.constant 0 : i32
        %dma_start3A_119 = tpu.memref_slice %arg10[%dma_start3A, %dma_start3A_118] : memref<80016x16xf32, #tpu.memory_space<vmem_shared>> -> memref<80016x16xf32, #tpu.memory_space<vmem_shared>>
        tpu.enqueue_indirect_dma source(%arg9 : memref<2000x16xf32, #tpu.memory_space<vmem>>) target(%dma_start3A_119 : memref<80016x16xf32, #tpu.memory_space<vmem_shared>>) offsets(%arg8 : memref<2000xi32, #tpu.memory_space<vmem>>) semaphore(%run_scoped3A : memref<!tpu.dma_semaphore, #tpu.memory_space<semaphore_mem>>) {add = true}
        %dma_wait3A = arith.constant 0 : i32
        %dma_wait3A_120 = arith.constant 0 : i32
        %dma_wait3A_121 = tpu.memref_slice %arg10[%dma_wait3A, %dma_wait3A_120] : memref<80016x16xf32, #tpu.memory_space<vmem_shared>> -> memref<80016x16xf32, #tpu.memory_space<vmem_shared>>
        tpu.wait_indirect_dma semaphore(%run_scoped3A : memref<!tpu.dma_semaphore, #tpu.memory_space<semaphore_mem>>) src(%arg9 : memref<2000x16xf32, #tpu.memory_space<vmem>>) dst(%dma_wait3A_121 : memref<80016x16xf32, #tpu.memory_space<vmem_shared>>)
        tpu.yield
      }) : () -> ()
    }
    %scan3A_34 = arith.constant 25 : i32
    %barrier3A_35 = arith.constant 0 : index
    tpu.barrier barrier_id(%barrier3A_35)
    %mul3A_36 = arith.constant 5000 : i32
    %mul3A_37 = arith.muli %arg1, %mul3A_36 : i32
    %mul3A_38 = arith.constant 5000 : i32
    %mul3A_39 = arith.muli %arg1, %mul3A_38 : i32
    %add3A_40 = arith.addi %mul3A_24, %mul3A_39 : i32
    "tpu.region"() ({
      %run_scoped3A = tpu.sem_alloc : memref<!tpu.dma_semaphore, #tpu.memory_space<semaphore_mem>>
      %dma_start3A = arith.constant 0 : i32
      %dma_start3A_105 = tpu.memref_slice %arg6[%add3A_40, %dma_start3A] : memref<800000x16xf32, #tpu.memory_space<hbm>> -> memref<5000x16xf32, #tpu.memory_space<hbm>>
      %dma_start3A_106 = arith.constant 0 : i32
      %dma_start3A_107 = tpu.memref_slice %arg10[%mul3A_37, %dma_start3A_106] : memref<80016x16xf32, #tpu.memory_space<vmem_shared>> -> memref<5000x16xf32, #tpu.memory_space<vmem_shared>>
      tpu.enqueue_dma source(%dma_start3A_107 : memref<5000x16xf32, #tpu.memory_space<vmem_shared>>) target(%dma_start3A_105 : memref<5000x16xf32, #tpu.memory_space<hbm>>) target_semaphore(%run_scoped3A : memref<!tpu.dma_semaphore, #tpu.memory_space<semaphore_mem>>)
      %dma_wait3A = arith.constant 0 : i32
      %dma_wait3A_108 = tpu.memref_slice %arg6[%add3A_40, %dma_wait3A] : memref<800000x16xf32, #tpu.memory_space<hbm>> -> memref<5000x16xf32, #tpu.memory_space<hbm>>
      %dma_wait3A_109 = arith.constant 0 : i32
      %dma_wait3A_110 = tpu.memref_slice %arg10[%mul3A_37, %dma_wait3A_109] : memref<80016x16xf32, #tpu.memory_space<vmem_shared>> -> memref<5000x16xf32, #tpu.memory_space<vmem_shared>>
      tpu.wait_dma2 semaphore(%run_scoped3A : memref<!tpu.dma_semaphore, #tpu.memory_space<semaphore_mem>>) src(%dma_wait3A_110 : memref<5000x16xf32, #tpu.memory_space<vmem_shared>>) dst(%dma_wait3A_108 : memref<5000x16xf32, #tpu.memory_space<hbm>>)
      tpu.yield
    }) : () -> ()
    %barrier3A_41 = arith.constant 0 : index
    tpu.barrier barrier_id(%barrier3A_41)
    %add3A_42 = arith.constant 4 : i32
    %add3A_43 = arith.addi %add3A_42, %arg0 : i32
    %mul3A_44 = arith.constant 80000 : i32
    %mul3A_45 = arith.muli %add3A_43, %mul3A_44 : i32
    %mul3A_46 = arith.constant 5001 : i32
    %mul3A_47 = arith.muli %arg1, %mul3A_46 : i32
    %mul3A_48 = arith.constant 5001 : i32
    %mul3A_49 = arith.muli %arg1, %mul3A_48 : i32
    "tpu.region"() ({
      %run_scoped3A = tpu.sem_alloc : memref<!tpu.dma_semaphore, #tpu.memory_space<semaphore_mem>>
      %dma_start3A = arith.constant 0 : i32
      %dma_start3A_105 = tpu.memref_slice %arg10[%mul3A_49, %dma_start3A] : memref<80016x16xf32, #tpu.memory_space<vmem_shared>> -> memref<5001x16xf32, #tpu.memory_space<vmem_shared>>
      %dma_start3A_106 = arith.constant 0 : i32
      %dma_start3A_107 = tpu.memref_slice %arg4[%mul3A_47, %dma_start3A_106] : memref<80016x16xf32, #tpu.memory_space<hbm>> -> memref<5001x16xf32, #tpu.memory_space<hbm>>
      tpu.enqueue_dma source(%dma_start3A_107 : memref<5001x16xf32, #tpu.memory_space<hbm>>) target(%dma_start3A_105 : memref<5001x16xf32, #tpu.memory_space<vmem_shared>>) target_semaphore(%run_scoped3A : memref<!tpu.dma_semaphore, #tpu.memory_space<semaphore_mem>>)
      %dma_wait3A = arith.constant 0 : i32
      %dma_wait3A_108 = tpu.memref_slice %arg10[%mul3A_49, %dma_wait3A] : memref<80016x16xf32, #tpu.memory_space<vmem_shared>> -> memref<5001x16xf32, #tpu.memory_space<vmem_shared>>
      %dma_wait3A_109 = arith.constant 0 : i32
      %dma_wait3A_110 = tpu.memref_slice %arg4[%mul3A_47, %dma_wait3A_109] : memref<80016x16xf32, #tpu.memory_space<hbm>> -> memref<5001x16xf32, #tpu.memory_space<hbm>>
      tpu.wait_dma2 semaphore(%run_scoped3A : memref<!tpu.dma_semaphore, #tpu.memory_space<semaphore_mem>>) src(%dma_wait3A_110 : memref<5001x16xf32, #tpu.memory_space<hbm>>) dst(%dma_wait3A_108 : memref<5001x16xf32, #tpu.memory_space<vmem_shared>>)
      tpu.yield
    }) : () -> ()
    %barrier3A_50 = arith.constant 0 : index
    tpu.barrier barrier_id(%barrier3A_50)
    %scan3A_51 = arith.constant 0 : i32
    %scan3A_52 = arith.constant 25 : i32
    %scan3A_53 = arith.addi %scan3A_51, %scan3A_52 : i32
    %scan3A_54 = arith.constant 1 : i32
    scf.for %scan3A_105 = %scan3A_51 to %scan3A_53 step %scan3A_54  : i32 {
      %mul3A_106 = arith.constant 1 : i32
      %mul3A_107 = arith.muli %scan3A_105, %mul3A_106 : i32
      %add3A_108 = arith.constant 0 : i32
      %add3A_109 = arith.addi %add3A_108, %mul3A_107 : i32
      %mul3A_110 = arith.constant 2000 : i32
      %mul3A_111 = arith.muli %add3A_109, %mul3A_110 : i32
      %add3A_112 = arith.addi %mul3A_2, %mul3A_111 : i32
      "tpu.region"() ({
        %run_scoped3A = tpu.sem_alloc : memref<!tpu.dma_semaphore, #tpu.memory_space<semaphore_mem>>
        %dma_start3A = tpu.memref_slice %arg3[%add3A_112] : memref<800000xi32, #tpu.memory_space<hbm>> -> memref<2000xi32, #tpu.memory_space<hbm>>
        %dma_start3A_118 = tpu.memref_slice %arg3[%add3A_112] : memref<800000xi32, #tpu.memory_space<hbm>> -> memref<2000xi32, #tpu.memory_space<hbm>>
        tpu.enqueue_dma source(%dma_start3A_118 : memref<2000xi32, #tpu.memory_space<hbm>>) target(%arg7 : memref<2000xi32, #tpu.memory_space<vmem>>) target_semaphore(%run_scoped3A : memref<!tpu.dma_semaphore, #tpu.memory_space<semaphore_mem>>)
        %dma_wait3A = tpu.memref_slice %arg3[%add3A_112] : memref<800000xi32, #tpu.memory_space<hbm>> -> memref<2000xi32, #tpu.memory_space<hbm>>
        %dma_wait3A_119 = tpu.memref_slice %arg3[%add3A_112] : memref<800000xi32, #tpu.memory_space<hbm>> -> memref<2000xi32, #tpu.memory_space<hbm>>
        tpu.wait_dma2 semaphore(%run_scoped3A : memref<!tpu.dma_semaphore, #tpu.memory_space<semaphore_mem>>) src(%dma_wait3A_119 : memref<2000xi32, #tpu.memory_space<hbm>>) dst(%arg7 : memref<2000xi32, #tpu.memory_space<vmem>>)
        tpu.yield
      }) : () -> ()
      "tpu.region"() ({
        %run_scoped3A = tpu.sem_alloc : memref<!tpu.dma_semaphore, #tpu.memory_space<semaphore_mem>>
        %dma_start3A = arith.constant 0 : i32
        %dma_start3A_118 = tpu.memref_slice %arg2[%add3A_112, %dma_start3A] : memref<800000x16xf32, #tpu.memory_space<hbm>> -> memref<2000x16xf32, #tpu.memory_space<hbm>>
        %dma_start3A_119 = arith.constant 0 : i32
        %dma_start3A_120 = tpu.memref_slice %arg2[%add3A_112, %dma_start3A_119] : memref<800000x16xf32, #tpu.memory_space<hbm>> -> memref<2000x16xf32, #tpu.memory_space<hbm>>
        tpu.enqueue_dma source(%dma_start3A_120 : memref<2000x16xf32, #tpu.memory_space<hbm>>) target(%arg9 : memref<2000x16xf32, #tpu.memory_space<vmem>>) target_semaphore(%run_scoped3A : memref<!tpu.dma_semaphore, #tpu.memory_space<semaphore_mem>>)
        %dma_wait3A = arith.constant 0 : i32
        %dma_wait3A_121 = tpu.memref_slice %arg2[%add3A_112, %dma_wait3A] : memref<800000x16xf32, #tpu.memory_space<hbm>> -> memref<2000x16xf32, #tpu.memory_space<hbm>>
        %dma_wait3A_122 = arith.constant 0 : i32
        %dma_wait3A_123 = tpu.memref_slice %arg2[%add3A_112, %dma_wait3A_122] : memref<800000x16xf32, #tpu.memory_space<hbm>> -> memref<2000x16xf32, #tpu.memory_space<hbm>>
        tpu.wait_dma2 semaphore(%run_scoped3A : memref<!tpu.dma_semaphore, #tpu.memory_space<semaphore_mem>>) src(%dma_wait3A_123 : memref<2000x16xf32, #tpu.memory_space<hbm>>) dst(%arg9 : memref<2000x16xf32, #tpu.memory_space<vmem>>)
        tpu.yield
      }) : () -> ()
      %scan3A_113 = arith.constant 0 : i32
      %scan3A_114 = arith.constant 125 : i32
      %scan3A_115 = arith.addi %scan3A_113, %scan3A_114 : i32
      %scan3A_116 = arith.constant 1 : i32
      scf.for %scan3A_118 = %scan3A_113 to %scan3A_115 step %scan3A_116  : i32 {
        %mul3A_119 = arith.constant 1 : i32
        %mul3A_120 = arith.muli %scan3A_118, %mul3A_119 : i32
        %add3A_121 = arith.constant 0 : i32
        %add3A_122 = arith.addi %add3A_121, %mul3A_120 : i32
        %mul3A_123 = arith.constant 16 : i32
        %mul3A_124 = arith.muli %add3A_122, %mul3A_123 : i32
        %get3A_125 = arith.index_cast %mul3A_124 : i32 to index
        %get3A_126 = tpu.vector_load %arg7[%get3A_125] {strides = array<i32>} : memref<2000xi32, #tpu.memory_space<vmem>>, vector<16xi32>,
        %get3A_127 = vector.shape_cast %get3A_126 : vector<16xi32> to vector<16xi32>
        %sub3A = vector.broadcast %mul3A_45 : i32 to vector<16xi32>
        %sub3A_128 = arith.subi %get3A_127, %sub3A : vector<16xi32>
        %ge3A = vector.broadcast %mul3A_45 : i32 to vector<16xi32>
        %ge3A_129 = arith.cmpi sge, %get3A_127, %ge3A : vector<16xi32>
        %add3A_130 = arith.constant 80000 : i32
        %add3A_131 = arith.addi %mul3A_45, %add3A_130 : i32
        %lt3A = vector.broadcast %add3A_131 : i32 to vector<16xi32>
        %lt3A_132 = arith.cmpi slt, %get3A_127, %lt3A : vector<16xi32>
        %and3A = arith.andi %ge3A_129, %lt3A_132 : vector<16xi1>
        %broadcast_in_dim3A = vector.broadcast %squeeze3A : i32 to vector<16xi32>
        %select_n3A = arith.select %and3A, %sub3A_128, %broadcast_in_dim3A : vector<16xi1>, vector<16xi32>
        %mul3A_133 = arith.constant 16 : i32
        %mul3A_134 = arith.muli %add3A_122, %mul3A_133 : i32
        %swap3A = arith.index_cast %mul3A_134 : i32 to index
        %swap3A_135 = tpu.vector_load %arg8[%swap3A] {strides = array<i32>} : memref<2000xi32, #tpu.memory_space<vmem>>, vector<16xi32>,
        %swap3A_136 = vector.shape_cast %swap3A_135 : vector<16xi32> to vector<16xi32>
        %swap3A_137 = vector.shape_cast %select_n3A : vector<16xi32> to vector<16xi32>
        tpu.vector_store %arg8[%swap3A], %swap3A_137 {strides = array<i32>} : memref<2000xi32, #tpu.memory_space<vmem>>, vector<16xi32>,
      }
      %scan3A_117 = arith.constant 125 : i32
      "tpu.region"() ({
        %run_scoped3A = tpu.sem_alloc : memref<!tpu.dma_semaphore, #tpu.memory_space<semaphore_mem>>
        %dma_start3A = arith.constant 0 : i32
        %dma_start3A_118 = arith.constant 0 : i32
        %dma_start3A_119 = tpu.memref_slice %arg10[%dma_start3A, %dma_start3A_118] : memref<80016x16xf32, #tpu.memory_space<vmem_shared>> -> memref<80016x16xf32, #tpu.memory_space<vmem_shared>>
        tpu.enqueue_indirect_dma source(%arg9 : memref<2000x16xf32, #tpu.memory_space<vmem>>) target(%dma_start3A_119 : memref<80016x16xf32, #tpu.memory_space<vmem_shared>>) offsets(%arg8 : memref<2000xi32, #tpu.memory_space<vmem>>) semaphore(%run_scoped3A : memref<!tpu.dma_semaphore, #tpu.memory_space<semaphore_mem>>) {add = true}
        %dma_wait3A = arith.constant 0 : i32
        %dma_wait3A_120 = arith.constant 0 : i32
        %dma_wait3A_121 = tpu.memref_slice %arg10[%dma_wait3A, %dma_wait3A_120] : memref<80016x16xf32, #tpu.memory_space<vmem_shared>> -> memref<80016x16xf32, #tpu.memory_space<vmem_shared>>
        tpu.wait_indirect_dma semaphore(%run_scoped3A : memref<!tpu.dma_semaphore, #tpu.memory_space<semaphore_mem>>) src(%arg9 : memref<2000x16xf32, #tpu.memory_space<vmem>>) dst(%dma_wait3A_121 : memref<80016x16xf32, #tpu.memory_space<vmem_shared>>)
        tpu.yield
      }) : () -> ()
    }
    %scan3A_55 = arith.constant 25 : i32
    %barrier3A_56 = arith.constant 0 : index
    tpu.barrier barrier_id(%barrier3A_56)
    %mul3A_57 = arith.constant 5000 : i32
    %mul3A_58 = arith.muli %arg1, %mul3A_57 : i32
    %mul3A_59 = arith.constant 5000 : i32
    %mul3A_60 = arith.muli %arg1, %mul3A_59 : i32
    %add3A_61 = arith.addi %mul3A_45, %mul3A_60 : i32
    "tpu.region"() ({
      %run_scoped3A = tpu.sem_alloc : memref<!tpu.dma_semaphore, #tpu.memory_space<semaphore_mem>>
      %dma_start3A = arith.constant 0 : i32
      %dma_start3A_105 = tpu.memref_slice %arg6[%add3A_61, %dma_start3A] : memref<800000x16xf32, #tpu.memory_space<hbm>> -> memref<5000x16xf32, #tpu.memory_space<hbm>>
      %dma_start3A_106 = arith.constant 0 : i32
      %dma_start3A_107 = tpu.memref_slice %arg10[%mul3A_58, %dma_start3A_106] : memref<80016x16xf32, #tpu.memory_space<vmem_shared>> -> memref<5000x16xf32, #tpu.memory_space<vmem_shared>>
      tpu.enqueue_dma source(%dma_start3A_107 : memref<5000x16xf32, #tpu.memory_space<vmem_shared>>) target(%dma_start3A_105 : memref<5000x16xf32, #tpu.memory_space<hbm>>) target_semaphore(%run_scoped3A : memref<!tpu.dma_semaphore, #tpu.memory_space<semaphore_mem>>)
      %dma_wait3A = arith.constant 0 : i32
      %dma_wait3A_108 = tpu.memref_slice %arg6[%add3A_61, %dma_wait3A] : memref<800000x16xf32, #tpu.memory_space<hbm>> -> memref<5000x16xf32, #tpu.memory_space<hbm>>
      %dma_wait3A_109 = arith.constant 0 : i32
      %dma_wait3A_110 = tpu.memref_slice %arg10[%mul3A_58, %dma_wait3A_109] : memref<80016x16xf32, #tpu.memory_space<vmem_shared>> -> memref<5000x16xf32, #tpu.memory_space<vmem_shared>>
      tpu.wait_dma2 semaphore(%run_scoped3A : memref<!tpu.dma_semaphore, #tpu.memory_space<semaphore_mem>>) src(%dma_wait3A_110 : memref<5000x16xf32, #tpu.memory_space<vmem_shared>>) dst(%dma_wait3A_108 : memref<5000x16xf32, #tpu.memory_space<hbm>>)
      tpu.yield
    }) : () -> ()
    %barrier3A_62 = arith.constant 0 : index
    tpu.barrier barrier_id(%barrier3A_62)
    %add3A_63 = arith.constant 6 : i32
    %add3A_64 = arith.addi %add3A_63, %arg0 : i32
    %mul3A_65 = arith.constant 80000 : i32
    %mul3A_66 = arith.muli %add3A_64, %mul3A_65 : i32
    %mul3A_67 = arith.constant 5001 : i32
    %mul3A_68 = arith.muli %arg1, %mul3A_67 : i32
    %mul3A_69 = arith.constant 5001 : i32
    %mul3A_70 = arith.muli %arg1, %mul3A_69 : i32
    "tpu.region"() ({
      %run_scoped3A = tpu.sem_alloc : memref<!tpu.dma_semaphore, #tpu.memory_space<semaphore_mem>>
      %dma_start3A = arith.constant 0 : i32
      %dma_start3A_105 = tpu.memref_slice %arg10[%mul3A_70, %dma_start3A] : memref<80016x16xf32, #tpu.memory_space<vmem_shared>> -> memref<5001x16xf32, #tpu.memory_space<vmem_shared>>
      %dma_start3A_106 = arith.constant 0 : i32
      %dma_start3A_107 = tpu.memref_slice %arg4[%mul3A_68, %dma_start3A_106] : memref<80016x16xf32, #tpu.memory_space<hbm>> -> memref<5001x16xf32, #tpu.memory_space<hbm>>
      tpu.enqueue_dma source(%dma_start3A_107 : memref<5001x16xf32, #tpu.memory_space<hbm>>) target(%dma_start3A_105 : memref<5001x16xf32, #tpu.memory_space<vmem_shared>>) target_semaphore(%run_scoped3A : memref<!tpu.dma_semaphore, #tpu.memory_space<semaphore_mem>>)
      %dma_wait3A = arith.constant 0 : i32
      %dma_wait3A_108 = tpu.memref_slice %arg10[%mul3A_70, %dma_wait3A] : memref<80016x16xf32, #tpu.memory_space<vmem_shared>> -> memref<5001x16xf32, #tpu.memory_space<vmem_shared>>
      %dma_wait3A_109 = arith.constant 0 : i32
      %dma_wait3A_110 = tpu.memref_slice %arg4[%mul3A_68, %dma_wait3A_109] : memref<80016x16xf32, #tpu.memory_space<hbm>> -> memref<5001x16xf32, #tpu.memory_space<hbm>>
      tpu.wait_dma2 semaphore(%run_scoped3A : memref<!tpu.dma_semaphore, #tpu.memory_space<semaphore_mem>>) src(%dma_wait3A_110 : memref<5001x16xf32, #tpu.memory_space<hbm>>) dst(%dma_wait3A_108 : memref<5001x16xf32, #tpu.memory_space<vmem_shared>>)
      tpu.yield
    }) : () -> ()
    %barrier3A_71 = arith.constant 0 : index
    tpu.barrier barrier_id(%barrier3A_71)
    %scan3A_72 = arith.constant 0 : i32
    %scan3A_73 = arith.constant 25 : i32
    %scan3A_74 = arith.addi %scan3A_72, %scan3A_73 : i32
    %scan3A_75 = arith.constant 1 : i32
    scf.for %scan3A_105 = %scan3A_72 to %scan3A_74 step %scan3A_75  : i32 {
      %mul3A_106 = arith.constant 1 : i32
      %mul3A_107 = arith.muli %scan3A_105, %mul3A_106 : i32
      %add3A_108 = arith.constant 0 : i32
      %add3A_109 = arith.addi %add3A_108, %mul3A_107 : i32
      %mul3A_110 = arith.constant 2000 : i32
      %mul3A_111 = arith.muli %add3A_109, %mul3A_110 : i32
      %add3A_112 = arith.addi %mul3A_2, %mul3A_111 : i32
      "tpu.region"() ({
        %run_scoped3A = tpu.sem_alloc : memref<!tpu.dma_semaphore, #tpu.memory_space<semaphore_mem>>
        %dma_start3A = tpu.memref_slice %arg3[%add3A_112] : memref<800000xi32, #tpu.memory_space<hbm>> -> memref<2000xi32, #tpu.memory_space<hbm>>
        %dma_start3A_118 = tpu.memref_slice %arg3[%add3A_112] : memref<800000xi32, #tpu.memory_space<hbm>> -> memref<2000xi32, #tpu.memory_space<hbm>>
        tpu.enqueue_dma source(%dma_start3A_118 : memref<2000xi32, #tpu.memory_space<hbm>>) target(%arg7 : memref<2000xi32, #tpu.memory_space<vmem>>) target_semaphore(%run_scoped3A : memref<!tpu.dma_semaphore, #tpu.memory_space<semaphore_mem>>)
        %dma_wait3A = tpu.memref_slice %arg3[%add3A_112] : memref<800000xi32, #tpu.memory_space<hbm>> -> memref<2000xi32, #tpu.memory_space<hbm>>
        %dma_wait3A_119 = tpu.memref_slice %arg3[%add3A_112] : memref<800000xi32, #tpu.memory_space<hbm>> -> memref<2000xi32, #tpu.memory_space<hbm>>
        tpu.wait_dma2 semaphore(%run_scoped3A : memref<!tpu.dma_semaphore, #tpu.memory_space<semaphore_mem>>) src(%dma_wait3A_119 : memref<2000xi32, #tpu.memory_space<hbm>>) dst(%arg7 : memref<2000xi32, #tpu.memory_space<vmem>>)
        tpu.yield
      }) : () -> ()
      "tpu.region"() ({
        %run_scoped3A = tpu.sem_alloc : memref<!tpu.dma_semaphore, #tpu.memory_space<semaphore_mem>>
        %dma_start3A = arith.constant 0 : i32
        %dma_start3A_118 = tpu.memref_slice %arg2[%add3A_112, %dma_start3A] : memref<800000x16xf32, #tpu.memory_space<hbm>> -> memref<2000x16xf32, #tpu.memory_space<hbm>>
        %dma_start3A_119 = arith.constant 0 : i32
        %dma_start3A_120 = tpu.memref_slice %arg2[%add3A_112, %dma_start3A_119] : memref<800000x16xf32, #tpu.memory_space<hbm>> -> memref<2000x16xf32, #tpu.memory_space<hbm>>
        tpu.enqueue_dma source(%dma_start3A_120 : memref<2000x16xf32, #tpu.memory_space<hbm>>) target(%arg9 : memref<2000x16xf32, #tpu.memory_space<vmem>>) target_semaphore(%run_scoped3A : memref<!tpu.dma_semaphore, #tpu.memory_space<semaphore_mem>>)
        %dma_wait3A = arith.constant 0 : i32
        %dma_wait3A_121 = tpu.memref_slice %arg2[%add3A_112, %dma_wait3A] : memref<800000x16xf32, #tpu.memory_space<hbm>> -> memref<2000x16xf32, #tpu.memory_space<hbm>>
        %dma_wait3A_122 = arith.constant 0 : i32
        %dma_wait3A_123 = tpu.memref_slice %arg2[%add3A_112, %dma_wait3A_122] : memref<800000x16xf32, #tpu.memory_space<hbm>> -> memref<2000x16xf32, #tpu.memory_space<hbm>>
        tpu.wait_dma2 semaphore(%run_scoped3A : memref<!tpu.dma_semaphore, #tpu.memory_space<semaphore_mem>>) src(%dma_wait3A_123 : memref<2000x16xf32, #tpu.memory_space<hbm>>) dst(%arg9 : memref<2000x16xf32, #tpu.memory_space<vmem>>)
        tpu.yield
      }) : () -> ()
      %scan3A_113 = arith.constant 0 : i32
      %scan3A_114 = arith.constant 125 : i32
      %scan3A_115 = arith.addi %scan3A_113, %scan3A_114 : i32
      %scan3A_116 = arith.constant 1 : i32
      scf.for %scan3A_118 = %scan3A_113 to %scan3A_115 step %scan3A_116  : i32 {
        %mul3A_119 = arith.constant 1 : i32
        %mul3A_120 = arith.muli %scan3A_118, %mul3A_119 : i32
        %add3A_121 = arith.constant 0 : i32
        %add3A_122 = arith.addi %add3A_121, %mul3A_120 : i32
        %mul3A_123 = arith.constant 16 : i32
        %mul3A_124 = arith.muli %add3A_122, %mul3A_123 : i32
        %get3A_125 = arith.index_cast %mul3A_124 : i32 to index
        %get3A_126 = tpu.vector_load %arg7[%get3A_125] {strides = array<i32>} : memref<2000xi32, #tpu.memory_space<vmem>>, vector<16xi32>,
        %get3A_127 = vector.shape_cast %get3A_126 : vector<16xi32> to vector<16xi32>
        %sub3A = vector.broadcast %mul3A_66 : i32 to vector<16xi32>
        %sub3A_128 = arith.subi %get3A_127, %sub3A : vector<16xi32>
        %ge3A = vector.broadcast %mul3A_66 : i32 to vector<16xi32>
        %ge3A_129 = arith.cmpi sge, %get3A_127, %ge3A : vector<16xi32>
        %add3A_130 = arith.constant 80000 : i32
        %add3A_131 = arith.addi %mul3A_66, %add3A_130 : i32
        %lt3A = vector.broadcast %add3A_131 : i32 to vector<16xi32>
        %lt3A_132 = arith.cmpi slt, %get3A_127, %lt3A : vector<16xi32>
        %and3A = arith.andi %ge3A_129, %lt3A_132 : vector<16xi1>
        %broadcast_in_dim3A = vector.broadcast %squeeze3A : i32 to vector<16xi32>
        %select_n3A = arith.select %and3A, %sub3A_128, %broadcast_in_dim3A : vector<16xi1>, vector<16xi32>
        %mul3A_133 = arith.constant 16 : i32
        %mul3A_134 = arith.muli %add3A_122, %mul3A_133 : i32
        %swap3A = arith.index_cast %mul3A_134 : i32 to index
        %swap3A_135 = tpu.vector_load %arg8[%swap3A] {strides = array<i32>} : memref<2000xi32, #tpu.memory_space<vmem>>, vector<16xi32>,
        %swap3A_136 = vector.shape_cast %swap3A_135 : vector<16xi32> to vector<16xi32>
        %swap3A_137 = vector.shape_cast %select_n3A : vector<16xi32> to vector<16xi32>
        tpu.vector_store %arg8[%swap3A], %swap3A_137 {strides = array<i32>} : memref<2000xi32, #tpu.memory_space<vmem>>, vector<16xi32>,
      }
      %scan3A_117 = arith.constant 125 : i32
      "tpu.region"() ({
        %run_scoped3A = tpu.sem_alloc : memref<!tpu.dma_semaphore, #tpu.memory_space<semaphore_mem>>
        %dma_start3A = arith.constant 0 : i32
        %dma_start3A_118 = arith.constant 0 : i32
        %dma_start3A_119 = tpu.memref_slice %arg10[%dma_start3A, %dma_start3A_118] : memref<80016x16xf32, #tpu.memory_space<vmem_shared>> -> memref<80016x16xf32, #tpu.memory_space<vmem_shared>>
        tpu.enqueue_indirect_dma source(%arg9 : memref<2000x16xf32, #tpu.memory_space<vmem>>) target(%dma_start3A_119 : memref<80016x16xf32, #tpu.memory_space<vmem_shared>>) offsets(%arg8 : memref<2000xi32, #tpu.memory_space<vmem>>) semaphore(%run_scoped3A : memref<!tpu.dma_semaphore, #tpu.memory_space<semaphore_mem>>) {add = true}
        %dma_wait3A = arith.constant 0 : i32
        %dma_wait3A_120 = arith.constant 0 : i32
        %dma_wait3A_121 = tpu.memref_slice %arg10[%dma_wait3A, %dma_wait3A_120] : memref<80016x16xf32, #tpu.memory_space<vmem_shared>> -> memref<80016x16xf32, #tpu.memory_space<vmem_shared>>
        tpu.wait_indirect_dma semaphore(%run_scoped3A : memref<!tpu.dma_semaphore, #tpu.memory_space<semaphore_mem>>) src(%arg9 : memref<2000x16xf32, #tpu.memory_space<vmem>>) dst(%dma_wait3A_121 : memref<80016x16xf32, #tpu.memory_space<vmem_shared>>)
        tpu.yield
      }) : () -> ()
    }
    %scan3A_76 = arith.constant 25 : i32
    %barrier3A_77 = arith.constant 0 : index
    tpu.barrier barrier_id(%barrier3A_77)
    %mul3A_78 = arith.constant 5000 : i32
    %mul3A_79 = arith.muli %arg1, %mul3A_78 : i32
    %mul3A_80 = arith.constant 5000 : i32
    %mul3A_81 = arith.muli %arg1, %mul3A_80 : i32
    %add3A_82 = arith.addi %mul3A_66, %mul3A_81 : i32
    "tpu.region"() ({
      %run_scoped3A = tpu.sem_alloc : memref<!tpu.dma_semaphore, #tpu.memory_space<semaphore_mem>>
      %dma_start3A = arith.constant 0 : i32
      %dma_start3A_105 = tpu.memref_slice %arg6[%add3A_82, %dma_start3A] : memref<800000x16xf32, #tpu.memory_space<hbm>> -> memref<5000x16xf32, #tpu.memory_space<hbm>>
      %dma_start3A_106 = arith.constant 0 : i32
      %dma_start3A_107 = tpu.memref_slice %arg10[%mul3A_79, %dma_start3A_106] : memref<80016x16xf32, #tpu.memory_space<vmem_shared>> -> memref<5000x16xf32, #tpu.memory_space<vmem_shared>>
      tpu.enqueue_dma source(%dma_start3A_107 : memref<5000x16xf32, #tpu.memory_space<vmem_shared>>) target(%dma_start3A_105 : memref<5000x16xf32, #tpu.memory_space<hbm>>) target_semaphore(%run_scoped3A : memref<!tpu.dma_semaphore, #tpu.memory_space<semaphore_mem>>)
      %dma_wait3A = arith.constant 0 : i32
      %dma_wait3A_108 = tpu.memref_slice %arg6[%add3A_82, %dma_wait3A] : memref<800000x16xf32, #tpu.memory_space<hbm>> -> memref<5000x16xf32, #tpu.memory_space<hbm>>
      %dma_wait3A_109 = arith.constant 0 : i32
      %dma_wait3A_110 = tpu.memref_slice %arg10[%mul3A_79, %dma_wait3A_109] : memref<80016x16xf32, #tpu.memory_space<vmem_shared>> -> memref<5000x16xf32, #tpu.memory_space<vmem_shared>>
      tpu.wait_dma2 semaphore(%run_scoped3A : memref<!tpu.dma_semaphore, #tpu.memory_space<semaphore_mem>>) src(%dma_wait3A_110 : memref<5000x16xf32, #tpu.memory_space<vmem_shared>>) dst(%dma_wait3A_108 : memref<5000x16xf32, #tpu.memory_space<hbm>>)
      tpu.yield
    }) : () -> ()
    %barrier3A_83 = arith.constant 0 : index
    tpu.barrier barrier_id(%barrier3A_83)
    %add3A_84 = arith.constant 8 : i32
    %add3A_85 = arith.addi %add3A_84, %arg0 : i32
    %mul3A_86 = arith.constant 80000 : i32
    %mul3A_87 = arith.muli %add3A_85, %mul3A_86 : i32
    %mul3A_88 = arith.constant 5001 : i32
    %mul3A_89 = arith.muli %arg1, %mul3A_88 : i32
    %mul3A_90 = arith.constant 5001 : i32
    %mul3A_91 = arith.muli %arg1, %mul3A_90 : i32
    "tpu.region"() ({
      %run_scoped3A = tpu.sem_alloc : memref<!tpu.dma_semaphore, #tpu.memory_space<semaphore_mem>>
      %dma_start3A = arith.constant 0 : i32
      %dma_start3A_105 = tpu.memref_slice %arg10[%mul3A_91, %dma_start3A] : memref<80016x16xf32, #tpu.memory_space<vmem_shared>> -> memref<5001x16xf32, #tpu.memory_space<vmem_shared>>
      %dma_start3A_106 = arith.constant 0 : i32
      %dma_start3A_107 = tpu.memref_slice %arg4[%mul3A_89, %dma_start3A_106] : memref<80016x16xf32, #tpu.memory_space<hbm>> -> memref<5001x16xf32, #tpu.memory_space<hbm>>
      tpu.enqueue_dma source(%dma_start3A_107 : memref<5001x16xf32, #tpu.memory_space<hbm>>) target(%dma_start3A_105 : memref<5001x16xf32, #tpu.memory_space<vmem_shared>>) target_semaphore(%run_scoped3A : memref<!tpu.dma_semaphore, #tpu.memory_space<semaphore_mem>>)
      %dma_wait3A = arith.constant 0 : i32
      %dma_wait3A_108 = tpu.memref_slice %arg10[%mul3A_91, %dma_wait3A] : memref<80016x16xf32, #tpu.memory_space<vmem_shared>> -> memref<5001x16xf32, #tpu.memory_space<vmem_shared>>
      %dma_wait3A_109 = arith.constant 0 : i32
      %dma_wait3A_110 = tpu.memref_slice %arg4[%mul3A_89, %dma_wait3A_109] : memref<80016x16xf32, #tpu.memory_space<hbm>> -> memref<5001x16xf32, #tpu.memory_space<hbm>>
      tpu.wait_dma2 semaphore(%run_scoped3A : memref<!tpu.dma_semaphore, #tpu.memory_space<semaphore_mem>>) src(%dma_wait3A_110 : memref<5001x16xf32, #tpu.memory_space<hbm>>) dst(%dma_wait3A_108 : memref<5001x16xf32, #tpu.memory_space<vmem_shared>>)
      tpu.yield
    }) : () -> ()
    %barrier3A_92 = arith.constant 0 : index
    tpu.barrier barrier_id(%barrier3A_92)
    %scan3A_93 = arith.constant 0 : i32
    %scan3A_94 = arith.constant 25 : i32
    %scan3A_95 = arith.addi %scan3A_93, %scan3A_94 : i32
    %scan3A_96 = arith.constant 1 : i32
    scf.for %scan3A_105 = %scan3A_93 to %scan3A_95 step %scan3A_96  : i32 {
      %mul3A_106 = arith.constant 1 : i32
      %mul3A_107 = arith.muli %scan3A_105, %mul3A_106 : i32
      %add3A_108 = arith.constant 0 : i32
      %add3A_109 = arith.addi %add3A_108, %mul3A_107 : i32
      %mul3A_110 = arith.constant 2000 : i32
      %mul3A_111 = arith.muli %add3A_109, %mul3A_110 : i32
      %add3A_112 = arith.addi %mul3A_2, %mul3A_111 : i32
      "tpu.region"() ({
        %run_scoped3A = tpu.sem_alloc : memref<!tpu.dma_semaphore, #tpu.memory_space<semaphore_mem>>
        %dma_start3A = tpu.memref_slice %arg3[%add3A_112] : memref<800000xi32, #tpu.memory_space<hbm>> -> memref<2000xi32, #tpu.memory_space<hbm>>
        %dma_start3A_118 = tpu.memref_slice %arg3[%add3A_112] : memref<800000xi32, #tpu.memory_space<hbm>> -> memref<2000xi32, #tpu.memory_space<hbm>>
        tpu.enqueue_dma source(%dma_start3A_118 : memref<2000xi32, #tpu.memory_space<hbm>>) target(%arg7 : memref<2000xi32, #tpu.memory_space<vmem>>) target_semaphore(%run_scoped3A : memref<!tpu.dma_semaphore, #tpu.memory_space<semaphore_mem>>)
        %dma_wait3A = tpu.memref_slice %arg3[%add3A_112] : memref<800000xi32, #tpu.memory_space<hbm>> -> memref<2000xi32, #tpu.memory_space<hbm>>
        %dma_wait3A_119 = tpu.memref_slice %arg3[%add3A_112] : memref<800000xi32, #tpu.memory_space<hbm>> -> memref<2000xi32, #tpu.memory_space<hbm>>
        tpu.wait_dma2 semaphore(%run_scoped3A : memref<!tpu.dma_semaphore, #tpu.memory_space<semaphore_mem>>) src(%dma_wait3A_119 : memref<2000xi32, #tpu.memory_space<hbm>>) dst(%arg7 : memref<2000xi32, #tpu.memory_space<vmem>>)
        tpu.yield
      }) : () -> ()
      "tpu.region"() ({
        %run_scoped3A = tpu.sem_alloc : memref<!tpu.dma_semaphore, #tpu.memory_space<semaphore_mem>>
        %dma_start3A = arith.constant 0 : i32
        %dma_start3A_118 = tpu.memref_slice %arg2[%add3A_112, %dma_start3A] : memref<800000x16xf32, #tpu.memory_space<hbm>> -> memref<2000x16xf32, #tpu.memory_space<hbm>>
        %dma_start3A_119 = arith.constant 0 : i32
        %dma_start3A_120 = tpu.memref_slice %arg2[%add3A_112, %dma_start3A_119] : memref<800000x16xf32, #tpu.memory_space<hbm>> -> memref<2000x16xf32, #tpu.memory_space<hbm>>
        tpu.enqueue_dma source(%dma_start3A_120 : memref<2000x16xf32, #tpu.memory_space<hbm>>) target(%arg9 : memref<2000x16xf32, #tpu.memory_space<vmem>>) target_semaphore(%run_scoped3A : memref<!tpu.dma_semaphore, #tpu.memory_space<semaphore_mem>>)
        %dma_wait3A = arith.constant 0 : i32
        %dma_wait3A_121 = tpu.memref_slice %arg2[%add3A_112, %dma_wait3A] : memref<800000x16xf32, #tpu.memory_space<hbm>> -> memref<2000x16xf32, #tpu.memory_space<hbm>>
        %dma_wait3A_122 = arith.constant 0 : i32
        %dma_wait3A_123 = tpu.memref_slice %arg2[%add3A_112, %dma_wait3A_122] : memref<800000x16xf32, #tpu.memory_space<hbm>> -> memref<2000x16xf32, #tpu.memory_space<hbm>>
        tpu.wait_dma2 semaphore(%run_scoped3A : memref<!tpu.dma_semaphore, #tpu.memory_space<semaphore_mem>>) src(%dma_wait3A_123 : memref<2000x16xf32, #tpu.memory_space<hbm>>) dst(%arg9 : memref<2000x16xf32, #tpu.memory_space<vmem>>)
        tpu.yield
      }) : () -> ()
      %scan3A_113 = arith.constant 0 : i32
      %scan3A_114 = arith.constant 125 : i32
      %scan3A_115 = arith.addi %scan3A_113, %scan3A_114 : i32
      %scan3A_116 = arith.constant 1 : i32
      scf.for %scan3A_118 = %scan3A_113 to %scan3A_115 step %scan3A_116  : i32 {
        %mul3A_119 = arith.constant 1 : i32
        %mul3A_120 = arith.muli %scan3A_118, %mul3A_119 : i32
        %add3A_121 = arith.constant 0 : i32
        %add3A_122 = arith.addi %add3A_121, %mul3A_120 : i32
        %mul3A_123 = arith.constant 16 : i32
        %mul3A_124 = arith.muli %add3A_122, %mul3A_123 : i32
        %get3A_125 = arith.index_cast %mul3A_124 : i32 to index
        %get3A_126 = tpu.vector_load %arg7[%get3A_125] {strides = array<i32>} : memref<2000xi32, #tpu.memory_space<vmem>>, vector<16xi32>,
        %get3A_127 = vector.shape_cast %get3A_126 : vector<16xi32> to vector<16xi32>
        %sub3A = vector.broadcast %mul3A_87 : i32 to vector<16xi32>
        %sub3A_128 = arith.subi %get3A_127, %sub3A : vector<16xi32>
        %ge3A = vector.broadcast %mul3A_87 : i32 to vector<16xi32>
        %ge3A_129 = arith.cmpi sge, %get3A_127, %ge3A : vector<16xi32>
        %add3A_130 = arith.constant 80000 : i32
        %add3A_131 = arith.addi %mul3A_87, %add3A_130 : i32
        %lt3A = vector.broadcast %add3A_131 : i32 to vector<16xi32>
        %lt3A_132 = arith.cmpi slt, %get3A_127, %lt3A : vector<16xi32>
        %and3A = arith.andi %ge3A_129, %lt3A_132 : vector<16xi1>
        %broadcast_in_dim3A = vector.broadcast %squeeze3A : i32 to vector<16xi32>
        %select_n3A = arith.select %and3A, %sub3A_128, %broadcast_in_dim3A : vector<16xi1>, vector<16xi32>
        %mul3A_133 = arith.constant 16 : i32
        %mul3A_134 = arith.muli %add3A_122, %mul3A_133 : i32
        %swap3A = arith.index_cast %mul3A_134 : i32 to index
        %swap3A_135 = tpu.vector_load %arg8[%swap3A] {strides = array<i32>} : memref<2000xi32, #tpu.memory_space<vmem>>, vector<16xi32>,
        %swap3A_136 = vector.shape_cast %swap3A_135 : vector<16xi32> to vector<16xi32>
        %swap3A_137 = vector.shape_cast %select_n3A : vector<16xi32> to vector<16xi32>
        tpu.vector_store %arg8[%swap3A], %swap3A_137 {strides = array<i32>} : memref<2000xi32, #tpu.memory_space<vmem>>, vector<16xi32>,
      }
      %scan3A_117 = arith.constant 125 : i32
      "tpu.region"() ({
        %run_scoped3A = tpu.sem_alloc : memref<!tpu.dma_semaphore, #tpu.memory_space<semaphore_mem>>
        %dma_start3A = arith.constant 0 : i32
        %dma_start3A_118 = arith.constant 0 : i32
        %dma_start3A_119 = tpu.memref_slice %arg10[%dma_start3A, %dma_start3A_118] : memref<80016x16xf32, #tpu.memory_space<vmem_shared>> -> memref<80016x16xf32, #tpu.memory_space<vmem_shared>>
        tpu.enqueue_indirect_dma source(%arg9 : memref<2000x16xf32, #tpu.memory_space<vmem>>) target(%dma_start3A_119 : memref<80016x16xf32, #tpu.memory_space<vmem_shared>>) offsets(%arg8 : memref<2000xi32, #tpu.memory_space<vmem>>) semaphore(%run_scoped3A : memref<!tpu.dma_semaphore, #tpu.memory_space<semaphore_mem>>) {add = true}
        %dma_wait3A = arith.constant 0 : i32
        %dma_wait3A_120 = arith.constant 0 : i32
        %dma_wait3A_121 = tpu.memref_slice %arg10[%dma_wait3A, %dma_wait3A_120] : memref<80016x16xf32, #tpu.memory_space<vmem_shared>> -> memref<80016x16xf32, #tpu.memory_space<vmem_shared>>
        tpu.wait_indirect_dma semaphore(%run_scoped3A : memref<!tpu.dma_semaphore, #tpu.memory_space<semaphore_mem>>) src(%arg9 : memref<2000x16xf32, #tpu.memory_space<vmem>>) dst(%dma_wait3A_121 : memref<80016x16xf32, #tpu.memory_space<vmem_shared>>)
        tpu.yield
      }) : () -> ()
    }
    %scan3A_97 = arith.constant 25 : i32
    %barrier3A_98 = arith.constant 0 : index
    tpu.barrier barrier_id(%barrier3A_98)
    %mul3A_99 = arith.constant 5000 : i32
    %mul3A_100 = arith.muli %arg1, %mul3A_99 : i32
    %mul3A_101 = arith.constant 5000 : i32
    %mul3A_102 = arith.muli %arg1, %mul3A_101 : i32
    %add3A_103 = arith.addi %mul3A_87, %mul3A_102 : i32
    "tpu.region"() ({
      %run_scoped3A = tpu.sem_alloc : memref<!tpu.dma_semaphore, #tpu.memory_space<semaphore_mem>>
      %dma_start3A = arith.constant 0 : i32
      %dma_start3A_105 = tpu.memref_slice %arg6[%add3A_103, %dma_start3A] : memref<800000x16xf32, #tpu.memory_space<hbm>> -> memref<5000x16xf32, #tpu.memory_space<hbm>>
      %dma_start3A_106 = arith.constant 0 : i32
      %dma_start3A_107 = tpu.memref_slice %arg10[%mul3A_100, %dma_start3A_106] : memref<80016x16xf32, #tpu.memory_space<vmem_shared>> -> memref<5000x16xf32, #tpu.memory_space<vmem_shared>>
      tpu.enqueue_dma source(%dma_start3A_107 : memref<5000x16xf32, #tpu.memory_space<vmem_shared>>) target(%dma_start3A_105 : memref<5000x16xf32, #tpu.memory_space<hbm>>) target_semaphore(%run_scoped3A : memref<!tpu.dma_semaphore, #tpu.memory_space<semaphore_mem>>)
      %dma_wait3A = arith.constant 0 : i32
      %dma_wait3A_108 = tpu.memref_slice %arg6[%add3A_103, %dma_wait3A] : memref<800000x16xf32, #tpu.memory_space<hbm>> -> memref<5000x16xf32, #tpu.memory_space<hbm>>
      %dma_wait3A_109 = arith.constant 0 : i32
      %dma_wait3A_110 = tpu.memref_slice %arg10[%mul3A_100, %dma_wait3A_109] : memref<80016x16xf32, #tpu.memory_space<vmem_shared>> -> memref<5000x16xf32, #tpu.memory_space<vmem_shared>>
      tpu.wait_dma2 semaphore(%run_scoped3A : memref<!tpu.dma_semaphore, #tpu.memory_space<semaphore_mem>>) src(%dma_wait3A_110 : memref<5000x16xf32, #tpu.memory_space<vmem_shared>>) dst(%dma_wait3A_108 : memref<5000x16xf32, #tpu.memory_space<hbm>>)
      tpu.yield
    }) : () -> ()
    %barrier3A_104 = arith.constant 0 : index
    tpu.barrier barrier_id(%barrier3A_104)
    return
  }
}

#map = affine_map<(d0, d1) -> (0, 0)>
#map1 = affine_map<(d0, d1) -> (0)>
#map2 = affine_map<(d0, d1) -> (0, 0, 0)>
module attributes {stable_mosaic.version = 14 : i64} {
  func.func @sk(%arg0: i32, %arg1: i32, %arg2: memref<800000x16xf32, #tpu.memory_space<hbm>>, %arg3: memref<800000xi32, #tpu.memory_space<hbm>>, %arg4: memref<50000x16xf32, #tpu.memory_space<hbm>>, %arg5: memref<2x50000x16xf32, #tpu.memory_space<hbm>>, %arg6: memref<1000xi32, #tpu.memory_space<vmem>>, %arg7: memref<1000x16xf32, #tpu.memory_space<vmem>>, %arg8: memref<50000x16xf32, #tpu.memory_space<vmem_shared>>) attributes {dimension_semantics = [#tpu.dimension_semantics<core_parallel>, #tpu.dimension_semantics<subcore_parallel>], iteration_bounds = array<i64: 2, 16>, scalar_prefetch = 0 : i64, scratch_operands = 3 : i64, tpu.core_type = #tpu.core_type<sc_vector_subcore>, window_params = [{transform_indices = #map}, {transform_indices = #map1}, {transform_indices = #map}, {transform_indices = #map2}]} {
    %mul3A = arith.constant 3125 : i32
    %mul3A_0 = arith.muli %arg1, %mul3A : i32
    %mul3A_1 = arith.constant 3125 : i32
    %mul3A_2 = arith.muli %arg1, %mul3A_1 : i32
    "tpu.region"() ({
      %run_scoped3A = tpu.sem_alloc : memref<!tpu.dma_semaphore, #tpu.memory_space<semaphore_mem>>
      %dma_start3A = arith.constant 0 : i32
      %dma_start3A_16 = tpu.memref_slice %arg8[%mul3A_2, %dma_start3A] : memref<50000x16xf32, #tpu.memory_space<vmem_shared>> -> memref<3125x16xf32, #tpu.memory_space<vmem_shared>>
      %dma_start3A_17 = arith.constant 0 : i32
      %dma_start3A_18 = tpu.memref_slice %arg4[%mul3A_0, %dma_start3A_17] : memref<50000x16xf32, #tpu.memory_space<hbm>> -> memref<3125x16xf32, #tpu.memory_space<hbm>>
      tpu.enqueue_dma source(%dma_start3A_18 : memref<3125x16xf32, #tpu.memory_space<hbm>>) target(%dma_start3A_16 : memref<3125x16xf32, #tpu.memory_space<vmem_shared>>) target_semaphore(%run_scoped3A : memref<!tpu.dma_semaphore, #tpu.memory_space<semaphore_mem>>)
      %dma_wait3A = arith.constant 0 : i32
      %dma_wait3A_19 = tpu.memref_slice %arg8[%mul3A_2, %dma_wait3A] : memref<50000x16xf32, #tpu.memory_space<vmem_shared>> -> memref<3125x16xf32, #tpu.memory_space<vmem_shared>>
      %dma_wait3A_20 = arith.constant 0 : i32
      %dma_wait3A_21 = tpu.memref_slice %arg4[%mul3A_0, %dma_wait3A_20] : memref<50000x16xf32, #tpu.memory_space<hbm>> -> memref<3125x16xf32, #tpu.memory_space<hbm>>
      tpu.wait_dma2 semaphore(%run_scoped3A : memref<!tpu.dma_semaphore, #tpu.memory_space<semaphore_mem>>) src(%dma_wait3A_21 : memref<3125x16xf32, #tpu.memory_space<hbm>>) dst(%dma_wait3A_19 : memref<3125x16xf32, #tpu.memory_space<vmem_shared>>)
      tpu.yield
    }) : () -> ()
    %barrier3A = arith.constant 0 : index
    tpu.barrier barrier_id(%barrier3A)
    %mul3A_3 = arith.constant 16 : i32
    %mul3A_4 = arith.muli %arg0, %mul3A_3 : i32
    %add3A = arith.addi %mul3A_4, %arg1 : i32
    %mul3A_5 = arith.constant 25000 : i32
    %mul3A_6 = arith.muli %add3A, %mul3A_5 : i32
    %scan3A = arith.constant 0 : i32
    %scan3A_7 = arith.constant 25 : i32
    %scan3A_8 = arith.addi %scan3A, %scan3A_7 : i32
    %scan3A_9 = arith.constant 1 : i32
    scf.for %scan3A_16 = %scan3A to %scan3A_8 step %scan3A_9  : i32 {
      %mul3A_17 = arith.constant 1 : i32
      %mul3A_18 = arith.muli %scan3A_16, %mul3A_17 : i32
      %add3A_19 = arith.constant 0 : i32
      %add3A_20 = arith.addi %add3A_19, %mul3A_18 : i32
      %mul3A_21 = arith.constant 1000 : i32
      %mul3A_22 = arith.muli %add3A_20, %mul3A_21 : i32
      %add3A_23 = arith.addi %mul3A_6, %mul3A_22 : i32
      "tpu.region"() ({
        %run_scoped3A = tpu.sem_alloc : memref<!tpu.dma_semaphore, #tpu.memory_space<semaphore_mem>>
        %dma_start3A = tpu.memref_slice %arg3[%add3A_23] : memref<800000xi32, #tpu.memory_space<hbm>> -> memref<1000xi32, #tpu.memory_space<hbm>>
        %dma_start3A_24 = tpu.memref_slice %arg3[%add3A_23] : memref<800000xi32, #tpu.memory_space<hbm>> -> memref<1000xi32, #tpu.memory_space<hbm>>
        tpu.enqueue_dma source(%dma_start3A_24 : memref<1000xi32, #tpu.memory_space<hbm>>) target(%arg6 : memref<1000xi32, #tpu.memory_space<vmem>>) target_semaphore(%run_scoped3A : memref<!tpu.dma_semaphore, #tpu.memory_space<semaphore_mem>>)
        %dma_wait3A = tpu.memref_slice %arg3[%add3A_23] : memref<800000xi32, #tpu.memory_space<hbm>> -> memref<1000xi32, #tpu.memory_space<hbm>>
        %dma_wait3A_25 = tpu.memref_slice %arg3[%add3A_23] : memref<800000xi32, #tpu.memory_space<hbm>> -> memref<1000xi32, #tpu.memory_space<hbm>>
        tpu.wait_dma2 semaphore(%run_scoped3A : memref<!tpu.dma_semaphore, #tpu.memory_space<semaphore_mem>>) src(%dma_wait3A_25 : memref<1000xi32, #tpu.memory_space<hbm>>) dst(%arg6 : memref<1000xi32, #tpu.memory_space<vmem>>)
        tpu.yield
      }) : () -> ()
      "tpu.region"() ({
        %run_scoped3A = tpu.sem_alloc : memref<!tpu.dma_semaphore, #tpu.memory_space<semaphore_mem>>
        %dma_start3A = arith.constant 0 : i32
        %dma_start3A_24 = tpu.memref_slice %arg2[%add3A_23, %dma_start3A] : memref<800000x16xf32, #tpu.memory_space<hbm>> -> memref<1000x16xf32, #tpu.memory_space<hbm>>
        %dma_start3A_25 = arith.constant 0 : i32
        %dma_start3A_26 = tpu.memref_slice %arg2[%add3A_23, %dma_start3A_25] : memref<800000x16xf32, #tpu.memory_space<hbm>> -> memref<1000x16xf32, #tpu.memory_space<hbm>>
        tpu.enqueue_dma source(%dma_start3A_26 : memref<1000x16xf32, #tpu.memory_space<hbm>>) target(%arg7 : memref<1000x16xf32, #tpu.memory_space<vmem>>) target_semaphore(%run_scoped3A : memref<!tpu.dma_semaphore, #tpu.memory_space<semaphore_mem>>)
        %dma_wait3A = arith.constant 0 : i32
        %dma_wait3A_27 = tpu.memref_slice %arg2[%add3A_23, %dma_wait3A] : memref<800000x16xf32, #tpu.memory_space<hbm>> -> memref<1000x16xf32, #tpu.memory_space<hbm>>
        %dma_wait3A_28 = arith.constant 0 : i32
        %dma_wait3A_29 = tpu.memref_slice %arg2[%add3A_23, %dma_wait3A_28] : memref<800000x16xf32, #tpu.memory_space<hbm>> -> memref<1000x16xf32, #tpu.memory_space<hbm>>
        tpu.wait_dma2 semaphore(%run_scoped3A : memref<!tpu.dma_semaphore, #tpu.memory_space<semaphore_mem>>) src(%dma_wait3A_29 : memref<1000x16xf32, #tpu.memory_space<hbm>>) dst(%arg7 : memref<1000x16xf32, #tpu.memory_space<vmem>>)
        tpu.yield
      }) : () -> ()
      "tpu.region"() ({
        %run_scoped3A = tpu.sem_alloc : memref<!tpu.dma_semaphore, #tpu.memory_space<semaphore_mem>>
        %dma_start3A = arith.constant 0 : i32
        %dma_start3A_24 = arith.constant 0 : i32
        %dma_start3A_25 = tpu.memref_slice %arg8[%dma_start3A, %dma_start3A_24] : memref<50000x16xf32, #tpu.memory_space<vmem_shared>> -> memref<50000x16xf32, #tpu.memory_space<vmem_shared>>
        tpu.enqueue_indirect_dma source(%arg7 : memref<1000x16xf32, #tpu.memory_space<vmem>>) target(%dma_start3A_25 : memref<50000x16xf32, #tpu.memory_space<vmem_shared>>) offsets(%arg6 : memref<1000xi32, #tpu.memory_space<vmem>>) semaphore(%run_scoped3A : memref<!tpu.dma_semaphore, #tpu.memory_space<semaphore_mem>>) {add = true}
        %dma_wait3A = arith.constant 0 : i32
        %dma_wait3A_26 = arith.constant 0 : i32
        %dma_wait3A_27 = tpu.memref_slice %arg8[%dma_wait3A, %dma_wait3A_26] : memref<50000x16xf32, #tpu.memory_space<vmem_shared>> -> memref<50000x16xf32, #tpu.memory_space<vmem_shared>>
        tpu.wait_indirect_dma semaphore(%run_scoped3A : memref<!tpu.dma_semaphore, #tpu.memory_space<semaphore_mem>>) src(%arg7 : memref<1000x16xf32, #tpu.memory_space<vmem>>) dst(%dma_wait3A_27 : memref<50000x16xf32, #tpu.memory_space<vmem_shared>>)
        tpu.yield
      }) : () -> ()
    }
    %scan3A_10 = arith.constant 25 : i32
    %barrier3A_11 = arith.constant 0 : index
    tpu.barrier barrier_id(%barrier3A_11)
    %mul3A_12 = arith.constant 3125 : i32
    %mul3A_13 = arith.muli %arg1, %mul3A_12 : i32
    %mul3A_14 = arith.constant 3125 : i32
    %mul3A_15 = arith.muli %arg1, %mul3A_14 : i32
    "tpu.region"() ({
      %run_scoped3A = tpu.sem_alloc : memref<!tpu.dma_semaphore, #tpu.memory_space<semaphore_mem>>
      %dma_start3A = arith.constant 0 : i32
      %dma_start3A_16 = tpu.memref_slice %arg5[%arg0, %mul3A_15, %dma_start3A] : memref<2x50000x16xf32, #tpu.memory_space<hbm>> -> memref<1x3125x16xf32, #tpu.memory_space<hbm>>
      %dma_start3A_17 = tpu.memref_squeeze %dma_start3A_16 : memref<1x3125x16xf32, #tpu.memory_space<hbm>> -> memref<3125x16xf32, #tpu.memory_space<hbm>>
      %dma_start3A_18 = arith.constant 0 : i32
      %dma_start3A_19 = tpu.memref_slice %arg8[%mul3A_13, %dma_start3A_18] : memref<50000x16xf32, #tpu.memory_space<vmem_shared>> -> memref<3125x16xf32, #tpu.memory_space<vmem_shared>>
      tpu.enqueue_dma source(%dma_start3A_19 : memref<3125x16xf32, #tpu.memory_space<vmem_shared>>) target(%dma_start3A_17 : memref<3125x16xf32, #tpu.memory_space<hbm>>) target_semaphore(%run_scoped3A : memref<!tpu.dma_semaphore, #tpu.memory_space<semaphore_mem>>)
      %dma_wait3A = arith.constant 0 : i32
      %dma_wait3A_20 = tpu.memref_slice %arg5[%arg0, %mul3A_15, %dma_wait3A] : memref<2x50000x16xf32, #tpu.memory_space<hbm>> -> memref<1x3125x16xf32, #tpu.memory_space<hbm>>
      %dma_wait3A_21 = tpu.memref_squeeze %dma_wait3A_20 : memref<1x3125x16xf32, #tpu.memory_space<hbm>> -> memref<3125x16xf32, #tpu.memory_space<hbm>>
      %dma_wait3A_22 = arith.constant 0 : i32
      %dma_wait3A_23 = tpu.memref_slice %arg8[%mul3A_13, %dma_wait3A_22] : memref<50000x16xf32, #tpu.memory_space<vmem_shared>> -> memref<3125x16xf32, #tpu.memory_space<vmem_shared>>
      tpu.wait_dma2 semaphore(%run_scoped3A : memref<!tpu.dma_semaphore, #tpu.memory_space<semaphore_mem>>) src(%dma_wait3A_23 : memref<3125x16xf32, #tpu.memory_space<vmem_shared>>) dst(%dma_wait3A_21 : memref<3125x16xf32, #tpu.memory_space<hbm>>)
      tpu.yield
    }) : () -> ()
    return
  }
}

#map = affine_map<(d0, d1) -> (0, 0)>
#map1 = affine_map<(d0, d1) -> (0)>
module attributes {stable_mosaic.version = 14 : i64} {
  func.func @gk(%arg0: i32, %arg1: i32, %arg2: memref<50000x32xf32, #tpu.memory_space<hbm>>, %arg3: memref<800000xi32, #tpu.memory_space<hbm>>, %arg4: memref<800000xi32, #tpu.memory_space<hbm>>, %arg5: memref<800000x32xf32, #tpu.memory_space<hbm>>, %arg6: memref<800000x32xf32, #tpu.memory_space<hbm>>, %arg7: memref<1000xi32, #tpu.memory_space<vmem>>, %arg8: memref<1000x32xf32, #tpu.memory_space<vmem>>, %arg9: memref<!tpu.dma_semaphore, #tpu.memory_space<semaphore_mem>>) attributes {dimension_semantics = [#tpu.dimension_semantics<core_parallel>, #tpu.dimension_semantics<subcore_parallel>], iteration_bounds = array<i64: 2, 16>, scalar_prefetch = 0 : i64, scratch_operands = 3 : i64, tpu.core_type = #tpu.core_type<sc_vector_subcore>, window_params = [{transform_indices = #map}, {transform_indices = #map1}, {transform_indices = #map1}, {transform_indices = #map}, {transform_indices = #map}]} {
    %mul3A = arith.constant 16 : i32
    %mul3A_0 = arith.muli %arg0, %mul3A : i32
    %add3A = arith.addi %mul3A_0, %arg1 : i32
    %mul3A_1 = arith.constant 25000 : i32
    %mul3A_2 = arith.muli %add3A, %mul3A_1 : i32
    %scan3A = arith.constant 0 : i32
    %scan3A_3 = arith.constant 25 : i32
    %scan3A_4 = arith.addi %scan3A, %scan3A_3 : i32
    %scan3A_5 = arith.constant 1 : i32
    scf.for %scan3A_7 = %scan3A to %scan3A_4 step %scan3A_5  : i32 {
      %mul3A_8 = arith.constant 1 : i32
      %mul3A_9 = arith.muli %scan3A_7, %mul3A_8 : i32
      %add3A_10 = arith.constant 0 : i32
      %add3A_11 = arith.addi %add3A_10, %mul3A_9 : i32
      %mul3A_12 = arith.constant 1000 : i32
      %mul3A_13 = arith.muli %add3A_11, %mul3A_12 : i32
      %add3A_14 = arith.addi %mul3A_2, %mul3A_13 : i32
      "tpu.region"() ({
        %run_scoped3A = tpu.sem_alloc : memref<!tpu.dma_semaphore, #tpu.memory_space<semaphore_mem>>
        %dma_start3A_25 = tpu.memref_slice %arg3[%add3A_14] : memref<800000xi32, #tpu.memory_space<hbm>> -> memref<1000xi32, #tpu.memory_space<hbm>>
        %dma_start3A_26 = tpu.memref_slice %arg3[%add3A_14] : memref<800000xi32, #tpu.memory_space<hbm>> -> memref<1000xi32, #tpu.memory_space<hbm>>
        tpu.enqueue_dma source(%dma_start3A_26 : memref<1000xi32, #tpu.memory_space<hbm>>) target(%arg7 : memref<1000xi32, #tpu.memory_space<vmem>>) target_semaphore(%run_scoped3A : memref<!tpu.dma_semaphore, #tpu.memory_space<semaphore_mem>>)
        %dma_wait3A_27 = tpu.memref_slice %arg3[%add3A_14] : memref<800000xi32, #tpu.memory_space<hbm>> -> memref<1000xi32, #tpu.memory_space<hbm>>
        %dma_wait3A_28 = tpu.memref_slice %arg3[%add3A_14] : memref<800000xi32, #tpu.memory_space<hbm>> -> memref<1000xi32, #tpu.memory_space<hbm>>
        tpu.wait_dma2 semaphore(%run_scoped3A : memref<!tpu.dma_semaphore, #tpu.memory_space<semaphore_mem>>) src(%dma_wait3A_28 : memref<1000xi32, #tpu.memory_space<hbm>>) dst(%arg7 : memref<1000xi32, #tpu.memory_space<vmem>>)
        tpu.yield
      }) : () -> ()
      %dma_start3A = arith.constant 0 : i32
      %dma_start3A_15 = arith.constant 0 : i32
      %dma_start3A_16 = tpu.memref_slice %arg2[%dma_start3A, %dma_start3A_15] : memref<50000x32xf32, #tpu.memory_space<hbm>> -> memref<50000x32xf32, #tpu.memory_space<hbm>>
      tpu.enqueue_indirect_dma source(%dma_start3A_16 : memref<50000x32xf32, #tpu.memory_space<hbm>>) target(%arg8 : memref<1000x32xf32, #tpu.memory_space<vmem>>) offsets(%arg7 : memref<1000xi32, #tpu.memory_space<vmem>>) semaphore(%arg9 : memref<!tpu.dma_semaphore, #tpu.memory_space<semaphore_mem>>)
      %dma_wait3A = arith.constant 0 : i32
      %dma_wait3A_17 = arith.constant 0 : i32
      %dma_wait3A_18 = tpu.memref_slice %arg2[%dma_wait3A, %dma_wait3A_17] : memref<50000x32xf32, #tpu.memory_space<hbm>> -> memref<50000x32xf32, #tpu.memory_space<hbm>>
      tpu.wait_indirect_dma semaphore(%arg9 : memref<!tpu.dma_semaphore, #tpu.memory_space<semaphore_mem>>) src(%dma_wait3A_18 : memref<50000x32xf32, #tpu.memory_space<hbm>>) dst(%arg8 : memref<1000x32xf32, #tpu.memory_space<vmem>>)
      "tpu.region"() ({
        %run_scoped3A = tpu.sem_alloc : memref<!tpu.dma_semaphore, #tpu.memory_space<semaphore_mem>>
        %dma_start3A_25 = arith.constant 0 : i32
        %dma_start3A_26 = tpu.memref_slice %arg5[%add3A_14, %dma_start3A_25] : memref<800000x32xf32, #tpu.memory_space<hbm>> -> memref<1000x32xf32, #tpu.memory_space<hbm>>
        %dma_start3A_27 = arith.constant 0 : i32
        %dma_start3A_28 = tpu.memref_slice %arg5[%add3A_14, %dma_start3A_27] : memref<800000x32xf32, #tpu.memory_space<hbm>> -> memref<1000x32xf32, #tpu.memory_space<hbm>>
        tpu.enqueue_dma source(%arg8 : memref<1000x32xf32, #tpu.memory_space<vmem>>) target(%dma_start3A_28 : memref<1000x32xf32, #tpu.memory_space<hbm>>) target_semaphore(%run_scoped3A : memref<!tpu.dma_semaphore, #tpu.memory_space<semaphore_mem>>)
        %dma_wait3A_29 = arith.constant 0 : i32
        %dma_wait3A_30 = tpu.memref_slice %arg5[%add3A_14, %dma_wait3A_29] : memref<800000x32xf32, #tpu.memory_space<hbm>> -> memref<1000x32xf32, #tpu.memory_space<hbm>>
        %dma_wait3A_31 = arith.constant 0 : i32
        %dma_wait3A_32 = tpu.memref_slice %arg5[%add3A_14, %dma_wait3A_31] : memref<800000x32xf32, #tpu.memory_space<hbm>> -> memref<1000x32xf32, #tpu.memory_space<hbm>>
        tpu.wait_dma2 semaphore(%run_scoped3A : memref<!tpu.dma_semaphore, #tpu.memory_space<semaphore_mem>>) src(%arg8 : memref<1000x32xf32, #tpu.memory_space<vmem>>) dst(%dma_wait3A_32 : memref<1000x32xf32, #tpu.memory_space<hbm>>)
        tpu.yield
      }) : () -> ()
      "tpu.region"() ({
        %run_scoped3A = tpu.sem_alloc : memref<!tpu.dma_semaphore, #tpu.memory_space<semaphore_mem>>
        %dma_start3A_25 = tpu.memref_slice %arg4[%add3A_14] : memref<800000xi32, #tpu.memory_space<hbm>> -> memref<1000xi32, #tpu.memory_space<hbm>>
        %dma_start3A_26 = tpu.memref_slice %arg4[%add3A_14] : memref<800000xi32, #tpu.memory_space<hbm>> -> memref<1000xi32, #tpu.memory_space<hbm>>
        tpu.enqueue_dma source(%dma_start3A_26 : memref<1000xi32, #tpu.memory_space<hbm>>) target(%arg7 : memref<1000xi32, #tpu.memory_space<vmem>>) target_semaphore(%run_scoped3A : memref<!tpu.dma_semaphore, #tpu.memory_space<semaphore_mem>>)
        %dma_wait3A_27 = tpu.memref_slice %arg4[%add3A_14] : memref<800000xi32, #tpu.memory_space<hbm>> -> memref<1000xi32, #tpu.memory_space<hbm>>
        %dma_wait3A_28 = tpu.memref_slice %arg4[%add3A_14] : memref<800000xi32, #tpu.memory_space<hbm>> -> memref<1000xi32, #tpu.memory_space<hbm>>
        tpu.wait_dma2 semaphore(%run_scoped3A : memref<!tpu.dma_semaphore, #tpu.memory_space<semaphore_mem>>) src(%dma_wait3A_28 : memref<1000xi32, #tpu.memory_space<hbm>>) dst(%arg7 : memref<1000xi32, #tpu.memory_space<vmem>>)
        tpu.yield
      }) : () -> ()
      %dma_start3A_19 = arith.constant 0 : i32
      %dma_start3A_20 = arith.constant 0 : i32
      %dma_start3A_21 = tpu.memref_slice %arg2[%dma_start3A_19, %dma_start3A_20] : memref<50000x32xf32, #tpu.memory_space<hbm>> -> memref<50000x32xf32, #tpu.memory_space<hbm>>
      tpu.enqueue_indirect_dma source(%dma_start3A_21 : memref<50000x32xf32, #tpu.memory_space<hbm>>) target(%arg8 : memref<1000x32xf32, #tpu.memory_space<vmem>>) offsets(%arg7 : memref<1000xi32, #tpu.memory_space<vmem>>) semaphore(%arg9 : memref<!tpu.dma_semaphore, #tpu.memory_space<semaphore_mem>>)
      %dma_wait3A_22 = arith.constant 0 : i32
      %dma_wait3A_23 = arith.constant 0 : i32
      %dma_wait3A_24 = tpu.memref_slice %arg2[%dma_wait3A_22, %dma_wait3A_23] : memref<50000x32xf32, #tpu.memory_space<hbm>> -> memref<50000x32xf32, #tpu.memory_space<hbm>>
      tpu.wait_indirect_dma semaphore(%arg9 : memref<!tpu.dma_semaphore, #tpu.memory_space<semaphore_mem>>) src(%dma_wait3A_24 : memref<50000x32xf32, #tpu.memory_space<hbm>>) dst(%arg8 : memref<1000x32xf32, #tpu.memory_space<vmem>>)
      "tpu.region"() ({
        %run_scoped3A = tpu.sem_alloc : memref<!tpu.dma_semaphore, #tpu.memory_space<semaphore_mem>>
        %dma_start3A_25 = arith.constant 0 : i32
        %dma_start3A_26 = tpu.memref_slice %arg6[%add3A_14, %dma_start3A_25] : memref<800000x32xf32, #tpu.memory_space<hbm>> -> memref<1000x32xf32, #tpu.memory_space<hbm>>
        %dma_start3A_27 = arith.constant 0 : i32
        %dma_start3A_28 = tpu.memref_slice %arg6[%add3A_14, %dma_start3A_27] : memref<800000x32xf32, #tpu.memory_space<hbm>> -> memref<1000x32xf32, #tpu.memory_space<hbm>>
        tpu.enqueue_dma source(%arg8 : memref<1000x32xf32, #tpu.memory_space<vmem>>) target(%dma_start3A_28 : memref<1000x32xf32, #tpu.memory_space<hbm>>) target_semaphore(%run_scoped3A : memref<!tpu.dma_semaphore, #tpu.memory_space<semaphore_mem>>)
        %dma_wait3A_29 = arith.constant 0 : i32
        %dma_wait3A_30 = tpu.memref_slice %arg6[%add3A_14, %dma_wait3A_29] : memref<800000x32xf32, #tpu.memory_space<hbm>> -> memref<1000x32xf32, #tpu.memory_space<hbm>>
        %dma_wait3A_31 = arith.constant 0 : i32
        %dma_wait3A_32 = tpu.memref_slice %arg6[%add3A_14, %dma_wait3A_31] : memref<800000x32xf32, #tpu.memory_space<hbm>> -> memref<1000x32xf32, #tpu.memory_space<hbm>>
        tpu.wait_dma2 semaphore(%run_scoped3A : memref<!tpu.dma_semaphore, #tpu.memory_space<semaphore_mem>>) src(%arg8 : memref<1000x32xf32, #tpu.memory_space<vmem>>) dst(%dma_wait3A_32 : memref<1000x32xf32, #tpu.memory_space<hbm>>)
        tpu.yield
      }) : () -> ()
    }
    %scan3A_6 = arith.constant 25 : i32
    return
  }
}

#map = affine_map<(d0, d1) -> (0, 0)>
#map1 = affine_map<(d0, d1) -> (0)>
#map2 = affine_map<(d0, d1) -> (0, 0, 0)>
module attributes {stable_mosaic.version = 14 : i64} {
  func.func @sk(%arg0: i32, %arg1: i32, %arg2: memref<800000x16xf32, #tpu.memory_space<hbm>>, %arg3: memref<800000xi32, #tpu.memory_space<hbm>>, %arg4: memref<50000x16xf32, #tpu.memory_space<hbm>>, %arg5: memref<2x50000x16xf32, #tpu.memory_space<hbm>>, %arg6: memref<1000xi32, #tpu.memory_space<vmem>>, %arg7: memref<1000x16xf32, #tpu.memory_space<vmem>>, %arg8: memref<50000x16xf32, #tpu.memory_space<vmem_shared>>) attributes {dimension_semantics = [#tpu.dimension_semantics<core_parallel>, #tpu.dimension_semantics<subcore_parallel>], iteration_bounds = array<i64: 2, 16>, scalar_prefetch = 0 : i64, scratch_operands = 3 : i64, tpu.core_type = #tpu.core_type<sc_vector_subcore>, window_params = [{transform_indices = #map}, {transform_indices = #map1}, {transform_indices = #map}, {transform_indices = #map2}]} {
    %mul3A = arith.constant 3125 : i32
    %mul3A_0 = arith.muli %arg1, %mul3A : i32
    %mul3A_1 = arith.constant 3125 : i32
    %mul3A_2 = arith.muli %arg1, %mul3A_1 : i32
    "tpu.region"() ({
      %run_scoped3A = tpu.sem_alloc : memref<!tpu.dma_semaphore, #tpu.memory_space<semaphore_mem>>
      %dma_start3A = arith.constant 0 : i32
      %dma_start3A_16 = tpu.memref_slice %arg8[%mul3A_2, %dma_start3A] : memref<50000x16xf32, #tpu.memory_space<vmem_shared>> -> memref<3125x16xf32, #tpu.memory_space<vmem_shared>>
      %dma_start3A_17 = arith.constant 0 : i32
      %dma_start3A_18 = tpu.memref_slice %arg4[%mul3A_0, %dma_start3A_17] : memref<50000x16xf32, #tpu.memory_space<hbm>> -> memref<3125x16xf32, #tpu.memory_space<hbm>>
      tpu.enqueue_dma source(%dma_start3A_18 : memref<3125x16xf32, #tpu.memory_space<hbm>>) target(%dma_start3A_16 : memref<3125x16xf32, #tpu.memory_space<vmem_shared>>) target_semaphore(%run_scoped3A : memref<!tpu.dma_semaphore, #tpu.memory_space<semaphore_mem>>)
      %dma_wait3A = arith.constant 0 : i32
      %dma_wait3A_19 = tpu.memref_slice %arg8[%mul3A_2, %dma_wait3A] : memref<50000x16xf32, #tpu.memory_space<vmem_shared>> -> memref<3125x16xf32, #tpu.memory_space<vmem_shared>>
      %dma_wait3A_20 = arith.constant 0 : i32
      %dma_wait3A_21 = tpu.memref_slice %arg4[%mul3A_0, %dma_wait3A_20] : memref<50000x16xf32, #tpu.memory_space<hbm>> -> memref<3125x16xf32, #tpu.memory_space<hbm>>
      tpu.wait_dma2 semaphore(%run_scoped3A : memref<!tpu.dma_semaphore, #tpu.memory_space<semaphore_mem>>) src(%dma_wait3A_21 : memref<3125x16xf32, #tpu.memory_space<hbm>>) dst(%dma_wait3A_19 : memref<3125x16xf32, #tpu.memory_space<vmem_shared>>)
      tpu.yield
    }) : () -> ()
    %barrier3A = arith.constant 0 : index
    tpu.barrier barrier_id(%barrier3A)
    %mul3A_3 = arith.constant 16 : i32
    %mul3A_4 = arith.muli %arg0, %mul3A_3 : i32
    %add3A = arith.addi %mul3A_4, %arg1 : i32
    %mul3A_5 = arith.constant 25000 : i32
    %mul3A_6 = arith.muli %add3A, %mul3A_5 : i32
    %scan3A = arith.constant 0 : i32
    %scan3A_7 = arith.constant 25 : i32
    %scan3A_8 = arith.addi %scan3A, %scan3A_7 : i32
    %scan3A_9 = arith.constant 1 : i32
    scf.for %scan3A_16 = %scan3A to %scan3A_8 step %scan3A_9  : i32 {
      %mul3A_17 = arith.constant 1 : i32
      %mul3A_18 = arith.muli %scan3A_16, %mul3A_17 : i32
      %add3A_19 = arith.constant 0 : i32
      %add3A_20 = arith.addi %add3A_19, %mul3A_18 : i32
      %mul3A_21 = arith.constant 1000 : i32
      %mul3A_22 = arith.muli %add3A_20, %mul3A_21 : i32
      %add3A_23 = arith.addi %mul3A_6, %mul3A_22 : i32
      "tpu.region"() ({
        %run_scoped3A = tpu.sem_alloc : memref<!tpu.dma_semaphore, #tpu.memory_space<semaphore_mem>>
        %dma_start3A = tpu.memref_slice %arg3[%add3A_23] : memref<800000xi32, #tpu.memory_space<hbm>> -> memref<1000xi32, #tpu.memory_space<hbm>>
        %dma_start3A_24 = tpu.memref_slice %arg3[%add3A_23] : memref<800000xi32, #tpu.memory_space<hbm>> -> memref<1000xi32, #tpu.memory_space<hbm>>
        tpu.enqueue_dma source(%dma_start3A_24 : memref<1000xi32, #tpu.memory_space<hbm>>) target(%arg6 : memref<1000xi32, #tpu.memory_space<vmem>>) target_semaphore(%run_scoped3A : memref<!tpu.dma_semaphore, #tpu.memory_space<semaphore_mem>>)
        %dma_wait3A = tpu.memref_slice %arg3[%add3A_23] : memref<800000xi32, #tpu.memory_space<hbm>> -> memref<1000xi32, #tpu.memory_space<hbm>>
        %dma_wait3A_25 = tpu.memref_slice %arg3[%add3A_23] : memref<800000xi32, #tpu.memory_space<hbm>> -> memref<1000xi32, #tpu.memory_space<hbm>>
        tpu.wait_dma2 semaphore(%run_scoped3A : memref<!tpu.dma_semaphore, #tpu.memory_space<semaphore_mem>>) src(%dma_wait3A_25 : memref<1000xi32, #tpu.memory_space<hbm>>) dst(%arg6 : memref<1000xi32, #tpu.memory_space<vmem>>)
        tpu.yield
      }) : () -> ()
      "tpu.region"() ({
        %run_scoped3A = tpu.sem_alloc : memref<!tpu.dma_semaphore, #tpu.memory_space<semaphore_mem>>
        %dma_start3A = arith.constant 0 : i32
        %dma_start3A_24 = tpu.memref_slice %arg2[%add3A_23, %dma_start3A] : memref<800000x16xf32, #tpu.memory_space<hbm>> -> memref<1000x16xf32, #tpu.memory_space<hbm>>
        %dma_start3A_25 = arith.constant 0 : i32
        %dma_start3A_26 = tpu.memref_slice %arg2[%add3A_23, %dma_start3A_25] : memref<800000x16xf32, #tpu.memory_space<hbm>> -> memref<1000x16xf32, #tpu.memory_space<hbm>>
        tpu.enqueue_dma source(%dma_start3A_26 : memref<1000x16xf32, #tpu.memory_space<hbm>>) target(%arg7 : memref<1000x16xf32, #tpu.memory_space<vmem>>) target_semaphore(%run_scoped3A : memref<!tpu.dma_semaphore, #tpu.memory_space<semaphore_mem>>)
        %dma_wait3A = arith.constant 0 : i32
        %dma_wait3A_27 = tpu.memref_slice %arg2[%add3A_23, %dma_wait3A] : memref<800000x16xf32, #tpu.memory_space<hbm>> -> memref<1000x16xf32, #tpu.memory_space<hbm>>
        %dma_wait3A_28 = arith.constant 0 : i32
        %dma_wait3A_29 = tpu.memref_slice %arg2[%add3A_23, %dma_wait3A_28] : memref<800000x16xf32, #tpu.memory_space<hbm>> -> memref<1000x16xf32, #tpu.memory_space<hbm>>
        tpu.wait_dma2 semaphore(%run_scoped3A : memref<!tpu.dma_semaphore, #tpu.memory_space<semaphore_mem>>) src(%dma_wait3A_29 : memref<1000x16xf32, #tpu.memory_space<hbm>>) dst(%arg7 : memref<1000x16xf32, #tpu.memory_space<vmem>>)
        tpu.yield
      }) : () -> ()
      "tpu.region"() ({
        %run_scoped3A = tpu.sem_alloc : memref<!tpu.dma_semaphore, #tpu.memory_space<semaphore_mem>>
        %dma_start3A = arith.constant 0 : i32
        %dma_start3A_24 = arith.constant 0 : i32
        %dma_start3A_25 = tpu.memref_slice %arg8[%dma_start3A, %dma_start3A_24] : memref<50000x16xf32, #tpu.memory_space<vmem_shared>> -> memref<50000x16xf32, #tpu.memory_space<vmem_shared>>
        tpu.enqueue_indirect_dma source(%arg7 : memref<1000x16xf32, #tpu.memory_space<vmem>>) target(%dma_start3A_25 : memref<50000x16xf32, #tpu.memory_space<vmem_shared>>) offsets(%arg6 : memref<1000xi32, #tpu.memory_space<vmem>>) semaphore(%run_scoped3A : memref<!tpu.dma_semaphore, #tpu.memory_space<semaphore_mem>>) {add = true}
        %dma_wait3A = arith.constant 0 : i32
        %dma_wait3A_26 = arith.constant 0 : i32
        %dma_wait3A_27 = tpu.memref_slice %arg8[%dma_wait3A, %dma_wait3A_26] : memref<50000x16xf32, #tpu.memory_space<vmem_shared>> -> memref<50000x16xf32, #tpu.memory_space<vmem_shared>>
        tpu.wait_indirect_dma semaphore(%run_scoped3A : memref<!tpu.dma_semaphore, #tpu.memory_space<semaphore_mem>>) src(%arg7 : memref<1000x16xf32, #tpu.memory_space<vmem>>) dst(%dma_wait3A_27 : memref<50000x16xf32, #tpu.memory_space<vmem_shared>>)
        tpu.yield
      }) : () -> ()
    }
    %scan3A_10 = arith.constant 25 : i32
    %barrier3A_11 = arith.constant 0 : index
    tpu.barrier barrier_id(%barrier3A_11)
    %mul3A_12 = arith.constant 3125 : i32
    %mul3A_13 = arith.muli %arg1, %mul3A_12 : i32
    %mul3A_14 = arith.constant 3125 : i32
    %mul3A_15 = arith.muli %arg1, %mul3A_14 : i32
    "tpu.region"() ({
      %run_scoped3A = tpu.sem_alloc : memref<!tpu.dma_semaphore, #tpu.memory_space<semaphore_mem>>
      %dma_start3A = arith.constant 0 : i32
      %dma_start3A_16 = tpu.memref_slice %arg5[%arg0, %mul3A_15, %dma_start3A] : memref<2x50000x16xf32, #tpu.memory_space<hbm>> -> memref<1x3125x16xf32, #tpu.memory_space<hbm>>
      %dma_start3A_17 = tpu.memref_squeeze %dma_start3A_16 : memref<1x3125x16xf32, #tpu.memory_space<hbm>> -> memref<3125x16xf32, #tpu.memory_space<hbm>>
      %dma_start3A_18 = arith.constant 0 : i32
      %dma_start3A_19 = tpu.memref_slice %arg8[%mul3A_13, %dma_start3A_18] : memref<50000x16xf32, #tpu.memory_space<vmem_shared>> -> memref<3125x16xf32, #tpu.memory_space<vmem_shared>>
      tpu.enqueue_dma source(%dma_start3A_19 : memref<3125x16xf32, #tpu.memory_space<vmem_shared>>) target(%dma_start3A_17 : memref<3125x16xf32, #tpu.memory_space<hbm>>) target_semaphore(%run_scoped3A : memref<!tpu.dma_semaphore, #tpu.memory_space<semaphore_mem>>)
      %dma_wait3A = arith.constant 0 : i32
      %dma_wait3A_20 = tpu.memref_slice %arg5[%arg0, %mul3A_15, %dma_wait3A] : memref<2x50000x16xf32, #tpu.memory_space<hbm>> -> memref<1x3125x16xf32, #tpu.memory_space<hbm>>
      %dma_wait3A_21 = tpu.memref_squeeze %dma_wait3A_20 : memref<1x3125x16xf32, #tpu.memory_space<hbm>> -> memref<3125x16xf32, #tpu.memory_space<hbm>>
      %dma_wait3A_22 = arith.constant 0 : i32
      %dma_wait3A_23 = tpu.memref_slice %arg8[%mul3A_13, %dma_wait3A_22] : memref<50000x16xf32, #tpu.memory_space<vmem_shared>> -> memref<3125x16xf32, #tpu.memory_space<vmem_shared>>
      tpu.wait_dma2 semaphore(%run_scoped3A : memref<!tpu.dma_semaphore, #tpu.memory_space<semaphore_mem>>) src(%dma_wait3A_23 : memref<3125x16xf32, #tpu.memory_space<vmem_shared>>) dst(%dma_wait3A_21 : memref<3125x16xf32, #tpu.memory_space<hbm>>)
      tpu.yield
    }) : () -> ()
    return
  }
}

#map = affine_map<(d0, d1) -> (0, 0)>
#map1 = affine_map<(d0, d1) -> (0)>
module attributes {stable_mosaic.version = 14 : i64} {
  func.func @gk(%arg0: i32, %arg1: i32, %arg2: memref<50000x32xf32, #tpu.memory_space<hbm>>, %arg3: memref<800000xi32, #tpu.memory_space<hbm>>, %arg4: memref<800000xi32, #tpu.memory_space<hbm>>, %arg5: memref<800000x32xf32, #tpu.memory_space<hbm>>, %arg6: memref<800000x32xf32, #tpu.memory_space<hbm>>, %arg7: memref<1000xi32, #tpu.memory_space<vmem>>, %arg8: memref<1000x32xf32, #tpu.memory_space<vmem>>, %arg9: memref<!tpu.dma_semaphore, #tpu.memory_space<semaphore_mem>>) attributes {dimension_semantics = [#tpu.dimension_semantics<core_parallel>, #tpu.dimension_semantics<subcore_parallel>], iteration_bounds = array<i64: 2, 16>, scalar_prefetch = 0 : i64, scratch_operands = 3 : i64, tpu.core_type = #tpu.core_type<sc_vector_subcore>, window_params = [{transform_indices = #map}, {transform_indices = #map1}, {transform_indices = #map1}, {transform_indices = #map}, {transform_indices = #map}]} {
    %mul3A = arith.constant 16 : i32
    %mul3A_0 = arith.muli %arg0, %mul3A : i32
    %add3A = arith.addi %mul3A_0, %arg1 : i32
    %mul3A_1 = arith.constant 25000 : i32
    %mul3A_2 = arith.muli %add3A, %mul3A_1 : i32
    %scan3A = arith.constant 0 : i32
    %scan3A_3 = arith.constant 25 : i32
    %scan3A_4 = arith.addi %scan3A, %scan3A_3 : i32
    %scan3A_5 = arith.constant 1 : i32
    scf.for %scan3A_7 = %scan3A to %scan3A_4 step %scan3A_5  : i32 {
      %mul3A_8 = arith.constant 1 : i32
      %mul3A_9 = arith.muli %scan3A_7, %mul3A_8 : i32
      %add3A_10 = arith.constant 0 : i32
      %add3A_11 = arith.addi %add3A_10, %mul3A_9 : i32
      %mul3A_12 = arith.constant 1000 : i32
      %mul3A_13 = arith.muli %add3A_11, %mul3A_12 : i32
      %add3A_14 = arith.addi %mul3A_2, %mul3A_13 : i32
      "tpu.region"() ({
        %run_scoped3A = tpu.sem_alloc : memref<!tpu.dma_semaphore, #tpu.memory_space<semaphore_mem>>
        %dma_start3A_25 = tpu.memref_slice %arg3[%add3A_14] : memref<800000xi32, #tpu.memory_space<hbm>> -> memref<1000xi32, #tpu.memory_space<hbm>>
        %dma_start3A_26 = tpu.memref_slice %arg3[%add3A_14] : memref<800000xi32, #tpu.memory_space<hbm>> -> memref<1000xi32, #tpu.memory_space<hbm>>
        tpu.enqueue_dma source(%dma_start3A_26 : memref<1000xi32, #tpu.memory_space<hbm>>) target(%arg7 : memref<1000xi32, #tpu.memory_space<vmem>>) target_semaphore(%run_scoped3A : memref<!tpu.dma_semaphore, #tpu.memory_space<semaphore_mem>>)
        %dma_wait3A_27 = tpu.memref_slice %arg3[%add3A_14] : memref<800000xi32, #tpu.memory_space<hbm>> -> memref<1000xi32, #tpu.memory_space<hbm>>
        %dma_wait3A_28 = tpu.memref_slice %arg3[%add3A_14] : memref<800000xi32, #tpu.memory_space<hbm>> -> memref<1000xi32, #tpu.memory_space<hbm>>
        tpu.wait_dma2 semaphore(%run_scoped3A : memref<!tpu.dma_semaphore, #tpu.memory_space<semaphore_mem>>) src(%dma_wait3A_28 : memref<1000xi32, #tpu.memory_space<hbm>>) dst(%arg7 : memref<1000xi32, #tpu.memory_space<vmem>>)
        tpu.yield
      }) : () -> ()
      %dma_start3A = arith.constant 0 : i32
      %dma_start3A_15 = arith.constant 0 : i32
      %dma_start3A_16 = tpu.memref_slice %arg2[%dma_start3A, %dma_start3A_15] : memref<50000x32xf32, #tpu.memory_space<hbm>> -> memref<50000x32xf32, #tpu.memory_space<hbm>>
      tpu.enqueue_indirect_dma source(%dma_start3A_16 : memref<50000x32xf32, #tpu.memory_space<hbm>>) target(%arg8 : memref<1000x32xf32, #tpu.memory_space<vmem>>) offsets(%arg7 : memref<1000xi32, #tpu.memory_space<vmem>>) semaphore(%arg9 : memref<!tpu.dma_semaphore, #tpu.memory_space<semaphore_mem>>)
      %dma_wait3A = arith.constant 0 : i32
      %dma_wait3A_17 = arith.constant 0 : i32
      %dma_wait3A_18 = tpu.memref_slice %arg2[%dma_wait3A, %dma_wait3A_17] : memref<50000x32xf32, #tpu.memory_space<hbm>> -> memref<50000x32xf32, #tpu.memory_space<hbm>>
      tpu.wait_indirect_dma semaphore(%arg9 : memref<!tpu.dma_semaphore, #tpu.memory_space<semaphore_mem>>) src(%dma_wait3A_18 : memref<50000x32xf32, #tpu.memory_space<hbm>>) dst(%arg8 : memref<1000x32xf32, #tpu.memory_space<vmem>>)
      "tpu.region"() ({
        %run_scoped3A = tpu.sem_alloc : memref<!tpu.dma_semaphore, #tpu.memory_space<semaphore_mem>>
        %dma_start3A_25 = arith.constant 0 : i32
        %dma_start3A_26 = tpu.memref_slice %arg5[%add3A_14, %dma_start3A_25] : memref<800000x32xf32, #tpu.memory_space<hbm>> -> memref<1000x32xf32, #tpu.memory_space<hbm>>
        %dma_start3A_27 = arith.constant 0 : i32
        %dma_start3A_28 = tpu.memref_slice %arg5[%add3A_14, %dma_start3A_27] : memref<800000x32xf32, #tpu.memory_space<hbm>> -> memref<1000x32xf32, #tpu.memory_space<hbm>>
        tpu.enqueue_dma source(%arg8 : memref<1000x32xf32, #tpu.memory_space<vmem>>) target(%dma_start3A_28 : memref<1000x32xf32, #tpu.memory_space<hbm>>) target_semaphore(%run_scoped3A : memref<!tpu.dma_semaphore, #tpu.memory_space<semaphore_mem>>)
        %dma_wait3A_29 = arith.constant 0 : i32
        %dma_wait3A_30 = tpu.memref_slice %arg5[%add3A_14, %dma_wait3A_29] : memref<800000x32xf32, #tpu.memory_space<hbm>> -> memref<1000x32xf32, #tpu.memory_space<hbm>>
        %dma_wait3A_31 = arith.constant 0 : i32
        %dma_wait3A_32 = tpu.memref_slice %arg5[%add3A_14, %dma_wait3A_31] : memref<800000x32xf32, #tpu.memory_space<hbm>> -> memref<1000x32xf32, #tpu.memory_space<hbm>>
        tpu.wait_dma2 semaphore(%run_scoped3A : memref<!tpu.dma_semaphore, #tpu.memory_space<semaphore_mem>>) src(%arg8 : memref<1000x32xf32, #tpu.memory_space<vmem>>) dst(%dma_wait3A_32 : memref<1000x32xf32, #tpu.memory_space<hbm>>)
        tpu.yield
      }) : () -> ()
      "tpu.region"() ({
        %run_scoped3A = tpu.sem_alloc : memref<!tpu.dma_semaphore, #tpu.memory_space<semaphore_mem>>
        %dma_start3A_25 = tpu.memref_slice %arg4[%add3A_14] : memref<800000xi32, #tpu.memory_space<hbm>> -> memref<1000xi32, #tpu.memory_space<hbm>>
        %dma_start3A_26 = tpu.memref_slice %arg4[%add3A_14] : memref<800000xi32, #tpu.memory_space<hbm>> -> memref<1000xi32, #tpu.memory_space<hbm>>
        tpu.enqueue_dma source(%dma_start3A_26 : memref<1000xi32, #tpu.memory_space<hbm>>) target(%arg7 : memref<1000xi32, #tpu.memory_space<vmem>>) target_semaphore(%run_scoped3A : memref<!tpu.dma_semaphore, #tpu.memory_space<semaphore_mem>>)
        %dma_wait3A_27 = tpu.memref_slice %arg4[%add3A_14] : memref<800000xi32, #tpu.memory_space<hbm>> -> memref<1000xi32, #tpu.memory_space<hbm>>
        %dma_wait3A_28 = tpu.memref_slice %arg4[%add3A_14] : memref<800000xi32, #tpu.memory_space<hbm>> -> memref<1000xi32, #tpu.memory_space<hbm>>
        tpu.wait_dma2 semaphore(%run_scoped3A : memref<!tpu.dma_semaphore, #tpu.memory_space<semaphore_mem>>) src(%dma_wait3A_28 : memref<1000xi32, #tpu.memory_space<hbm>>) dst(%arg7 : memref<1000xi32, #tpu.memory_space<vmem>>)
        tpu.yield
      }) : () -> ()
      %dma_start3A_19 = arith.constant 0 : i32
      %dma_start3A_20 = arith.constant 0 : i32
      %dma_start3A_21 = tpu.memref_slice %arg2[%dma_start3A_19, %dma_start3A_20] : memref<50000x32xf32, #tpu.memory_space<hbm>> -> memref<50000x32xf32, #tpu.memory_space<hbm>>
      tpu.enqueue_indirect_dma source(%dma_start3A_21 : memref<50000x32xf32, #tpu.memory_space<hbm>>) target(%arg8 : memref<1000x32xf32, #tpu.memory_space<vmem>>) offsets(%arg7 : memref<1000xi32, #tpu.memory_space<vmem>>) semaphore(%arg9 : memref<!tpu.dma_semaphore, #tpu.memory_space<semaphore_mem>>)
      %dma_wait3A_22 = arith.constant 0 : i32
      %dma_wait3A_23 = arith.constant 0 : i32
      %dma_wait3A_24 = tpu.memref_slice %arg2[%dma_wait3A_22, %dma_wait3A_23] : memref<50000x32xf32, #tpu.memory_space<hbm>> -> memref<50000x32xf32, #tpu.memory_space<hbm>>
      tpu.wait_indirect_dma semaphore(%arg9 : memref<!tpu.dma_semaphore, #tpu.memory_space<semaphore_mem>>) src(%dma_wait3A_24 : memref<50000x32xf32, #tpu.memory_space<hbm>>) dst(%arg8 : memref<1000x32xf32, #tpu.memory_space<vmem>>)
      "tpu.region"() ({
        %run_scoped3A = tpu.sem_alloc : memref<!tpu.dma_semaphore, #tpu.memory_space<semaphore_mem>>
        %dma_start3A_25 = arith.constant 0 : i32
        %dma_start3A_26 = tpu.memref_slice %arg6[%add3A_14, %dma_start3A_25] : memref<800000x32xf32, #tpu.memory_space<hbm>> -> memref<1000x32xf32, #tpu.memory_space<hbm>>
        %dma_start3A_27 = arith.constant 0 : i32
        %dma_start3A_28 = tpu.memref_slice %arg6[%add3A_14, %dma_start3A_27] : memref<800000x32xf32, #tpu.memory_space<hbm>> -> memref<1000x32xf32, #tpu.memory_space<hbm>>
        tpu.enqueue_dma source(%arg8 : memref<1000x32xf32, #tpu.memory_space<vmem>>) target(%dma_start3A_28 : memref<1000x32xf32, #tpu.memory_space<hbm>>) target_semaphore(%run_scoped3A : memref<!tpu.dma_semaphore, #tpu.memory_space<semaphore_mem>>)
        %dma_wait3A_29 = arith.constant 0 : i32
        %dma_wait3A_30 = tpu.memref_slice %arg6[%add3A_14, %dma_wait3A_29] : memref<800000x32xf32, #tpu.memory_space<hbm>> -> memref<1000x32xf32, #tpu.memory_space<hbm>>
        %dma_wait3A_31 = arith.constant 0 : i32
        %dma_wait3A_32 = tpu.memref_slice %arg6[%add3A_14, %dma_wait3A_31] : memref<800000x32xf32, #tpu.memory_space<hbm>> -> memref<1000x32xf32, #tpu.memory_space<hbm>>
        tpu.wait_dma2 semaphore(%run_scoped3A : memref<!tpu.dma_semaphore, #tpu.memory_space<semaphore_mem>>) src(%arg8 : memref<1000x32xf32, #tpu.memory_space<vmem>>) dst(%dma_wait3A_32 : memref<1000x32xf32, #tpu.memory_space<hbm>>)
        tpu.yield
      }) : () -> ()
    }
    %scan3A_6 = arith.constant 25 : i32
    return
  }
}

#map = affine_map<(d0, d1) -> (0, 0)>
#map1 = affine_map<(d0, d1) -> (0)>
#map2 = affine_map<(d0, d1) -> (0, 0, 0)>
module attributes {stable_mosaic.version = 14 : i64} {
  func.func @sk(%arg0: i32, %arg1: i32, %arg2: memref<800000x16xf32, #tpu.memory_space<hbm>>, %arg3: memref<800000xi32, #tpu.memory_space<hbm>>, %arg4: memref<50000x16xf32, #tpu.memory_space<hbm>>, %arg5: memref<2x50000x16xf32, #tpu.memory_space<hbm>>, %arg6: memref<1000xi32, #tpu.memory_space<vmem>>, %arg7: memref<1000x16xf32, #tpu.memory_space<vmem>>, %arg8: memref<50000x16xf32, #tpu.memory_space<vmem_shared>>) attributes {dimension_semantics = [#tpu.dimension_semantics<core_parallel>, #tpu.dimension_semantics<subcore_parallel>], iteration_bounds = array<i64: 2, 16>, scalar_prefetch = 0 : i64, scratch_operands = 3 : i64, tpu.core_type = #tpu.core_type<sc_vector_subcore>, window_params = [{transform_indices = #map}, {transform_indices = #map1}, {transform_indices = #map}, {transform_indices = #map2}]} {
    %mul3A = arith.constant 3125 : i32
    %mul3A_0 = arith.muli %arg1, %mul3A : i32
    %mul3A_1 = arith.constant 3125 : i32
    %mul3A_2 = arith.muli %arg1, %mul3A_1 : i32
    "tpu.region"() ({
      %run_scoped3A = tpu.sem_alloc : memref<!tpu.dma_semaphore, #tpu.memory_space<semaphore_mem>>
      %dma_start3A = arith.constant 0 : i32
      %dma_start3A_16 = tpu.memref_slice %arg8[%mul3A_2, %dma_start3A] : memref<50000x16xf32, #tpu.memory_space<vmem_shared>> -> memref<3125x16xf32, #tpu.memory_space<vmem_shared>>
      %dma_start3A_17 = arith.constant 0 : i32
      %dma_start3A_18 = tpu.memref_slice %arg4[%mul3A_0, %dma_start3A_17] : memref<50000x16xf32, #tpu.memory_space<hbm>> -> memref<3125x16xf32, #tpu.memory_space<hbm>>
      tpu.enqueue_dma source(%dma_start3A_18 : memref<3125x16xf32, #tpu.memory_space<hbm>>) target(%dma_start3A_16 : memref<3125x16xf32, #tpu.memory_space<vmem_shared>>) target_semaphore(%run_scoped3A : memref<!tpu.dma_semaphore, #tpu.memory_space<semaphore_mem>>)
      %dma_wait3A = arith.constant 0 : i32
      %dma_wait3A_19 = tpu.memref_slice %arg8[%mul3A_2, %dma_wait3A] : memref<50000x16xf32, #tpu.memory_space<vmem_shared>> -> memref<3125x16xf32, #tpu.memory_space<vmem_shared>>
      %dma_wait3A_20 = arith.constant 0 : i32
      %dma_wait3A_21 = tpu.memref_slice %arg4[%mul3A_0, %dma_wait3A_20] : memref<50000x16xf32, #tpu.memory_space<hbm>> -> memref<3125x16xf32, #tpu.memory_space<hbm>>
      tpu.wait_dma2 semaphore(%run_scoped3A : memref<!tpu.dma_semaphore, #tpu.memory_space<semaphore_mem>>) src(%dma_wait3A_21 : memref<3125x16xf32, #tpu.memory_space<hbm>>) dst(%dma_wait3A_19 : memref<3125x16xf32, #tpu.memory_space<vmem_shared>>)
      tpu.yield
    }) : () -> ()
    %barrier3A = arith.constant 0 : index
    tpu.barrier barrier_id(%barrier3A)
    %mul3A_3 = arith.constant 16 : i32
    %mul3A_4 = arith.muli %arg0, %mul3A_3 : i32
    %add3A = arith.addi %mul3A_4, %arg1 : i32
    %mul3A_5 = arith.constant 25000 : i32
    %mul3A_6 = arith.muli %add3A, %mul3A_5 : i32
    %scan3A = arith.constant 0 : i32
    %scan3A_7 = arith.constant 25 : i32
    %scan3A_8 = arith.addi %scan3A, %scan3A_7 : i32
    %scan3A_9 = arith.constant 1 : i32
    scf.for %scan3A_16 = %scan3A to %scan3A_8 step %scan3A_9  : i32 {
      %mul3A_17 = arith.constant 1 : i32
      %mul3A_18 = arith.muli %scan3A_16, %mul3A_17 : i32
      %add3A_19 = arith.constant 0 : i32
      %add3A_20 = arith.addi %add3A_19, %mul3A_18 : i32
      %mul3A_21 = arith.constant 1000 : i32
      %mul3A_22 = arith.muli %add3A_20, %mul3A_21 : i32
      %add3A_23 = arith.addi %mul3A_6, %mul3A_22 : i32
      "tpu.region"() ({
        %run_scoped3A = tpu.sem_alloc : memref<!tpu.dma_semaphore, #tpu.memory_space<semaphore_mem>>
        %dma_start3A = tpu.memref_slice %arg3[%add3A_23] : memref<800000xi32, #tpu.memory_space<hbm>> -> memref<1000xi32, #tpu.memory_space<hbm>>
        %dma_start3A_24 = tpu.memref_slice %arg3[%add3A_23] : memref<800000xi32, #tpu.memory_space<hbm>> -> memref<1000xi32, #tpu.memory_space<hbm>>
        tpu.enqueue_dma source(%dma_start3A_24 : memref<1000xi32, #tpu.memory_space<hbm>>) target(%arg6 : memref<1000xi32, #tpu.memory_space<vmem>>) target_semaphore(%run_scoped3A : memref<!tpu.dma_semaphore, #tpu.memory_space<semaphore_mem>>)
        %dma_wait3A = tpu.memref_slice %arg3[%add3A_23] : memref<800000xi32, #tpu.memory_space<hbm>> -> memref<1000xi32, #tpu.memory_space<hbm>>
        %dma_wait3A_25 = tpu.memref_slice %arg3[%add3A_23] : memref<800000xi32, #tpu.memory_space<hbm>> -> memref<1000xi32, #tpu.memory_space<hbm>>
        tpu.wait_dma2 semaphore(%run_scoped3A : memref<!tpu.dma_semaphore, #tpu.memory_space<semaphore_mem>>) src(%dma_wait3A_25 : memref<1000xi32, #tpu.memory_space<hbm>>) dst(%arg6 : memref<1000xi32, #tpu.memory_space<vmem>>)
        tpu.yield
      }) : () -> ()
      "tpu.region"() ({
        %run_scoped3A = tpu.sem_alloc : memref<!tpu.dma_semaphore, #tpu.memory_space<semaphore_mem>>
        %dma_start3A = arith.constant 0 : i32
        %dma_start3A_24 = tpu.memref_slice %arg2[%add3A_23, %dma_start3A] : memref<800000x16xf32, #tpu.memory_space<hbm>> -> memref<1000x16xf32, #tpu.memory_space<hbm>>
        %dma_start3A_25 = arith.constant 0 : i32
        %dma_start3A_26 = tpu.memref_slice %arg2[%add3A_23, %dma_start3A_25] : memref<800000x16xf32, #tpu.memory_space<hbm>> -> memref<1000x16xf32, #tpu.memory_space<hbm>>
        tpu.enqueue_dma source(%dma_start3A_26 : memref<1000x16xf32, #tpu.memory_space<hbm>>) target(%arg7 : memref<1000x16xf32, #tpu.memory_space<vmem>>) target_semaphore(%run_scoped3A : memref<!tpu.dma_semaphore, #tpu.memory_space<semaphore_mem>>)
        %dma_wait3A = arith.constant 0 : i32
        %dma_wait3A_27 = tpu.memref_slice %arg2[%add3A_23, %dma_wait3A] : memref<800000x16xf32, #tpu.memory_space<hbm>> -> memref<1000x16xf32, #tpu.memory_space<hbm>>
        %dma_wait3A_28 = arith.constant 0 : i32
        %dma_wait3A_29 = tpu.memref_slice %arg2[%add3A_23, %dma_wait3A_28] : memref<800000x16xf32, #tpu.memory_space<hbm>> -> memref<1000x16xf32, #tpu.memory_space<hbm>>
        tpu.wait_dma2 semaphore(%run_scoped3A : memref<!tpu.dma_semaphore, #tpu.memory_space<semaphore_mem>>) src(%dma_wait3A_29 : memref<1000x16xf32, #tpu.memory_space<hbm>>) dst(%arg7 : memref<1000x16xf32, #tpu.memory_space<vmem>>)
        tpu.yield
      }) : () -> ()
      "tpu.region"() ({
        %run_scoped3A = tpu.sem_alloc : memref<!tpu.dma_semaphore, #tpu.memory_space<semaphore_mem>>
        %dma_start3A = arith.constant 0 : i32
        %dma_start3A_24 = arith.constant 0 : i32
        %dma_start3A_25 = tpu.memref_slice %arg8[%dma_start3A, %dma_start3A_24] : memref<50000x16xf32, #tpu.memory_space<vmem_shared>> -> memref<50000x16xf32, #tpu.memory_space<vmem_shared>>
        tpu.enqueue_indirect_dma source(%arg7 : memref<1000x16xf32, #tpu.memory_space<vmem>>) target(%dma_start3A_25 : memref<50000x16xf32, #tpu.memory_space<vmem_shared>>) offsets(%arg6 : memref<1000xi32, #tpu.memory_space<vmem>>) semaphore(%run_scoped3A : memref<!tpu.dma_semaphore, #tpu.memory_space<semaphore_mem>>) {add = true}
        %dma_wait3A = arith.constant 0 : i32
        %dma_wait3A_26 = arith.constant 0 : i32
        %dma_wait3A_27 = tpu.memref_slice %arg8[%dma_wait3A, %dma_wait3A_26] : memref<50000x16xf32, #tpu.memory_space<vmem_shared>> -> memref<50000x16xf32, #tpu.memory_space<vmem_shared>>
        tpu.wait_indirect_dma semaphore(%run_scoped3A : memref<!tpu.dma_semaphore, #tpu.memory_space<semaphore_mem>>) src(%arg7 : memref<1000x16xf32, #tpu.memory_space<vmem>>) dst(%dma_wait3A_27 : memref<50000x16xf32, #tpu.memory_space<vmem_shared>>)
        tpu.yield
      }) : () -> ()
    }
    %scan3A_10 = arith.constant 25 : i32
    %barrier3A_11 = arith.constant 0 : index
    tpu.barrier barrier_id(%barrier3A_11)
    %mul3A_12 = arith.constant 3125 : i32
    %mul3A_13 = arith.muli %arg1, %mul3A_12 : i32
    %mul3A_14 = arith.constant 3125 : i32
    %mul3A_15 = arith.muli %arg1, %mul3A_14 : i32
    "tpu.region"() ({
      %run_scoped3A = tpu.sem_alloc : memref<!tpu.dma_semaphore, #tpu.memory_space<semaphore_mem>>
      %dma_start3A = arith.constant 0 : i32
      %dma_start3A_16 = tpu.memref_slice %arg5[%arg0, %mul3A_15, %dma_start3A] : memref<2x50000x16xf32, #tpu.memory_space<hbm>> -> memref<1x3125x16xf32, #tpu.memory_space<hbm>>
      %dma_start3A_17 = tpu.memref_squeeze %dma_start3A_16 : memref<1x3125x16xf32, #tpu.memory_space<hbm>> -> memref<3125x16xf32, #tpu.memory_space<hbm>>
      %dma_start3A_18 = arith.constant 0 : i32
      %dma_start3A_19 = tpu.memref_slice %arg8[%mul3A_13, %dma_start3A_18] : memref<50000x16xf32, #tpu.memory_space<vmem_shared>> -> memref<3125x16xf32, #tpu.memory_space<vmem_shared>>
      tpu.enqueue_dma source(%dma_start3A_19 : memref<3125x16xf32, #tpu.memory_space<vmem_shared>>) target(%dma_start3A_17 : memref<3125x16xf32, #tpu.memory_space<hbm>>) target_semaphore(%run_scoped3A : memref<!tpu.dma_semaphore, #tpu.memory_space<semaphore_mem>>)
      %dma_wait3A = arith.constant 0 : i32
      %dma_wait3A_20 = tpu.memref_slice %arg5[%arg0, %mul3A_15, %dma_wait3A] : memref<2x50000x16xf32, #tpu.memory_space<hbm>> -> memref<1x3125x16xf32, #tpu.memory_space<hbm>>
      %dma_wait3A_21 = tpu.memref_squeeze %dma_wait3A_20 : memref<1x3125x16xf32, #tpu.memory_space<hbm>> -> memref<3125x16xf32, #tpu.memory_space<hbm>>
      %dma_wait3A_22 = arith.constant 0 : i32
      %dma_wait3A_23 = tpu.memref_slice %arg8[%mul3A_13, %dma_wait3A_22] : memref<50000x16xf32, #tpu.memory_space<vmem_shared>> -> memref<3125x16xf32, #tpu.memory_space<vmem_shared>>
      tpu.wait_dma2 semaphore(%run_scoped3A : memref<!tpu.dma_semaphore, #tpu.memory_space<semaphore_mem>>) src(%dma_wait3A_23 : memref<3125x16xf32, #tpu.memory_space<vmem_shared>>) dst(%dma_wait3A_21 : memref<3125x16xf32, #tpu.memory_space<hbm>>)
      tpu.yield
    }) : () -> ()
    return
  }
}

module attributes {stable_mosaic.version = 14 : i64} {
  func.func @_geom_body(%arg0: i32, %arg1: memref<2000x16xf32, #tpu.memory_space<vmem>>, %arg2: memref<2000x16xf32, #tpu.memory_space<vmem>>, %arg3: memref<3x16xf32, #tpu.memory_space<vmem>>, %arg4: memref<1x16xf32, #tpu.memory_space<vmem>>, %arg5: memref<3x16xf32, #tpu.memory_space<vmem>>, %arg6: memref<3x16xf32, #tpu.memory_space<vmem>>, %arg7: memref<2000x16xf32, #tpu.memory_space<vmem>>, %arg8: memref<2000x16xf32, #tpu.memory_space<vmem>>, %arg9: memref<2000x16xf32, #tpu.memory_space<vmem>>, %arg10: memref<2000x16xf32, #tpu.memory_space<vmem>>) attributes {dimension_semantics = [#tpu.dimension_semantics<parallel>], iteration_bounds = array<i64: 400>, scalar_prefetch = 0 : i64, scratch_operands = 0 : i64, tpu.core_type = #tpu.core_type<tc>, window_params = [{transform_indices = @transform_0, window_bounds = array<i64: 2000, 16>}, {transform_indices = @transform_1, window_bounds = array<i64: 2000, 16>}, {pipeline_mode = #tpu.pipeline_mode<synchronous>, transform_indices = @transform_2, window_bounds = array<i64: 3, 16>}, {pipeline_mode = #tpu.pipeline_mode<synchronous>, transform_indices = @transform_3, window_bounds = array<i64: 1, 16>}, {pipeline_mode = #tpu.pipeline_mode<synchronous>, transform_indices = @transform_4, window_bounds = array<i64: 3, 16>}, {pipeline_mode = #tpu.pipeline_mode<synchronous>, transform_indices = @transform_5, window_bounds = array<i64: 3, 16>}, {transform_indices = @transform_6, window_bounds = array<i64: 2000, 16>}, {transform_indices = @transform_7, window_bounds = array<i64: 2000, 16>}, {transform_indices = @transform_8, window_bounds = array<i64: 2000, 16>}, {transform_indices = @transform_9, window_bounds = array<i64: 2000, 16>}]} {
    %get3A = arith.constant 0 : index
    %get3A_0 = arith.constant 0 : index
    %get3A_1 = vector.load %arg2[%get3A, %get3A_0] : memref<2000x16xf32, #tpu.memory_space<vmem>>, vector<2000x3xf32>
    %get3A_2 = arith.constant 0 : index
    %get3A_3 = arith.constant 0 : index
    %get3A_4 = vector.load %arg1[%get3A_2, %get3A_3] : memref<2000x16xf32, #tpu.memory_space<vmem>>, vector<2000x3xf32>
    %sub3A = arith.subf %get3A_1, %get3A_4 : vector<2000x3xf32>
    %mul3A = arith.mulf %sub3A, %sub3A : vector<2000x3xf32>
    %reduce_sum3A = arith.constant dense<0.000000e+00> : vector<2000xf32>
    %reduce_sum3A_5 = vector.multi_reduction <add>, %mul3A, %reduce_sum3A [1] : vector<2000x3xf32> to vector<2000xf32>
    %broadcast_in_dim3A = vector.shape_cast %reduce_sum3A_5 : vector<2000xf32> to vector<2000x1xf32>
    %add3A = arith.constant 9.99999996E-13 : f32
    %add3A_6 = vector.broadcast %add3A : f32 to vector<2000x1xf32>
    %add3A_7 = arith.addf %broadcast_in_dim3A, %add3A_6 : vector<2000x1xf32>
    %sqrt3A = math.sqrt %add3A_7 : vector<2000x1xf32>
    %div3A = arith.constant 4.000000e+00 : f32
    %div3A_8 = vector.broadcast %div3A : f32 to vector<2000x1xf32>
    %div3A_9 = arith.divf %sqrt3A, %div3A_8 : vector<2000x1xf32>
    %integer_pow3A = arith.mulf %div3A_9, %div3A_9 : vector<2000x1xf32>
    %integer_pow3A_10 = arith.mulf %integer_pow3A, %integer_pow3A : vector<2000x1xf32>
    %integer_pow3A_11 = arith.mulf %div3A_9, %integer_pow3A_10 : vector<2000x1xf32>
    %mul3A_12 = arith.constant 6.000000e+00 : f32
    %mul3A_13 = vector.broadcast %mul3A_12 : f32 to vector<2000x1xf32>
    %mul3A_14 = arith.mulf %mul3A_13, %integer_pow3A_11 : vector<2000x1xf32>
    %sub3A_15 = arith.constant 1.000000e+00 : f32
    %sub3A_16 = vector.broadcast %sub3A_15 : f32 to vector<2000x1xf32>
    %sub3A_17 = arith.subf %sub3A_16, %mul3A_14 : vector<2000x1xf32>
    %integer_pow3A_18 = arith.mulf %div3A_9, %div3A_9 : vector<2000x1xf32>
    %integer_pow3A_19 = arith.mulf %integer_pow3A_18, %integer_pow3A_18 : vector<2000x1xf32>
    %mul3A_20 = arith.constant 1.500000e+01 : f32
    %mul3A_21 = vector.broadcast %mul3A_20 : f32 to vector<2000x1xf32>
    %mul3A_22 = arith.mulf %mul3A_21, %integer_pow3A_19 : vector<2000x1xf32>
    %add3A_23 = arith.addf %sub3A_17, %mul3A_22 : vector<2000x1xf32>
    %integer_pow3A_24 = arith.mulf %div3A_9, %div3A_9 : vector<2000x1xf32>
    %integer_pow3A_25 = arith.mulf %div3A_9, %integer_pow3A_24 : vector<2000x1xf32>
    %mul3A_26 = arith.constant 1.000000e+01 : f32
    %mul3A_27 = vector.broadcast %mul3A_26 : f32 to vector<2000x1xf32>
    %mul3A_28 = arith.mulf %mul3A_27, %integer_pow3A_25 : vector<2000x1xf32>
    %sub3A_29 = arith.subf %add3A_23, %mul3A_28 : vector<2000x1xf32>
    %le3A = arith.constant 4.000000e+00 : f32
    %le3A_30 = vector.broadcast %le3A : f32 to vector<2000x1xf32>
    %le3A_31 = arith.cmpf ole, %sqrt3A, %le3A_30 : vector<2000x1xf32>
    %jit3A = arith.constant 0.000000e+00 : f32
    %broadcast_in_dim3A_32 = vector.broadcast %jit3A : f32 to vector<2000x1xf32>
    %select_n3A = arith.select %le3A_31, %sub3A_29, %broadcast_in_dim3A_32 : vector<2000x1xi1>, vector<2000x1xf32>
    %mul3A_33 = arith.constant 0.628318548 : f32
    %mul3A_34 = vector.broadcast %mul3A_33 : f32 to vector<2000x1xf32>
    %mul3A_35 = arith.mulf %sqrt3A, %mul3A_34 : vector<2000x1xf32>
    %mul3A_36 = arith.constant 1.2566371 : f32
    %mul3A_37 = vector.broadcast %mul3A_36 : f32 to vector<2000x1xf32>
    %mul3A_38 = arith.mulf %sqrt3A, %mul3A_37 : vector<2000x1xf32>
    %sin3A = math.sin %mul3A_35 : vector<2000x1xf32>
    %div3A_39 = arith.divf %sin3A, %mul3A_35 : vector<2000x1xf32>
    %sin3A_40 = math.sin %mul3A_38 : vector<2000x1xf32>
    %div3A_41 = arith.divf %sin3A_40, %mul3A_38 : vector<2000x1xf32>
    %add3A_42 = arith.addf %div3A_39, %div3A_41 : vector<2000x1xf32>
    %mul3A_43 = arith.constant 0.355430633 : f32
    %mul3A_44 = vector.broadcast %mul3A_43 : f32 to vector<2000x1xf32>
    %mul3A_45 = arith.mulf %mul3A_44, %add3A_42 : vector<2000x1xf32>
    %mul3A_46 = arith.constant 1.2566371 : f32
    %mul3A_47 = vector.broadcast %mul3A_46 : f32 to vector<2000x1xf32>
    %mul3A_48 = arith.mulf %sqrt3A, %mul3A_47 : vector<2000x1xf32>
    %mul3A_49 = arith.constant 1.88495564 : f32
    %mul3A_50 = vector.broadcast %mul3A_49 : f32 to vector<2000x1xf32>
    %mul3A_51 = arith.mulf %sqrt3A, %mul3A_50 : vector<2000x1xf32>
    %sin3A_52 = math.sin %mul3A_48 : vector<2000x1xf32>
    %div3A_53 = arith.divf %sin3A_52, %mul3A_48 : vector<2000x1xf32>
    %sin3A_54 = math.sin %mul3A_51 : vector<2000x1xf32>
    %div3A_55 = arith.divf %sin3A_54, %mul3A_51 : vector<2000x1xf32>
    %add3A_56 = arith.addf %div3A_53, %div3A_55 : vector<2000x1xf32>
    %mul3A_57 = arith.constant -0.661286175 : f32
    %mul3A_58 = vector.broadcast %mul3A_57 : f32 to vector<2000x1xf32>
    %mul3A_59 = arith.mulf %mul3A_58, %add3A_56 : vector<2000x1xf32>
    %mul3A_60 = arith.constant 1.88495564 : f32
    %mul3A_61 = vector.broadcast %mul3A_60 : f32 to vector<2000x1xf32>
    %mul3A_62 = arith.mulf %sqrt3A, %mul3A_61 : vector<2000x1xf32>
    %mul3A_63 = arith.constant 2.51327419 : f32
    %mul3A_64 = vector.broadcast %mul3A_63 : f32 to vector<2000x1xf32>
    %mul3A_65 = arith.mulf %sqrt3A, %mul3A_64 : vector<2000x1xf32>
    %sin3A_66 = math.sin %mul3A_62 : vector<2000x1xf32>
    %div3A_67 = arith.divf %sin3A_66, %mul3A_62 : vector<2000x1xf32>
    %sin3A_68 = math.sin %mul3A_65 : vector<2000x1xf32>
    %div3A_69 = arith.divf %sin3A_68, %mul3A_65 : vector<2000x1xf32>
    %add3A_70 = arith.addf %div3A_67, %div3A_69 : vector<2000x1xf32>
    %mul3A_71 = arith.constant 0.95372045 : f32
    %mul3A_72 = vector.broadcast %mul3A_71 : f32 to vector<2000x1xf32>
    %mul3A_73 = arith.mulf %mul3A_72, %add3A_70 : vector<2000x1xf32>
    %mul3A_74 = arith.constant 0.372104198 : f32
    %mul3A_75 = vector.broadcast %mul3A_74 : f32 to vector<2000x1xf32>
    %mul3A_76 = arith.mulf %mul3A_75, %mul3A_45 : vector<2000x1xf32>
    %add3A_77 = arith.addf %mul3A_59, %mul3A_76 : vector<2000x1xf32>
    %div3A_78 = arith.constant 0.928190947 : f32
    %div3A_79 = vector.broadcast %div3A_78 : f32 to vector<2000x1xf32>
    %div3A_80 = arith.divf %add3A_77, %div3A_79 : vector<2000x1xf32>
    %mul3A_81 = arith.constant 0.478091449 : f32
    %mul3A_82 = vector.broadcast %mul3A_81 : f32 to vector<2000x1xf32>
    %mul3A_83 = arith.mulf %mul3A_82, %div3A_80 : vector<2000x1xf32>
    %add3A_84 = arith.addf %mul3A_73, %mul3A_83 : vector<2000x1xf32>
    %div3A_85 = arith.constant 0.878310084 : f32
    %div3A_86 = vector.broadcast %div3A_85 : f32 to vector<2000x1xf32>
    %div3A_87 = arith.divf %add3A_84, %div3A_86 : vector<2000x1xf32>
    %concatenate3A = tpu.concatenate %mul3A_45, %div3A_80, %div3A_87 in 1 : vector<2000x1xf32>, vector<2000x1xf32>, vector<2000x1xf32> -> vector<2000x3xf32>
    %broadcast_in_dim3A_88 = arith.constant 0.000000e+00 : f32
    %broadcast_in_dim3A_89 = vector.broadcast %broadcast_in_dim3A_88 : f32 to vector<2000x11xf32>
    %concatenate3A_90 = tpu.concatenate %sub3A, %sqrt3A, %select_n3A, %broadcast_in_dim3A_89 in 1 : vector<2000x3xf32>, vector<2000x1xf32>, vector<2000x1xf32>, vector<2000x11xf32> -> vector<2000x16xf32>
    %swap3A = arith.constant 0 : index
    %swap3A_91 = arith.constant 0 : index
    %swap3A_92 = vector.load %arg7[%swap3A, %swap3A_91] : memref<2000x16xf32, #tpu.memory_space<vmem>>, vector<2000x16xf32>
    tpu.vector_store %arg7[%swap3A, %swap3A_91], %concatenate3A_90 {strides = array<i32>} : memref<2000x16xf32, #tpu.memory_space<vmem>>, vector<2000x16xf32>,
    %get3A_93 = arith.constant 0 : index
    %get3A_94 = arith.constant 0 : index
    %get3A_95 = vector.load %arg3[%get3A_93, %get3A_94] : memref<3x16xf32, #tpu.memory_space<vmem>>, vector<3x16xf32>
    %dot_general3A = arith.constant dense<0.000000e+00> : vector<2000x16xf32>
    %dot_general3A_96 = tpu.matmul %concatenate3A, %get3A_95, %dot_general3A {dimension_numbers = #tpu.dot_dimension_numbers<[1], [0], [0], [1], [0, 0, 1, 1], [], []>, transpose_lhs_hint = false} : vector<2000x3xf32>, vector<3x16xf32>, vector<2000x16xf32> -> vector<2000x16xf32>
    %get3A_97 = arith.constant 0 : index
    %get3A_98 = arith.constant 0 : index
    %get3A_99 = vector.load %arg4[%get3A_97, %get3A_98] : memref<1x16xf32, #tpu.memory_space<vmem>>, vector<1x16xf32>
    %add3A_100 = vector.broadcast %get3A_99 : vector<1x16xf32> to vector<2000x16xf32>
    %add3A_101 = arith.addf %dot_general3A_96, %add3A_100 : vector<2000x16xf32>
    %neg3A = arith.constant 0.000000e+00 : f32
    %neg3A_102 = vector.broadcast %neg3A : f32 to vector<2000x16xf32>
    %neg3A_103 = arith.subf %neg3A_102, %add3A_101 : vector<2000x16xf32>
    %exp3A = math.exp %neg3A_103 : vector<2000x16xf32>
    %add3A_104 = arith.constant 1.000000e+00 : f32
    %add3A_105 = vector.broadcast %add3A_104 : f32 to vector<2000x16xf32>
    %add3A_106 = arith.addf %add3A_105, %exp3A : vector<2000x16xf32>
    %div3A_107 = arith.constant 1.000000e+00 : f32
    %div3A_108 = vector.broadcast %div3A_107 : f32 to vector<2000x16xf32>
    %div3A_109 = arith.divf %div3A_108, %add3A_106 : vector<2000x16xf32>
    %mul3A_110 = arith.mulf %add3A_101, %div3A_109 : vector<2000x16xf32>
    %swap3A_111 = arith.constant 0 : index
    %swap3A_112 = arith.constant 0 : index
    %swap3A_113 = vector.load %arg8[%swap3A_111, %swap3A_112] : memref<2000x16xf32, #tpu.memory_space<vmem>>, vector<2000x16xf32>
    tpu.vector_store %arg8[%swap3A_111, %swap3A_112], %mul3A_110 {strides = array<i32>} : memref<2000x16xf32, #tpu.memory_space<vmem>>, vector<2000x16xf32>,
    %get3A_114 = arith.constant 0 : index
    %get3A_115 = arith.constant 0 : index
    %get3A_116 = vector.load %arg5[%get3A_114, %get3A_115] : memref<3x16xf32, #tpu.memory_space<vmem>>, vector<3x16xf32>
    %dot_general3A_117 = arith.constant dense<0.000000e+00> : vector<2000x16xf32>
    %dot_general3A_118 = tpu.matmul %concatenate3A, %get3A_116, %dot_general3A_117 {dimension_numbers = #tpu.dot_dimension_numbers<[1], [0], [0], [1], [0, 0, 1, 1], [], []>, transpose_lhs_hint = false} : vector<2000x3xf32>, vector<3x16xf32>, vector<2000x16xf32> -> vector<2000x16xf32>
    %swap3A_119 = arith.constant 0 : index
    %swap3A_120 = arith.constant 0 : index
    %swap3A_121 = vector.load %arg9[%swap3A_119, %swap3A_120] : memref<2000x16xf32, #tpu.memory_space<vmem>>, vector<2000x16xf32>
    tpu.vector_store %arg9[%swap3A_119, %swap3A_120], %dot_general3A_118 {strides = array<i32>} : memref<2000x16xf32, #tpu.memory_space<vmem>>, vector<2000x16xf32>,
    %get3A_122 = arith.constant 0 : index
    %get3A_123 = arith.constant 0 : index
    %get3A_124 = vector.load %arg6[%get3A_122, %get3A_123] : memref<3x16xf32, #tpu.memory_space<vmem>>, vector<3x16xf32>
    %dot_general3A_125 = arith.constant dense<0.000000e+00> : vector<2000x16xf32>
    %dot_general3A_126 = tpu.matmul %concatenate3A, %get3A_124, %dot_general3A_125 {dimension_numbers = #tpu.dot_dimension_numbers<[1], [0], [0], [1], [0, 0, 1, 1], [], []>, transpose_lhs_hint = false} : vector<2000x3xf32>, vector<3x16xf32>, vector<2000x16xf32> -> vector<2000x16xf32>
    %swap3A_127 = arith.constant 0 : index
    %swap3A_128 = arith.constant 0 : index
    %swap3A_129 = vector.load %arg10[%swap3A_127, %swap3A_128] : memref<2000x16xf32, #tpu.memory_space<vmem>>, vector<2000x16xf32>
    tpu.vector_store %arg10[%swap3A_127, %swap3A_128], %dot_general3A_126 {strides = array<i32>} : memref<2000x16xf32, #tpu.memory_space<vmem>>, vector<2000x16xf32>,
    return
  }
  func.func @transform_0(%arg0: i32) -> (i32, i32) {
    %c0_i32 = arith.constant 0 : i32
    %c0_i32_0 = arith.constant 0 : i32
    return %arg0, %c0_i32 : i32, i32
  }
  func.func @transform_1(%arg0: i32) -> (i32, i32) {
    %c0_i32 = arith.constant 0 : i32
    %c0_i32_0 = arith.constant 0 : i32
    return %arg0, %c0_i32 : i32, i32
  }
  func.func @transform_2(%arg0: i32) -> (i32, i32) {
    %c0_i32 = arith.constant 0 : i32
    %c0_i32_0 = arith.constant 0 : i32
    %c0_i32_1 = arith.constant 0 : i32
    return %c0_i32, %c0_i32_0 : i32, i32
  }
  func.func @transform_3(%arg0: i32) -> (i32, i32) {
    %c0_i32 = arith.constant 0 : i32
    %c0_i32_0 = arith.constant 0 : i32
    %c0_i32_1 = arith.constant 0 : i32
    return %c0_i32, %c0_i32_0 : i32, i32
  }
  func.func @transform_4(%arg0: i32) -> (i32, i32) {
    %c0_i32 = arith.constant 0 : i32
    %c0_i32_0 = arith.constant 0 : i32
    %c0_i32_1 = arith.constant 0 : i32
    return %c0_i32, %c0_i32_0 : i32, i32
  }
  func.func @transform_5(%arg0: i32) -> (i32, i32) {
    %c0_i32 = arith.constant 0 : i32
    %c0_i32_0 = arith.constant 0 : i32
    %c0_i32_1 = arith.constant 0 : i32
    return %c0_i32, %c0_i32_0 : i32, i32
  }
  func.func @transform_6(%arg0: i32) -> (i32, i32) {
    %c0_i32 = arith.constant 0 : i32
    %c0_i32_0 = arith.constant 0 : i32
    return %arg0, %c0_i32 : i32, i32
  }
  func.func @transform_7(%arg0: i32) -> (i32, i32) {
    %c0_i32 = arith.constant 0 : i32
    %c0_i32_0 = arith.constant 0 : i32
    return %arg0, %c0_i32 : i32, i32
  }
  func.func @transform_8(%arg0: i32) -> (i32, i32) {
    %c0_i32 = arith.constant 0 : i32
    %c0_i32_0 = arith.constant 0 : i32
    return %arg0, %c0_i32 : i32, i32
  }
  func.func @transform_9(%arg0: i32) -> (i32, i32) {
    %c0_i32 = arith.constant 0 : i32
    %c0_i32_0 = arith.constant 0 : i32
    return %arg0, %c0_i32 : i32, i32
  }
}

module attributes {stable_mosaic.version = 14 : i64} {
  func.func @_prep0_body(%arg0: i32, %arg1: memref<2000x1xi32, #tpu.memory_space<vmem>>, %arg2: memref<16x16xf32, #tpu.memory_space<vmem>>, %arg3: memref<1x16xf32, #tpu.memory_space<vmem>>, %arg4: memref<16x9xf32, #tpu.memory_space<vmem>>, %arg5: memref<1x9xf32, #tpu.memory_space<vmem>>, %arg6: memref<2000x32xf32, #tpu.memory_space<vmem>>) attributes {dimension_semantics = [#tpu.dimension_semantics<parallel>], iteration_bounds = array<i64: 25>, scalar_prefetch = 0 : i64, scratch_operands = 0 : i64, tpu.core_type = #tpu.core_type<tc>, window_params = [{transform_indices = @transform_0, window_bounds = array<i64: 2000, 1>}, {pipeline_mode = #tpu.pipeline_mode<synchronous>, transform_indices = @transform_1, window_bounds = array<i64: 16, 16>}, {pipeline_mode = #tpu.pipeline_mode<synchronous>, transform_indices = @transform_2, window_bounds = array<i64: 1, 16>}, {pipeline_mode = #tpu.pipeline_mode<synchronous>, transform_indices = @transform_3, window_bounds = array<i64: 16, 9>}, {pipeline_mode = #tpu.pipeline_mode<synchronous>, transform_indices = @transform_4, window_bounds = array<i64: 1, 9>}, {transform_indices = @transform_5, window_bounds = array<i64: 2000, 32>}]} {
    %get3A = arith.constant 0 : index
    %get3A_0 = arith.constant 0 : index
    %get3A_1 = vector.load %arg1[%get3A, %get3A_0] : memref<2000x1xi32, #tpu.memory_space<vmem>>, vector<2000x1xi32>
    %iota3A = tpu.iota {dimensions = array<i32: 1>} : vector<2000x16xi32>
    %eq3A = vector.broadcast %get3A_1 : vector<2000x1xi32> to vector<2000x16xi32>
    %eq3A_2 = arith.cmpi eq, %eq3A, %iota3A : vector<2000x16xi32>
    %convert_element_type3A = arith.extui %eq3A_2 : vector<2000x16xi1> to vector<2000x16xi32>
    %convert_element_type3A_3 = arith.sitofp %convert_element_type3A : vector<2000x16xi32> to vector<2000x16xf32>
    %get3A_4 = arith.constant 0 : index
    %get3A_5 = arith.constant 0 : index
    %get3A_6 = vector.load %arg2[%get3A_4, %get3A_5] : memref<16x16xf32, #tpu.memory_space<vmem>>, vector<16x16xf32>
    %dot_general3A = arith.constant dense<0.000000e+00> : vector<2000x16xf32>
    %dot_general3A_7 = tpu.matmul %convert_element_type3A_3, %get3A_6, %dot_general3A {dimension_numbers = #tpu.dot_dimension_numbers<[1], [0], [0], [1], [0, 0, 1, 1], [], []>, transpose_lhs_hint = false} : vector<2000x16xf32>, vector<16x16xf32>, vector<2000x16xf32> -> vector<2000x16xf32>
    %get3A_8 = arith.constant 0 : index
    %get3A_9 = arith.constant 0 : index
    %get3A_10 = vector.load %arg3[%get3A_8, %get3A_9] : memref<1x16xf32, #tpu.memory_space<vmem>>, vector<1x16xf32>
    %add3A = vector.broadcast %get3A_10 : vector<1x16xf32> to vector<2000x16xf32>
    %add3A_11 = arith.addf %dot_general3A_7, %add3A : vector<2000x16xf32>
    %neg3A = arith.constant 0.000000e+00 : f32
    %neg3A_12 = vector.broadcast %neg3A : f32 to vector<2000x16xf32>
    %neg3A_13 = arith.subf %neg3A_12, %add3A_11 : vector<2000x16xf32>
    %exp3A = math.exp %neg3A_13 : vector<2000x16xf32>
    %add3A_14 = arith.constant 1.000000e+00 : f32
    %add3A_15 = vector.broadcast %add3A_14 : f32 to vector<2000x16xf32>
    %add3A_16 = arith.addf %add3A_15, %exp3A : vector<2000x16xf32>
    %div3A = arith.constant 1.000000e+00 : f32
    %div3A_17 = vector.broadcast %div3A : f32 to vector<2000x16xf32>
    %div3A_18 = arith.divf %div3A_17, %add3A_16 : vector<2000x16xf32>
    %mul3A = arith.mulf %add3A_11, %div3A_18 : vector<2000x16xf32>
    %get3A_19 = arith.constant 0 : index
    %get3A_20 = arith.constant 0 : index
    %get3A_21 = vector.load %arg4[%get3A_19, %get3A_20] : memref<16x9xf32, #tpu.memory_space<vmem>>, vector<16x9xf32>
    %dot_general3A_22 = arith.constant dense<0.000000e+00> : vector<2000x9xf32>
    %dot_general3A_23 = tpu.matmul %mul3A, %get3A_21, %dot_general3A_22 {dimension_numbers = #tpu.dot_dimension_numbers<[1], [0], [0], [1], [0, 0, 1, 1], [], []>, transpose_lhs_hint = false} : vector<2000x16xf32>, vector<16x9xf32>, vector<2000x9xf32> -> vector<2000x9xf32>
    %get3A_24 = arith.constant 0 : index
    %get3A_25 = arith.constant 0 : index
    %get3A_26 = vector.load %arg5[%get3A_24, %get3A_25] : memref<1x9xf32, #tpu.memory_space<vmem>>, vector<1x9xf32>
    %add3A_27 = vector.broadcast %get3A_26 : vector<1x9xf32> to vector<2000x9xf32>
    %add3A_28 = arith.addf %dot_general3A_23, %add3A_27 : vector<2000x9xf32>
    %neg3A_29 = arith.constant 0.000000e+00 : f32
    %neg3A_30 = vector.broadcast %neg3A_29 : f32 to vector<2000x9xf32>
    %neg3A_31 = arith.subf %neg3A_30, %add3A_28 : vector<2000x9xf32>
    %exp3A_32 = math.exp %neg3A_31 : vector<2000x9xf32>
    %add3A_33 = arith.constant 1.000000e+00 : f32
    %add3A_34 = vector.broadcast %add3A_33 : f32 to vector<2000x9xf32>
    %add3A_35 = arith.addf %add3A_34, %exp3A_32 : vector<2000x9xf32>
    %div3A_36 = arith.constant 1.000000e+00 : f32
    %div3A_37 = vector.broadcast %div3A_36 : f32 to vector<2000x9xf32>
    %div3A_38 = arith.divf %div3A_37, %add3A_35 : vector<2000x9xf32>
    %broadcast_in_dim3A = arith.constant 0.000000e+00 : f32
    %broadcast_in_dim3A_39 = vector.broadcast %broadcast_in_dim3A : f32 to vector<2000x7xf32>
    %concatenate3A = tpu.concatenate %mul3A, %div3A_38, %broadcast_in_dim3A_39 in 1 : vector<2000x16xf32>, vector<2000x9xf32>, vector<2000x7xf32> -> vector<2000x32xf32>
    %swap3A = arith.constant 0 : index
    %swap3A_40 = arith.constant 0 : index
    %swap3A_41 = vector.load %arg6[%swap3A, %swap3A_40] : memref<2000x32xf32, #tpu.memory_space<vmem>>, vector<2000x32xf32>
    tpu.vector_store %arg6[%swap3A, %swap3A_40], %concatenate3A {strides = array<i32>} : memref<2000x32xf32, #tpu.memory_space<vmem>>, vector<2000x32xf32>,
    return
  }
  func.func @transform_0(%arg0: i32) -> (i32, i32) {
    %c0_i32 = arith.constant 0 : i32
    %c0_i32_0 = arith.constant 0 : i32
    return %arg0, %c0_i32 : i32, i32
  }
  func.func @transform_1(%arg0: i32) -> (i32, i32) {
    %c0_i32 = arith.constant 0 : i32
    %c0_i32_0 = arith.constant 0 : i32
    %c0_i32_1 = arith.constant 0 : i32
    return %c0_i32, %c0_i32_0 : i32, i32
  }
  func.func @transform_2(%arg0: i32) -> (i32, i32) {
    %c0_i32 = arith.constant 0 : i32
    %c0_i32_0 = arith.constant 0 : i32
    %c0_i32_1 = arith.constant 0 : i32
    return %c0_i32, %c0_i32_0 : i32, i32
  }
  func.func @transform_3(%arg0: i32) -> (i32, i32) {
    %c0_i32 = arith.constant 0 : i32
    %c0_i32_0 = arith.constant 0 : i32
    %c0_i32_1 = arith.constant 0 : i32
    return %c0_i32, %c0_i32_0 : i32, i32
  }
  func.func @transform_4(%arg0: i32) -> (i32, i32) {
    %c0_i32 = arith.constant 0 : i32
    %c0_i32_0 = arith.constant 0 : i32
    %c0_i32_1 = arith.constant 0 : i32
    return %c0_i32, %c0_i32_0 : i32, i32
  }
  func.func @transform_5(%arg0: i32) -> (i32, i32) {
    %c0_i32 = arith.constant 0 : i32
    %c0_i32_0 = arith.constant 0 : i32
    return %arg0, %c0_i32 : i32, i32
  }
}

module attributes {stable_mosaic.version = 14 : i64} {
  func.func @_triple_body(%arg0: i32, %arg1: memref<2000x16xf32, #tpu.memory_space<vmem>>, %arg2: memref<2000x16xf32, #tpu.memory_space<vmem>>, %arg3: memref<2000x16xf32, #tpu.memory_space<vmem>>) attributes {dimension_semantics = [#tpu.dimension_semantics<parallel>], iteration_bounds = array<i64: 400>, scalar_prefetch = 0 : i64, scratch_operands = 0 : i64, tpu.core_type = #tpu.core_type<tc>, window_params = [{transform_indices = @transform_0, window_bounds = array<i64: 2000, 16>}, {transform_indices = @transform_1, window_bounds = array<i64: 2000, 16>}, {transform_indices = @transform_2, window_bounds = array<i64: 2000, 16>}]} {
    %get3A = arith.constant 0 : index
    %get3A_0 = arith.constant 0 : index
    %get3A_1 = vector.load %arg1[%get3A, %get3A_0] : memref<2000x16xf32, #tpu.memory_space<vmem>>, vector<2000x3xf32>
    %get3A_2 = arith.constant 0 : index
    %get3A_3 = arith.constant 0 : index
    %get3A_4 = vector.load %arg2[%get3A_2, %get3A_3] : memref<2000x16xf32, #tpu.memory_space<vmem>>, vector<2000x3xf32>
    %get3A_5 = arith.constant 0 : index
    %get3A_6 = arith.constant 3 : index
    %get3A_7 = vector.load %arg1[%get3A_5, %get3A_6] : memref<2000x16xf32, #tpu.memory_space<vmem>>, vector<2000x1xf32>
    %get3A_8 = arith.constant 0 : index
    %get3A_9 = arith.constant 3 : index
    %get3A_10 = vector.load %arg2[%get3A_8, %get3A_9] : memref<2000x16xf32, #tpu.memory_space<vmem>>, vector<2000x1xf32>
    %mul3A = arith.mulf %get3A_1, %get3A_4 : vector<2000x3xf32>
    %reduce_sum3A = arith.constant dense<0.000000e+00> : vector<2000xf32>
    %reduce_sum3A_11 = vector.multi_reduction <add>, %mul3A, %reduce_sum3A [1] : vector<2000x3xf32> to vector<2000xf32>
    %broadcast_in_dim3A = vector.shape_cast %reduce_sum3A_11 : vector<2000xf32> to vector<2000x1xf32>
    %mul3A_12 = arith.mulf %get3A_7, %get3A_10 : vector<2000x1xf32>
    %div3A = arith.divf %broadcast_in_dim3A, %mul3A_12 : vector<2000x1xf32>
    %jit3A = arith.constant -1.000000e+00 : f32
    %jit3A_13 = arith.constant 1.000000e+00 : f32
    %max3A = vector.broadcast %jit3A : f32 to vector<2000x1xf32>
    %max3A_14 = arith.maximumf %max3A, %div3A : vector<2000x1xf32>
    %min3A = vector.broadcast %jit3A_13 : f32 to vector<2000x1xf32>
    %min3A_15 = arith.minimumf %min3A, %max3A_14 : vector<2000x1xf32>
    %mul3A_16 = arith.constant 0.628318548 : f32
    %mul3A_17 = vector.broadcast %mul3A_16 : f32 to vector<2000x1xf32>
    %mul3A_18 = arith.mulf %get3A_10, %mul3A_17 : vector<2000x1xf32>
    %mul3A_19 = arith.constant 1.2566371 : f32
    %mul3A_20 = vector.broadcast %mul3A_19 : f32 to vector<2000x1xf32>
    %mul3A_21 = arith.mulf %get3A_10, %mul3A_20 : vector<2000x1xf32>
    %sin3A = math.sin %mul3A_18 : vector<2000x1xf32>
    %div3A_22 = arith.divf %sin3A, %mul3A_18 : vector<2000x1xf32>
    %sin3A_23 = math.sin %mul3A_21 : vector<2000x1xf32>
    %div3A_24 = arith.divf %sin3A_23, %mul3A_21 : vector<2000x1xf32>
    %add3A = arith.addf %div3A_22, %div3A_24 : vector<2000x1xf32>
    %mul3A_25 = arith.constant 0.355430633 : f32
    %mul3A_26 = vector.broadcast %mul3A_25 : f32 to vector<2000x1xf32>
    %mul3A_27 = arith.mulf %mul3A_26, %add3A : vector<2000x1xf32>
    %mul3A_28 = arith.constant 1.2566371 : f32
    %mul3A_29 = vector.broadcast %mul3A_28 : f32 to vector<2000x1xf32>
    %mul3A_30 = arith.mulf %get3A_10, %mul3A_29 : vector<2000x1xf32>
    %mul3A_31 = arith.constant 1.88495564 : f32
    %mul3A_32 = vector.broadcast %mul3A_31 : f32 to vector<2000x1xf32>
    %mul3A_33 = arith.mulf %get3A_10, %mul3A_32 : vector<2000x1xf32>
    %sin3A_34 = math.sin %mul3A_30 : vector<2000x1xf32>
    %div3A_35 = arith.divf %sin3A_34, %mul3A_30 : vector<2000x1xf32>
    %sin3A_36 = math.sin %mul3A_33 : vector<2000x1xf32>
    %div3A_37 = arith.divf %sin3A_36, %mul3A_33 : vector<2000x1xf32>
    %add3A_38 = arith.addf %div3A_35, %div3A_37 : vector<2000x1xf32>
    %mul3A_39 = arith.constant -0.661286175 : f32
    %mul3A_40 = vector.broadcast %mul3A_39 : f32 to vector<2000x1xf32>
    %mul3A_41 = arith.mulf %mul3A_40, %add3A_38 : vector<2000x1xf32>
    %mul3A_42 = arith.constant 1.88495564 : f32
    %mul3A_43 = vector.broadcast %mul3A_42 : f32 to vector<2000x1xf32>
    %mul3A_44 = arith.mulf %get3A_10, %mul3A_43 : vector<2000x1xf32>
    %mul3A_45 = arith.constant 2.51327419 : f32
    %mul3A_46 = vector.broadcast %mul3A_45 : f32 to vector<2000x1xf32>
    %mul3A_47 = arith.mulf %get3A_10, %mul3A_46 : vector<2000x1xf32>
    %sin3A_48 = math.sin %mul3A_44 : vector<2000x1xf32>
    %div3A_49 = arith.divf %sin3A_48, %mul3A_44 : vector<2000x1xf32>
    %sin3A_50 = math.sin %mul3A_47 : vector<2000x1xf32>
    %div3A_51 = arith.divf %sin3A_50, %mul3A_47 : vector<2000x1xf32>
    %add3A_52 = arith.addf %div3A_49, %div3A_51 : vector<2000x1xf32>
    %mul3A_53 = arith.constant 0.95372045 : f32
    %mul3A_54 = vector.broadcast %mul3A_53 : f32 to vector<2000x1xf32>
    %mul3A_55 = arith.mulf %mul3A_54, %add3A_52 : vector<2000x1xf32>
    %mul3A_56 = arith.constant 0.372104198 : f32
    %mul3A_57 = vector.broadcast %mul3A_56 : f32 to vector<2000x1xf32>
    %mul3A_58 = arith.mulf %mul3A_57, %mul3A_27 : vector<2000x1xf32>
    %add3A_59 = arith.addf %mul3A_41, %mul3A_58 : vector<2000x1xf32>
    %div3A_60 = arith.constant 0.928190947 : f32
    %div3A_61 = vector.broadcast %div3A_60 : f32 to vector<2000x1xf32>
    %div3A_62 = arith.divf %add3A_59, %div3A_61 : vector<2000x1xf32>
    %mul3A_63 = arith.constant 0.478091449 : f32
    %mul3A_64 = vector.broadcast %mul3A_63 : f32 to vector<2000x1xf32>
    %mul3A_65 = arith.mulf %mul3A_64, %div3A_62 : vector<2000x1xf32>
    %add3A_66 = arith.addf %mul3A_55, %mul3A_65 : vector<2000x1xf32>
    %div3A_67 = arith.constant 0.878310084 : f32
    %div3A_68 = vector.broadcast %div3A_67 : f32 to vector<2000x1xf32>
    %div3A_69 = arith.divf %add3A_66, %div3A_68 : vector<2000x1xf32>
    %concatenate3A = tpu.concatenate %mul3A_27, %div3A_62, %div3A_69 in 1 : vector<2000x1xf32>, vector<2000x1xf32>, vector<2000x1xf32> -> vector<2000x3xf32>
    %broadcast_in_dim3A_70 = arith.constant 1.000000e+00 : f32
    %broadcast_in_dim3A_71 = vector.broadcast %broadcast_in_dim3A_70 : f32 to vector<2000x1xf32>
    %mul3A_72 = arith.constant 3.000000e+00 : f32
    %mul3A_73 = vector.broadcast %mul3A_72 : f32 to vector<2000x1xf32>
    %mul3A_74 = arith.mulf %mul3A_73, %min3A_15 : vector<2000x1xf32>
    %mul3A_75 = arith.mulf %mul3A_74, %min3A_15 : vector<2000x1xf32>
    %sub3A = arith.constant 1.000000e+00 : f32
    %sub3A_76 = vector.broadcast %sub3A : f32 to vector<2000x1xf32>
    %sub3A_77 = arith.subf %mul3A_75, %sub3A_76 : vector<2000x1xf32>
    %mul3A_78 = arith.constant 5.000000e-01 : f32
    %mul3A_79 = vector.broadcast %mul3A_78 : f32 to vector<2000x1xf32>
    %mul3A_80 = arith.mulf %sub3A_77, %mul3A_79 : vector<2000x1xf32>
    %concatenate3A_81 = tpu.concatenate %broadcast_in_dim3A_71, %min3A_15, %mul3A_80 in 1 : vector<2000x1xf32>, vector<2000x1xf32>, vector<2000x1xf32> -> vector<2000x3xf32>
    %get3A_82 = arith.constant 0 : index
    %get3A_83 = arith.constant 4 : index
    %get3A_84 = vector.load %arg1[%get3A_82, %get3A_83] : memref<2000x16xf32, #tpu.memory_space<vmem>>, vector<2000x1xf32>
    %get3A_85 = arith.constant 0 : index
    %get3A_86 = arith.constant 4 : index
    %get3A_87 = vector.load %arg2[%get3A_85, %get3A_86] : memref<2000x16xf32, #tpu.memory_space<vmem>>, vector<2000x1xf32>
    %mul3A_88 = arith.mulf %get3A_84, %get3A_87 : vector<2000x1xf32>
    %slice3A = vector.extract_strided_slice %concatenate3A {offsets = [0, 0], sizes = [2000, 1], strides = [1, 1]} : vector<2000x3xf32> to vector<2000x1xf32>
    %mul3A_89 = vector.broadcast %slice3A : vector<2000x1xf32> to vector<2000x3xf32>
    %mul3A_90 = arith.mulf %mul3A_89, %concatenate3A_81 : vector<2000x3xf32>
    %slice3A_91 = vector.extract_strided_slice %concatenate3A {offsets = [0, 1], sizes = [2000, 1], strides = [1, 1]} : vector<2000x3xf32> to vector<2000x1xf32>
    %mul3A_92 = vector.broadcast %slice3A_91 : vector<2000x1xf32> to vector<2000x3xf32>
    %mul3A_93 = arith.mulf %mul3A_92, %concatenate3A_81 : vector<2000x3xf32>
    %slice3A_94 = vector.extract_strided_slice %concatenate3A {offsets = [0, 2], sizes = [2000, 1], strides = [1, 1]} : vector<2000x3xf32> to vector<2000x1xf32>
    %mul3A_95 = vector.broadcast %slice3A_94 : vector<2000x1xf32> to vector<2000x3xf32>
    %mul3A_96 = arith.mulf %mul3A_95, %concatenate3A_81 : vector<2000x3xf32>
    %broadcast_in_dim3A_97 = arith.constant 0.000000e+00 : f32
    %broadcast_in_dim3A_98 = vector.broadcast %broadcast_in_dim3A_97 : f32 to vector<2000x7xf32>
    %concatenate3A_99 = tpu.concatenate %mul3A_90, %mul3A_93, %mul3A_96, %broadcast_in_dim3A_98 in 1 : vector<2000x3xf32>, vector<2000x3xf32>, vector<2000x3xf32>, vector<2000x7xf32> -> vector<2000x16xf32>
    %mul3A_100 = vector.broadcast %mul3A_88 : vector<2000x1xf32> to vector<2000x16xf32>
    %mul3A_101 = arith.mulf %concatenate3A_99, %mul3A_100 : vector<2000x16xf32>
    %swap3A = arith.constant 0 : index
    %swap3A_102 = arith.constant 0 : index
    %swap3A_103 = vector.load %arg3[%swap3A, %swap3A_102] : memref<2000x16xf32, #tpu.memory_space<vmem>>, vector<2000x16xf32>
    tpu.vector_store %arg3[%swap3A, %swap3A_102], %mul3A_101 {strides = array<i32>} : memref<2000x16xf32, #tpu.memory_space<vmem>>, vector<2000x16xf32>,
    return
  }
  func.func @transform_0(%arg0: i32) -> (i32, i32) {
    %c0_i32 = arith.constant 0 : i32
    %c0_i32_0 = arith.constant 0 : i32
    return %arg0, %c0_i32 : i32, i32
  }
  func.func @transform_1(%arg0: i32) -> (i32, i32) {
    %c0_i32 = arith.constant 0 : i32
    %c0_i32_0 = arith.constant 0 : i32
    return %arg0, %c0_i32 : i32, i32
  }
  func.func @transform_2(%arg0: i32) -> (i32, i32) {
    %c0_i32 = arith.constant 0 : i32
    %c0_i32_0 = arith.constant 0 : i32
    return %arg0, %c0_i32 : i32, i32
  }
}

module attributes {stable_mosaic.version = 14 : i64} {
  func.func @_conv_body(%arg0: i32, %arg1: memref<2000x32xf32, #tpu.memory_space<vmem>>, %arg2: memref<2000x32xf32, #tpu.memory_space<vmem>>, %arg3: memref<2000x16xf32, #tpu.memory_space<vmem>>, %arg4: memref<2000x16xf32, #tpu.memory_space<vmem>>, %arg5: memref<2000x16xf32, #tpu.memory_space<vmem>>, %arg6: memref<2000x16xf32, #tpu.memory_space<vmem>>, %arg7: memref<16x16xf32, #tpu.memory_space<vmem>>, %arg8: memref<16x16xf32, #tpu.memory_space<vmem>>, %arg9: memref<48x64xf32, #tpu.memory_space<vmem>>, %arg10: memref<64x64xf32, #tpu.memory_space<vmem>>, %arg11: memref<64x16xf32, #tpu.memory_space<vmem>>, %arg12: memref<48x64xf32, #tpu.memory_space<vmem>>, %arg13: memref<64x64xf32, #tpu.memory_space<vmem>>, %arg14: memref<64x16xf32, #tpu.memory_space<vmem>>, %arg15: memref<48x64xf32, #tpu.memory_space<vmem>>, %arg16: memref<64x64xf32, #tpu.memory_space<vmem>>, %arg17: memref<64x16xf32, #tpu.memory_space<vmem>>, %arg18: memref<48x64xf32, #tpu.memory_space<vmem>>, %arg19: memref<64x64xf32, #tpu.memory_space<vmem>>, %arg20: memref<64x16xf32, #tpu.memory_space<vmem>>, %arg21: memref<2000x16xf32, #tpu.memory_space<vmem>>, %arg22: memref<2000x16xf32, #tpu.memory_space<vmem>>) attributes {dimension_semantics = [#tpu.dimension_semantics<parallel>], iteration_bounds = array<i64: 400>, scalar_prefetch = 0 : i64, scratch_operands = 0 : i64, tpu.core_type = #tpu.core_type<tc>, window_params = [{transform_indices = @transform_0, window_bounds = array<i64: 2000, 32>}, {transform_indices = @transform_1, window_bounds = array<i64: 2000, 32>}, {transform_indices = @transform_2, window_bounds = array<i64: 2000, 16>}, {transform_indices = @transform_3, window_bounds = array<i64: 2000, 16>}, {transform_indices = @transform_4, window_bounds = array<i64: 2000, 16>}, {transform_indices = @transform_5, window_bounds = array<i64: 2000, 16>}, {pipeline_mode = #tpu.pipeline_mode<synchronous>, transform_indices = @transform_6, window_bounds = array<i64: 16, 16>}, {pipeline_mode = #tpu.pipeline_mode<synchronous>, transform_indices = @transform_7, window_bounds = array<i64: 16, 16>}, {pipeline_mode = #tpu.pipeline_mode<synchronous>, transform_indices = @transform_8, window_bounds = array<i64: 48, 64>}, {pipeline_mode = #tpu.pipeline_mode<synchronous>, transform_indices = @transform_9, window_bounds = array<i64: 64, 64>}, {pipeline_mode = #tpu.pipeline_mode<synchronous>, transform_indices = @transform_10, window_bounds = array<i64: 64, 16>}, {pipeline_mode = #tpu.pipeline_mode<synchronous>, transform_indices = @transform_11, window_bounds = array<i64: 48, 64>}, {pipeline_mode = #tpu.pipeline_mode<synchronous>, transform_indices = @transform_12, window_bounds = array<i64: 64, 64>}, {pipeline_mode = #tpu.pipeline_mode<synchronous>, transform_indices = @transform_13, window_bounds = array<i64: 64, 16>}, {pipeline_mode = #tpu.pipeline_mode<synchronous>, transform_indices = @transform_14, window_bounds = array<i64: 48, 64>}, {pipeline_mode = #tpu.pipeline_mode<synchronous>, transform_indices = @transform_15, window_bounds = array<i64: 64, 64>}, {pipeline_mode = #tpu.pipeline_mode<synchronous>, transform_indices = @transform_16, window_bounds = array<i64: 64, 16>}, {pipeline_mode = #tpu.pipeline_mode<synchronous>, transform_indices = @transform_17, window_bounds = array<i64: 48, 64>}, {pipeline_mode = #tpu.pipeline_mode<synchronous>, transform_indices = @transform_18, window_bounds = array<i64: 64, 64>}, {pipeline_mode = #tpu.pipeline_mode<synchronous>, transform_indices = @transform_19, window_bounds = array<i64: 64, 16>}, {transform_indices = @transform_20, window_bounds = array<i64: 2000, 16>}, {transform_indices = @transform_21, window_bounds = array<i64: 2000, 16>}]} {
    %get3A = arith.constant 0 : index
    %get3A_0 = arith.constant 0 : index
    %get3A_1 = vector.load %arg1[%get3A, %get3A_0] : memref<2000x32xf32, #tpu.memory_space<vmem>>, vector<2000x16xf32>
    %get3A_2 = arith.constant 0 : index
    %get3A_3 = arith.constant 0 : index
    %get3A_4 = vector.load %arg2[%get3A_2, %get3A_3] : memref<2000x32xf32, #tpu.memory_space<vmem>>, vector<2000x16xf32>
    %get3A_5 = arith.constant 0 : index
    %get3A_6 = arith.constant 16 : index
    %get3A_7 = vector.load %arg2[%get3A_5, %get3A_6] : memref<2000x32xf32, #tpu.memory_space<vmem>>, vector<2000x16xf32>
    %get3A_8 = arith.constant 0 : index
    %get3A_9 = arith.constant 0 : index
    %get3A_10 = vector.load %arg3[%get3A_8, %get3A_9] : memref<2000x16xf32, #tpu.memory_space<vmem>>, vector<2000x16xf32>
    %mul3A = arith.mulf %get3A_10, %get3A_7 : vector<2000x16xf32>
    %get3A_11 = arith.constant 0 : index
    %get3A_12 = arith.constant 0 : index
    %get3A_13 = vector.load %arg7[%get3A_11, %get3A_12] : memref<16x16xf32, #tpu.memory_space<vmem>>, vector<16x16xf32>
    %dot_general3A = arith.constant dense<0.000000e+00> : vector<2000x16xf32>
    %dot_general3A_14 = tpu.matmul %mul3A, %get3A_13, %dot_general3A {dimension_numbers = #tpu.dot_dimension_numbers<[1], [0], [0], [1], [0, 0, 1, 1], [], []>, transpose_lhs_hint = false} : vector<2000x16xf32>, vector<16x16xf32>, vector<2000x16xf32> -> vector<2000x16xf32>
    %neg3A = arith.constant 0.000000e+00 : f32
    %neg3A_15 = vector.broadcast %neg3A : f32 to vector<2000x16xf32>
    %neg3A_16 = arith.subf %neg3A_15, %dot_general3A_14 : vector<2000x16xf32>
    %exp3A = math.exp %neg3A_16 : vector<2000x16xf32>
    %add3A = arith.constant 1.000000e+00 : f32
    %add3A_17 = vector.broadcast %add3A : f32 to vector<2000x16xf32>
    %add3A_18 = arith.addf %add3A_17, %exp3A : vector<2000x16xf32>
    %div3A = arith.constant 1.000000e+00 : f32
    %div3A_19 = vector.broadcast %div3A : f32 to vector<2000x16xf32>
    %div3A_20 = arith.divf %div3A_19, %add3A_18 : vector<2000x16xf32>
    %mul3A_21 = arith.mulf %dot_general3A_14, %div3A_20 : vector<2000x16xf32>
    %get3A_22 = arith.constant 0 : index
    %get3A_23 = arith.constant 0 : index
    %get3A_24 = vector.load %arg8[%get3A_22, %get3A_23] : memref<16x16xf32, #tpu.memory_space<vmem>>, vector<16x16xf32>
    %dot_general3A_25 = arith.constant dense<0.000000e+00> : vector<2000x16xf32>
    %dot_general3A_26 = tpu.matmul %mul3A, %get3A_24, %dot_general3A_25 {dimension_numbers = #tpu.dot_dimension_numbers<[1], [0], [0], [1], [0, 0, 1, 1], [], []>, transpose_lhs_hint = false} : vector<2000x16xf32>, vector<16x16xf32>, vector<2000x16xf32> -> vector<2000x16xf32>
    %neg3A_27 = arith.constant 0.000000e+00 : f32
    %neg3A_28 = vector.broadcast %neg3A_27 : f32 to vector<2000x16xf32>
    %neg3A_29 = arith.subf %neg3A_28, %dot_general3A_26 : vector<2000x16xf32>
    %exp3A_30 = math.exp %neg3A_29 : vector<2000x16xf32>
    %add3A_31 = arith.constant 1.000000e+00 : f32
    %add3A_32 = vector.broadcast %add3A_31 : f32 to vector<2000x16xf32>
    %add3A_33 = arith.addf %add3A_32, %exp3A_30 : vector<2000x16xf32>
    %div3A_34 = arith.constant 1.000000e+00 : f32
    %div3A_35 = vector.broadcast %div3A_34 : f32 to vector<2000x16xf32>
    %div3A_36 = arith.divf %div3A_35, %add3A_33 : vector<2000x16xf32>
    %mul3A_37 = arith.mulf %mul3A_21, %div3A_36 : vector<2000x16xf32>
    %get3A_38 = arith.constant 0 : index
    %get3A_39 = arith.constant 0 : index
    %get3A_40 = vector.load %arg4[%get3A_38, %get3A_39] : memref<2000x16xf32, #tpu.memory_space<vmem>>, vector<2000x16xf32>
    %add3A_41 = arith.addf %get3A_40, %mul3A_37 : vector<2000x16xf32>
    %get3A_42 = arith.constant 0 : index
    %get3A_43 = arith.constant 0 : index
    %get3A_44 = vector.load %arg9[%get3A_42, %get3A_43] : memref<48x64xf32, #tpu.memory_space<vmem>>, vector<48x64xf32>
    %slice3A = vector.extract_strided_slice %get3A_44 {offsets = [0, 0], sizes = [16, 64], strides = [1, 1]} : vector<48x64xf32> to vector<16x64xf32>
    %dot_general3A_45 = arith.constant dense<0.000000e+00> : vector<2000x64xf32>
    %dot_general3A_46 = tpu.matmul %get3A_1, %slice3A, %dot_general3A_45 {dimension_numbers = #tpu.dot_dimension_numbers<[1], [0], [0], [1], [0, 0, 1, 1], [], []>, transpose_lhs_hint = false} : vector<2000x16xf32>, vector<16x64xf32>, vector<2000x64xf32> -> vector<2000x64xf32>
    %slice3A_47 = vector.extract_strided_slice %get3A_44 {offsets = [16, 0], sizes = [16, 64], strides = [1, 1]} : vector<48x64xf32> to vector<16x64xf32>
    %dot_general3A_48 = arith.constant dense<0.000000e+00> : vector<2000x64xf32>
    %dot_general3A_49 = tpu.matmul %get3A_4, %slice3A_47, %dot_general3A_48 {dimension_numbers = #tpu.dot_dimension_numbers<[1], [0], [0], [1], [0, 0, 1, 1], [], []>, transpose_lhs_hint = false} : vector<2000x16xf32>, vector<16x64xf32>, vector<2000x64xf32> -> vector<2000x64xf32>
    %add3A_50 = arith.addf %dot_general3A_46, %dot_general3A_49 : vector<2000x64xf32>
    %get3A_51 = arith.constant 0 : index
    %get3A_52 = arith.constant 0 : index
    %get3A_53 = vector.load %arg12[%get3A_51, %get3A_52] : memref<48x64xf32, #tpu.memory_space<vmem>>, vector<48x64xf32>
    %slice3A_54 = vector.extract_strided_slice %get3A_53 {offsets = [0, 0], sizes = [16, 64], strides = [1, 1]} : vector<48x64xf32> to vector<16x64xf32>
    %dot_general3A_55 = arith.constant dense<0.000000e+00> : vector<2000x64xf32>
    %dot_general3A_56 = tpu.matmul %get3A_1, %slice3A_54, %dot_general3A_55 {dimension_numbers = #tpu.dot_dimension_numbers<[1], [0], [0], [1], [0, 0, 1, 1], [], []>, transpose_lhs_hint = false} : vector<2000x16xf32>, vector<16x64xf32>, vector<2000x64xf32> -> vector<2000x64xf32>
    %slice3A_57 = vector.extract_strided_slice %get3A_53 {offsets = [16, 0], sizes = [16, 64], strides = [1, 1]} : vector<48x64xf32> to vector<16x64xf32>
    %dot_general3A_58 = arith.constant dense<0.000000e+00> : vector<2000x64xf32>
    %dot_general3A_59 = tpu.matmul %get3A_4, %slice3A_57, %dot_general3A_58 {dimension_numbers = #tpu.dot_dimension_numbers<[1], [0], [0], [1], [0, 0, 1, 1], [], []>, transpose_lhs_hint = false} : vector<2000x16xf32>, vector<16x64xf32>, vector<2000x64xf32> -> vector<2000x64xf32>
    %add3A_60 = arith.addf %dot_general3A_56, %dot_general3A_59 : vector<2000x64xf32>
    %get3A_61 = arith.constant 32 : index
    %get3A_62 = arith.constant 0 : index
    %get3A_63 = vector.load %arg9[%get3A_61, %get3A_62] : memref<48x64xf32, #tpu.memory_space<vmem>>, vector<16x64xf32>
    %dot_general3A_64 = arith.constant dense<0.000000e+00> : vector<2000x64xf32>
    %dot_general3A_65 = tpu.matmul %add3A_41, %get3A_63, %dot_general3A_64 {dimension_numbers = #tpu.dot_dimension_numbers<[1], [0], [0], [1], [0, 0, 1, 1], [], []>, transpose_lhs_hint = false} : vector<2000x16xf32>, vector<16x64xf32>, vector<2000x64xf32> -> vector<2000x64xf32>
    %add3A_66 = arith.addf %add3A_50, %dot_general3A_65 : vector<2000x64xf32>
    %neg3A_67 = arith.constant 0.000000e+00 : f32
    %neg3A_68 = vector.broadcast %neg3A_67 : f32 to vector<2000x64xf32>
    %neg3A_69 = arith.subf %neg3A_68, %add3A_66 : vector<2000x64xf32>
    %exp3A_70 = math.exp %neg3A_69 : vector<2000x64xf32>
    %add3A_71 = arith.constant 1.000000e+00 : f32
    %add3A_72 = vector.broadcast %add3A_71 : f32 to vector<2000x64xf32>
    %add3A_73 = arith.addf %add3A_72, %exp3A_70 : vector<2000x64xf32>
    %div3A_74 = arith.constant 1.000000e+00 : f32
    %div3A_75 = vector.broadcast %div3A_74 : f32 to vector<2000x64xf32>
    %div3A_76 = arith.divf %div3A_75, %add3A_73 : vector<2000x64xf32>
    %mul3A_77 = arith.mulf %add3A_66, %div3A_76 : vector<2000x64xf32>
    %get3A_78 = arith.constant 0 : index
    %get3A_79 = arith.constant 0 : index
    %get3A_80 = vector.load %arg10[%get3A_78, %get3A_79] : memref<64x64xf32, #tpu.memory_space<vmem>>, vector<64x64xf32>
    %dot_general3A_81 = arith.constant dense<0.000000e+00> : vector<2000x64xf32>
    %dot_general3A_82 = tpu.matmul %mul3A_77, %get3A_80, %dot_general3A_81 {dimension_numbers = #tpu.dot_dimension_numbers<[1], [0], [0], [1], [0, 0, 1, 1], [], []>, transpose_lhs_hint = false} : vector<2000x64xf32>, vector<64x64xf32>, vector<2000x64xf32> -> vector<2000x64xf32>
    %neg3A_83 = arith.constant 0.000000e+00 : f32
    %neg3A_84 = vector.broadcast %neg3A_83 : f32 to vector<2000x64xf32>
    %neg3A_85 = arith.subf %neg3A_84, %dot_general3A_82 : vector<2000x64xf32>
    %exp3A_86 = math.exp %neg3A_85 : vector<2000x64xf32>
    %add3A_87 = arith.constant 1.000000e+00 : f32
    %add3A_88 = vector.broadcast %add3A_87 : f32 to vector<2000x64xf32>
    %add3A_89 = arith.addf %add3A_88, %exp3A_86 : vector<2000x64xf32>
    %div3A_90 = arith.constant 1.000000e+00 : f32
    %div3A_91 = vector.broadcast %div3A_90 : f32 to vector<2000x64xf32>
    %div3A_92 = arith.divf %div3A_91, %add3A_89 : vector<2000x64xf32>
    %mul3A_93 = arith.mulf %dot_general3A_82, %div3A_92 : vector<2000x64xf32>
    %get3A_94 = arith.constant 0 : index
    %get3A_95 = arith.constant 0 : index
    %get3A_96 = vector.load %arg11[%get3A_94, %get3A_95] : memref<64x16xf32, #tpu.memory_space<vmem>>, vector<64x16xf32>
    %dot_general3A_97 = arith.constant dense<0.000000e+00> : vector<2000x16xf32>
    %dot_general3A_98 = tpu.matmul %mul3A_93, %get3A_96, %dot_general3A_97 {dimension_numbers = #tpu.dot_dimension_numbers<[1], [0], [0], [1], [0, 0, 1, 1], [], []>, transpose_lhs_hint = false} : vector<2000x64xf32>, vector<64x16xf32>, vector<2000x16xf32> -> vector<2000x16xf32>
    %neg3A_99 = arith.constant 0.000000e+00 : f32
    %neg3A_100 = vector.broadcast %neg3A_99 : f32 to vector<2000x16xf32>
    %neg3A_101 = arith.subf %neg3A_100, %dot_general3A_98 : vector<2000x16xf32>
    %exp3A_102 = math.exp %neg3A_101 : vector<2000x16xf32>
    %add3A_103 = arith.constant 1.000000e+00 : f32
    %add3A_104 = vector.broadcast %add3A_103 : f32 to vector<2000x16xf32>
    %add3A_105 = arith.addf %add3A_104, %exp3A_102 : vector<2000x16xf32>
    %div3A_106 = arith.constant 1.000000e+00 : f32
    %div3A_107 = vector.broadcast %div3A_106 : f32 to vector<2000x16xf32>
    %div3A_108 = arith.divf %div3A_107, %add3A_105 : vector<2000x16xf32>
    %mul3A_109 = arith.mulf %dot_general3A_98, %div3A_108 : vector<2000x16xf32>
    %get3A_110 = arith.constant 32 : index
    %get3A_111 = arith.constant 0 : index
    %get3A_112 = vector.load %arg12[%get3A_110, %get3A_111] : memref<48x64xf32, #tpu.memory_space<vmem>>, vector<16x64xf32>
    %dot_general3A_113 = arith.constant dense<0.000000e+00> : vector<2000x64xf32>
    %dot_general3A_114 = tpu.matmul %add3A_41, %get3A_112, %dot_general3A_113 {dimension_numbers = #tpu.dot_dimension_numbers<[1], [0], [0], [1], [0, 0, 1, 1], [], []>, transpose_lhs_hint = false} : vector<2000x16xf32>, vector<16x64xf32>, vector<2000x64xf32> -> vector<2000x64xf32>
    %add3A_115 = arith.addf %add3A_60, %dot_general3A_114 : vector<2000x64xf32>
    %neg3A_116 = arith.constant 0.000000e+00 : f32
    %neg3A_117 = vector.broadcast %neg3A_116 : f32 to vector<2000x64xf32>
    %neg3A_118 = arith.subf %neg3A_117, %add3A_115 : vector<2000x64xf32>
    %exp3A_119 = math.exp %neg3A_118 : vector<2000x64xf32>
    %add3A_120 = arith.constant 1.000000e+00 : f32
    %add3A_121 = vector.broadcast %add3A_120 : f32 to vector<2000x64xf32>
    %add3A_122 = arith.addf %add3A_121, %exp3A_119 : vector<2000x64xf32>
    %div3A_123 = arith.constant 1.000000e+00 : f32
    %div3A_124 = vector.broadcast %div3A_123 : f32 to vector<2000x64xf32>
    %div3A_125 = arith.divf %div3A_124, %add3A_122 : vector<2000x64xf32>
    %mul3A_126 = arith.mulf %add3A_115, %div3A_125 : vector<2000x64xf32>
    %get3A_127 = arith.constant 0 : index
    %get3A_128 = arith.constant 0 : index
    %get3A_129 = vector.load %arg13[%get3A_127, %get3A_128] : memref<64x64xf32, #tpu.memory_space<vmem>>, vector<64x64xf32>
    %dot_general3A_130 = arith.constant dense<0.000000e+00> : vector<2000x64xf32>
    %dot_general3A_131 = tpu.matmul %mul3A_126, %get3A_129, %dot_general3A_130 {dimension_numbers = #tpu.dot_dimension_numbers<[1], [0], [0], [1], [0, 0, 1, 1], [], []>, transpose_lhs_hint = false} : vector<2000x64xf32>, vector<64x64xf32>, vector<2000x64xf32> -> vector<2000x64xf32>
    %neg3A_132 = arith.constant 0.000000e+00 : f32
    %neg3A_133 = vector.broadcast %neg3A_132 : f32 to vector<2000x64xf32>
    %neg3A_134 = arith.subf %neg3A_133, %dot_general3A_131 : vector<2000x64xf32>
    %exp3A_135 = math.exp %neg3A_134 : vector<2000x64xf32>
    %add3A_136 = arith.constant 1.000000e+00 : f32
    %add3A_137 = vector.broadcast %add3A_136 : f32 to vector<2000x64xf32>
    %add3A_138 = arith.addf %add3A_137, %exp3A_135 : vector<2000x64xf32>
    %div3A_139 = arith.constant 1.000000e+00 : f32
    %div3A_140 = vector.broadcast %div3A_139 : f32 to vector<2000x64xf32>
    %div3A_141 = arith.divf %div3A_140, %add3A_138 : vector<2000x64xf32>
    %mul3A_142 = arith.mulf %dot_general3A_131, %div3A_141 : vector<2000x64xf32>
    %get3A_143 = arith.constant 0 : index
    %get3A_144 = arith.constant 0 : index
    %get3A_145 = vector.load %arg14[%get3A_143, %get3A_144] : memref<64x16xf32, #tpu.memory_space<vmem>>, vector<64x16xf32>
    %dot_general3A_146 = arith.constant dense<0.000000e+00> : vector<2000x16xf32>
    %dot_general3A_147 = tpu.matmul %mul3A_142, %get3A_145, %dot_general3A_146 {dimension_numbers = #tpu.dot_dimension_numbers<[1], [0], [0], [1], [0, 0, 1, 1], [], []>, transpose_lhs_hint = false} : vector<2000x64xf32>, vector<64x16xf32>, vector<2000x16xf32> -> vector<2000x16xf32>
    %neg3A_148 = arith.constant 0.000000e+00 : f32
    %neg3A_149 = vector.broadcast %neg3A_148 : f32 to vector<2000x16xf32>
    %neg3A_150 = arith.subf %neg3A_149, %dot_general3A_147 : vector<2000x16xf32>
    %exp3A_151 = math.exp %neg3A_150 : vector<2000x16xf32>
    %add3A_152 = arith.constant 1.000000e+00 : f32
    %add3A_153 = vector.broadcast %add3A_152 : f32 to vector<2000x16xf32>
    %add3A_154 = arith.addf %add3A_153, %exp3A_151 : vector<2000x16xf32>
    %div3A_155 = arith.constant 1.000000e+00 : f32
    %div3A_156 = vector.broadcast %div3A_155 : f32 to vector<2000x16xf32>
    %div3A_157 = arith.divf %div3A_156, %add3A_154 : vector<2000x16xf32>
    %mul3A_158 = arith.mulf %mul3A_109, %div3A_157 : vector<2000x16xf32>
    %get3A_159 = arith.constant 0 : index
    %get3A_160 = arith.constant 0 : index
    %get3A_161 = vector.load %arg5[%get3A_159, %get3A_160] : memref<2000x16xf32, #tpu.memory_space<vmem>>, vector<2000x16xf32>
    %mul3A_162 = arith.mulf %mul3A_158, %get3A_161 : vector<2000x16xf32>
    %add3A_163 = arith.addf %add3A_41, %mul3A_162 : vector<2000x16xf32>
    %get3A_164 = arith.constant 0 : index
    %get3A_165 = arith.constant 0 : index
    %get3A_166 = vector.load %arg15[%get3A_164, %get3A_165] : memref<48x64xf32, #tpu.memory_space<vmem>>, vector<48x64xf32>
    %slice3A_167 = vector.extract_strided_slice %get3A_166 {offsets = [0, 0], sizes = [16, 64], strides = [1, 1]} : vector<48x64xf32> to vector<16x64xf32>
    %dot_general3A_168 = arith.constant dense<0.000000e+00> : vector<2000x64xf32>
    %dot_general3A_169 = tpu.matmul %get3A_1, %slice3A_167, %dot_general3A_168 {dimension_numbers = #tpu.dot_dimension_numbers<[1], [0], [0], [1], [0, 0, 1, 1], [], []>, transpose_lhs_hint = false} : vector<2000x16xf32>, vector<16x64xf32>, vector<2000x64xf32> -> vector<2000x64xf32>
    %slice3A_170 = vector.extract_strided_slice %get3A_166 {offsets = [16, 0], sizes = [16, 64], strides = [1, 1]} : vector<48x64xf32> to vector<16x64xf32>
    %dot_general3A_171 = arith.constant dense<0.000000e+00> : vector<2000x64xf32>
    %dot_general3A_172 = tpu.matmul %get3A_4, %slice3A_170, %dot_general3A_171 {dimension_numbers = #tpu.dot_dimension_numbers<[1], [0], [0], [1], [0, 0, 1, 1], [], []>, transpose_lhs_hint = false} : vector<2000x16xf32>, vector<16x64xf32>, vector<2000x64xf32> -> vector<2000x64xf32>
    %add3A_173 = arith.addf %dot_general3A_169, %dot_general3A_172 : vector<2000x64xf32>
    %get3A_174 = arith.constant 0 : index
    %get3A_175 = arith.constant 0 : index
    %get3A_176 = vector.load %arg18[%get3A_174, %get3A_175] : memref<48x64xf32, #tpu.memory_space<vmem>>, vector<48x64xf32>
    %slice3A_177 = vector.extract_strided_slice %get3A_176 {offsets = [0, 0], sizes = [16, 64], strides = [1, 1]} : vector<48x64xf32> to vector<16x64xf32>
    %dot_general3A_178 = arith.constant dense<0.000000e+00> : vector<2000x64xf32>
    %dot_general3A_179 = tpu.matmul %get3A_1, %slice3A_177, %dot_general3A_178 {dimension_numbers = #tpu.dot_dimension_numbers<[1], [0], [0], [1], [0, 0, 1, 1], [], []>, transpose_lhs_hint = false} : vector<2000x16xf32>, vector<16x64xf32>, vector<2000x64xf32> -> vector<2000x64xf32>
    %slice3A_180 = vector.extract_strided_slice %get3A_176 {offsets = [16, 0], sizes = [16, 64], strides = [1, 1]} : vector<48x64xf32> to vector<16x64xf32>
    %dot_general3A_181 = arith.constant dense<0.000000e+00> : vector<2000x64xf32>
    %dot_general3A_182 = tpu.matmul %get3A_4, %slice3A_180, %dot_general3A_181 {dimension_numbers = #tpu.dot_dimension_numbers<[1], [0], [0], [1], [0, 0, 1, 1], [], []>, transpose_lhs_hint = false} : vector<2000x16xf32>, vector<16x64xf32>, vector<2000x64xf32> -> vector<2000x64xf32>
    %add3A_183 = arith.addf %dot_general3A_179, %dot_general3A_182 : vector<2000x64xf32>
    %get3A_184 = arith.constant 32 : index
    %get3A_185 = arith.constant 0 : index
    %get3A_186 = vector.load %arg15[%get3A_184, %get3A_185] : memref<48x64xf32, #tpu.memory_space<vmem>>, vector<16x64xf32>
    %dot_general3A_187 = arith.constant dense<0.000000e+00> : vector<2000x64xf32>
    %dot_general3A_188 = tpu.matmul %add3A_163, %get3A_186, %dot_general3A_187 {dimension_numbers = #tpu.dot_dimension_numbers<[1], [0], [0], [1], [0, 0, 1, 1], [], []>, transpose_lhs_hint = false} : vector<2000x16xf32>, vector<16x64xf32>, vector<2000x64xf32> -> vector<2000x64xf32>
    %add3A_189 = arith.addf %add3A_173, %dot_general3A_188 : vector<2000x64xf32>
    %neg3A_190 = arith.constant 0.000000e+00 : f32
    %neg3A_191 = vector.broadcast %neg3A_190 : f32 to vector<2000x64xf32>
    %neg3A_192 = arith.subf %neg3A_191, %add3A_189 : vector<2000x64xf32>
    %exp3A_193 = math.exp %neg3A_192 : vector<2000x64xf32>
    %add3A_194 = arith.constant 1.000000e+00 : f32
    %add3A_195 = vector.broadcast %add3A_194 : f32 to vector<2000x64xf32>
    %add3A_196 = arith.addf %add3A_195, %exp3A_193 : vector<2000x64xf32>
    %div3A_197 = arith.constant 1.000000e+00 : f32
    %div3A_198 = vector.broadcast %div3A_197 : f32 to vector<2000x64xf32>
    %div3A_199 = arith.divf %div3A_198, %add3A_196 : vector<2000x64xf32>
    %mul3A_200 = arith.mulf %add3A_189, %div3A_199 : vector<2000x64xf32>
    %get3A_201 = arith.constant 0 : index
    %get3A_202 = arith.constant 0 : index
    %get3A_203 = vector.load %arg16[%get3A_201, %get3A_202] : memref<64x64xf32, #tpu.memory_space<vmem>>, vector<64x64xf32>
    %dot_general3A_204 = arith.constant dense<0.000000e+00> : vector<2000x64xf32>
    %dot_general3A_205 = tpu.matmul %mul3A_200, %get3A_203, %dot_general3A_204 {dimension_numbers = #tpu.dot_dimension_numbers<[1], [0], [0], [1], [0, 0, 1, 1], [], []>, transpose_lhs_hint = false} : vector<2000x64xf32>, vector<64x64xf32>, vector<2000x64xf32> -> vector<2000x64xf32>
    %neg3A_206 = arith.constant 0.000000e+00 : f32
    %neg3A_207 = vector.broadcast %neg3A_206 : f32 to vector<2000x64xf32>
    %neg3A_208 = arith.subf %neg3A_207, %dot_general3A_205 : vector<2000x64xf32>
    %exp3A_209 = math.exp %neg3A_208 : vector<2000x64xf32>
    %add3A_210 = arith.constant 1.000000e+00 : f32
    %add3A_211 = vector.broadcast %add3A_210 : f32 to vector<2000x64xf32>
    %add3A_212 = arith.addf %add3A_211, %exp3A_209 : vector<2000x64xf32>
    %div3A_213 = arith.constant 1.000000e+00 : f32
    %div3A_214 = vector.broadcast %div3A_213 : f32 to vector<2000x64xf32>
    %div3A_215 = arith.divf %div3A_214, %add3A_212 : vector<2000x64xf32>
    %mul3A_216 = arith.mulf %dot_general3A_205, %div3A_215 : vector<2000x64xf32>
    %get3A_217 = arith.constant 0 : index
    %get3A_218 = arith.constant 0 : index
    %get3A_219 = vector.load %arg17[%get3A_217, %get3A_218] : memref<64x16xf32, #tpu.memory_space<vmem>>, vector<64x16xf32>
    %dot_general3A_220 = arith.constant dense<0.000000e+00> : vector<2000x16xf32>
    %dot_general3A_221 = tpu.matmul %mul3A_216, %get3A_219, %dot_general3A_220 {dimension_numbers = #tpu.dot_dimension_numbers<[1], [0], [0], [1], [0, 0, 1, 1], [], []>, transpose_lhs_hint = false} : vector<2000x64xf32>, vector<64x16xf32>, vector<2000x16xf32> -> vector<2000x16xf32>
    %neg3A_222 = arith.constant 0.000000e+00 : f32
    %neg3A_223 = vector.broadcast %neg3A_222 : f32 to vector<2000x16xf32>
    %neg3A_224 = arith.subf %neg3A_223, %dot_general3A_221 : vector<2000x16xf32>
    %exp3A_225 = math.exp %neg3A_224 : vector<2000x16xf32>
    %add3A_226 = arith.constant 1.000000e+00 : f32
    %add3A_227 = vector.broadcast %add3A_226 : f32 to vector<2000x16xf32>
    %add3A_228 = arith.addf %add3A_227, %exp3A_225 : vector<2000x16xf32>
    %div3A_229 = arith.constant 1.000000e+00 : f32
    %div3A_230 = vector.broadcast %div3A_229 : f32 to vector<2000x16xf32>
    %div3A_231 = arith.divf %div3A_230, %add3A_228 : vector<2000x16xf32>
    %mul3A_232 = arith.mulf %dot_general3A_221, %div3A_231 : vector<2000x16xf32>
    %get3A_233 = arith.constant 32 : index
    %get3A_234 = arith.constant 0 : index
    %get3A_235 = vector.load %arg18[%get3A_233, %get3A_234] : memref<48x64xf32, #tpu.memory_space<vmem>>, vector<16x64xf32>
    %dot_general3A_236 = arith.constant dense<0.000000e+00> : vector<2000x64xf32>
    %dot_general3A_237 = tpu.matmul %add3A_163, %get3A_235, %dot_general3A_236 {dimension_numbers = #tpu.dot_dimension_numbers<[1], [0], [0], [1], [0, 0, 1, 1], [], []>, transpose_lhs_hint = false} : vector<2000x16xf32>, vector<16x64xf32>, vector<2000x64xf32> -> vector<2000x64xf32>
    %add3A_238 = arith.addf %add3A_183, %dot_general3A_237 : vector<2000x64xf32>
    %neg3A_239 = arith.constant 0.000000e+00 : f32
    %neg3A_240 = vector.broadcast %neg3A_239 : f32 to vector<2000x64xf32>
    %neg3A_241 = arith.subf %neg3A_240, %add3A_238 : vector<2000x64xf32>
    %exp3A_242 = math.exp %neg3A_241 : vector<2000x64xf32>
    %add3A_243 = arith.constant 1.000000e+00 : f32
    %add3A_244 = vector.broadcast %add3A_243 : f32 to vector<2000x64xf32>
    %add3A_245 = arith.addf %add3A_244, %exp3A_242 : vector<2000x64xf32>
    %div3A_246 = arith.constant 1.000000e+00 : f32
    %div3A_247 = vector.broadcast %div3A_246 : f32 to vector<2000x64xf32>
    %div3A_248 = arith.divf %div3A_247, %add3A_245 : vector<2000x64xf32>
    %mul3A_249 = arith.mulf %add3A_238, %div3A_248 : vector<2000x64xf32>
    %get3A_250 = arith.constant 0 : index
    %get3A_251 = arith.constant 0 : index
    %get3A_252 = vector.load %arg19[%get3A_250, %get3A_251] : memref<64x64xf32, #tpu.memory_space<vmem>>, vector<64x64xf32>
    %dot_general3A_253 = arith.constant dense<0.000000e+00> : vector<2000x64xf32>
    %dot_general3A_254 = tpu.matmul %mul3A_249, %get3A_252, %dot_general3A_253 {dimension_numbers = #tpu.dot_dimension_numbers<[1], [0], [0], [1], [0, 0, 1, 1], [], []>, transpose_lhs_hint = false} : vector<2000x64xf32>, vector<64x64xf32>, vector<2000x64xf32> -> vector<2000x64xf32>
    %neg3A_255 = arith.constant 0.000000e+00 : f32
    %neg3A_256 = vector.broadcast %neg3A_255 : f32 to vector<2000x64xf32>
    %neg3A_257 = arith.subf %neg3A_256, %dot_general3A_254 : vector<2000x64xf32>
    %exp3A_258 = math.exp %neg3A_257 : vector<2000x64xf32>
    %add3A_259 = arith.constant 1.000000e+00 : f32
    %add3A_260 = vector.broadcast %add3A_259 : f32 to vector<2000x64xf32>
    %add3A_261 = arith.addf %add3A_260, %exp3A_258 : vector<2000x64xf32>
    %div3A_262 = arith.constant 1.000000e+00 : f32
    %div3A_263 = vector.broadcast %div3A_262 : f32 to vector<2000x64xf32>
    %div3A_264 = arith.divf %div3A_263, %add3A_261 : vector<2000x64xf32>
    %mul3A_265 = arith.mulf %dot_general3A_254, %div3A_264 : vector<2000x64xf32>
    %get3A_266 = arith.constant 0 : index
    %get3A_267 = arith.constant 0 : index
    %get3A_268 = vector.load %arg20[%get3A_266, %get3A_267] : memref<64x16xf32, #tpu.memory_space<vmem>>, vector<64x16xf32>
    %dot_general3A_269 = arith.constant dense<0.000000e+00> : vector<2000x16xf32>
    %dot_general3A_270 = tpu.matmul %mul3A_265, %get3A_268, %dot_general3A_269 {dimension_numbers = #tpu.dot_dimension_numbers<[1], [0], [0], [1], [0, 0, 1, 1], [], []>, transpose_lhs_hint = false} : vector<2000x64xf32>, vector<64x16xf32>, vector<2000x16xf32> -> vector<2000x16xf32>
    %neg3A_271 = arith.constant 0.000000e+00 : f32
    %neg3A_272 = vector.broadcast %neg3A_271 : f32 to vector<2000x16xf32>
    %neg3A_273 = arith.subf %neg3A_272, %dot_general3A_270 : vector<2000x16xf32>
    %exp3A_274 = math.exp %neg3A_273 : vector<2000x16xf32>
    %add3A_275 = arith.constant 1.000000e+00 : f32
    %add3A_276 = vector.broadcast %add3A_275 : f32 to vector<2000x16xf32>
    %add3A_277 = arith.addf %add3A_276, %exp3A_274 : vector<2000x16xf32>
    %div3A_278 = arith.constant 1.000000e+00 : f32
    %div3A_279 = vector.broadcast %div3A_278 : f32 to vector<2000x16xf32>
    %div3A_280 = arith.divf %div3A_279, %add3A_277 : vector<2000x16xf32>
    %swap3A = arith.constant 0 : index
    %swap3A_281 = arith.constant 0 : index
    %swap3A_282 = vector.load %arg21[%swap3A, %swap3A_281] : memref<2000x16xf32, #tpu.memory_space<vmem>>, vector<2000x16xf32>
    tpu.vector_store %arg21[%swap3A, %swap3A_281], %add3A_163 {strides = array<i32>} : memref<2000x16xf32, #tpu.memory_space<vmem>>, vector<2000x16xf32>,
    %mul3A_283 = arith.mulf %mul3A_232, %div3A_280 : vector<2000x16xf32>
    %get3A_284 = arith.constant 0 : index
    %get3A_285 = arith.constant 0 : index
    %get3A_286 = vector.load %arg6[%get3A_284, %get3A_285] : memref<2000x16xf32, #tpu.memory_space<vmem>>, vector<2000x16xf32>
    %mul3A_287 = arith.mulf %mul3A_283, %get3A_286 : vector<2000x16xf32>
    %swap3A_288 = arith.constant 0 : index
    %swap3A_289 = arith.constant 0 : index
    %swap3A_290 = vector.load %arg22[%swap3A_288, %swap3A_289] : memref<2000x16xf32, #tpu.memory_space<vmem>>, vector<2000x16xf32>
    tpu.vector_store %arg22[%swap3A_288, %swap3A_289], %mul3A_287 {strides = array<i32>} : memref<2000x16xf32, #tpu.memory_space<vmem>>, vector<2000x16xf32>,
    return
  }
  func.func @transform_0(%arg0: i32) -> (i32, i32) {
    %c0_i32 = arith.constant 0 : i32
    %c0_i32_0 = arith.constant 0 : i32
    return %arg0, %c0_i32 : i32, i32
  }
  func.func @transform_1(%arg0: i32) -> (i32, i32) {
    %c0_i32 = arith.constant 0 : i32
    %c0_i32_0 = arith.constant 0 : i32
    return %arg0, %c0_i32 : i32, i32
  }
  func.func @transform_2(%arg0: i32) -> (i32, i32) {
    %c0_i32 = arith.constant 0 : i32
    %c0_i32_0 = arith.constant 0 : i32
    return %arg0, %c0_i32 : i32, i32
  }
  func.func @transform_3(%arg0: i32) -> (i32, i32) {
    %c0_i32 = arith.constant 0 : i32
    %c0_i32_0 = arith.constant 0 : i32
    return %arg0, %c0_i32 : i32, i32
  }
  func.func @transform_4(%arg0: i32) -> (i32, i32) {
    %c0_i32 = arith.constant 0 : i32
    %c0_i32_0 = arith.constant 0 : i32
    return %arg0, %c0_i32 : i32, i32
  }
  func.func @transform_5(%arg0: i32) -> (i32, i32) {
    %c0_i32 = arith.constant 0 : i32
    %c0_i32_0 = arith.constant 0 : i32
    return %arg0, %c0_i32 : i32, i32
  }
  func.func @transform_6(%arg0: i32) -> (i32, i32) {
    %c0_i32 = arith.constant 0 : i32
    %c0_i32_0 = arith.constant 0 : i32
    %c0_i32_1 = arith.constant 0 : i32
    return %c0_i32, %c0_i32_0 : i32, i32
  }
  func.func @transform_7(%arg0: i32) -> (i32, i32) {
    %c0_i32 = arith.constant 0 : i32
    %c0_i32_0 = arith.constant 0 : i32
    %c0_i32_1 = arith.constant 0 : i32
    return %c0_i32, %c0_i32_0 : i32, i32
  }
  func.func @transform_8(%arg0: i32) -> (i32, i32) {
    %c0_i32 = arith.constant 0 : i32
    %c0_i32_0 = arith.constant 0 : i32
    %c0_i32_1 = arith.constant 0 : i32
    return %c0_i32, %c0_i32_0 : i32, i32
  }
  func.func @transform_9(%arg0: i32) -> (i32, i32) {
    %c0_i32 = arith.constant 0 : i32
    %c0_i32_0 = arith.constant 0 : i32
    %c0_i32_1 = arith.constant 0 : i32
    return %c0_i32, %c0_i32_0 : i32, i32
  }
  func.func @transform_10(%arg0: i32) -> (i32, i32) {
    %c0_i32 = arith.constant 0 : i32
    %c0_i32_0 = arith.constant 0 : i32
    %c0_i32_1 = arith.constant 0 : i32
    return %c0_i32, %c0_i32_0 : i32, i32
  }
  func.func @transform_11(%arg0: i32) -> (i32, i32) {
    %c0_i32 = arith.constant 0 : i32
    %c0_i32_0 = arith.constant 0 : i32
    %c0_i32_1 = arith.constant 0 : i32
    return %c0_i32, %c0_i32_0 : i32, i32
  }
  func.func @transform_12(%arg0: i32) -> (i32, i32) {
    %c0_i32 = arith.constant 0 : i32
    %c0_i32_0 = arith.constant 0 : i32
    %c0_i32_1 = arith.constant 0 : i32
    return %c0_i32, %c0_i32_0 : i32, i32
  }
  func.func @transform_13(%arg0: i32) -> (i32, i32) {
    %c0_i32 = arith.constant 0 : i32
    %c0_i32_0 = arith.constant 0 : i32
    %c0_i32_1 = arith.constant 0 : i32
    return %c0_i32, %c0_i32_0 : i32, i32
  }
  func.func @transform_14(%arg0: i32) -> (i32, i32) {
    %c0_i32 = arith.constant 0 : i32
    %c0_i32_0 = arith.constant 0 : i32
    %c0_i32_1 = arith.constant 0 : i32
    return %c0_i32, %c0_i32_0 : i32, i32
  }
  func.func @transform_15(%arg0: i32) -> (i32, i32) {
    %c0_i32 = arith.constant 0 : i32
    %c0_i32_0 = arith.constant 0 : i32
    %c0_i32_1 = arith.constant 0 : i32
    return %c0_i32, %c0_i32_0 : i32, i32
  }
  func.func @transform_16(%arg0: i32) -> (i32, i32) {
    %c0_i32 = arith.constant 0 : i32
    %c0_i32_0 = arith.constant 0 : i32
    %c0_i32_1 = arith.constant 0 : i32
    return %c0_i32, %c0_i32_0 : i32, i32
  }
  func.func @transform_17(%arg0: i32) -> (i32, i32) {
    %c0_i32 = arith.constant 0 : i32
    %c0_i32_0 = arith.constant 0 : i32
    %c0_i32_1 = arith.constant 0 : i32
    return %c0_i32, %c0_i32_0 : i32, i32
  }
  func.func @transform_18(%arg0: i32) -> (i32, i32) {
    %c0_i32 = arith.constant 0 : i32
    %c0_i32_0 = arith.constant 0 : i32
    %c0_i32_1 = arith.constant 0 : i32
    return %c0_i32, %c0_i32_0 : i32, i32
  }
  func.func @transform_19(%arg0: i32) -> (i32, i32) {
    %c0_i32 = arith.constant 0 : i32
    %c0_i32_0 = arith.constant 0 : i32
    %c0_i32_1 = arith.constant 0 : i32
    return %c0_i32, %c0_i32_0 : i32, i32
  }
  func.func @transform_20(%arg0: i32) -> (i32, i32) {
    %c0_i32 = arith.constant 0 : i32
    %c0_i32_0 = arith.constant 0 : i32
    return %arg0, %c0_i32 : i32, i32
  }
  func.func @transform_21(%arg0: i32) -> (i32, i32) {
    %c0_i32 = arith.constant 0 : i32
    %c0_i32_0 = arith.constant 0 : i32
    return %arg0, %c0_i32 : i32, i32
  }
}

module attributes {stable_mosaic.version = 14 : i64} {
  func.func @_prep_body(%arg0: i32, %arg1: memref<2000x32xf32, #tpu.memory_space<vmem>>, %arg2: memref<2000x16xf32, #tpu.memory_space<vmem>>, %arg3: memref<2000x16xf32, #tpu.memory_space<vmem>>, %arg4: memref<16x9xf32, #tpu.memory_space<vmem>>, %arg5: memref<1x9xf32, #tpu.memory_space<vmem>>, %arg6: memref<2000x32xf32, #tpu.memory_space<vmem>>) attributes {dimension_semantics = [#tpu.dimension_semantics<parallel>], iteration_bounds = array<i64: 25>, scalar_prefetch = 0 : i64, scratch_operands = 0 : i64, tpu.core_type = #tpu.core_type<tc>, window_params = [{transform_indices = @transform_0, window_bounds = array<i64: 2000, 32>}, {transform_indices = @transform_1, window_bounds = array<i64: 2000, 16>}, {transform_indices = @transform_2, window_bounds = array<i64: 2000, 16>}, {pipeline_mode = #tpu.pipeline_mode<synchronous>, transform_indices = @transform_3, window_bounds = array<i64: 16, 9>}, {pipeline_mode = #tpu.pipeline_mode<synchronous>, transform_indices = @transform_4, window_bounds = array<i64: 1, 9>}, {transform_indices = @transform_5, window_bounds = array<i64: 2000, 32>}]} {
    %get3A = arith.constant 0 : index
    %get3A_0 = arith.constant 0 : index
    %get3A_1 = vector.load %arg1[%get3A, %get3A_0] : memref<2000x32xf32, #tpu.memory_space<vmem>>, vector<2000x16xf32>
    %get3A_2 = arith.constant 0 : index
    %get3A_3 = arith.constant 0 : index
    %get3A_4 = vector.load %arg2[%get3A_2, %get3A_3] : memref<2000x16xf32, #tpu.memory_space<vmem>>, vector<2000x16xf32>
    %add3A = arith.addf %get3A_1, %get3A_4 : vector<2000x16xf32>
    %get3A_5 = arith.constant 0 : index
    %get3A_6 = arith.constant 0 : index
    %get3A_7 = vector.load %arg3[%get3A_5, %get3A_6] : memref<2000x16xf32, #tpu.memory_space<vmem>>, vector<2000x16xf32>
    %add3A_8 = arith.addf %add3A, %get3A_7 : vector<2000x16xf32>
    %get3A_9 = arith.constant 0 : index
    %get3A_10 = arith.constant 0 : index
    %get3A_11 = vector.load %arg4[%get3A_9, %get3A_10] : memref<16x9xf32, #tpu.memory_space<vmem>>, vector<16x9xf32>
    %dot_general3A = arith.constant dense<0.000000e+00> : vector<2000x9xf32>
    %dot_general3A_12 = tpu.matmul %add3A_8, %get3A_11, %dot_general3A {dimension_numbers = #tpu.dot_dimension_numbers<[1], [0], [0], [1], [0, 0, 1, 1], [], []>, transpose_lhs_hint = false} : vector<2000x16xf32>, vector<16x9xf32>, vector<2000x9xf32> -> vector<2000x9xf32>
    %get3A_13 = arith.constant 0 : index
    %get3A_14 = arith.constant 0 : index
    %get3A_15 = vector.load %arg5[%get3A_13, %get3A_14] : memref<1x9xf32, #tpu.memory_space<vmem>>, vector<1x9xf32>
    %add3A_16 = vector.broadcast %get3A_15 : vector<1x9xf32> to vector<2000x9xf32>
    %add3A_17 = arith.addf %dot_general3A_12, %add3A_16 : vector<2000x9xf32>
    %neg3A = arith.constant 0.000000e+00 : f32
    %neg3A_18 = vector.broadcast %neg3A : f32 to vector<2000x9xf32>
    %neg3A_19 = arith.subf %neg3A_18, %add3A_17 : vector<2000x9xf32>
    %exp3A = math.exp %neg3A_19 : vector<2000x9xf32>
    %add3A_20 = arith.constant 1.000000e+00 : f32
    %add3A_21 = vector.broadcast %add3A_20 : f32 to vector<2000x9xf32>
    %add3A_22 = arith.addf %add3A_21, %exp3A : vector<2000x9xf32>
    %div3A = arith.constant 1.000000e+00 : f32
    %div3A_23 = vector.broadcast %div3A : f32 to vector<2000x9xf32>
    %div3A_24 = arith.divf %div3A_23, %add3A_22 : vector<2000x9xf32>
    %broadcast_in_dim3A = arith.constant 0.000000e+00 : f32
    %broadcast_in_dim3A_25 = vector.broadcast %broadcast_in_dim3A : f32 to vector<2000x7xf32>
    %concatenate3A = tpu.concatenate %add3A_8, %div3A_24, %broadcast_in_dim3A_25 in 1 : vector<2000x16xf32>, vector<2000x9xf32>, vector<2000x7xf32> -> vector<2000x32xf32>
    %swap3A = arith.constant 0 : index
    %swap3A_26 = arith.constant 0 : index
    %swap3A_27 = vector.load %arg6[%swap3A, %swap3A_26] : memref<2000x32xf32, #tpu.memory_space<vmem>>, vector<2000x32xf32>
    tpu.vector_store %arg6[%swap3A, %swap3A_26], %concatenate3A {strides = array<i32>} : memref<2000x32xf32, #tpu.memory_space<vmem>>, vector<2000x32xf32>,
    return
  }
  func.func @transform_0(%arg0: i32) -> (i32, i32) {
    %c0_i32 = arith.constant 0 : i32
    %c0_i32_0 = arith.constant 0 : i32
    return %arg0, %c0_i32 : i32, i32
  }
  func.func @transform_1(%arg0: i32) -> (i32, i32) {
    %c0_i32 = arith.constant 0 : i32
    %c0_i32_0 = arith.constant 0 : i32
    return %arg0, %c0_i32 : i32, i32
  }
  func.func @transform_2(%arg0: i32) -> (i32, i32) {
    %c0_i32 = arith.constant 0 : i32
    %c0_i32_0 = arith.constant 0 : i32
    return %arg0, %c0_i32 : i32, i32
  }
  func.func @transform_3(%arg0: i32) -> (i32, i32) {
    %c0_i32 = arith.constant 0 : i32
    %c0_i32_0 = arith.constant 0 : i32
    %c0_i32_1 = arith.constant 0 : i32
    return %c0_i32, %c0_i32_0 : i32, i32
  }
  func.func @transform_4(%arg0: i32) -> (i32, i32) {
    %c0_i32 = arith.constant 0 : i32
    %c0_i32_0 = arith.constant 0 : i32
    %c0_i32_1 = arith.constant 0 : i32
    return %c0_i32, %c0_i32_0 : i32, i32
  }
  func.func @transform_5(%arg0: i32) -> (i32, i32) {
    %c0_i32 = arith.constant 0 : i32
    %c0_i32_0 = arith.constant 0 : i32
    return %arg0, %c0_i32 : i32, i32
  }
}

module attributes {stable_mosaic.version = 14 : i64} {
  func.func @_readout_body(%arg0: i32, %arg1: memref<2000x32xf32, #tpu.memory_space<vmem>>, %arg2: memref<2000x16xf32, #tpu.memory_space<vmem>>, %arg3: memref<2000x16xf32, #tpu.memory_space<vmem>>, %arg4: memref<2000x1xi32, #tpu.memory_space<vmem>>, %arg5: memref<1x16xf32, #tpu.memory_space<vmem>>, %arg6: memref<16x64xf32, #tpu.memory_space<vmem>>, %arg7: memref<1x64xf32, #tpu.memory_space<vmem>>, %arg8: memref<64x64xf32, #tpu.memory_space<vmem>>, %arg9: memref<1x64xf32, #tpu.memory_space<vmem>>, %arg10: memref<64x1xf32, #tpu.memory_space<vmem>>, %arg11: memref<1x1xf32, #tpu.memory_space<vmem>>, %arg12: memref<1x1xf32, #tpu.memory_space<vmem>>, %arg13: memref<1x16xf32, #tpu.memory_space<vmem>>, %arg14: memref<1x1xf32, #tpu.memory_space<vmem>>) attributes {dimension_semantics = [#tpu.dimension_semantics<arbitrary>], iteration_bounds = array<i64: 25>, scalar_prefetch = 0 : i64, scratch_operands = 2 : i64, tpu.core_type = #tpu.core_type<tc>, window_params = [{transform_indices = @transform_0, window_bounds = array<i64: 2000, 32>}, {transform_indices = @transform_1, window_bounds = array<i64: 2000, 16>}, {transform_indices = @transform_2, window_bounds = array<i64: 2000, 16>}, {transform_indices = @transform_3, window_bounds = array<i64: 2000, 1>}, {pipeline_mode = #tpu.pipeline_mode<synchronous>, transform_indices = @transform_4, window_bounds = array<i64: 1, 16>}, {pipeline_mode = #tpu.pipeline_mode<synchronous>, transform_indices = @transform_5, window_bounds = array<i64: 16, 64>}, {pipeline_mode = #tpu.pipeline_mode<synchronous>, transform_indices = @transform_6, window_bounds = array<i64: 1, 64>}, {pipeline_mode = #tpu.pipeline_mode<synchronous>, transform_indices = @transform_7, window_bounds = array<i64: 64, 64>}, {pipeline_mode = #tpu.pipeline_mode<synchronous>, transform_indices = @transform_8, window_bounds = array<i64: 1, 64>}, {pipeline_mode = #tpu.pipeline_mode<synchronous>, transform_indices = @transform_9, window_bounds = array<i64: 64, 1>}, {pipeline_mode = #tpu.pipeline_mode<synchronous>, transform_indices = @transform_10, window_bounds = array<i64: 1, 1>}, {pipeline_mode = #tpu.pipeline_mode<synchronous>, transform_indices = @transform_11, window_bounds = array<i64: 1, 1>}]} {
    %eq3A = arith.constant 0 : i32
    %eq3A_0 = arith.cmpi eq, %arg0, %eq3A : i32
    %convert_element_type3A = arith.extui %eq3A_0 : i1 to i32
    %cond3A = arith.constant 0 : i32
    %cond3A_1 = arith.cmpi ne, %convert_element_type3A, %cond3A : i32
    scf.if %cond3A_1 {
      %broadcast_in_dim3A_47 = arith.constant 0.000000e+00 : f32
      %broadcast_in_dim3A_48 = vector.broadcast %broadcast_in_dim3A_47 : f32 to vector<1x16xf32>
      %swap3A_49 = arith.constant 0 : index
      %swap3A_50 = arith.constant 0 : index
      %swap3A_51 = vector.load %arg13[%swap3A_49, %swap3A_50] : memref<1x16xf32, #tpu.memory_space<vmem>>, vector<1x16xf32>
      tpu.vector_store %arg13[%swap3A_49, %swap3A_50], %broadcast_in_dim3A_48 {strides = array<i32>} : memref<1x16xf32, #tpu.memory_space<vmem>>, vector<1x16xf32>,
      %broadcast_in_dim3A_52 = arith.constant 0.000000e+00 : f32
      %broadcast_in_dim3A_53 = vector.broadcast %broadcast_in_dim3A_52 : f32 to vector<1x1xf32>
      %swap3A_54 = arith.constant 0 : index
      %swap3A_55 = arith.constant 0 : index
      %swap3A_56 = vector.load %arg14[%swap3A_54, %swap3A_55] : memref<1x1xf32, #tpu.memory_space<vmem>>, vector<1x1xf32>
      tpu.vector_store %arg14[%swap3A_54, %swap3A_55], %broadcast_in_dim3A_53 {strides = array<i32>} : memref<1x1xf32, #tpu.memory_space<vmem>>, vector<1x1xf32>,
    } else {
    }
    %get3A = arith.constant 0 : index
    %get3A_2 = arith.constant 0 : index
    %get3A_3 = vector.load %arg1[%get3A, %get3A_2] : memref<2000x32xf32, #tpu.memory_space<vmem>>, vector<2000x16xf32>
    %get3A_4 = arith.constant 0 : index
    %get3A_5 = arith.constant 0 : index
    %get3A_6 = vector.load %arg2[%get3A_4, %get3A_5] : memref<2000x16xf32, #tpu.memory_space<vmem>>, vector<2000x16xf32>
    %add3A = arith.addf %get3A_3, %get3A_6 : vector<2000x16xf32>
    %get3A_7 = arith.constant 0 : index
    %get3A_8 = arith.constant 0 : index
    %get3A_9 = vector.load %arg3[%get3A_7, %get3A_8] : memref<2000x16xf32, #tpu.memory_space<vmem>>, vector<2000x16xf32>
    %add3A_10 = arith.addf %add3A, %get3A_9 : vector<2000x16xf32>
    %get3A_11 = arith.constant 0 : index
    %get3A_12 = arith.constant 0 : index
    %get3A_13 = vector.load %arg13[%get3A_11, %get3A_12] : memref<1x16xf32, #tpu.memory_space<vmem>>, vector<1x16xf32>
    %reduce_sum3A = arith.constant dense<0.000000e+00> : vector<16xf32>
    %reduce_sum3A_14 = vector.multi_reduction <add>, %add3A_10, %reduce_sum3A [0] : vector<2000x16xf32> to vector<16xf32>
    %broadcast_in_dim3A = vector.shape_cast %reduce_sum3A_14 : vector<16xf32> to vector<1x16xf32>
    %add3A_15 = arith.addf %get3A_13, %broadcast_in_dim3A : vector<1x16xf32>
    %swap3A = arith.constant 0 : index
    %swap3A_16 = arith.constant 0 : index
    %swap3A_17 = vector.load %arg13[%swap3A, %swap3A_16] : memref<1x16xf32, #tpu.memory_space<vmem>>, vector<1x16xf32>
    tpu.vector_store %arg13[%swap3A, %swap3A_16], %add3A_15 {strides = array<i32>} : memref<1x16xf32, #tpu.memory_space<vmem>>, vector<1x16xf32>,
    %get3A_18 = arith.constant 0 : index
    %get3A_19 = arith.constant 0 : index
    %get3A_20 = vector.load %arg4[%get3A_18, %get3A_19] : memref<2000x1xi32, #tpu.memory_space<vmem>>, vector<2000x1xi32>
    %iota3A = tpu.iota {dimensions = array<i32: 1>} : vector<2000x16xi32>
    %eq3A_21 = vector.broadcast %get3A_20 : vector<2000x1xi32> to vector<2000x16xi32>
    %eq3A_22 = arith.cmpi eq, %eq3A_21, %iota3A : vector<2000x16xi32>
    %convert_element_type3A_23 = arith.extui %eq3A_22 : vector<2000x16xi1> to vector<2000x16xi32>
    %convert_element_type3A_24 = arith.sitofp %convert_element_type3A_23 : vector<2000x16xi32> to vector<2000x16xf32>
    %get3A_25 = arith.constant 0 : index
    %get3A_26 = arith.constant 0 : index
    %get3A_27 = vector.load %arg14[%get3A_25, %get3A_26] : memref<1x1xf32, #tpu.memory_space<vmem>>, vector<1x1xf32>
    %get3A_28 = arith.constant 0 : index
    %get3A_29 = arith.constant 0 : index
    %get3A_30 = vector.load %arg5[%get3A_28, %get3A_29] : memref<1x16xf32, #tpu.memory_space<vmem>>, vector<1x16xf32>
    %mul3A = vector.broadcast %get3A_30 : vector<1x16xf32> to vector<2000x16xf32>
    %mul3A_31 = arith.mulf %convert_element_type3A_24, %mul3A : vector<2000x16xf32>
    %reduce_sum3A_32 = vector.shape_cast %mul3A_31 : vector<2000x16xf32> to vector<1x2000x16xf32>
    %reduce_sum3A_33 = arith.constant dense<0.000000e+00> : vector<1xf32>
    %reduce_sum3A_34 = vector.multi_reduction <add>, %reduce_sum3A_32, %reduce_sum3A_33 [1, 2] : vector<1x2000x16xf32> to vector<1xf32>
    %reduce_sum3A_35 = vector.shape_cast %reduce_sum3A_34 : vector<1xf32> to vector<1x1x1xf32>
    %reduce_sum3A_36 = vector.extract %reduce_sum3A_35[0, 0, 0] : f32 from vector<1x1x1xf32>
    %add3A_37 = vector.broadcast %reduce_sum3A_36 : f32 to vector<1x1xf32>
    %add3A_38 = arith.addf %get3A_27, %add3A_37 : vector<1x1xf32>
    %swap3A_39 = arith.constant 0 : index
    %swap3A_40 = arith.constant 0 : index
    %swap3A_41 = vector.load %arg14[%swap3A_39, %swap3A_40] : memref<1x1xf32, #tpu.memory_space<vmem>>, vector<1x1xf32>
    tpu.vector_store %arg14[%swap3A_39, %swap3A_40], %add3A_38 {strides = array<i32>} : memref<1x1xf32, #tpu.memory_space<vmem>>, vector<1x1xf32>,
    %eq3A_42 = arith.constant 24 : i32
    %eq3A_43 = arith.cmpi eq, %arg0, %eq3A_42 : i32
    %convert_element_type3A_44 = arith.extui %eq3A_43 : i1 to i32
    %cond3A_45 = arith.constant 0 : i32
    %cond3A_46 = arith.cmpi ne, %convert_element_type3A_44, %cond3A_45 : i32
    scf.if %cond3A_46 {
      %get3A_47 = arith.constant 0 : index
      %get3A_48 = arith.constant 0 : index
      %get3A_49 = vector.load %arg13[%get3A_47, %get3A_48] : memref<1x16xf32, #tpu.memory_space<vmem>>, vector<1x16xf32>
      %div3A = arith.constant 5.000000e+04 : f32
      %div3A_50 = vector.broadcast %div3A : f32 to vector<1x16xf32>
      %div3A_51 = arith.divf %get3A_49, %div3A_50 : vector<1x16xf32>
      %get3A_52 = arith.constant 0 : index
      %get3A_53 = arith.constant 0 : index
      %get3A_54 = vector.load %arg6[%get3A_52, %get3A_53] : memref<16x64xf32, #tpu.memory_space<vmem>>, vector<16x64xf32>
      %dot_general3A = arith.constant dense<0.000000e+00> : vector<1x64xf32>
      %dot_general3A_55 = tpu.matmul %div3A_51, %get3A_54, %dot_general3A {dimension_numbers = #tpu.dot_dimension_numbers<[1], [0], [0], [1], [0, 0, 1, 1], [], []>, transpose_lhs_hint = false} : vector<1x16xf32>, vector<16x64xf32>, vector<1x64xf32> -> vector<1x64xf32>
      %get3A_56 = arith.constant 0 : index
      %get3A_57 = arith.constant 0 : index
      %get3A_58 = vector.load %arg7[%get3A_56, %get3A_57] : memref<1x64xf32, #tpu.memory_space<vmem>>, vector<1x64xf32>
      %add3A_59 = arith.addf %dot_general3A_55, %get3A_58 : vector<1x64xf32>
      %neg3A = arith.constant 0.000000e+00 : f32
      %neg3A_60 = vector.broadcast %neg3A : f32 to vector<1x64xf32>
      %neg3A_61 = arith.subf %neg3A_60, %add3A_59 : vector<1x64xf32>
      %exp3A = math.exp %neg3A_61 : vector<1x64xf32>
      %add3A_62 = arith.constant 1.000000e+00 : f32
      %add3A_63 = vector.broadcast %add3A_62 : f32 to vector<1x64xf32>
      %add3A_64 = arith.addf %add3A_63, %exp3A : vector<1x64xf32>
      %div3A_65 = arith.constant 1.000000e+00 : f32
      %div3A_66 = vector.broadcast %div3A_65 : f32 to vector<1x64xf32>
      %div3A_67 = arith.divf %div3A_66, %add3A_64 : vector<1x64xf32>
      %mul3A_68 = arith.mulf %add3A_59, %div3A_67 : vector<1x64xf32>
      %get3A_69 = arith.constant 0 : index
      %get3A_70 = arith.constant 0 : index
      %get3A_71 = vector.load %arg8[%get3A_69, %get3A_70] : memref<64x64xf32, #tpu.memory_space<vmem>>, vector<64x64xf32>
      %dot_general3A_72 = arith.constant dense<0.000000e+00> : vector<1x64xf32>
      %dot_general3A_73 = tpu.matmul %mul3A_68, %get3A_71, %dot_general3A_72 {dimension_numbers = #tpu.dot_dimension_numbers<[1], [0], [0], [1], [0, 0, 1, 1], [], []>, transpose_lhs_hint = false} : vector<1x64xf32>, vector<64x64xf32>, vector<1x64xf32> -> vector<1x64xf32>
      %get3A_74 = arith.constant 0 : index
      %get3A_75 = arith.constant 0 : index
      %get3A_76 = vector.load %arg9[%get3A_74, %get3A_75] : memref<1x64xf32, #tpu.memory_space<vmem>>, vector<1x64xf32>
      %add3A_77 = arith.addf %dot_general3A_73, %get3A_76 : vector<1x64xf32>
      %neg3A_78 = arith.constant 0.000000e+00 : f32
      %neg3A_79 = vector.broadcast %neg3A_78 : f32 to vector<1x64xf32>
      %neg3A_80 = arith.subf %neg3A_79, %add3A_77 : vector<1x64xf32>
      %exp3A_81 = math.exp %neg3A_80 : vector<1x64xf32>
      %add3A_82 = arith.constant 1.000000e+00 : f32
      %add3A_83 = vector.broadcast %add3A_82 : f32 to vector<1x64xf32>
      %add3A_84 = arith.addf %add3A_83, %exp3A_81 : vector<1x64xf32>
      %div3A_85 = arith.constant 1.000000e+00 : f32
      %div3A_86 = vector.broadcast %div3A_85 : f32 to vector<1x64xf32>
      %div3A_87 = arith.divf %div3A_86, %add3A_84 : vector<1x64xf32>
      %mul3A_88 = arith.mulf %add3A_77, %div3A_87 : vector<1x64xf32>
      %get3A_89 = arith.constant 0 : index
      %get3A_90 = arith.constant 0 : index
      %get3A_91 = vector.load %arg10[%get3A_89, %get3A_90] : memref<64x1xf32, #tpu.memory_space<vmem>>, vector<64x1xf32>
      %dot_general3A_92 = arith.constant dense<0.000000e+00> : vector<1x1xf32>
      %dot_general3A_93 = tpu.matmul %mul3A_88, %get3A_91, %dot_general3A_92 {dimension_numbers = #tpu.dot_dimension_numbers<[1], [0], [0], [1], [0, 0, 1, 1], [], []>, transpose_lhs_hint = false} : vector<1x64xf32>, vector<64x1xf32>, vector<1x1xf32> -> vector<1x1xf32>
      %get3A_94 = arith.constant 0 : index
      %get3A_95 = arith.constant 0 : index
      %get3A_96 = vector.load %arg11[%get3A_94, %get3A_95] : memref<1x1xf32, #tpu.memory_space<vmem>>, vector<1x1xf32>
      %add3A_97 = arith.addf %dot_general3A_93, %get3A_96 : vector<1x1xf32>
      %get3A_98 = arith.constant 0 : index
      %get3A_99 = arith.constant 0 : index
      %get3A_100 = vector.load %arg14[%get3A_98, %get3A_99] : memref<1x1xf32, #tpu.memory_space<vmem>>, vector<1x1xf32>
      %add3A_101 = arith.addf %add3A_97, %get3A_100 : vector<1x1xf32>
      %swap3A_102 = arith.constant 0 : index
      %swap3A_103 = arith.constant 0 : index
      %swap3A_104 = vector.load %arg12[%swap3A_102, %swap3A_103] : memref<1x1xf32, #tpu.memory_space<vmem>>, vector<1x1xf32>
      tpu.vector_store %arg12[%swap3A_102, %swap3A_103], %add3A_101 {strides = array<i32>} : memref<1x1xf32, #tpu.memory_space<vmem>>, vector<1x1xf32>,
    } else {
    }
    return
  }
  func.func @transform_0(%arg0: i32) -> (i32, i32) {
    %c0_i32 = arith.constant 0 : i32
    %c0_i32_0 = arith.constant 0 : i32
    return %arg0, %c0_i32 : i32, i32
  }
  func.func @transform_1(%arg0: i32) -> (i32, i32) {
    %c0_i32 = arith.constant 0 : i32
    %c0_i32_0 = arith.constant 0 : i32
    return %arg0, %c0_i32 : i32, i32
  }
  func.func @transform_2(%arg0: i32) -> (i32, i32) {
    %c0_i32 = arith.constant 0 : i32
    %c0_i32_0 = arith.constant 0 : i32
    return %arg0, %c0_i32 : i32, i32
  }
  func.func @transform_3(%arg0: i32) -> (i32, i32) {
    %c0_i32 = arith.constant 0 : i32
    %c0_i32_0 = arith.constant 0 : i32
    return %arg0, %c0_i32 : i32, i32
  }
  func.func @transform_4(%arg0: i32) -> (i32, i32) {
    %c0_i32 = arith.constant 0 : i32
    %c0_i32_0 = arith.constant 0 : i32
    %c0_i32_1 = arith.constant 0 : i32
    return %c0_i32, %c0_i32_0 : i32, i32
  }
  func.func @transform_5(%arg0: i32) -> (i32, i32) {
    %c0_i32 = arith.constant 0 : i32
    %c0_i32_0 = arith.constant 0 : i32
    %c0_i32_1 = arith.constant 0 : i32
    return %c0_i32, %c0_i32_0 : i32, i32
  }
  func.func @transform_6(%arg0: i32) -> (i32, i32) {
    %c0_i32 = arith.constant 0 : i32
    %c0_i32_0 = arith.constant 0 : i32
    %c0_i32_1 = arith.constant 0 : i32
    return %c0_i32, %c0_i32_0 : i32, i32
  }
  func.func @transform_7(%arg0: i32) -> (i32, i32) {
    %c0_i32 = arith.constant 0 : i32
    %c0_i32_0 = arith.constant 0 : i32
    %c0_i32_1 = arith.constant 0 : i32
    return %c0_i32, %c0_i32_0 : i32, i32
  }
  func.func @transform_8(%arg0: i32) -> (i32, i32) {
    %c0_i32 = arith.constant 0 : i32
    %c0_i32_0 = arith.constant 0 : i32
    %c0_i32_1 = arith.constant 0 : i32
    return %c0_i32, %c0_i32_0 : i32, i32
  }
  func.func @transform_9(%arg0: i32) -> (i32, i32) {
    %c0_i32 = arith.constant 0 : i32
    %c0_i32_0 = arith.constant 0 : i32
    %c0_i32_1 = arith.constant 0 : i32
    return %c0_i32, %c0_i32_0 : i32, i32
  }
  func.func @transform_10(%arg0: i32) -> (i32, i32) {
    %c0_i32 = arith.constant 0 : i32
    %c0_i32_0 = arith.constant 0 : i32
    %c0_i32_1 = arith.constant 0 : i32
    return %c0_i32, %c0_i32_0 : i32, i32
  }
  func.func @transform_11(%arg0: i32) -> (i32, i32) {
    %c0_i32 = arith.constant 0 : i32
    %c0_i32_0 = arith.constant 0 : i32
    %c0_i32_1 = arith.constant 0 : i32
    return %c0_i32, %c0_i32_0 : i32, i32
  }
}

</mosaic_0001>

<sc_bundles>
// kernel: kernel.20.cloned.1.call-start
scs
__scs_entry_jumppad:
0x0: {  	(pc) =	sbr.rel $0x88, $3  }
0x1: {  	(tag) =	ssettag $0x0;
	lr =	simm.s32 $0x1  }
0x2: {  	[smem:$0x3F78] =	sst lr;
	_ =	strace $0xD0000000  }
0x3: {  	_ = 	snop  }
0x4: {  	_ = 	snop  }
0x5: {  	_ = 	snop  }
0x6: {  	_ = 	snop  }
0x7: {  	_ = 	snop  }
__scs_overlays_trampoline_lowered:
0x8: {  	[smem:$0x3F87] =	sst s0  }
0x9: {  	[smem:$0x3F88] =	sst s1  }
0xa: {  	[smem:$0x3F89] =	sst s2  }
0xb: {  	[smem:$0x3F8A] =	sst s3  }
0xc: {  	[smem:$0x3F8B] =	sst s4  }
0xd: {  	[smem:$0x3F8C] =	sst s5  }
0xe: {  	[smem:$0x3F8D] =	sst s6  }
0xf: {  	[smem:$0x3F8E] =	sst s7  }
0x10: {  	[smem:$0x3F8F] =	sst s8  }
0x11: {  	[smem:$0x3F90] =	sst s9;
	s0 =	simm.s32 @!p0 $0x0  }
0x12: {  	s1 =	sld [smem:$0x3F76];
	s0 =	simm.s32 @p0 $0x1  }
0x13: {  	[smem:$0x3F91] =	sst s0;
	s0 =	simm.s32 @!p1 $0x0  }
0x14: {  	s2 =	sld [smem:$0x3F75];
	s0 =	simm.s32 @p1 $0x1  }
0x15: {  	[smem:$0x3F92] =	sst s0;
	s0 =	simm.s32 @!p2 $0x0  }
0x16: {  	s3 =	sld [smem:$0x3FDB];
	s0 =	simm.s32 @p2 $0x1  }
0x17: {  	s4 =	simm.s32 $0x1BF5;
	[smem:$0x3F94] =	sst s0  }
0x18: {  	s0 =	sld [smem:$0x3F77];
	_ =	swait.ge [sflag:s4], $0x0  }
0x19: {  	s7 =	sld [smem:$0x3F78]  }
0x1a: {  	s8 =	sadd.s32 $0xFFFFE003, lr  }
0x1b: {  	s9 =	sadd.s32 $0xFFFFFEF7, lr;
	s5 =	simm.s32 $0xFFFFFFFF;
	p2 =	slt.u32 s8, $0xFFFFF086  }
0x1c: {  	p1 =	slt.u32 s9, $0xF7A;
	s5 =	simm.s32 @!p2 $0x0  }
0x1d: {  	s5 =	simm.s32 @p1 $0x1;
	p0 =	seq.s32 s7, s2  }
0x1e: {  	s7 =	smul.u32 @!p0 $0xF7A, s2;
	p2 =	seq.s32 @!p0 s5, $0x0  }
0x1f: {  	s9 =	smul.u32 $0xF7A, s1;
	s8 =	simm.s32 @!p0 $0x1BF5;
	p2 =	por !p2, p0  }
0x20: {  	[sflag:s8] =	ssyncset.s32 @!p0 $0xFFFFF086;
	s6 =	sadd.s32 @!p0 s3, s7;
	s7 =	simm.s32 @!p0 $0x108  }
0x21: {  	s3 =	sadd.s32 s3, s9;
	s6 =	sadd.s32 @!p0 $0x88, s6;
	s7 =	simm.s32 @p2 $0x1082  }
0x22: {  	[simem:s7], [sflag:s8] =	dma.local @!p0 [hbm:s6], $0xF7A  }
0x23: {  	s9 =	sor.u32 $0xD0000000, s2;
	s6 =	simm.s32 $0x108;
	_ =	swait.ge @!p0 [sflag:s8], $0x0  }
0x24: {  	s3 =	sadd.s32 $0x88, s3;
	s6 =	simm.s32 @!p1 $0x1082;
	[sflag:s4] =	ssyncset.s32 $0xFFFFF086  }
0x25: {  	[simem:s6], [sflag:s4] =	dma.local [hbm:s3], $0xF7A  }
0x26: {  	[smem:$0x3F78] =	sst s1;
	(tag) =	ssettag s2;
	_ =	strace s9  }
0x27: {  	s1 =	sld [smem:$0x3F88]  }
0x28: {  	s2 =	sld [smem:$0x3F89]  }
0x29: {  	s4 =	sld [smem:$0x3F8B]  }
0x2a: {  	p0 =	seq.s32 s5, $0x0;
	s5 =	sld [smem:$0x3F8C]  }
0x2b: {  	s6 =	sld [smem:$0x3F8D]  }
0x2c: {  	s7 =	sld [smem:$0x3F8E]  }
0x2d: {  	s3 =	simm.s32 $0x108;
	s8 =	sld [smem:$0x3F8F]  }
0x2e: {  	s3 =	simm.s32 @!p0 $0x1082;
	s9 =	sld [smem:$0x3F90]  }
0x2f: {  	lr =	sadd.s32 s0, s3;
	s0 =	sld [smem:$0x3F87]  }
0x30: {  	s3 =	sld [smem:$0x3F8A]  }
0x31: {  	[smem:$0x3F93] =	sst s10  }
0x32: {  	s10 =	sld [smem:$0x3F91];
	_ =	sdelay $0x3  }
0x33: {  	p0 =	seq.s32 s10, $0x1;
	s10 =	sld [smem:$0x3F93];
	_ =	sdelay $0x3  }
0x34: {  	[smem:$0x3F93] =	sst s10  }
0x35: {  	s10 =	sld [smem:$0x3F92];
	_ =	sdelay $0x3  }
0x36: {  	p1 =	seq.s32 s10, $0x1;
	s10 =	sld [smem:$0x3F93];
	_ =	sdelay $0x3  }
0x37: {  	[smem:$0x3F93] =	sst s10  }
0x38: {  	s10 =	sld [smem:$0x3F94]  }
0x39: {  	_ = 	snop;
	(pc) =	sbr.ind lr, $3  }
0x3a: {  	_ = 	snop  }
0x3b: {  	_ = 	snop  }
0x3c: {  	p2 =	seq.s32 s10, $0x1;
	s10 =	sld [smem:$0x3F93]  }
0x3d: {  	_ =	shalt  }
0x3e: {  	_ =	shalt  }
0x3f: {  	_ =	shalt  }
0x40: {  	_ =	shalt  }
0x41: {  	_ =	shalt  }
0x42: {  	_ =	shalt  }
0x43: {  	_ =	shalt  }
0x44: {  	_ =	shalt  }
0x45: {  	_ =	shalt  }
0x46: {  	_ =	shalt  }
0x47: {  	_ =	shalt  }
0x48: {  	_ =	shalt  }
0x49: {  	_ =	shalt  }
0x4a: {  	_ =	shalt  }
0x4b: {  	_ =	shalt  }
0x4c: {  	_ =	shalt  }
0x4d: {  	_ =	shalt  }
0x4e: {  	_ =	shalt  }
0x4f: {  	_ =	shalt  }
0x50: {  	_ =	shalt  }
0x51: {  	_ =	shalt  }
0x52: {  	_ =	shalt  }
0x53: {  	_ =	shalt  }
0x54: {  	_ =	shalt  }
0x55: {  	_ =	shalt  }
0x56: {  	_ =	shalt  }
0x57: {  	_ =	shalt  }
0x58: {  	_ =	shalt  }
0x59: {  	_ =	shalt  }
0x5a: {  	_ =	shalt  }
0x5b: {  	_ =	shalt  }
0x5c: {  	_ =	shalt  }
0x5d: {  	_ =	shalt  }
0x5e: {  	_ =	shalt  }
0x5f: {  	_ =	shalt  }
0x60: {  	_ =	shalt  }
0x61: {  	_ =	shalt  }
0x62: {  	_ =	shalt  }
0x63: {  	_ =	shalt  }
0x64: {  	_ =	shalt  }
0x65: {  	_ =	shalt  }
0x66: {  	_ =	shalt  }
0x67: {  	_ =	shalt  }
0x68: {  	_ =	shalt  }
0x69: {  	_ =	shalt  }
0x6a: {  	_ =	shalt  }
0x6b: {  	_ =	shalt  }
0x6c: {  	_ =	shalt  }
0x6d: {  	_ =	shalt  }
0x6e: {  	_ =	shalt  }
0x6f: {  	_ =	shalt  }
0x70: {  	_ =	shalt  }
0x71: {  	_ =	shalt  }
0x72: {  	_ =	shalt  }
0x73: {  	_ =	shalt  }
0x74: {  	_ =	shalt  }
0x75: {  	_ =	shalt  }
0x76: {  	_ =	shalt  }
0x77: {  	_ =	shalt  }
0x78: {  	_ =	shalt  }
0x79: {  	_ =	shalt  }
0x7a: {  	_ =	shalt  }
0x7b: {  	_ =	shalt  }
0x7c: {  	_ =	shalt  }
0x7d: {  	_ =	shalt  }
0x7e: {  	_ =	shalt  }
0x7f: {  	_ =	shalt  }
0x80: {  	_ =	shalt  }
0x81: {  	_ =	shalt  }
0x82: {  	_ =	shalt  }
0x83: {  	_ =	shalt  }
0x84: {  	_ =	shalt  }
0x85: {  	_ =	shalt  }
0x86: {  	_ =	shalt  }
0x87: {  	_ =	shalt  }
.Lfunc_end0:
.L_simem_size_0:
called_computation_lowered:
.L_overlay_start_0:
0x88: {  	s2 =	sld [smem:$0x3FD9]  }
0x89: {  	s3 =	sld [smem:$0x3FFE];
	_ =	sdelay $0x1  }
0x8a: {  	s1 =	srdreg.scid  }
0x8b: {  	s0 =	sand.u32 $0x1, s1  }
0x8c: {  	s16 =	sshll.u32 s0, $0xA;
	s2 =	sadd.s32 s3, s2  }
0x8d: {  	s2 =	sadd.s32 s2, s16  }
0x8e: {  	[smem:$0x3F9F] =	sst s2  }
0x8f: {  	_ = 	snop  }
0x90: {  	(tm) =	ssettm $0x1  }
0x91: {  	s17 =	sld [smem:$0x3FFB];
	_ =	sdelay $0x3  }
0x92: {  	_ =	strace s17  }
0x93: {  	s2 =	sld [smem:$0x3FFC];
	_ =	sdelay $0x3  }
0x94: {  	_ =	strace s2  }
0x95: {  	s2 =	sld [smem:$0x3FFD];
	_ =	sdelay $0x3  }
0x96: {  	_ =	strace s2  }
0x97: {  	_ =	strace $0x8FFFFFFF  }
0x98: {  	s18 =	sld [smem:$0x3FDB];
	_ =	sdelay $0x1  }
0x99: {  	s19 =	simm.s32 $_scs_section_size  }
0x9a: {  	s4 =	simm.s32 $_size__tile_overlayer_lowered;
	s5 =	simm.s32 $_tile_overlayer_lowered  }
0x9b: {  	s22 =	simm.s32 $0x1BFF;
	s21 =	sshll.u32 s5, $0x1;
	s2 =	sadd.s32 s19, s18  }
0x9c: {  	s6 =	simm.s32 $0x0;
	s20 =	sshll.u32 s4, $0x1;
	s4 =	sadd.s32 s21, s2  }
0x9d: {  	[timem:s6], [sflag:s22] =	dma.local [hbm:s4], s20  }
0x9e: {  	_ =	swait.ge [sflag:s22], s20  }
0x9f: {  	s3 =	ssub.s32 $0x0, s20;
	[sflag:s22] =	ssyncset.done $0x0  }
0xa0: {  	[sflag:s22] =	ssyncadd.s32 s3;
	_ =	sdelay $0x1  }
0xa1: {  	s23 =	simm.s32 $0x1B8B  }
0xa2: {  	_ =	swait.ge [sflag:s23], $0x1  }
0xa3: {  	[sflag:s23] =	ssyncset.done $0x0  }
0xa4: {  	s25 =	simm.s32 $0x1B8E;
	s24 =	sld [smem:$0x3FFE];
	[sflag:s23] =	ssyncadd.s32 $0xFFFFFFFF  }
0xa5: {  	s26 =	simm.s32 $execute0_lowered;
	[smem:$0x3FD2] =	sst s25  }
0xa6: {  	s4 =	sshll.u32 s26, $0x1;
	_ =	strace $0x80000046;
	[dreg:$0x1] =	wrdreg $0xFFFFFFFF  }
0xa7: {  	s28 =	simm.s32 $_size_execute0_lowered;
	s2 =	sadd.s32 s2, s4;
	[dreg:$0x0] =	wrdreg $0x0  }
0xa8: {  	s4 =	sshll.u32 s28, $0x1;
	[dreg:$0x2] =	wrdreg s2  }
0xa9: {  	[dreg:$0x3] =	wrdreg s4  }
0xaa: {  	[dreg:$0x4] =	wrdreg $0xC0  }
0xab: {  	_ =	task [dreg:s6], $0x5FFFF  }
0xac: {  	[dreg:$0x1] =	wrdreg $0xFFFFFFFF  }
0xad: {  	[dreg:$0x0] =	wrdreg $0x60  }
0xae: {  	[dreg:$0x2] =	wrdreg s24  }
0xaf: {  	[dreg:$0x3] =	wrdreg $0x9  }
0xb0: {  	_ =	task.clear_ibuf [dreg:s6], $0x4FFFF;
	_ =	strace $0x90000046  }
0xb1: {  	s29 =	simm.s32 $0x9;
	_ =	strace $0x80000048  }
0xb2: {  	_ =	swait.ge [sflag:s29], $0x1  }
0xb3: {  	[sflag:s29] =	ssyncadd.s32 $0xFFFFFFFF  }
0xb4: {  	_ =	strace $0x90000048  }
0xb5: {  	_ =	sfence  }
0xb6: {  	s30 =	sld [smem:$0x0];
	_ =	sdelay $0x2  }
0xb7: {  	s31 =	sshll.u32 s1, $0xD;
	s1 =	sshrl.u32 s1, $0x2  }
0xb8: {  	s3 =	sand.u32 $0x4000, s31;
	s1 =	sadd.s32 s1, s30  }
0xb9: {  	s0 =	sor.u32 s3, s0;
	s1 =	sshll.u32 s1, $0x11  }
0xba: {  	s0 =	sor.u32 s1, s0  }
0xbb: {  	s0 =	sadd.s32 $0x8F2B, s0  }
0xbc: {  	[sflag:s0] =	ssyncadd.remote.s32 $0x1  }
0xbd: {  	_ =	sfence.sel $0xFFFF  }
0xbe: {  	[dreg:$0x0] =	wrdreg $0xFFFFFFFF;
	(pc) =	sbr.abs _section_cstart, $3  }
0xbf: {  	[dreg:$0x1] =	wrdreg $0xFFFFFFFF  }
0xc0: {  	_ =	task.clear_ibuf [dreg:s6], $0x2FFFF;
	_ =	strace $0x9FFFFFFF  }
0xc1: {  	(tm) =	ssettm $0x7FFFFFFF  }
tec
execute0_lowered:
.L_overlay_start_1:
0x0: {  	(tag) =	ssettag $0x1  }
0x1: {  	s4 =	rddreg [dreg:$0x0]  }
0x2: {  	s1 =	srdreg.scid;
	s0 =	rddreg [dreg:$0x1]  }
0x3: {  	s2 =	simm.s32 $0x0;
	s11 =	simm.s32 $0x1;
	s5 =	sand.u32 $0x1, s1  }
0x4: {  	s12 =	simm.s32 $0x0;
	s1 =	stileid.u32;
	s6 =	smul.u32 $0x61A80, s5  }
0x5: {  	[smem:$0x7FF] =	sst s2;
	s3 =	sadd.s32 $0x101000, s4;
	s7 =	smul.u32 $0x61A8, s1  }
0x6: {  	_ =	strace $0x80000047;
	s8 =	smul.u32 $0xC3500, s5;
	s5 =	ssub.s32 $0x2, s5  }
0x7: {  	s29 =	smul.u32 $0xC350, s1;
	s9 =	sshrl.u32 s5, $0x1;
	s6 =	sadd.s32 s7, s6  }
0x8: {  	s8 =	sadd.s32 s8, s4;
	s30 =	ssub.s32 s5, s9;
	s6 =	sshrl.u32 s6, $0x3  }
0x9: {  	s9 =	simm.s32 $0x2;
	s31 =	sadd.s32 s29, s8;
	s10 =	sadd.s32 s6, s4  }
0xa: {  	s4 =	smax.u32 s30, $0x1;
	s5 =	sadd.s32 $0x119800, s31;
	s6 =	sadd.s32 $0x2A0200, s31  }
0xb: {  	s7 =	sadd.s32 $0x25200, s10;
	s8 =	sadd.s32 $0xCA00, s10;
	s10 =	simm.s32 $0x3E8  }
.LBB2_1:
0xc: {  	s13 =	sadd.s32 $0x0, s8  }
0xd: {  	[tilespmem:s2], [sflag:$0x2] =	stream.linear.gather [hbm4b:s13+s2], $0x3E8, $0x38;
	[tilespmem:$0x4268] =	vst v63  }
0xe: {  	_ =	swait.ge [sflag:s9], $0x3E8  }
0xf: {  	[sflag:s9] =	ssyncset.done $0x0  }
0x10: {  	[sflag:s9] =	ssyncadd.s32 $0xFFFFFC18  }
0x11: {  	[tilespmem:s10], [sflag:$0x1] =	stream.indirect.gather [hbm4b:s3+s10], $0x10, s2, s10, $0xb8;
	[tilespmem:$0x4268] =	vst v63  }
0x12: {  	_ =	swait.ge [sflag:s11], $0x3E80  }
0x13: {  	[sflag:s11] =	ssyncset.done $0x0  }
0x14: {  	[sflag:s11] =	ssyncadd.s32 $0xFFFFC180  }
0x15: {  	[hbm4b:s6+s2] =	stream.linear.scatter [tilespmem:s10], [sflag:$0x2], $0x3E80, $0x38;
	[tilespmem:$0x4268] =	vst v63  }
0x16: {  	_ =	swait.ge [sflag:s9], $0x3E80  }
0x17: {  	[sflag:s9] =	ssyncset.done $0x0  }
0x18: {  	s31 =	sadd.s32 $0x0, s7;
	[sflag:s9] =	ssyncadd.s32 $0xFFFFC180  }
0x19: {  	[tilespmem:s2], [sflag:$0x2] =	stream.linear.gather [hbm4b:s31+s2], $0x3E8, $0x38;
	[tilespmem:$0x4268] =	vst v63  }
0x1a: {  	_ =	swait.ge [sflag:s9], $0x3E8  }
0x1b: {  	[sflag:s9] =	ssyncset.done $0x0  }
0x1c: {  	[sflag:s9] =	ssyncadd.s32 $0xFFFFFC18  }
0x1d: {  	[tilespmem:s10], [sflag:$0x1] =	stream.indirect.gather [hbm4b:s3+s10], $0x10, s2, s10, $0xb8;
	[tilespmem:$0x4268] =	vst v63  }
0x1e: {  	_ =	swait.ge [sflag:s11], $0x3E80  }
0x1f: {  	[sflag:s11] =	ssyncset.done $0x0  }
0x20: {  	[sflag:s11] =	ssyncadd.s32 $0xFFFFC180  }
0x21: {  	[hbm4b:s5+s2] =	stream.linear.scatter [tilespmem:s10], [sflag:$0x2], $0x3E80, $0x38;
	[tilespmem:$0x4268] =	vst v63  }
0x22: {  	s14 =	simm.s32 $0x7D;
	s16 =	simm.s32 $0xFA;
	_ =	swait.ge [sflag:s9], $0x3E80  }
0x23: {  	s15 =	sadd.s32 $0x7D0, s6;
	s13 =	sadd.s32 $0x7D0, s5;
	[sflag:s9] =	ssyncset.done $0x0  }
.LBB2_2:
0x24: {  	s17 =	sadd.s32 s14, s8  }
0x25: {  	[sflag:s9] =	ssyncadd.s32 $0xFFFFC180;
	s18 =	smov.u32 s16;
	s19 =	sadd.s32 $0x7D, s16  }
0x26: {  	[tilespmem:s2], [sflag:$0x2] =	stream.linear.gather [hbm4b:s17+s2], $0x3E8, $0x38;
	[tilespmem:$0x4268] =	vst v63  }
0x27: {  	p0 =	sne.s32 s16, $0xBB8;
	_ =	swait.ge [sflag:s9], $0x3E8  }
0x28: {  	[sflag:s9] =	ssyncset.done $0x0  }
0x29: {  	[sflag:s9] =	ssyncadd.s32 $0xFFFFFC18  }
0x2a: {  	[tilespmem:s10], [sflag:$0x1] =	stream.indirect.gather [hbm4b:s3+s10], $0x10, s2, s10, $0xb8;
	[tilespmem:$0x4268] =	vst v63  }
0x2b: {  	_ =	swait.ge [sflag:s11], $0x3E80  }
0x2c: {  	[sflag:s11] =	ssyncset.done $0x0  }
0x2d: {  	[sflag:s11] =	ssyncadd.s32 $0xFFFFC180  }
0x2e: {  	[hbm4b:s15+s2] =	stream.linear.scatter [tilespmem:s10], [sflag:$0x2], $0x3E80, $0x38;
	[tilespmem:$0x4268] =	vst v63  }
0x2f: {  	_ =	swait.ge [sflag:s9], $0x3E80  }
0x30: {  	[sflag:s9] =	ssyncset.done $0x0  }
0x31: {  	s16 =	sadd.s32 s14, s7;
	s14 =	smov.u32 s18;
	[sflag:s9] =	ssyncadd.s32 $0xFFFFC180  }
0x32: {  	[tilespmem:s2], [sflag:$0x2] =	stream.linear.gather [hbm4b:s16+s2], $0x3E8, $0x38;
	[tilespmem:$0x4268] =	vst v63  }
0x33: {  	_ =	swait.ge [sflag:s9], $0x3E8  }
0x34: {  	[sflag:s9] =	ssyncset.done $0x0  }
0x35: {  	[sflag:s9] =	ssyncadd.s32 $0xFFFFFC18  }
0x36: {  	[tilespmem:s10], [sflag:$0x1] =	stream.indirect.gather [hbm4b:s3+s10], $0x10, s2, s10, $0xb8;
	[tilespmem:$0x4268] =	vst v63  }
0x37: {  	_ =	swait.ge [sflag:s11], $0x3E80  }
.Ltmp0:
0x38: {  	[sflag:s11] =	ssyncset.done $0x0;
	(pc) =	sbr.rel @p0 .LBB2_2-.Ltmp0, $4  }
0x39: {  	[sflag:s11] =	ssyncadd.s32 $0xFFFFC180  }
0x3a: {  	[hbm4b:s13+s2] =	stream.linear.scatter [tilespmem:s10], [sflag:$0x2], $0x3E80, $0x38;
	[tilespmem:$0x4268] =	vst v63  }
0x3b: {  	s15 =	sadd.s32 $0x7D0, s15;
	_ =	swait.ge [sflag:s9], $0x3E80  }
0x3c: {  	s16 =	smov.u32 s19;
	s13 =	sadd.s32 $0x7D0, s13;
	[sflag:s9] =	ssyncset.done $0x0  }
0x3d: {  	s16 =	sadd.s32 s14, s8;
	[sflag:s9] =	ssyncadd.s32 $0xFFFFC180  }
0x3e: {  	[tilespmem:s2], [sflag:$0x2] =	stream.linear.gather [hbm4b:s16+s2], $0x3E8, $0x38;
	[tilespmem:$0x4268] =	vst v63  }
0x3f: {  	_ =	swait.ge [sflag:s9], $0x3E8  }
0x40: {  	[sflag:s9] =	ssyncset.done $0x0  }
0x41: {  	[sflag:s9] =	ssyncadd.s32 $0xFFFFFC18  }
0x42: {  	[tilespmem:s10], [sflag:$0x1] =	stream.indirect.gather [hbm4b:s3+s10], $0x10, s2, s10, $0xb8;
	[tilespmem:$0x4268] =	vst v63  }
0x43: {  	_ =	swait.ge [sflag:s11], $0x3E80  }
0x44: {  	[sflag:s11] =	ssyncset.done $0x0  }
0x45: {  	[sflag:s11] =	ssyncadd.s32 $0xFFFFC180  }
0x46: {  	[hbm4b:s15+s2] =	stream.linear.scatter [tilespmem:s10], [sflag:$0x2], $0x3E80, $0x38;
	[tilespmem:$0x4268] =	vst v63  }
0x47: {  	_ =	swait.ge [sflag:s9], $0x3E80  }
0x48: {  	[sflag:s9] =	ssyncset.done $0x0  }
0x49: {  	s31 =	sadd.s32 s14, s7;
	[sflag:s9] =	ssyncadd.s32 $0xFFFFC180  }
0x4a: {  	[tilespmem:s2], [sflag:$0x2] =	stream.linear.gather [hbm4b:s31+s2], $0x3E8, $0x38;
	[tilespmem:$0x4268] =	vst v63  }
0x4b: {  	_ =	swait.ge [sflag:s9], $0x3E8  }
0x4c: {  	[sflag:s9] =	ssyncset.done $0x0  }
0x4d: {  	[sflag:s9] =	ssyncadd.s32 $0xFFFFFC18  }
0x4e: {  	[tilespmem:s10], [sflag:$0x1] =	stream.indirect.gather [hbm4b:s3+s10], $0x10, s2, s10, $0xb8;
	[tilespmem:$0x4268] =	vst v63  }
0x4f: {  	s12 =	sadd.s32 $0x1, s12;
	_ =	swait.ge [sflag:s11], $0x3E80  }
0x50: {  	p0 =	sne.s32 s12, s4;
	[sflag:s11] =	ssyncset.done $0x0  }
.Ltmp1:
0x51: {  	[sflag:s11] =	ssyncadd.s32 $0xFFFFC180;
	(pc) =	sbr.rel @p0 .LBB2_1-.Ltmp1, $4  }
0x52: {  	[hbm4b:s13+s2] =	stream.linear.scatter [tilespmem:s10], [sflag:$0x2], $0x3E80, $0x38;
	[tilespmem:$0x4268] =	vst v63  }
0x53: {  	_ =	swait.ge [sflag:s9], $0x3E80  }
0x54: {  	[sflag:s9] =	ssyncset.done $0x0  }
0x55: {  	[sflag:s9] =	ssyncadd.s32 $0xFFFFC180  }
0x56: {  	_ =	sfence.sel $0x180000  }
0x57: {  	[bflag:$0x0] =	sbarrier.arrive $0xFFFF  }
0x58: {  	p0 =	sne.s32 s1, $0x0;
	_ =	strace $0x90000047  }
0x59: {  	s0 =	sadd.s32 @!p0 $0x100000, s0;
	[bflag:$0x2] =	sbarrier.arrive $0xFFFF  }
0x5a: {  	[sflag:s0] =	ssyncadd.tile.s32 @!p0 $0x1;
	_ =	shalt  }
.Lfunc_end2:
_tile_overlayer_lowered:
.L_overlay_start_2:
0x5b: {  	(tag) =	ssettag $0x2  }
0x5c: {  	s0 =	rddreg [dreg:$0x0];
	s2 =	stileid.u32  }
0x5d: {  	s1 =	rddreg [dreg:$0x1];
	p0 =	sne.s32 s2, $0x0  }
0x5e: {  	s3 =	rddreg [dreg:$0x2];
	[bflag:$0x3] =	sbarrier.arrive $0xFFFF;
	s2 =	simm.s32 @!p0 $0x1C02  }
0x5f: {  	[timem:s3], [sflag:s2] =	dma.local @!p0 [hbm:s0], s1  }
0x60: {  	s0 =	simm.s32 @!p0 $0x2  }
0x61: {  	_ =	swait.ge @!p0 [sflag:s0], s1  }
0x62: {  	s1 =	ssub.s32 @!p0 $0x0, s1;
	[sflag:s0] =	ssyncset.done @!p0 $0x0  }
0x63: {  	[sflag:s0] =	ssyncadd.s32 @!p0 s1  }
0x64: {  	[bflag:$0x3] =	sbarrier.arrive $0xFFFF  }
0x65: {  	_ =	shalt  }

// kernel: kernel.23.cloned.1.call-start
scs
__scs_entry_jumppad:
0x0: {  	(pc) =	sbr.rel $0x88, $3  }
0x1: {  	(tag) =	ssettag $0x0;
	lr =	simm.s32 $0x1  }
0x2: {  	[smem:$0x3F78] =	sst lr;
	_ =	strace $0xD0000000  }
0x3: {  	_ = 	snop  }
0x4: {  	_ = 	snop  }
0x5: {  	_ = 	snop  }
0x6: {  	_ = 	snop  }
0x7: {  	_ = 	snop  }
__scs_overlays_trampoline_lowered:
0x8: {  	[smem:$0x3F87] =	sst s0  }
0x9: {  	[smem:$0x3F88] =	sst s1  }
0xa: {  	[smem:$0x3F89] =	sst s2  }
0xb: {  	[smem:$0x3F8A] =	sst s3  }
0xc: {  	[smem:$0x3F8B] =	sst s4  }
0xd: {  	[smem:$0x3F8C] =	sst s5  }
0xe: {  	[smem:$0x3F8D] =	sst s6  }
0xf: {  	[smem:$0x3F8E] =	sst s7  }
0x10: {  	[smem:$0x3F8F] =	sst s8  }
0x11: {  	[smem:$0x3F90] =	sst s9;
	s0 =	simm.s32 @!p0 $0x0  }
0x12: {  	s1 =	sld [smem:$0x3F76];
	s0 =	simm.s32 @p0 $0x1  }
0x13: {  	[smem:$0x3F91] =	sst s0;
	s0 =	simm.s32 @!p1 $0x0  }
0x14: {  	s2 =	sld [smem:$0x3F75];
	s0 =	simm.s32 @p1 $0x1  }
0x15: {  	[smem:$0x3F92] =	sst s0;
	s0 =	simm.s32 @!p2 $0x0  }
0x16: {  	s3 =	sld [smem:$0x3FDB];
	s0 =	simm.s32 @p2 $0x1  }
0x17: {  	s4 =	simm.s32 $0x1BF5;
	[smem:$0x3F94] =	sst s0  }
0x18: {  	s0 =	sld [smem:$0x3F77];
	_ =	swait.ge [sflag:s4], $0x0  }
0x19: {  	s7 =	sld [smem:$0x3F78]  }
0x1a: {  	s8 =	sadd.s32 $0xFFFFE003, lr  }
0x1b: {  	s9 =	sadd.s32 $0xFFFFFEF7, lr;
	s5 =	simm.s32 $0xFFFFFFFF;
	p2 =	slt.u32 s8, $0xFFFFF086  }
0x1c: {  	p1 =	slt.u32 s9, $0xF7A;
	s5 =	simm.s32 @!p2 $0x0  }
0x1d: {  	s5 =	simm.s32 @p1 $0x1;
	p0 =	seq.s32 s7, s2  }
0x1e: {  	s7 =	smul.u32 @!p0 $0xF7A, s2;
	p2 =	seq.s32 @!p0 s5, $0x0  }
0x1f: {  	s9 =	smul.u32 $0xF7A, s1;
	s8 =	simm.s32 @!p0 $0x1BF5;
	p2 =	por !p2, p0  }
0x20: {  	[sflag:s8] =	ssyncset.s32 @!p0 $0xFFFFF086;
	s6 =	sadd.s32 @!p0 s3, s7;
	s7 =	simm.s32 @!p0 $0x108  }
0x21: {  	s3 =	sadd.s32 s3, s9;
	s6 =	sadd.s32 @!p0 $0x88, s6;
	s7 =	simm.s32 @p2 $0x1082  }
0x22: {  	[simem:s7], [sflag:s8] =	dma.local @!p0 [hbm:s6], $0xF7A  }
0x23: {  	s9 =	sor.u32 $0xD0000000, s2;
	s6 =	simm.s32 $0x108;
	_ =	swait.ge @!p0 [sflag:s8], $0x0  }
0x24: {  	s3 =	sadd.s32 $0x88, s3;
	s6 =	simm.s32 @!p1 $0x1082;
	[sflag:s4] =	ssyncset.s32 $0xFFFFF086  }
0x25: {  	[simem:s6], [sflag:s4] =	dma.local [hbm:s3], $0xF7A  }
0x26: {  	[smem:$0x3F78] =	sst s1;
	(tag) =	ssettag s2;
	_ =	strace s9  }
0x27: {  	s1 =	sld [smem:$0x3F88]  }
0x28: {  	s2 =	sld [smem:$0x3F89]  }
0x29: {  	s4 =	sld [smem:$0x3F8B]  }
0x2a: {  	p0 =	seq.s32 s5, $0x0;
	s5 =	sld [smem:$0x3F8C]  }
0x2b: {  	s6 =	sld [smem:$0x3F8D]  }
0x2c: {  	s7 =	sld [smem:$0x3F8E]  }
0x2d: {  	s3 =	simm.s32 $0x108;
	s8 =	sld [smem:$0x3F8F]  }
0x2e: {  	s3 =	simm.s32 @!p0 $0x1082;
	s9 =	sld [smem:$0x3F90]  }
0x2f: {  	lr =	sadd.s32 s0, s3;
	s0 =	sld [smem:$0x3F87]  }
0x30: {  	s3 =	sld [smem:$0x3F8A]  }
0x31: {  	[smem:$0x3F93] =	sst s10  }
0x32: {  	s10 =	sld [smem:$0x3F91];
	_ =	sdelay $0x3  }
0x33: {  	p0 =	seq.s32 s10, $0x1;
	s10 =	sld [smem:$0x3F93];
	_ =	sdelay $0x3  }
0x34: {  	[smem:$0x3F93] =	sst s10  }
0x35: {  	s10 =	sld [smem:$0x3F92];
	_ =	sdelay $0x3  }
0x36: {  	p1 =	seq.s32 s10, $0x1;
	s10 =	sld [smem:$0x3F93];
	_ =	sdelay $0x3  }
0x37: {  	[smem:$0x3F93] =	sst s10  }
0x38: {  	s10 =	sld [smem:$0x3F94]  }
0x39: {  	_ = 	snop;
	(pc) =	sbr.ind lr, $3  }
0x3a: {  	_ = 	snop  }
0x3b: {  	_ = 	snop  }
0x3c: {  	p2 =	seq.s32 s10, $0x1;
	s10 =	sld [smem:$0x3F93]  }
0x3d: {  	_ =	shalt  }
0x3e: {  	_ =	shalt  }
0x3f: {  	_ =	shalt  }
0x40: {  	_ =	shalt  }
0x41: {  	_ =	shalt  }
0x42: {  	_ =	shalt  }
0x43: {  	_ =	shalt  }
0x44: {  	_ =	shalt  }
0x45: {  	_ =	shalt  }
0x46: {  	_ =	shalt  }
0x47: {  	_ =	shalt  }
0x48: {  	_ =	shalt  }
0x49: {  	_ =	shalt  }
0x4a: {  	_ =	shalt  }
0x4b: {  	_ =	shalt  }
0x4c: {  	_ =	shalt  }
0x4d: {  	_ =	shalt  }
0x4e: {  	_ =	shalt  }
0x4f: {  	_ =	shalt  }
0x50: {  	_ =	shalt  }
0x51: {  	_ =	shalt  }
0x52: {  	_ =	shalt  }
0x53: {  	_ =	shalt  }
0x54: {  	_ =	shalt  }
0x55: {  	_ =	shalt  }
0x56: {  	_ =	shalt  }
0x57: {  	_ =	shalt  }
0x58: {  	_ =	shalt  }
0x59: {  	_ =	shalt  }
0x5a: {  	_ =	shalt  }
0x5b: {  	_ =	shalt  }
0x5c: {  	_ =	shalt  }
0x5d: {  	_ =	shalt  }
0x5e: {  	_ =	shalt  }
0x5f: {  	_ =	shalt  }
0x60: {  	_ =	shalt  }
0x61: {  	_ =	shalt  }
0x62: {  	_ =	shalt  }
0x63: {  	_ =	shalt  }
0x64: {  	_ =	shalt  }
0x65: {  	_ =	shalt  }
0x66: {  	_ =	shalt  }
0x67: {  	_ =	shalt  }
0x68: {  	_ =	shalt  }
0x69: {  	_ =	shalt  }
0x6a: {  	_ =	shalt  }
0x6b: {  	_ =	shalt  }
0x6c: {  	_ =	shalt  }
0x6d: {  	_ =	shalt  }
0x6e: {  	_ =	shalt  }
0x6f: {  	_ =	shalt  }
0x70: {  	_ =	shalt  }
0x71: {  	_ =	shalt  }
0x72: {  	_ =	shalt  }
0x73: {  	_ =	shalt  }
0x74: {  	_ =	shalt  }
0x75: {  	_ =	shalt  }
0x76: {  	_ =	shalt  }
0x77: {  	_ =	shalt  }
0x78: {  	_ =	shalt  }
0x79: {  	_ =	shalt  }
0x7a: {  	_ =	shalt  }
0x7b: {  	_ =	shalt  }
0x7c: {  	_ =	shalt  }
0x7d: {  	_ =	shalt  }
0x7e: {  	_ =	shalt  }
0x7f: {  	_ =	shalt  }
0x80: {  	_ =	shalt  }
0x81: {  	_ =	shalt  }
0x82: {  	_ =	shalt  }
0x83: {  	_ =	shalt  }
0x84: {  	_ =	shalt  }
0x85: {  	_ =	shalt  }
0x86: {  	_ =	shalt  }
0x87: {  	_ =	shalt  }
.Lfunc_end0:
.L_simem_size_0:
called_computation.1_lowered:
.L_overlay_start_0:
0x88: {  	s2 =	sld [smem:$0x3FD9]  }
0x89: {  	s3 =	sld [smem:$0x3FFE];
	_ =	sdelay $0x1  }
0x8a: {  	s1 =	srdreg.scid  }
0x8b: {  	s0 =	sand.u32 $0x1, s1  }
0x8c: {  	s16 =	sshll.u32 s0, $0xA;
	s2 =	sadd.s32 s3, s2  }
0x8d: {  	s2 =	sadd.s32 s2, s16  }
0x8e: {  	[smem:$0x3F9F] =	sst s2  }
0x8f: {  	_ = 	snop  }
0x90: {  	(tm) =	ssettm $0x1  }
0x91: {  	s17 =	sld [smem:$0x3FFB];
	_ =	sdelay $0x3  }
0x92: {  	_ =	strace s17  }
0x93: {  	s2 =	sld [smem:$0x3FFC];
	_ =	sdelay $0x3  }
0x94: {  	_ =	strace s2  }
0x95: {  	s2 =	sld [smem:$0x3FFD];
	_ =	sdelay $0x3  }
0x96: {  	_ =	strace s2  }
0x97: {  	_ =	strace $0x8FFFFFFF  }
0x98: {  	s18 =	sld [smem:$0x3FDB];
	_ =	sdelay $0x1  }
0x99: {  	s19 =	simm.s32 $_scs_section_size  }
0x9a: {  	s4 =	simm.s32 $_size__tile_overlayer_lowered;
	s5 =	simm.s32 $_tile_overlayer_lowered  }
0x9b: {  	s22 =	simm.s32 $0x1BFF;
	s21 =	sshll.u32 s5, $0x1;
	s2 =	sadd.s32 s19, s18  }
0x9c: {  	s6 =	simm.s32 $0x0;
	s20 =	sshll.u32 s4, $0x1;
	s4 =	sadd.s32 s21, s2  }
0x9d: {  	[timem:s6], [sflag:s22] =	dma.local [hbm:s4], s20  }
0x9e: {  	_ =	swait.ge [sflag:s22], s20  }
0x9f: {  	s3 =	ssub.s32 $0x0, s20;
	[sflag:s22] =	ssyncset.done $0x0  }
0xa0: {  	[sflag:s22] =	ssyncadd.s32 s3;
	_ =	sdelay $0x1  }
0xa1: {  	s23 =	simm.s32 $0x1B8B  }
0xa2: {  	_ =	swait.ge [sflag:s23], $0x1  }
0xa3: {  	[sflag:s23] =	ssyncset.done $0x0  }
0xa4: {  	s25 =	simm.s32 $0x1B8E;
	s24 =	sld [smem:$0x3FFE];
	[sflag:s23] =	ssyncadd.s32 $0xFFFFFFFF  }
0xa5: {  	s26 =	simm.s32 $execute0_lowered;
	[smem:$0x3FD2] =	sst s25  }
0xa6: {  	s4 =	sshll.u32 s26, $0x1;
	_ =	strace $0x80000049;
	[dreg:$0x1] =	wrdreg $0xFFFFFFFF  }
0xa7: {  	s28 =	simm.s32 $_size_execute0_lowered;
	s2 =	sadd.s32 s2, s4;
	[dreg:$0x0] =	wrdreg $0x0  }
0xa8: {  	s4 =	sshll.u32 s28, $0x1;
	[dreg:$0x2] =	wrdreg s2  }
0xa9: {  	[dreg:$0x3] =	wrdreg s4  }
0xaa: {  	[dreg:$0x4] =	wrdreg $0xC0  }
0xab: {  	_ =	task [dreg:s6], $0x5FFFF  }
0xac: {  	[dreg:$0x1] =	wrdreg $0xFFFFFFFF  }
0xad: {  	[dreg:$0x0] =	wrdreg $0x60  }
0xae: {  	[dreg:$0x2] =	wrdreg s24  }
0xaf: {  	[dreg:$0x3] =	wrdreg $0xA  }
0xb0: {  	_ =	task.clear_ibuf [dreg:s6], $0x4FFFF;
	_ =	strace $0x90000049  }
0xb1: {  	s29 =	simm.s32 $0xA;
	_ =	strace $0x8000004B  }
0xb2: {  	_ =	swait.ge [sflag:s29], $0x1  }
0xb3: {  	[sflag:s29] =	ssyncadd.s32 $0xFFFFFFFF  }
0xb4: {  	_ =	strace $0x9000004B  }
0xb5: {  	_ =	sfence  }
0xb6: {  	s30 =	sld [smem:$0x0];
	_ =	sdelay $0x2  }
0xb7: {  	s31 =	sshll.u32 s1, $0xD;
	s1 =	sshrl.u32 s1, $0x2  }
0xb8: {  	s3 =	sand.u32 $0x4000, s31;
	s1 =	sadd.s32 s1, s30  }
0xb9: {  	s0 =	sor.u32 s3, s0;
	s1 =	sshll.u32 s1, $0x11  }
0xba: {  	s0 =	sor.u32 s1, s0  }
0xbb: {  	s0 =	sadd.s32 $0x8F2B, s0  }
0xbc: {  	[sflag:s0] =	ssyncadd.remote.s32 $0x1  }
0xbd: {  	_ =	sfence.sel $0xFFFF  }
0xbe: {  	[dreg:$0x0] =	wrdreg $0xFFFFFFFF;
	(pc) =	sbr.abs _section_cstart, $3  }
0xbf: {  	[dreg:$0x1] =	wrdreg $0xFFFFFFFF  }
0xc0: {  	_ =	task.clear_ibuf [dreg:s6], $0x2FFFF;
	_ =	strace $0x9FFFFFFF  }
0xc1: {  	(tm) =	ssettm $0x7FFFFFFF  }
tec
execute0_lowered:
.L_overlay_start_1:
0x0: {  	(tag) =	ssettag $0x1  }
0x1: {  	s4 =	rddreg [dreg:$0x0]  }
0x2: {  	s1 =	srdreg.scid;
	s0 =	rddreg [dreg:$0x1]  }
0x3: {  	s2 =	simm.s32 $0x0;
	s11 =	simm.s32 $0x1;
	s5 =	sand.u32 $0x1, s1  }
0x4: {  	s12 =	simm.s32 $0x0;
	s1 =	stileid.u32;
	s6 =	smul.u32 $0x61A80, s5  }
0x5: {  	[smem:$0x7FF] =	sst s2;
	s3 =	sadd.s32 $0x6EA00, s4;
	s7 =	smul.u32 $0x61A8, s1  }
0x6: {  	_ =	strace $0x8000004A;
	s8 =	smul.u32 $0xC3500, s5;
	s5 =	ssub.s32 $0x2, s5  }
0x7: {  	s29 =	smul.u32 $0xC350, s1;
	s9 =	sshrl.u32 s5, $0x1;
	s6 =	sadd.s32 s7, s6  }
0x8: {  	s8 =	sadd.s32 s8, s4;
	s30 =	ssub.s32 s5, s9;
	s6 =	sshrl.u32 s6, $0x3  }
0x9: {  	s9 =	simm.s32 $0x2;
	s31 =	sadd.s32 s29, s8;
	s10 =	sadd.s32 s6, s4  }
0xa: {  	s4 =	smax.u32 s30, $0x1;
	s5 =	sadd.s32 $0x1F5400, s31;
	s6 =	sadd.s32 $0x37BE00, s31  }
0xb: {  	s7 =	sadd.s32 $0x56200, s10;
	s8 =	sadd.s32 $0x3DA00, s10;
	s10 =	simm.s32 $0x3E8  }
.LBB2_1:
0xc: {  	s13 =	sadd.s32 $0x0, s8  }
0xd: {  	[tilespmem:s2], [sflag:$0x2] =	stream.linear.gather [hbm4b:s13+s2], $0x3E8, $0x38;
	[tilespmem:$0x4268] =	vst v63  }
0xe: {  	_ =	swait.ge [sflag:s9], $0x3E8  }
0xf: {  	[sflag:s9] =	ssyncset.done $0x0  }
0x10: {  	[sflag:s9] =	ssyncadd.s32 $0xFFFFFC18  }
0x11: {  	[tilespmem:s10], [sflag:$0x1] =	stream.indirect.gather [hbm4b:s3+s10], $0x10, s2, s10, $0xb8;
	[tilespmem:$0x4268] =	vst v63  }
0x12: {  	_ =	swait.ge [sflag:s11], $0x3E80  }
0x13: {  	[sflag:s11] =	ssyncset.done $0x0  }
0x14: {  	[sflag:s11] =	ssyncadd.s32 $0xFFFFC180  }
0x15: {  	[hbm4b:s6+s2] =	stream.linear.scatter [tilespmem:s10], [sflag:$0x2], $0x3E80, $0x38;
	[tilespmem:$0x4268] =	vst v63  }
0x16: {  	_ =	swait.ge [sflag:s9], $0x3E80  }
0x17: {  	[sflag:s9] =	ssyncset.done $0x0  }
0x18: {  	s31 =	sadd.s32 $0x0, s7;
	[sflag:s9] =	ssyncadd.s32 $0xFFFFC180  }
0x19: {  	[tilespmem:s2], [sflag:$0x2] =	stream.linear.gather [hbm4b:s31+s2], $0x3E8, $0x38;
	[tilespmem:$0x4268] =	vst v63  }
0x1a: {  	_ =	swait.ge [sflag:s9], $0x3E8  }
0x1b: {  	[sflag:s9] =	ssyncset.done $0x0  }
0x1c: {  	[sflag:s9] =	ssyncadd.s32 $0xFFFFFC18  }
0x1d: {  	[tilespmem:s10], [sflag:$0x1] =	stream.indirect.gather [hbm4b:s3+s10], $0x10, s2, s10, $0xb8;
	[tilespmem:$0x4268] =	vst v63  }
0x1e: {  	_ =	swait.ge [sflag:s11], $0x3E80  }
0x1f: {  	[sflag:s11] =	ssyncset.done $0x0  }
0x20: {  	[sflag:s11] =	ssyncadd.s32 $0xFFFFC180  }
0x21: {  	[hbm4b:s5+s2] =	stream.linear.scatter [tilespmem:s10], [sflag:$0x2], $0x3E80, $0x38;
	[tilespmem:$0x4268] =	vst v63  }
0x22: {  	s14 =	simm.s32 $0x7D;
	s16 =	simm.s32 $0xFA;
	_ =	swait.ge [sflag:s9], $0x3E80  }
0x23: {  	s15 =	sadd.s32 $0x7D0, s6;
	s13 =	sadd.s32 $0x7D0, s5;
	[sflag:s9] =	ssyncset.done $0x0  }
.LBB2_2:
0x24: {  	s17 =	sadd.s32 s14, s8  }
0x25: {  	[sflag:s9] =	ssyncadd.s32 $0xFFFFC180;
	s18 =	smov.u32 s16;
	s19 =	sadd.s32 $0x7D, s16  }
0x26: {  	[tilespmem:s2], [sflag:$0x2] =	stream.linear.gather [hbm4b:s17+s2], $0x3E8, $0x38;
	[tilespmem:$0x4268] =	vst v63  }
0x27: {  	p0 =	sne.s32 s16, $0xBB8;
	_ =	swait.ge [sflag:s9], $0x3E8  }
0x28: {  	[sflag:s9] =	ssyncset.done $0x0  }
0x29: {  	[sflag:s9] =	ssyncadd.s32 $0xFFFFFC18  }
0x2a: {  	[tilespmem:s10], [sflag:$0x1] =	stream.indirect.gather [hbm4b:s3+s10], $0x10, s2, s10, $0xb8;
	[tilespmem:$0x4268] =	vst v63  }
0x2b: {  	_ =	swait.ge [sflag:s11], $0x3E80  }
0x2c: {  	[sflag:s11] =	ssyncset.done $0x0  }
0x2d: {  	[sflag:s11] =	ssyncadd.s32 $0xFFFFC180  }
0x2e: {  	[hbm4b:s15+s2] =	stream.linear.scatter [tilespmem:s10], [sflag:$0x2], $0x3E80, $0x38;
	[tilespmem:$0x4268] =	vst v63  }
0x2f: {  	_ =	swait.ge [sflag:s9], $0x3E80  }
0x30: {  	[sflag:s9] =	ssyncset.done $0x0  }
0x31: {  	s16 =	sadd.s32 s14, s7;
	s14 =	smov.u32 s18;
	[sflag:s9] =	ssyncadd.s32 $0xFFFFC180  }
0x32: {  	[tilespmem:s2], [sflag:$0x2] =	stream.linear.gather [hbm4b:s16+s2], $0x3E8, $0x38;
	[tilespmem:$0x4268] =	vst v63  }
0x33: {  	_ =	swait.ge [sflag:s9], $0x3E8  }
0x34: {  	[sflag:s9] =	ssyncset.done $0x0  }
0x35: {  	[sflag:s9] =	ssyncadd.s32 $0xFFFFFC18  }
0x36: {  	[tilespmem:s10], [sflag:$0x1] =	stream.indirect.gather [hbm4b:s3+s10], $0x10, s2, s10, $0xb8;
	[tilespmem:$0x4268] =	vst v63  }
0x37: {  	_ =	swait.ge [sflag:s11], $0x3E80  }
.Ltmp0:
0x38: {  	[sflag:s11] =	ssyncset.done $0x0;
	(pc) =	sbr.rel @p0 .LBB2_2-.Ltmp0, $4  }
0x39: {  	[sflag:s11] =	ssyncadd.s32 $0xFFFFC180  }
0x3a: {  	[hbm4b:s13+s2] =	stream.linear.scatter [tilespmem:s10], [sflag:$0x2], $0x3E80, $0x38;
	[tilespmem:$0x4268] =	vst v63  }
0x3b: {  	s15 =	sadd.s32 $0x7D0, s15;
	_ =	swait.ge [sflag:s9], $0x3E80  }
0x3c: {  	s16 =	smov.u32 s19;
	s13 =	sadd.s32 $0x7D0, s13;
	[sflag:s9] =	ssyncset.done $0x0  }
0x3d: {  	s16 =	sadd.s32 s14, s8;
	[sflag:s9] =	ssyncadd.s32 $0xFFFFC180  }
0x3e: {  	[tilespmem:s2], [sflag:$0x2] =	stream.linear.gather [hbm4b:s16+s2], $0x3E8, $0x38;
	[tilespmem:$0x4268] =	vst v63  }
0x3f: {  	_ =	swait.ge [sflag:s9], $0x3E8  }
0x40: {  	[sflag:s9] =	ssyncset.done $0x0  }
0x41: {  	[sflag:s9] =	ssyncadd.s32 $0xFFFFFC18  }
0x42: {  	[tilespmem:s10], [sflag:$0x1] =	stream.indirect.gather [hbm4b:s3+s10], $0x10, s2, s10, $0xb8;
	[tilespmem:$0x4268] =	vst v63  }
0x43: {  	_ =	swait.ge [sflag:s11], $0x3E80  }
0x44: {  	[sflag:s11] =	ssyncset.done $0x0  }
0x45: {  	[sflag:s11] =	ssyncadd.s32 $0xFFFFC180  }
0x46: {  	[hbm4b:s15+s2] =	stream.linear.scatter [tilespmem:s10], [sflag:$0x2], $0x3E80, $0x38;
	[tilespmem:$0x4268] =	vst v63  }
0x47: {  	_ =	swait.ge [sflag:s9], $0x3E80  }
0x48: {  	[sflag:s9] =	ssyncset.done $0x0  }
0x49: {  	s31 =	sadd.s32 s14, s7;
	[sflag:s9] =	ssyncadd.s32 $0xFFFFC180  }
0x4a: {  	[tilespmem:s2], [sflag:$0x2] =	stream.linear.gather [hbm4b:s31+s2], $0x3E8, $0x38;
	[tilespmem:$0x4268] =	vst v63  }
0x4b: {  	_ =	swait.ge [sflag:s9], $0x3E8  }
0x4c: {  	[sflag:s9] =	ssyncset.done $0x0  }
0x4d: {  	[sflag:s9] =	ssyncadd.s32 $0xFFFFFC18  }
0x4e: {  	[tilespmem:s10], [sflag:$0x1] =	stream.indirect.gather [hbm4b:s3+s10], $0x10, s2, s10, $0xb8;
	[tilespmem:$0x4268] =	vst v63  }
0x4f: {  	s12 =	sadd.s32 $0x1, s12;
	_ =	swait.ge [sflag:s11], $0x3E80  }
0x50: {  	p0 =	sne.s32 s12, s4;
	[sflag:s11] =	ssyncset.done $0x0  }
.Ltmp1:
0x51: {  	[sflag:s11] =	ssyncadd.s32 $0xFFFFC180;
	(pc) =	sbr.rel @p0 .LBB2_1-.Ltmp1, $4  }
0x52: {  	[hbm4b:s13+s2] =	stream.linear.scatter [tilespmem:s10], [sflag:$0x2], $0x3E80, $0x38;
	[tilespmem:$0x4268] =	vst v63  }
0x53: {  	_ =	swait.ge [sflag:s9], $0x3E80  }
0x54: {  	[sflag:s9] =	ssyncset.done $0x0  }
0x55: {  	[sflag:s9] =	ssyncadd.s32 $0xFFFFC180  }
0x56: {  	_ =	sfence.sel $0x180000  }
0x57: {  	[bflag:$0x0] =	sbarrier.arrive $0xFFFF  }
0x58: {  	p0 =	sne.s32 s1, $0x0;
	_ =	strace $0x9000004A  }
0x59: {  	s0 =	sadd.s32 @!p0 $0x100000, s0;
	[bflag:$0x2] =	sbarrier.arrive $0xFFFF  }
0x5a: {  	[sflag:s0] =	ssyncadd.tile.s32 @!p0 $0x1;
	_ =	shalt  }
.Lfunc_end2:
_tile_overlayer_lowered:
.L_overlay_start_2:
0x5b: {  	(tag) =	ssettag $0x2  }
0x5c: {  	s0 =	rddreg [dreg:$0x0];
	s2 =	stileid.u32  }
0x5d: {  	s1 =	rddreg [dreg:$0x1];
	p0 =	sne.s32 s2, $0x0  }
0x5e: {  	s3 =	rddreg [dreg:$0x2];
	[bflag:$0x3] =	sbarrier.arrive $0xFFFF;
	s2 =	simm.s32 @!p0 $0x1C02  }
0x5f: {  	[timem:s3], [sflag:s2] =	dma.local @!p0 [hbm:s0], s1  }
0x60: {  	s0 =	simm.s32 @!p0 $0x2  }
0x61: {  	_ =	swait.ge @!p0 [sflag:s0], s1  }
0x62: {  	s1 =	ssub.s32 @!p0 $0x0, s1;
	[sflag:s0] =	ssyncset.done @!p0 $0x0  }
0x63: {  	[sflag:s0] =	ssyncadd.s32 @!p0 s1  }
0x64: {  	[bflag:$0x3] =	sbarrier.arrive $0xFFFF  }
0x65: {  	_ =	shalt  }

// kernel: kernel.26.cloned.1.call-start
scs
__scs_entry_jumppad:
0x0: {  	(pc) =	sbr.rel $0x88, $3  }
0x1: {  	(tag) =	ssettag $0x0;
	lr =	simm.s32 $0x1  }
0x2: {  	[smem:$0x3F78] =	sst lr;
	_ =	strace $0xD0000000  }
0x3: {  	_ = 	snop  }
0x4: {  	_ = 	snop  }
0x5: {  	_ = 	snop  }
0x6: {  	_ = 	snop  }
0x7: {  	_ = 	snop  }
__scs_overlays_trampoline_lowered:
0x8: {  	[smem:$0x3F87] =	sst s0  }
0x9: {  	[smem:$0x3F88] =	sst s1  }
0xa: {  	[smem:$0x3F89] =	sst s2  }
0xb: {  	[smem:$0x3F8A] =	sst s3  }
0xc: {  	[smem:$0x3F8B] =	sst s4  }
0xd: {  	[smem:$0x3F8C] =	sst s5  }
0xe: {  	[smem:$0x3F8D] =	sst s6  }
0xf: {  	[smem:$0x3F8E] =	sst s7  }
0x10: {  	[smem:$0x3F8F] =	sst s8  }
0x11: {  	[smem:$0x3F90] =	sst s9;
	s0 =	simm.s32 @!p0 $0x0  }
0x12: {  	s1 =	sld [smem:$0x3F76];
	s0 =	simm.s32 @p0 $0x1  }
0x13: {  	[smem:$0x3F91] =	sst s0;
	s0 =	simm.s32 @!p1 $0x0  }
0x14: {  	s2 =	sld [smem:$0x3F75];
	s0 =	simm.s32 @p1 $0x1  }
0x15: {  	[smem:$0x3F92] =	sst s0;
	s0 =	simm.s32 @!p2 $0x0  }
0x16: {  	s3 =	sld [smem:$0x3FDB];
	s0 =	simm.s32 @p2 $0x1  }
0x17: {  	s4 =	simm.s32 $0x1BF5;
	[smem:$0x3F94] =	sst s0  }
0x18: {  	s0 =	sld [smem:$0x3F77];
	_ =	swait.ge [sflag:s4], $0x0  }
0x19: {  	s7 =	sld [smem:$0x3F78]  }
0x1a: {  	s8 =	sadd.s32 $0xFFFFE003, lr  }
0x1b: {  	s9 =	sadd.s32 $0xFFFFFEF7, lr;
	s5 =	simm.s32 $0xFFFFFFFF;
	p2 =	slt.u32 s8, $0xFFFFF086  }
0x1c: {  	p1 =	slt.u32 s9, $0xF7A;
	s5 =	simm.s32 @!p2 $0x0  }
0x1d: {  	s5 =	simm.s32 @p1 $0x1;
	p0 =	seq.s32 s7, s2  }
0x1e: {  	s7 =	smul.u32 @!p0 $0xF7A, s2;
	p2 =	seq.s32 @!p0 s5, $0x0  }
0x1f: {  	s9 =	smul.u32 $0xF7A, s1;
	s8 =	simm.s32 @!p0 $0x1BF5;
	p2 =	por !p2, p0  }
0x20: {  	[sflag:s8] =	ssyncset.s32 @!p0 $0xFFFFF086;
	s6 =	sadd.s32 @!p0 s3, s7;
	s7 =	simm.s32 @!p0 $0x108  }
0x21: {  	s3 =	sadd.s32 s3, s9;
	s6 =	sadd.s32 @!p0 $0x88, s6;
	s7 =	simm.s32 @p2 $0x1082  }
0x22: {  	[simem:s7], [sflag:s8] =	dma.local @!p0 [hbm:s6], $0xF7A  }
0x23: {  	s9 =	sor.u32 $0xD0000000, s2;
	s6 =	simm.s32 $0x108;
	_ =	swait.ge @!p0 [sflag:s8], $0x0  }
0x24: {  	s3 =	sadd.s32 $0x88, s3;
	s6 =	simm.s32 @!p1 $0x1082;
	[sflag:s4] =	ssyncset.s32 $0xFFFFF086  }
0x25: {  	[simem:s6], [sflag:s4] =	dma.local [hbm:s3], $0xF7A  }
0x26: {  	[smem:$0x3F78] =	sst s1;
	(tag) =	ssettag s2;
	_ =	strace s9  }
0x27: {  	s1 =	sld [smem:$0x3F88]  }
0x28: {  	s2 =	sld [smem:$0x3F89]  }
0x29: {  	s4 =	sld [smem:$0x3F8B]  }
0x2a: {  	p0 =	seq.s32 s5, $0x0;
	s5 =	sld [smem:$0x3F8C]  }
0x2b: {  	s6 =	sld [smem:$0x3F8D]  }
0x2c: {  	s7 =	sld [smem:$0x3F8E]  }
0x2d: {  	s3 =	simm.s32 $0x108;
	s8 =	sld [smem:$0x3F8F]  }
0x2e: {  	s3 =	simm.s32 @!p0 $0x1082;
	s9 =	sld [smem:$0x3F90]  }
0x2f: {  	lr =	sadd.s32 s0, s3;
	s0 =	sld [smem:$0x3F87]  }
0x30: {  	s3 =	sld [smem:$0x3F8A]  }
0x31: {  	[smem:$0x3F93] =	sst s10  }
0x32: {  	s10 =	sld [smem:$0x3F91];
	_ =	sdelay $0x3  }
0x33: {  	p0 =	seq.s32 s10, $0x1;
	s10 =	sld [smem:$0x3F93];
	_ =	sdelay $0x3  }
0x34: {  	[smem:$0x3F93] =	sst s10  }
0x35: {  	s10 =	sld [smem:$0x3F92];
	_ =	sdelay $0x3  }
0x36: {  	p1 =	seq.s32 s10, $0x1;
	s10 =	sld [smem:$0x3F93];
	_ =	sdelay $0x3  }
0x37: {  	[smem:$0x3F93] =	sst s10  }
0x38: {  	s10 =	sld [smem:$0x3F94]  }
0x39: {  	_ = 	snop;
	(pc) =	sbr.ind lr, $3  }
0x3a: {  	_ = 	snop  }
0x3b: {  	_ = 	snop  }
0x3c: {  	p2 =	seq.s32 s10, $0x1;
	s10 =	sld [smem:$0x3F93]  }
0x3d: {  	_ =	shalt  }
0x3e: {  	_ =	shalt  }
0x3f: {  	_ =	shalt  }
0x40: {  	_ =	shalt  }
0x41: {  	_ =	shalt  }
0x42: {  	_ =	shalt  }
0x43: {  	_ =	shalt  }
0x44: {  	_ =	shalt  }
0x45: {  	_ =	shalt  }
0x46: {  	_ =	shalt  }
0x47: {  	_ =	shalt  }
0x48: {  	_ =	shalt  }
0x49: {  	_ =	shalt  }
0x4a: {  	_ =	shalt  }
0x4b: {  	_ =	shalt  }
0x4c: {  	_ =	shalt  }
0x4d: {  	_ =	shalt  }
0x4e: {  	_ =	shalt  }
0x4f: {  	_ =	shalt  }
0x50: {  	_ =	shalt  }
0x51: {  	_ =	shalt  }
0x52: {  	_ =	shalt  }
0x53: {  	_ =	shalt  }
0x54: {  	_ =	shalt  }
0x55: {  	_ =	shalt  }
0x56: {  	_ =	shalt  }
0x57: {  	_ =	shalt  }
0x58: {  	_ =	shalt  }
0x59: {  	_ =	shalt  }
0x5a: {  	_ =	shalt  }
0x5b: {  	_ =	shalt  }
0x5c: {  	_ =	shalt  }
0x5d: {  	_ =	shalt  }
0x5e: {  	_ =	shalt  }
0x5f: {  	_ =	shalt  }
0x60: {  	_ =	shalt  }
0x61: {  	_ =	shalt  }
0x62: {  	_ =	shalt  }
0x63: {  	_ =	shalt  }
0x64: {  	_ =	shalt  }
0x65: {  	_ =	shalt  }
0x66: {  	_ =	shalt  }
0x67: {  	_ =	shalt  }
0x68: {  	_ =	shalt  }
0x69: {  	_ =	shalt  }
0x6a: {  	_ =	shalt  }
0x6b: {  	_ =	shalt  }
0x6c: {  	_ =	shalt  }
0x6d: {  	_ =	shalt  }
0x6e: {  	_ =	shalt  }
0x6f: {  	_ =	shalt  }
0x70: {  	_ =	shalt  }
0x71: {  	_ =	shalt  }
0x72: {  	_ =	shalt  }
0x73: {  	_ =	shalt  }
0x74: {  	_ =	shalt  }
0x75: {  	_ =	shalt  }
0x76: {  	_ =	shalt  }
0x77: {  	_ =	shalt  }
0x78: {  	_ =	shalt  }
0x79: {  	_ =	shalt  }
0x7a: {  	_ =	shalt  }
0x7b: {  	_ =	shalt  }
0x7c: {  	_ =	shalt  }
0x7d: {  	_ =	shalt  }
0x7e: {  	_ =	shalt  }
0x7f: {  	_ =	shalt  }
0x80: {  	_ =	shalt  }
0x81: {  	_ =	shalt  }
0x82: {  	_ =	shalt  }
0x83: {  	_ =	shalt  }
0x84: {  	_ =	shalt  }
0x85: {  	_ =	shalt  }
0x86: {  	_ =	shalt  }
0x87: {  	_ =	shalt  }
.Lfunc_end0:
.L_simem_size_0:
called_computation.2_lowered:
.L_overlay_start_0:
0x88: {  	s2 =	sld [smem:$0x3FD9]  }
0x89: {  	s3 =	sld [smem:$0x3FFE];
	_ =	sdelay $0x1  }
0x8a: {  	s1 =	srdreg.scid  }
0x8b: {  	s0 =	sand.u32 $0x1, s1  }
0x8c: {  	s17 =	sshll.u32 s0, $0xA;
	s2 =	sadd.s32 s3, s2  }
0x8d: {  	s2 =	sadd.s32 s2, s17  }
0x8e: {  	[smem:$0x3F9F] =	sst s2  }
0x8f: {  	_ = 	snop  }
0x90: {  	s18 =	sld [smem:$0x3FD0];
	(tm) =	ssettm $0x1  }
0x91: {  	s19 =	sld [smem:$0x3FFB];
	_ =	sdelay $0x3  }
0x92: {  	_ =	strace s19  }
0x93: {  	s2 =	sld [smem:$0x3FFC];
	_ =	sdelay $0x3  }
0x94: {  	_ =	strace s2  }
0x95: {  	s2 =	sld [smem:$0x3FFD];
	_ =	sdelay $0x3  }
0x96: {  	_ =	strace s2  }
0x97: {  	_ =	strace $0x8FFFFFFF  }
0x98: {  	s20 =	sld [smem:$0x3FDB];
	_ =	sdelay $0x1  }
0x99: {  	s4 =	simm.s32 $_scs_section_size  }
0x9a: {  	s5 =	simm.s32 $_size__tile_overlayer_lowered;
	s6 =	simm.s32 $_tile_overlayer_lowered  }
0x9b: {  	s7 =	simm.s32 $0x1BFF;
	s21 =	sshll.u32 s6, $0x1;
	s4 =	sadd.s32 s4, s20  }
0x9c: {  	s22 =	simm.s32 $0x0;
	s5 =	sshll.u32 s5, $0x1;
	s6 =	sadd.s32 s21, s4  }
0x9d: {  	[timem:s22], [sflag:s7] =	dma.local [hbm:s6], s5  }
0x9e: {  	_ =	swait.ge [sflag:s7], s5  }
0x9f: {  	s5 =	ssub.s32 $0x0, s5;
	[sflag:s7] =	ssyncset.done $0x0  }
0xa0: {  	[sflag:s7] =	ssyncadd.s32 s5;
	_ =	sdelay $0x1  }
0xa1: {  	s23 =	simm.s32 $0x1B8B  }
0xa2: {  	_ =	swait.ge [sflag:s23], $0x1  }
0xa3: {  	[sflag:s23] =	ssyncset.done $0x0  }
0xa4: {  	[sflag:s23] =	ssyncadd.s32 $0xFFFFFFFF  }
0xa5: {  	s5 =	sld [smem:$0x0]  }
0xa6: {  	s6 =	sand.u32 $0xFFFFFFFE, s1  }
0xa7: {  	p0 =	sne.s32 s1, s6  }
0xa8: {  	s6 =	sshll.u32 @p0 s6, $0xE  }
0xa9: {  	s6 =	sadd.s32 @p0 $0x11B8D, s6;
	s7 =	sshll.u32 @p0 s5, $0x11  }
0xaa: {  	s6 =	sor.u32 @p0 s7, s6  }
0xab: {  	[sflag:s6] =	ssyncadd.remote.s32 @p0 $0x1;
	_ =	sdelay $0x1  }
0xac: {  	s6 =	simm.s32 @p0 $0x1B8D  }
0xad: {  	_ =	swait.eq @p0 [sflag:s6], $0x1  }
0xae: {  	[sflag:s6] =	ssyncadd.s32 @p0 $0xFFFFFFFF  }
0xaf: {  	s7 =	sshll.u32 @!p0 s1, $0xE  }
0xb0: {  	s7 =	sor.u32 @!p0 $0x4000, s7;
	s6 =	simm.s32 @!p0 $0x1B8D  }
0xb1: {  	s5 =	sshll.u32 @!p0 s5, $0x11;
	s7 =	sadd.s32 @!p0 $0x11B8D, s7;
	_ =	swait.eq @!p0 [sflag:s6], $0x1  }
0xb2: {  	s5 =	sor.u32 @!p0 s5, s7;
	[sflag:s6] =	ssyncadd.s32 @!p0 $0xFFFFFFFF  }
0xb3: {  	s25 =	simm.s32 $0x1B8E;
	s24 =	sld [smem:$0x3FFE];
	[sflag:s5] =	ssyncadd.remote.s32 @!p0 $0x1  }
0xb4: {  	s26 =	simm.s32 $execute0_lowered;
	[smem:$0x3FD2] =	sst s25  }
0xb5: {  	s6 =	sshll.u32 s26, $0x1;
	_ =	strace $0x8000004F;
	[dreg:$0x1] =	wrdreg $0xFFFFFFFF  }
0xb6: {  	s28 =	simm.s32 $_size_execute0_lowered;
	s4 =	sadd.s32 s4, s6;
	[dreg:$0x0] =	wrdreg $0x0  }
0xb7: {  	s6 =	sshll.u32 s28, $0x1;
	[dreg:$0x2] =	wrdreg s4  }
0xb8: {  	[dreg:$0x3] =	wrdreg s6  }
0xb9: {  	[dreg:$0x4] =	wrdreg $0xC0  }
0xba: {  	_ =	task [dreg:s22], $0x5FFFF  }
0xbb: {  	[dreg:$0x1] =	wrdreg $0xFFFFFFFF  }
0xbc: {  	[dreg:$0x0] =	wrdreg $0x60  }
0xbd: {  	[dreg:$0x2] =	wrdreg s24  }
0xbe: {  	[dreg:$0x3] =	wrdreg s18  }
0xbf: {  	[dreg:$0x4] =	wrdreg $0x8CA00  }
0xc0: {  	[dreg:$0x5] =	wrdreg $0xA  }
0xc1: {  	_ =	task.clear_ibuf [dreg:s22], $0x6FFFF;
	_ =	strace $0x9000004F  }
0xc2: {  	s29 =	simm.s32 $0xA;
	_ =	strace $0x80000051  }
0xc3: {  	_ =	swait.ge [sflag:s29], $0x1  }
0xc4: {  	[sflag:s29] =	ssyncadd.s32 $0xFFFFFFFF  }
0xc5: {  	_ =	strace $0x90000051  }
0xc6: {  	_ =	sfence  }
0xc7: {  	s30 =	sld [smem:$0x0];
	_ =	sdelay $0x2  }
0xc8: {  	s31 =	sshll.u32 s1, $0xD;
	s1 =	sshrl.u32 s1, $0x2  }
0xc9: {  	s4 =	sand.u32 $0x4000, s31;
	s1 =	sadd.s32 s1, s30  }
0xca: {  	s0 =	sor.u32 s4, s0;
	s1 =	sshll.u32 s1, $0x11  }
0xcb: {  	s0 =	sor.u32 s1, s0  }
0xcc: {  	s0 =	sadd.s32 $0x8F2B, s0  }
0xcd: {  	[sflag:s0] =	ssyncadd.remote.s32 $0x1  }
0xce: {  	_ =	sfence.sel $0xFFFF  }
0xcf: {  	[dreg:$0x0] =	wrdreg $0xFFFFFFFF;
	(pc) =	sbr.abs _section_cstart, $3  }
0xd0: {  	[dreg:$0x1] =	wrdreg $0xFFFFFFFF  }
0xd1: {  	_ =	task.clear_ibuf [dreg:s22], $0x2FFFF;
	_ =	strace $0x9FFFFFFF  }
0xd2: {  	(tm) =	ssettm $0x7FFFFFFF  }
0xd3: {  	_ =	shalt  }
tec
execute0_lowered:
.L_overlay_start_1:
0x0: {  	(tag) =	ssettag $0x1  }
0x1: {  	s7 =	rddreg [dreg:$0x0]  }
0x2: {  	s2 =	rddreg [dreg:$0x1]  }
0x3: {  	s3 =	rddreg [dreg:$0x2]  }
0x4: {  	s0 =	rddreg [dreg:$0x3];
	s4 =	simm.s32 $0x0;
	s1 =	stileid.u32  }
0x5: {  	s9 =	srdreg.scid;
	[smem:$0x7FF] =	sst s4  }
0x6: {  	s8 =	smul.u32 $0x13890, s1;
	s5 =	sadd.s32 $0x6EA00, s7;
	s6 =	sadd.s32 $0x56200, s7  }
0x7: {  	s9 =	sand.u32 $0x1, s9;
	s15 =	sadd.s32 $0x21C600, s7;
	s16 =	smul.u32 $0x1388, s1  }
0x8: {  	s26 =	smul.u32 $0x4E200, s1;
	s31 =	sshll.u32 s1, $0x6;
	_ =	strace $0x80000050  }
0x9: {  	s11 =	ssub.s32 $0x2, s9;
	s14 =	smul.u32 $0x13880, s9;
	s10 =	sshrl.u32 s8, $0x3  }
0xa: {  	s25 =	sshrl.u32 s11, $0x1;
	s29 =	sshrl.u32 s26, $0x2;
	s10 =	sadd.s32 s10, s7  }
0xb: {  	s17 =	ssub.s32 s11, s25;
	s7 =	sadd.s32 s8, s3;
	s18 =	sadd.s32 $0x13880, s14  }
0xc: {  	s28 =	sadd.s32 s16, s14;
	s19 =	sadd.s32 $0x27100, s14;
	s20 =	sadd.s32 $0x3A980, s14  }
0xd: {  	s21 =	sadd.s32 $0x4E200, s14;
	s22 =	sadd.s32 $0x75300, s14;
	s23 =	sadd.s32 $0x61A80, s14  }
0xe: {  	s24 =	sadd.s32 $0x9C400, s14;
	s25 =	sadd.s32 $0x88B80, s14;
	s26 =	sadd.s32 $0xAFC80, s14  }
0xf: {  	v0 =	vmov s14;
	s14 =	smul.u32 $0xC350, s1;
	s8 =	sadd.s32 $0x1F5400, s10;
	s10 =	sshll.u32 s28, $0x1  }
0x10: {  	s30 =	sadd.s32 s16, s19;
	s12 =	sadd.s32 s16, s21;
	s13 =	sadd.s32 s16, s22  }
0x11: {  	s16 =	sadd.s32 s16, s24;
	v1 =	vmov s18;
	v2 =	vmov s19;
	s18 =	simm.s32 $0x1;
	s19 =	sor.u32 $0x1C01, s31  }
0x12: {  	v3 =	vmov s20;
	v4 =	vmov s21;
	v6 =	vmov s22;
	s20 =	simm.s32 $0xFA0;
	s21 =	simm.s32 $0x7D0;
	s22 =	simm.s32 $0x0  }
0x13: {  	s9 =	sadd.s32 s15, s10;
	s10 =	sadd.s32 s29, s3;
	s11 =	sshll.u32 s30, $0x1  }
0x14: {  	s12 =	sshll.u32 s12, $0x1;
	s13 =	sshll.u32 s13, $0x1;
	s16 =	sshll.u32 s16, $0x1  }
0x15: {  	v5 =	vmov s23;
	s11 =	sadd.s32 s15, s11;
	s12 =	sadd.s32 s15, s12;
	s13 =	sadd.s32 s15, s13  }
0x16: {  	v7 =	vmov s25;
	v8 =	vmov s24;
	v9 =	vmov s26;
	s15 =	sadd.s32 s15, s16;
	s16 =	smax.u32 s17, $0x1;
	s17 =	simm.s32 $0x1C530  }
.LBB2_1:
0x17: {  	[tilespmem:s17], [sflag:$0x1] =	stream.linear.gather [hbm4b:s2+s4], $0x1, $0x38;
	[tilespmem:$0x1C540] =	vst v63  }
0x18: {  	_ =	swait.ge [sflag:s18], $0x1  }
0x19: {  	[sflag:s18] =	ssyncset.done $0x0  }
0x1a: {  	s23 =	sshrl.u32 s7, $0x3;
	[sflag:s18] =	ssyncadd.s32 $0xFFFFFFFF  }
0x1b: {  	v10 =	vld.msk [tilespmem:$0x1C530 ss:$0x0], $0xffff;
	[spmem:s23], [sflag:s19] =	dma.local [hbm:s8], $0x2712  }
0x1c: {  	_ =	swait.ge [sflag:s18], $0x2712  }
0x1d: {  	[sflag:s18] =	ssyncset.done $0x0  }
0x1e: {  	[sflag:s18] =	ssyncadd.s32 $0xFFFFD8EE  }
0x1f: {  	s24 =	simm.s32 $0x0;
	[bflag:$0x0] =	sbarrier.arrive $0xFFFF  }
.LBB2_2:
0x20: {  	s25 =	smul.u32 $0x7D0, s24;
	_ =	sdelay $0x1  }
0x21: {  	s25 =	sadd.s32 s14, s25  }
0x22: {  	s26 =	sshrl.u32 s25, $0x3  }
0x23: {  	s28 =	simm.s32 $0x0;
	s26 =	sadd.s32 s6, s26  }
0x24: {  	[tilespmem:s28], [sflag:$0x1] =	stream.linear.gather [hbm4b:s26+s28], $0x7D0, $0x38;
	[tilespmem:$0x1C540] =	vst v63  }
0x25: {  	_ =	swait.ge [sflag:s18], $0x7D0  }
0x26: {  	s25 =	sshll.u32 s25, $0x1;
	[sflag:s18] =	ssyncset.done $0x0  }
0x27: {  	s25 =	sadd.s32 s5, s25;
	[sflag:s18] =	ssyncadd.s32 $0xFFFFF830  }
0x28: {  	[tilespmem:s20], [sflag:$0x1] =	stream.linear.gather [hbm4b:s25+s28], $0x7D00, $0x38;
	[tilespmem:$0x1C540] =	vst v63  }
0x29: {  	_ =	swait.ge [sflag:s18], $0x7D00  }
0x2a: {  	[sflag:s18] =	ssyncset.done $0x0  }
0x2b: {  	s25 =	simm.s32 $0x0;
	[sflag:s18] =	ssyncadd.s32 $0xFFFF8300  }
0x2c: {  	s26 =	simm.s32 $0x40;
	v11 =	vld [tilespmem:s25+$0x0]  }
.LBB2_3:
0x2d: {  	_ =	sdelay $0x1  }
0x2e: {  	p0 =	sne.s32 s26, $0x1F00  }
.Ltmp0:
0x2f: {  	_ = 	snop;
	(pc) =	sbr.rel @p0 .LBB2_3-.Ltmp0, $4  }
0x30: {  	vm0 =	vge.s32 v11, v0;
	vm1 =	vlt.s32 v11, v1  }
0x31: {  	v12 =	vsub.s32 v11, v0;
	vm0 =	vmand vm0, vm1  }
0x32: {  	s28 =	sshra.s32 s26, $0x2;
	v12 =	vsel vm0, v12, v10  }
0x33: {  	s26 =	sadd.s32 $0x40, s26;
	v11 =	vld [tilespmem:s28+$0x0];
	[tilespmem:s25+$0x7D0] =	vst v12;
	s25 =	smov.u32 s28  }
0x34: {  	_ =	sdelay $0x3  }
0x35: {  	vm0 =	vge.s32 v11, v0;
	vm1 =	vlt.s32 v11, v1  }
0x36: {  	s24 =	sadd.s32 $0x1, s24;
	v11 =	vsub.s32 v11, v0;
	vm0 =	vmand vm0, vm1  }
0x37: {  	p0 =	sne.s32 s24, $0x19;
	v11 =	vsel vm0, v11, v10  }
.Ltmp1:
0x38: {  	[tilespmem:s25+$0x7D0] =	vst v11;
	(pc) =	sbr.rel @p0 .LBB2_2-.Ltmp1, $4  }
0x39: {  	[spmem:s3] =	stream.indirect.scatter.add.f32 [tilespmem:s20], [sflag:$0x1], $0x10, s21, s21, $0xb8;
	[tilespmem:$0x1C540] =	vst v63  }
0x3a: {  	_ =	swait.ge [sflag:s18], $0x7D00  }
0x3b: {  	[sflag:s18] =	ssyncset.done $0x0  }
0x3c: {  	[sflag:s18] =	ssyncadd.s32 $0xFFFF8300  }
0x3d: {  	[bflag:$0x0] =	sbarrier.arrive $0xFFFF;
	s24 =	sshrl.u32 s10, $0x3  }
0x3e: {  	[hbm:s9], [sflag:s19] =	dma.local [spmem:s24], $0x2710  }
0x3f: {  	_ =	swait.ge [sflag:s18], $0x2710  }
0x40: {  	[sflag:s18] =	ssyncset.done $0x0  }
0x41: {  	[sflag:s18] =	ssyncadd.s32 $0xFFFFD8F0  }
0x42: {  	[bflag:$0x0] =	sbarrier.arrive $0xFFFF  }
0x43: {  	[spmem:s23], [sflag:s19] =	dma.local [hbm:s8], $0x2712  }
0x44: {  	_ =	swait.ge [sflag:s18], $0x2712  }
0x45: {  	[sflag:s18] =	ssyncset.done $0x0  }
0x46: {  	[sflag:s18] =	ssyncadd.s32 $0xFFFFD8EE  }
0x47: {  	s25 =	simm.s32 $0x0;
	s26 =	simm.s32 $0x0;
	[bflag:$0x0] =	sbarrier.arrive $0xFFFF  }
.LBB2_6:
0x48: {  	s28 =	smul.u32 $0x7D0, s26;
	_ =	sdelay $0x1  }
0x49: {  	s28 =	sadd.s32 s14, s28  }
0x4a: {  	s29 =	sshrl.u32 s28, $0x3  }
0x4b: {  	s29 =	sadd.s32 s6, s29  }
0x4c: {  	[tilespmem:s25], [sflag:$0x1] =	stream.linear.gather [hbm4b:s29+s25], $0x7D0, $0x38;
	[tilespmem:$0x1C540] =	vst v63  }
0x4d: {  	_ =	swait.ge [sflag:s18], $0x7D0  }
0x4e: {  	s28 =	sshll.u32 s28, $0x1;
	[sflag:s18] =	ssyncset.done $0x0  }
0x4f: {  	s28 =	sadd.s32 s5, s28;
	[sflag:s18] =	ssyncadd.s32 $0xFFFFF830  }
0x50: {  	[tilespmem:s20], [sflag:$0x1] =	stream.linear.gather [hbm4b:s28+s25], $0x7D00, $0x38;
	[tilespmem:$0x1C540] =	vst v63  }
0x51: {  	_ =	swait.ge [sflag:s18], $0x7D00  }
0x52: {  	[sflag:s18] =	ssyncset.done $0x0  }
0x53: {  	s28 =	simm.s32 $0x0;
	[sflag:s18] =	ssyncadd.s32 $0xFFFF8300  }
0x54: {  	s29 =	simm.s32 $0x40;
	v11 =	vld [tilespmem:s28+$0x0]  }
.LBB2_7:
0x55: {  	_ =	sdelay $0x1  }
0x56: {  	p0 =	sne.s32 s29, $0x1F00  }
.Ltmp2:
0x57: {  	_ = 	snop;
	(pc) =	sbr.rel @p0 .LBB2_7-.Ltmp2, $4  }
0x58: {  	vm0 =	vge.s32 v11, v2;
	vm1 =	vlt.s32 v11, v3  }
0x59: {  	v12 =	vsub.s32 v11, v2;
	vm0 =	vmand vm0, vm1  }
0x5a: {  	s30 =	sshra.s32 s29, $0x2;
	v12 =	vsel vm0, v12, v10  }
0x5b: {  	s29 =	sadd.s32 $0x40, s29;
	v11 =	vld [tilespmem:s30+$0x0];
	[tilespmem:s28+$0x7D0] =	vst v12;
	s28 =	smov.u32 s30  }
0x5c: {  	_ =	sdelay $0x3  }
0x5d: {  	vm0 =	vge.s32 v11, v2;
	vm1 =	vlt.s32 v11, v3  }
0x5e: {  	s26 =	sadd.s32 $0x1, s26;
	v11 =	vsub.s32 v11, v2;
	vm0 =	vmand vm0, vm1  }
0x5f: {  	p0 =	sne.s32 s26, $0x19;
	v11 =	vsel vm0, v11, v10  }
.Ltmp3:
0x60: {  	[tilespmem:s28+$0x7D0] =	vst v11;
	(pc) =	sbr.rel @p0 .LBB2_6-.Ltmp3, $4  }
0x61: {  	[spmem:s3] =	stream.indirect.scatter.add.f32 [tilespmem:s20], [sflag:$0x1], $0x10, s21, s21, $0xb8;
	[tilespmem:$0x1C540] =	vst v63  }
0x62: {  	_ =	swait.ge [sflag:s18], $0x7D00  }
0x63: {  	[sflag:s18] =	ssyncset.done $0x0  }
0x64: {  	[sflag:s18] =	ssyncadd.s32 $0xFFFF8300  }
0x65: {  	[bflag:$0x0] =	sbarrier.arrive $0xFFFF  }
0x66: {  	[hbm:s11], [sflag:s19] =	dma.local [spmem:s24], $0x2710  }
0x67: {  	_ =	swait.ge [sflag:s18], $0x2710  }
0x68: {  	[sflag:s18] =	ssyncset.done $0x0  }
0x69: {  	[sflag:s18] =	ssyncadd.s32 $0xFFFFD8F0  }
0x6a: {  	[bflag:$0x0] =	sbarrier.arrive $0xFFFF  }
0x6b: {  	[spmem:s23], [sflag:s19] =	dma.local [hbm:s8], $0x2712  }
0x6c: {  	_ =	swait.ge [sflag:s18], $0x2712  }
0x6d: {  	[sflag:s18] =	ssyncset.done $0x0  }
0x6e: {  	[sflag:s18] =	ssyncadd.s32 $0xFFFFD8EE  }
0x6f: {  	s25 =	simm.s32 $0x0;
	s26 =	simm.s32 $0x0;
	[bflag:$0x0] =	sbarrier.arrive $0xFFFF  }
.LBB2_10:
0x70: {  	s28 =	smul.u32 $0x7D0, s26;
	_ =	sdelay $0x1  }
0x71: {  	s28 =	sadd.s32 s14, s28  }
0x72: {  	s29 =	sshrl.u32 s28, $0x3  }
0x73: {  	s29 =	sadd.s32 s6, s29  }
0x74: {  	[tilespmem:s25], [sflag:$0x1] =	stream.linear.gather [hbm4b:s29+s25], $0x7D0, $0x38;
	[tilespmem:$0x1C540] =	vst v63  }
0x75: {  	_ =	swait.ge [sflag:s18], $0x7D0  }
0x76: {  	s28 =	sshll.u32 s28, $0x1;
	[sflag:s18] =	ssyncset.done $0x0  }
0x77: {  	s28 =	sadd.s32 s5, s28;
	[sflag:s18] =	ssyncadd.s32 $0xFFFFF830  }
0x78: {  	[tilespmem:s20], [sflag:$0x1] =	stream.linear.gather [hbm4b:s28+s25], $0x7D00, $0x38;
	[tilespmem:$0x1C540] =	vst v63  }
0x79: {  	_ =	swait.ge [sflag:s18], $0x7D00  }
0x7a: {  	[sflag:s18] =	ssyncset.done $0x0  }
0x7b: {  	s28 =	simm.s32 $0x0;
	[sflag:s18] =	ssyncadd.s32 $0xFFFF8300  }
0x7c: {  	s29 =	simm.s32 $0x40;
	v11 =	vld [tilespmem:s28+$0x0]  }
.LBB2_11:
0x7d: {  	_ =	sdelay $0x1  }
0x7e: {  	p0 =	sne.s32 s29, $0x1F00  }
.Ltmp4:
0x7f: {  	_ = 	snop;
	(pc) =	sbr.rel @p0 .LBB2_11-.Ltmp4, $4  }
0x80: {  	vm0 =	vge.s32 v11, v4;
	vm1 =	vlt.s32 v11, v5  }
0x81: {  	v12 =	vsub.s32 v11, v4;
	vm0 =	vmand vm0, vm1  }
0x82: {  	s30 =	sshra.s32 s29, $0x2;
	v12 =	vsel vm0, v12, v10  }
0x83: {  	s29 =	sadd.s32 $0x40, s29;
	v11 =	vld [tilespmem:s30+$0x0];
	[tilespmem:s28+$0x7D0] =	vst v12;
	s28 =	smov.u32 s30  }
0x84: {  	_ =	sdelay $0x3  }
0x85: {  	vm0 =	vge.s32 v11, v4;
	vm1 =	vlt.s32 v11, v5  }
0x86: {  	s26 =	sadd.s32 $0x1, s26;
	v11 =	vsub.s32 v11, v4;
	vm0 =	vmand vm0, vm1  }
0x87: {  	p0 =	sne.s32 s26, $0x19;
	v11 =	vsel vm0, v11, v10  }
.Ltmp5:
0x88: {  	[tilespmem:s28+$0x7D0] =	vst v11;
	(pc) =	sbr.rel @p0 .LBB2_10-.Ltmp5, $4  }
0x89: {  	[spmem:s3] =	stream.indirect.scatter.add.f32 [tilespmem:s20], [sflag:$0x1], $0x10, s21, s21, $0xb8;
	[tilespmem:$0x1C540] =	vst v63  }
0x8a: {  	_ =	swait.ge [sflag:s18], $0x7D00  }
0x8b: {  	[sflag:s18] =	ssyncset.done $0x0  }
0x8c: {  	[sflag:s18] =	ssyncadd.s32 $0xFFFF8300  }
0x8d: {  	[bflag:$0x0] =	sbarrier.arrive $0xFFFF  }
0x8e: {  	[hbm:s12], [sflag:s19] =	dma.local [spmem:s24], $0x2710  }
0x8f: {  	_ =	swait.ge [sflag:s18], $0x2710  }
0x90: {  	[sflag:s18] =	ssyncset.done $0x0  }
0x91: {  	[sflag:s18] =	ssyncadd.s32 $0xFFFFD8F0  }
0x92: {  	[bflag:$0x0] =	sbarrier.arrive $0xFFFF  }
0x93: {  	[spmem:s23], [sflag:s19] =	dma.local [hbm:s8], $0x2712  }
0x94: {  	_ =	swait.ge [sflag:s18], $0x2712  }
0x95: {  	[sflag:s18] =	ssyncset.done $0x0  }
0x96: {  	[sflag:s18] =	ssyncadd.s32 $0xFFFFD8EE  }
0x97: {  	s25 =	simm.s32 $0x0;
	s26 =	simm.s32 $0x0;
	[bflag:$0x0] =	sbarrier.arrive $0xFFFF  }
.LBB2_14:
0x98: {  	s28 =	smul.u32 $0x7D0, s26;
	_ =	sdelay $0x1  }
0x99: {  	s28 =	sadd.s32 s14, s28  }
0x9a: {  	s29 =	sshrl.u32 s28, $0x3  }
0x9b: {  	s29 =	sadd.s32 s6, s29  }
0x9c: {  	[tilespmem:s25], [sflag:$0x1] =	stream.linear.gather [hbm4b:s29+s25], $0x7D0, $0x38;
	[tilespmem:$0x1C540] =	vst v63  }
0x9d: {  	_ =	swait.ge [sflag:s18], $0x7D0  }
0x9e: {  	s28 =	sshll.u32 s28, $0x1;
	[sflag:s18] =	ssyncset.done $0x0  }
0x9f: {  	s28 =	sadd.s32 s5, s28;
	[sflag:s18] =	ssyncadd.s32 $0xFFFFF830  }
0xa0: {  	[tilespmem:s20], [sflag:$0x1] =	stream.linear.gather [hbm4b:s28+s25], $0x7D00, $0x38;
	[tilespmem:$0x1C540] =	vst v63  }
0xa1: {  	_ =	swait.ge [sflag:s18], $0x7D00  }
0xa2: {  	[sflag:s18] =	ssyncset.done $0x0  }
0xa3: {  	s28 =	simm.s32 $0x0;
	[sflag:s18] =	ssyncadd.s32 $0xFFFF8300  }
0xa4: {  	s29 =	simm.s32 $0x40;
	v11 =	vld [tilespmem:s28+$0x0]  }
.LBB2_15:
0xa5: {  	_ =	sdelay $0x1  }
0xa6: {  	p0 =	sne.s32 s29, $0x1F00  }
.Ltmp6:
0xa7: {  	_ = 	snop;
	(pc) =	sbr.rel @p0 .LBB2_15-.Ltmp6, $4  }
0xa8: {  	vm0 =	vge.s32 v11, v6;
	vm1 =	vlt.s32 v11, v7  }
0xa9: {  	v12 =	vsub.s32 v11, v6;
	vm0 =	vmand vm0, vm1  }
0xaa: {  	s30 =	sshra.s32 s29, $0x2;
	v12 =	vsel vm0, v12, v10  }
0xab: {  	s29 =	sadd.s32 $0x40, s29;
	v11 =	vld [tilespmem:s30+$0x0];
	[tilespmem:s28+$0x7D0] =	vst v12;
	s28 =	smov.u32 s30  }
0xac: {  	_ =	sdelay $0x3  }
0xad: {  	vm0 =	vge.s32 v11, v6;
	vm1 =	vlt.s32 v11, v7  }
0xae: {  	s26 =	sadd.s32 $0x1, s26;
	v11 =	vsub.s32 v11, v6;
	vm0 =	vmand vm0, vm1  }
0xaf: {  	p0 =	sne.s32 s26, $0x19;
	v11 =	vsel vm0, v11, v10  }
.Ltmp7:
0xb0: {  	[tilespmem:s28+$0x7D0] =	vst v11;
	(pc) =	sbr.rel @p0 .LBB2_14-.Ltmp7, $4  }
0xb1: {  	[spmem:s3] =	stream.indirect.scatter.add.f32 [tilespmem:s20], [sflag:$0x1], $0x10, s21, s21, $0xb8;
	[tilespmem:$0x1C540] =	vst v63  }
0xb2: {  	_ =	swait.ge [sflag:s18], $0x7D00  }
0xb3: {  	[sflag:s18] =	ssyncset.done $0x0  }
0xb4: {  	[sflag:s18] =	ssyncadd.s32 $0xFFFF8300  }
0xb5: {  	[bflag:$0x0] =	sbarrier.arrive $0xFFFF  }
0xb6: {  	[hbm:s13], [sflag:s19] =	dma.local [spmem:s24], $0x2710  }
0xb7: {  	_ =	swait.ge [sflag:s18], $0x2710  }
0xb8: {  	[sflag:s18] =	ssyncset.done $0x0  }
0xb9: {  	[sflag:s18] =	ssyncadd.s32 $0xFFFFD8F0  }
0xba: {  	[bflag:$0x0] =	sbarrier.arrive $0xFFFF  }
0xbb: {  	[spmem:s23], [sflag:s19] =	dma.local [hbm:s8], $0x2712  }
0xbc: {  	_ =	swait.ge [sflag:s18], $0x2712  }
0xbd: {  	[sflag:s18] =	ssyncset.done $0x0  }
0xbe: {  	[sflag:s18] =	ssyncadd.s32 $0xFFFFD8EE  }
0xbf: {  	s25 =	simm.s32 $0x0;
	s23 =	simm.s32 $0x0;
	[bflag:$0x0] =	sbarrier.arrive $0xFFFF  }
.LBB2_18:
0xc0: {  	s26 =	smul.u32 $0x7D0, s25;
	_ =	sdelay $0x1  }
0xc1: {  	s26 =	sadd.s32 s14, s26  }
0xc2: {  	s28 =	sshrl.u32 s26, $0x3  }
0xc3: {  	s28 =	sadd.s32 s6, s28  }
0xc4: {  	[tilespmem:s23], [sflag:$0x1] =	stream.linear.gather [hbm4b:s28+s23], $0x7D0, $0x38;
	[tilespmem:$0x1C540] =	vst v63  }
0xc5: {  	_ =	swait.ge [sflag:s18], $0x7D0  }
0xc6: {  	s26 =	sshll.u32 s26, $0x1;
	[sflag:s18] =	ssyncset.done $0x0  }
0xc7: {  	s26 =	sadd.s32 s5, s26;
	[sflag:s18] =	ssyncadd.s32 $0xFFFFF830  }
0xc8: {  	[tilespmem:s20], [sflag:$0x1] =	stream.linear.gather [hbm4b:s26+s23], $0x7D00, $0x38;
	[tilespmem:$0x1C540] =	vst v63  }
0xc9: {  	_ =	swait.ge [sflag:s18], $0x7D00  }
0xca: {  	[sflag:s18] =	ssyncset.done $0x0  }
0xcb: {  	s26 =	simm.s32 $0x0;
	[sflag:s18] =	ssyncadd.s32 $0xFFFF8300  }
0xcc: {  	s28 =	simm.s32 $0x40;
	v11 =	vld [tilespmem:s26+$0x0]  }
.LBB2_19:
0xcd: {  	_ =	sdelay $0x1  }
0xce: {  	p0 =	sne.s32 s28, $0x1F00  }
.Ltmp8:
0xcf: {  	_ = 	snop;
	(pc) =	sbr.rel @p0 .LBB2_19-.Ltmp8, $4  }
0xd0: {  	vm0 =	vge.s32 v11, v8;
	vm1 =	vlt.s32 v11, v9  }
0xd1: {  	v12 =	vsub.s32 v11, v8;
	vm0 =	vmand vm0, vm1  }
0xd2: {  	s29 =	sshra.s32 s28, $0x2;
	v12 =	vsel vm0, v12, v10  }
0xd3: {  	s28 =	sadd.s32 $0x40, s28;
	v11 =	vld [tilespmem:s29+$0x0];
	[tilespmem:s26+$0x7D0] =	vst v12;
	s26 =	smov.u32 s29  }
0xd4: {  	_ =	sdelay $0x3  }
0xd5: {  	vm0 =	vge.s32 v11, v8;
	vm1 =	vlt.s32 v11, v9  }
0xd6: {  	s25 =	sadd.s32 $0x1, s25;
	v11 =	vsub.s32 v11, v8;
	vm0 =	vmand vm0, vm1  }
0xd7: {  	p0 =	sne.s32 s25, $0x19;
	v11 =	vsel vm0, v11, v10  }
.Ltmp9:
0xd8: {  	[tilespmem:s26+$0x7D0] =	vst v11;
	(pc) =	sbr.rel @p0 .LBB2_18-.Ltmp9, $4  }
0xd9: {  	[spmem:s3] =	stream.indirect.scatter.add.f32 [tilespmem:s20], [sflag:$0x1], $0x10, s21, s21, $0xb8;
	[tilespmem:$0x1C540] =	vst v63  }
0xda: {  	_ =	swait.ge [sflag:s18], $0x7D00  }
0xdb: {  	[sflag:s18] =	ssyncset.done $0x0  }
0xdc: {  	[sflag:s18] =	ssyncadd.s32 $0xFFFF8300  }
0xdd: {  	[bflag:$0x0] =	sbarrier.arrive $0xFFFF;
	s22 =	sadd.s32 $0x1, s22  }
0xde: {  	[hbm:s15], [sflag:s19] =	dma.local [spmem:s24], $0x2710  }
0xdf: {  	p0 =	sne.s32 s22, s16  }
.Ltmp10:
0xe0: {  	_ =	swait.ge [sflag:s18], $0x2710;
	(pc) =	sbr.rel @p0 .LBB2_1-.Ltmp10, $3  }
0xe1: {  	[sflag:s18] =	ssyncset.done $0x0  }
0xe2: {  	[sflag:s18] =	ssyncadd.s32 $0xFFFFD8F0  }
0xe3: {  	[bflag:$0x0] =	sbarrier.arrive $0xFFFF;
	_ =	sdelay $0x1  }
0xe4: {  	_ =	sfence.sel $0x180000  }
0xe5: {  	[bflag:$0x0] =	sbarrier.arrive $0xFFFF  }
0xe6: {  	p0 =	sne.s32 s1, $0x0;
	_ =	strace $0x90000050  }
0xe7: {  	s0 =	sadd.s32 @!p0 $0x100000, s0;
	[bflag:$0x2] =	sbarrier.arrive $0xFFFF  }
0xe8: {  	[sflag:s0] =	ssyncadd.tile.s32 @!p0 $0x1;
	_ =	shalt  }
.Lfunc_end2:
_tile_overlayer_lowered:
.L_overlay_start_2:
0xe9: {  	(tag) =	ssettag $0x2  }
0xea: {  	s0 =	rddreg [dreg:$0x0];
	s2 =	stileid.u32  }
0xeb: {  	s1 =	rddreg [dreg:$0x1];
	p0 =	sne.s32 s2, $0x0  }
0xec: {  	s3 =	rddreg [dreg:$0x2];
	[bflag:$0x3] =	sbarrier.arrive $0xFFFF;
	s2 =	simm.s32 @!p0 $0x1C01  }
0xed: {  	[timem:s3], [sflag:s2] =	dma.local @!p0 [hbm:s0], s1  }
0xee: {  	s0 =	simm.s32 @!p0 $0x1  }
0xef: {  	_ =	swait.ge @!p0 [sflag:s0], s1  }
0xf0: {  	s1 =	ssub.s32 @!p0 $0x0, s1;
	[sflag:s0] =	ssyncset.done @!p0 $0x0  }
0xf1: {  	[sflag:s0] =	ssyncadd.s32 @!p0 s1  }
0xf2: {  	[bflag:$0x3] =	sbarrier.arrive $0xFFFF  }
0xf3: {  	_ =	shalt  }

// kernel: kernel.29.cloned.1.call-start
scs
__scs_entry_jumppad:
0x0: {  	(pc) =	sbr.rel $0x88, $3  }
0x1: {  	(tag) =	ssettag $0x0;
	lr =	simm.s32 $0x1  }
0x2: {  	[smem:$0x3F78] =	sst lr;
	_ =	strace $0xD0000000  }
0x3: {  	_ = 	snop  }
0x4: {  	_ = 	snop  }
0x5: {  	_ = 	snop  }
0x6: {  	_ = 	snop  }
0x7: {  	_ = 	snop  }
__scs_overlays_trampoline_lowered:
0x8: {  	[smem:$0x3F87] =	sst s0  }
0x9: {  	[smem:$0x3F88] =	sst s1  }
0xa: {  	[smem:$0x3F89] =	sst s2  }
0xb: {  	[smem:$0x3F8A] =	sst s3  }
0xc: {  	[smem:$0x3F8B] =	sst s4  }
0xd: {  	[smem:$0x3F8C] =	sst s5  }
0xe: {  	[smem:$0x3F8D] =	sst s6  }
0xf: {  	[smem:$0x3F8E] =	sst s7  }
0x10: {  	[smem:$0x3F8F] =	sst s8  }
0x11: {  	[smem:$0x3F90] =	sst s9;
	s0 =	simm.s32 @!p0 $0x0  }
0x12: {  	s1 =	sld [smem:$0x3F76];
	s0 =	simm.s32 @p0 $0x1  }
0x13: {  	[smem:$0x3F91] =	sst s0;
	s0 =	simm.s32 @!p1 $0x0  }
0x14: {  	s2 =	sld [smem:$0x3F75];
	s0 =	simm.s32 @p1 $0x1  }
0x15: {  	[smem:$0x3F92] =	sst s0;
	s0 =	simm.s32 @!p2 $0x0  }
0x16: {  	s3 =	sld [smem:$0x3FDB];
	s0 =	simm.s32 @p2 $0x1  }
0x17: {  	s4 =	simm.s32 $0x1BF5;
	[smem:$0x3F94] =	sst s0  }
0x18: {  	s0 =	sld [smem:$0x3F77];
	_ =	swait.ge [sflag:s4], $0x0  }
0x19: {  	s7 =	sld [smem:$0x3F78]  }
0x1a: {  	s8 =	sadd.s32 $0xFFFFE003, lr  }
0x1b: {  	s9 =	sadd.s32 $0xFFFFFEF7, lr;
	s5 =	simm.s32 $0xFFFFFFFF;
	p2 =	slt.u32 s8, $0xFFFFF086  }
0x1c: {  	p1 =	slt.u32 s9, $0xF7A;
	s5 =	simm.s32 @!p2 $0x0  }
0x1d: {  	s5 =	simm.s32 @p1 $0x1;
	p0 =	seq.s32 s7, s2  }
0x1e: {  	s7 =	smul.u32 @!p0 $0xF7A, s2;
	p2 =	seq.s32 @!p0 s5, $0x0  }
0x1f: {  	s9 =	smul.u32 $0xF7A, s1;
	s8 =	simm.s32 @!p0 $0x1BF5;
	p2 =	por !p2, p0  }
0x20: {  	[sflag:s8] =	ssyncset.s32 @!p0 $0xFFFFF086;
	s6 =	sadd.s32 @!p0 s3, s7;
	s7 =	simm.s32 @!p0 $0x108  }
0x21: {  	s3 =	sadd.s32 s3, s9;
	s6 =	sadd.s32 @!p0 $0x88, s6;
	s7 =	simm.s32 @p2 $0x1082  }
0x22: {  	[simem:s7], [sflag:s8] =	dma.local @!p0 [hbm:s6], $0xF7A  }
0x23: {  	s9 =	sor.u32 $0xD0000000, s2;
	s6 =	simm.s32 $0x108;
	_ =	swait.ge @!p0 [sflag:s8], $0x0  }
0x24: {  	s3 =	sadd.s32 $0x88, s3;
	s6 =	simm.s32 @!p1 $0x1082;
	[sflag:s4] =	ssyncset.s32 $0xFFFFF086  }
0x25: {  	[simem:s6], [sflag:s4] =	dma.local [hbm:s3], $0xF7A  }
0x26: {  	[smem:$0x3F78] =	sst s1;
	(tag) =	ssettag s2;
	_ =	strace s9  }
0x27: {  	s1 =	sld [smem:$0x3F88]  }
0x28: {  	s2 =	sld [smem:$0x3F89]  }
0x29: {  	s4 =	sld [smem:$0x3F8B]  }
0x2a: {  	p0 =	seq.s32 s5, $0x0;
	s5 =	sld [smem:$0x3F8C]  }
0x2b: {  	s6 =	sld [smem:$0x3F8D]  }
0x2c: {  	s7 =	sld [smem:$0x3F8E]  }
0x2d: {  	s3 =	simm.s32 $0x108;
	s8 =	sld [smem:$0x3F8F]  }
0x2e: {  	s3 =	simm.s32 @!p0 $0x1082;
	s9 =	sld [smem:$0x3F90]  }
0x2f: {  	lr =	sadd.s32 s0, s3;
	s0 =	sld [smem:$0x3F87]  }
0x30: {  	s3 =	sld [smem:$0x3F8A]  }
0x31: {  	[smem:$0x3F93] =	sst s10  }
0x32: {  	s10 =	sld [smem:$0x3F91];
	_ =	sdelay $0x3  }
0x33: {  	p0 =	seq.s32 s10, $0x1;
	s10 =	sld [smem:$0x3F93];
	_ =	sdelay $0x3  }
0x34: {  	[smem:$0x3F93] =	sst s10  }
0x35: {  	s10 =	sld [smem:$0x3F92];
	_ =	sdelay $0x3  }
0x36: {  	p1 =	seq.s32 s10, $0x1;
	s10 =	sld [smem:$0x3F93];
	_ =	sdelay $0x3  }
0x37: {  	[smem:$0x3F93] =	sst s10  }
0x38: {  	s10 =	sld [smem:$0x3F94]  }
0x39: {  	_ = 	snop;
	(pc) =	sbr.ind lr, $3  }
0x3a: {  	_ = 	snop  }
0x3b: {  	_ = 	snop  }
0x3c: {  	p2 =	seq.s32 s10, $0x1;
	s10 =	sld [smem:$0x3F93]  }
0x3d: {  	_ =	shalt  }
0x3e: {  	_ =	shalt  }
0x3f: {  	_ =	shalt  }
0x40: {  	_ =	shalt  }
0x41: {  	_ =	shalt  }
0x42: {  	_ =	shalt  }
0x43: {  	_ =	shalt  }
0x44: {  	_ =	shalt  }
0x45: {  	_ =	shalt  }
0x46: {  	_ =	shalt  }
0x47: {  	_ =	shalt  }
0x48: {  	_ =	shalt  }
0x49: {  	_ =	shalt  }
0x4a: {  	_ =	shalt  }
0x4b: {  	_ =	shalt  }
0x4c: {  	_ =	shalt  }
0x4d: {  	_ =	shalt  }
0x4e: {  	_ =	shalt  }
0x4f: {  	_ =	shalt  }
0x50: {  	_ =	shalt  }
0x51: {  	_ =	shalt  }
0x52: {  	_ =	shalt  }
0x53: {  	_ =	shalt  }
0x54: {  	_ =	shalt  }
0x55: {  	_ =	shalt  }
0x56: {  	_ =	shalt  }
0x57: {  	_ =	shalt  }
0x58: {  	_ =	shalt  }
0x59: {  	_ =	shalt  }
0x5a: {  	_ =	shalt  }
0x5b: {  	_ =	shalt  }
0x5c: {  	_ =	shalt  }
0x5d: {  	_ =	shalt  }
0x5e: {  	_ =	shalt  }
0x5f: {  	_ =	shalt  }
0x60: {  	_ =	shalt  }
0x61: {  	_ =	shalt  }
0x62: {  	_ =	shalt  }
0x63: {  	_ =	shalt  }
0x64: {  	_ =	shalt  }
0x65: {  	_ =	shalt  }
0x66: {  	_ =	shalt  }
0x67: {  	_ =	shalt  }
0x68: {  	_ =	shalt  }
0x69: {  	_ =	shalt  }
0x6a: {  	_ =	shalt  }
0x6b: {  	_ =	shalt  }
0x6c: {  	_ =	shalt  }
0x6d: {  	_ =	shalt  }
0x6e: {  	_ =	shalt  }
0x6f: {  	_ =	shalt  }
0x70: {  	_ =	shalt  }
0x71: {  	_ =	shalt  }
0x72: {  	_ =	shalt  }
0x73: {  	_ =	shalt  }
0x74: {  	_ =	shalt  }
0x75: {  	_ =	shalt  }
0x76: {  	_ =	shalt  }
0x77: {  	_ =	shalt  }
0x78: {  	_ =	shalt  }
0x79: {  	_ =	shalt  }
0x7a: {  	_ =	shalt  }
0x7b: {  	_ =	shalt  }
0x7c: {  	_ =	shalt  }
0x7d: {  	_ =	shalt  }
0x7e: {  	_ =	shalt  }
0x7f: {  	_ =	shalt  }
0x80: {  	_ =	shalt  }
0x81: {  	_ =	shalt  }
0x82: {  	_ =	shalt  }
0x83: {  	_ =	shalt  }
0x84: {  	_ =	shalt  }
0x85: {  	_ =	shalt  }
0x86: {  	_ =	shalt  }
0x87: {  	_ =	shalt  }
.Lfunc_end0:
.L_simem_size_0:
called_computation.3_lowered:
.L_overlay_start_0:
0x88: {  	s2 =	sld [smem:$0x3FD9]  }
0x89: {  	s3 =	sld [smem:$0x3FFE];
	_ =	sdelay $0x1  }
0x8a: {  	s1 =	srdreg.scid  }
0x8b: {  	s0 =	sand.u32 $0x1, s1  }
0x8c: {  	s17 =	sshll.u32 s0, $0xA;
	s2 =	sadd.s32 s3, s2  }
0x8d: {  	s2 =	sadd.s32 s2, s17  }
0x8e: {  	[smem:$0x3F9F] =	sst s2  }
0x8f: {  	_ = 	snop  }
0x90: {  	(tm) =	ssettm $0x1  }
0x91: {  	s18 =	sld [smem:$0x3FFB];
	_ =	sdelay $0x3  }
0x92: {  	_ =	strace s18  }
0x93: {  	s2 =	sld [smem:$0x3FFC];
	_ =	sdelay $0x3  }
0x94: {  	_ =	strace s2  }
0x95: {  	s2 =	sld [smem:$0x3FFD];
	_ =	sdelay $0x3  }
0x96: {  	_ =	strace s2  }
0x97: {  	_ =	strace $0x8FFFFFFF  }
0x98: {  	s19 =	sld [smem:$0x3FDB];
	_ =	sdelay $0x1  }
0x99: {  	s20 =	simm.s32 $_scs_section_size  }
0x9a: {  	s4 =	simm.s32 $_size__tile_overlayer_lowered;
	s5 =	simm.s32 $_tile_overlayer_lowered  }
0x9b: {  	s6 =	simm.s32 $0x1BFF;
	s21 =	sshll.u32 s5, $0x1;
	s3 =	sadd.s32 s20, s19  }
0x9c: {  	s22 =	simm.s32 $0x0;
	s4 =	sshll.u32 s4, $0x1;
	s5 =	sadd.s32 s21, s3  }
0x9d: {  	[timem:s22], [sflag:s6] =	dma.local [hbm:s5], s4  }
0x9e: {  	_ =	swait.ge [sflag:s6], s4  }
0x9f: {  	s4 =	ssub.s32 $0x0, s4;
	[sflag:s6] =	ssyncset.done $0x0  }
0xa0: {  	[sflag:s6] =	ssyncadd.s32 s4;
	_ =	sdelay $0x1  }
0xa1: {  	s23 =	simm.s32 $0x1B8B  }
0xa2: {  	_ =	swait.ge [sflag:s23], $0x1  }
0xa3: {  	[sflag:s23] =	ssyncset.done $0x0  }
0xa4: {  	[sflag:s23] =	ssyncadd.s32 $0xFFFFFFFF  }
0xa5: {  	s4 =	sld [smem:$0x0]  }
0xa6: {  	s5 =	sand.u32 $0xFFFFFFFE, s1  }
0xa7: {  	p0 =	sne.s32 s1, s5  }
0xa8: {  	s5 =	sshll.u32 @p0 s5, $0xE  }
0xa9: {  	s5 =	sadd.s32 @p0 $0x11B8D, s5;
	s6 =	sshll.u32 @p0 s4, $0x11  }
0xaa: {  	s5 =	sor.u32 @p0 s6, s5  }
0xab: {  	[sflag:s5] =	ssyncadd.remote.s32 @p0 $0x1;
	_ =	sdelay $0x1  }
0xac: {  	s5 =	simm.s32 @p0 $0x1B8D  }
0xad: {  	_ =	swait.eq @p0 [sflag:s5], $0x1  }
0xae: {  	[sflag:s5] =	ssyncadd.s32 @p0 $0xFFFFFFFF  }
0xaf: {  	s6 =	sshll.u32 @!p0 s1, $0xE  }
0xb0: {  	s6 =	sor.u32 @!p0 $0x4000, s6;
	s5 =	simm.s32 @!p0 $0x1B8D  }
0xb1: {  	s4 =	sshll.u32 @!p0 s4, $0x11;
	s6 =	sadd.s32 @!p0 $0x11B8D, s6;
	_ =	swait.eq @!p0 [sflag:s5], $0x1  }
0xb2: {  	s4 =	sor.u32 @!p0 s4, s6;
	[sflag:s5] =	ssyncadd.s32 @!p0 $0xFFFFFFFF  }
0xb3: {  	s25 =	simm.s32 $0x1B8E;
	s24 =	sld [smem:$0x3FFE];
	[sflag:s4] =	ssyncadd.remote.s32 @!p0 $0x1  }
0xb4: {  	s26 =	simm.s32 $execute0_lowered;
	[smem:$0x3FD2] =	sst s25  }
0xb5: {  	s5 =	sshll.u32 s26, $0x1;
	_ =	strace $0x8000004C;
	[dreg:$0x1] =	wrdreg $0xFFFFFFFF  }
0xb6: {  	s28 =	simm.s32 $_size_execute0_lowered;
	s3 =	sadd.s32 s3, s5;
	[dreg:$0x0] =	wrdreg $0x0  }
0xb7: {  	s5 =	sshll.u32 s28, $0x1;
	[dreg:$0x2] =	wrdreg s3  }
0xb8: {  	[dreg:$0x3] =	wrdreg s5  }
0xb9: {  	[dreg:$0x4] =	wrdreg $0xC0  }
0xba: {  	_ =	task [dreg:s22], $0x5FFFF  }
0xbb: {  	[dreg:$0x1] =	wrdreg $0xFFFFFFFF  }
0xbc: {  	[dreg:$0x0] =	wrdreg $0x60  }
0xbd: {  	[dreg:$0x2] =	wrdreg s24  }
0xbe: {  	[dreg:$0x3] =	wrdreg $0x9  }
0xbf: {  	_ =	task.clear_ibuf [dreg:s22], $0x4FFFF;
	_ =	strace $0x9000004C  }
0xc0: {  	s29 =	simm.s32 $0x9;
	_ =	strace $0x8000004E  }
0xc1: {  	_ =	swait.ge [sflag:s29], $0x1  }
0xc2: {  	[sflag:s29] =	ssyncadd.s32 $0xFFFFFFFF  }
0xc3: {  	_ =	strace $0x9000004E  }
0xc4: {  	_ =	sfence  }
0xc5: {  	s30 =	sld [smem:$0x0];
	_ =	sdelay $0x2  }
0xc6: {  	s31 =	sshll.u32 s1, $0xD;
	s1 =	sshrl.u32 s1, $0x2  }
0xc7: {  	s4 =	sand.u32 $0x4000, s31;
	s1 =	sadd.s32 s1, s30  }
0xc8: {  	s0 =	sor.u32 s4, s0;
	s1 =	sshll.u32 s1, $0x11  }
0xc9: {  	s0 =	sor.u32 s1, s0  }
0xca: {  	s0 =	sadd.s32 $0x8F2B, s0  }
0xcb: {  	[sflag:s0] =	ssyncadd.remote.s32 $0x1  }
0xcc: {  	_ =	sfence.sel $0xFFFF  }
0xcd: {  	[dreg:$0x0] =	wrdreg $0xFFFFFFFF;
	(pc) =	sbr.abs _section_cstart, $3  }
0xce: {  	[dreg:$0x1] =	wrdreg $0xFFFFFFFF  }
0xcf: {  	_ =	task.clear_ibuf [dreg:s22], $0x2FFFF;
	_ =	strace $0x9FFFFFFF  }
0xd0: {  	(tm) =	ssettm $0x7FFFFFFF  }
0xd1: {  	_ =	shalt  }
tec
execute0_lowered:
.L_overlay_start_1:
0x0: {  	(tag) =	ssettag $0x1  }
0x1: {  	s4 =	rddreg [dreg:$0x0]  }
0x2: {  	s0 =	rddreg [dreg:$0x1];
	s1 =	srdreg.scid  }
0x3: {  	s2 =	simm.s32 $0x0;
	s11 =	simm.s32 $0x1;
	s5 =	sand.u32 $0x1, s1  }
0x4: {  	s12 =	simm.s32 $0x0;
	s1 =	stileid.u32;
	s6 =	smul.u32 $0x61A80, s5  }
0x5: {  	[smem:$0x7FF] =	sst s2;
	s3 =	sadd.s32 $0x689400, s4;
	s7 =	smul.u32 $0x61A8, s1  }
0x6: {  	_ =	strace $0x8000004D;
	s8 =	smul.u32 $0x186A00, s5;
	s5 =	ssub.s32 $0x2, s5  }
0x7: {  	s29 =	smul.u32 $0x186A0, s1;
	s9 =	sshrl.u32 s5, $0x1;
	s6 =	sadd.s32 s7, s6  }
0x8: {  	s8 =	sadd.s32 s8, s4;
	s30 =	ssub.s32 s5, s9;
	s6 =	sshrl.u32 s6, $0x3  }
0x9: {  	s9 =	simm.s32 $0x2;
	s31 =	sadd.s32 s29, s8;
	s10 =	sadd.s32 s6, s4  }
0xa: {  	s4 =	smax.u32 s30, $0x1;
	s5 =	sadd.s32 $0x6BA200, s31;
	s6 =	sadd.s32 $0x9C7600, s31  }
0xb: {  	s7 =	sadd.s32 $0x25200, s10;
	s8 =	sadd.s32 $0xCA00, s10;
	s10 =	simm.s32 $0x3E8  }
.LBB2_1:
0xc: {  	s13 =	sadd.s32 $0x0, s8  }
0xd: {  	[tilespmem:s2], [sflag:$0x2] =	stream.linear.gather [hbm4b:s13+s2], $0x3E8, $0x38;
	[tilespmem:$0x80E8] =	vst v63  }
0xe: {  	_ =	swait.ge [sflag:s9], $0x3E8  }
0xf: {  	[sflag:s9] =	ssyncset.done $0x0  }
0x10: {  	[sflag:s9] =	ssyncadd.s32 $0xFFFFFC18  }
0x11: {  	[tilespmem:s10], [sflag:$0x1] =	stream.indirect.gather [hbm4b:s3+s10], $0x20, s2, s10, $0xb8;
	[tilespmem:$0x80E8] =	vst v63  }
0x12: {  	_ =	swait.ge [sflag:s11], $0x7D00  }
0x13: {  	[sflag:s11] =	ssyncset.done $0x0  }
0x14: {  	[sflag:s11] =	ssyncadd.s32 $0xFFFF8300  }
0x15: {  	[hbm4b:s6+s2] =	stream.linear.scatter [tilespmem:s10], [sflag:$0x2], $0x7D00, $0x38;
	[tilespmem:$0x80E8] =	vst v63  }
0x16: {  	_ =	swait.ge [sflag:s9], $0x7D00  }
0x17: {  	[sflag:s9] =	ssyncset.done $0x0  }
0x18: {  	s31 =	sadd.s32 $0x0, s7;
	[sflag:s9] =	ssyncadd.s32 $0xFFFF8300  }
0x19: {  	[tilespmem:s2], [sflag:$0x2] =	stream.linear.gather [hbm4b:s31+s2], $0x3E8, $0x38;
	[tilespmem:$0x80E8] =	vst v63  }
0x1a: {  	_ =	swait.ge [sflag:s9], $0x3E8  }
0x1b: {  	[sflag:s9] =	ssyncset.done $0x0  }
0x1c: {  	[sflag:s9] =	ssyncadd.s32 $0xFFFFFC18  }
0x1d: {  	[tilespmem:s10], [sflag:$0x1] =	stream.indirect.gather [hbm4b:s3+s10], $0x20, s2, s10, $0xb8;
	[tilespmem:$0x80E8] =	vst v63  }
0x1e: {  	_ =	swait.ge [sflag:s11], $0x7D00  }
0x1f: {  	[sflag:s11] =	ssyncset.done $0x0  }
0x20: {  	[sflag:s11] =	ssyncadd.s32 $0xFFFF8300  }
0x21: {  	[hbm4b:s5+s2] =	stream.linear.scatter [tilespmem:s10], [sflag:$0x2], $0x7D00, $0x38;
	[tilespmem:$0x80E8] =	vst v63  }
0x22: {  	s14 =	simm.s32 $0x7D;
	s16 =	simm.s32 $0xFA;
	_ =	swait.ge [sflag:s9], $0x7D00  }
0x23: {  	s15 =	sadd.s32 $0xFA0, s6;
	s13 =	sadd.s32 $0xFA0, s5;
	[sflag:s9] =	ssyncset.done $0x0  }
.LBB2_2:
0x24: {  	s17 =	sadd.s32 s14, s8  }
0x25: {  	[sflag:s9] =	ssyncadd.s32 $0xFFFF8300;
	s18 =	smov.u32 s16;
	s19 =	sadd.s32 $0x7D, s16  }
0x26: {  	[tilespmem:s2], [sflag:$0x2] =	stream.linear.gather [hbm4b:s17+s2], $0x3E8, $0x38;
	[tilespmem:$0x80E8] =	vst v63  }
0x27: {  	p0 =	sne.s32 s16, $0xBB8;
	_ =	swait.ge [sflag:s9], $0x3E8  }
0x28: {  	[sflag:s9] =	ssyncset.done $0x0  }
0x29: {  	[sflag:s9] =	ssyncadd.s32 $0xFFFFFC18  }
0x2a: {  	[tilespmem:s10], [sflag:$0x1] =	stream.indirect.gather [hbm4b:s3+s10], $0x20, s2, s10, $0xb8;
	[tilespmem:$0x80E8] =	vst v63  }
0x2b: {  	_ =	swait.ge [sflag:s11], $0x7D00  }
0x2c: {  	[sflag:s11] =	ssyncset.done $0x0  }
0x2d: {  	[sflag:s11] =	ssyncadd.s32 $0xFFFF8300  }
0x2e: {  	[hbm4b:s15+s2] =	stream.linear.scatter [tilespmem:s10], [sflag:$0x2], $0x7D00, $0x38;
	[tilespmem:$0x80E8] =	vst v63  }
0x2f: {  	_ =	swait.ge [sflag:s9], $0x7D00  }
0x30: {  	[sflag:s9] =	ssyncset.done $0x0  }
0x31: {  	s16 =	sadd.s32 s14, s7;
	s14 =	smov.u32 s18;
	[sflag:s9] =	ssyncadd.s32 $0xFFFF8300  }
0x32: {  	[tilespmem:s2], [sflag:$0x2] =	stream.linear.gather [hbm4b:s16+s2], $0x3E8, $0x38;
	[tilespmem:$0x80E8] =	vst v63  }
0x33: {  	_ =	swait.ge [sflag:s9], $0x3E8  }
0x34: {  	[sflag:s9] =	ssyncset.done $0x0  }
0x35: {  	[sflag:s9] =	ssyncadd.s32 $0xFFFFFC18  }
0x36: {  	[tilespmem:s10], [sflag:$0x1] =	stream.indirect.gather [hbm4b:s3+s10], $0x20, s2, s10, $0xb8;
	[tilespmem:$0x80E8] =	vst v63  }
0x37: {  	_ =	swait.ge [sflag:s11], $0x7D00  }
.Ltmp0:
0x38: {  	[sflag:s11] =	ssyncset.done $0x0;
	(pc) =	sbr.rel @p0 .LBB2_2-.Ltmp0, $4  }
0x39: {  	[sflag:s11] =	ssyncadd.s32 $0xFFFF8300  }
0x3a: {  	[hbm4b:s13+s2] =	stream.linear.scatter [tilespmem:s10], [sflag:$0x2], $0x7D00, $0x38;
	[tilespmem:$0x80E8] =	vst v63  }
0x3b: {  	s15 =	sadd.s32 $0xFA0, s15;
	_ =	swait.ge [sflag:s9], $0x7D00  }
0x3c: {  	s16 =	smov.u32 s19;
	s13 =	sadd.s32 $0xFA0, s13;
	[sflag:s9] =	ssyncset.done $0x0  }
0x3d: {  	s16 =	sadd.s32 s14, s8;
	[sflag:s9] =	ssyncadd.s32 $0xFFFF8300  }
0x3e: {  	[tilespmem:s2], [sflag:$0x2] =	stream.linear.gather [hbm4b:s16+s2], $0x3E8, $0x38;
	[tilespmem:$0x80E8] =	vst v63  }
0x3f: {  	_ =	swait.ge [sflag:s9], $0x3E8  }
0x40: {  	[sflag:s9] =	ssyncset.done $0x0  }
0x41: {  	[sflag:s9] =	ssyncadd.s32 $0xFFFFFC18  }
0x42: {  	[tilespmem:s10], [sflag:$0x1] =	stream.indirect.gather [hbm4b:s3+s10], $0x20, s2, s10, $0xb8;
	[tilespmem:$0x80E8] =	vst v63  }
0x43: {  	_ =	swait.ge [sflag:s11], $0x7D00  }
0x44: {  	[sflag:s11] =	ssyncset.done $0x0  }
0x45: {  	[sflag:s11] =	ssyncadd.s32 $0xFFFF8300  }
0x46: {  	[hbm4b:s15+s2] =	stream.linear.scatter [tilespmem:s10], [sflag:$0x2], $0x7D00, $0x38;
	[tilespmem:$0x80E8] =	vst v63  }
0x47: {  	_ =	swait.ge [sflag:s9], $0x7D00  }
0x48: {  	[sflag:s9] =	ssyncset.done $0x0  }
0x49: {  	s31 =	sadd.s32 s14, s7;
	[sflag:s9] =	ssyncadd.s32 $0xFFFF8300  }
0x4a: {  	[tilespmem:s2], [sflag:$0x2] =	stream.linear.gather [hbm4b:s31+s2], $0x3E8, $0x38;
	[tilespmem:$0x80E8] =	vst v63  }
0x4b: {  	_ =	swait.ge [sflag:s9], $0x3E8  }
0x4c: {  	[sflag:s9] =	ssyncset.done $0x0  }
0x4d: {  	[sflag:s9] =	ssyncadd.s32 $0xFFFFFC18  }
0x4e: {  	[tilespmem:s10], [sflag:$0x1] =	stream.indirect.gather [hbm4b:s3+s10], $0x20, s2, s10, $0xb8;
	[tilespmem:$0x80E8] =	vst v63  }
0x4f: {  	s12 =	sadd.s32 $0x1, s12;
	_ =	swait.ge [sflag:s11], $0x7D00  }
0x50: {  	p0 =	sne.s32 s12, s4;
	[sflag:s11] =	ssyncset.done $0x0  }
.Ltmp1:
0x51: {  	[sflag:s11] =	ssyncadd.s32 $0xFFFF8300;
	(pc) =	sbr.rel @p0 .LBB2_1-.Ltmp1, $4  }
0x52: {  	[hbm4b:s13+s2] =	stream.linear.scatter [tilespmem:s10], [sflag:$0x2], $0x7D00, $0x38;
	[tilespmem:$0x80E8] =	vst v63  }
0x53: {  	_ =	swait.ge [sflag:s9], $0x7D00  }
0x54: {  	[sflag:s9] =	ssyncset.done $0x0  }
0x55: {  	[sflag:s9] =	ssyncadd.s32 $0xFFFF8300  }
0x56: {  	_ =	sfence.sel $0x180000  }
0x57: {  	[bflag:$0x0] =	sbarrier.arrive $0xFFFF  }
0x58: {  	p0 =	sne.s32 s1, $0x0;
	_ =	strace $0x9000004D  }
0x59: {  	s0 =	sadd.s32 @!p0 $0x100000, s0;
	[bflag:$0x2] =	sbarrier.arrive $0xFFFF  }
0x5a: {  	[sflag:s0] =	ssyncadd.tile.s32 @!p0 $0x1;
	_ =	shalt  }
.Lfunc_end2:
_tile_overlayer_lowered:
.L_overlay_start_2:
0x5b: {  	(tag) =	ssettag $0x2  }
0x5c: {  	s0 =	rddreg [dreg:$0x0];
	s2 =	stileid.u32  }
0x5d: {  	s1 =	rddreg [dreg:$0x1];
	p0 =	sne.s32 s2, $0x0  }
0x5e: {  	s3 =	rddreg [dreg:$0x2];
	[bflag:$0x3] =	sbarrier.arrive $0xFFFF;
	s2 =	simm.s32 @!p0 $0x1C02  }
0x5f: {  	[timem:s3], [sflag:s2] =	dma.local @!p0 [hbm:s0], s1  }
0x60: {  	s0 =	simm.s32 @!p0 $0x2  }
0x61: {  	_ =	swait.ge @!p0 [sflag:s0], s1  }
0x62: {  	s1 =	ssub.s32 @!p0 $0x0, s1;
	[sflag:s0] =	ssyncset.done @!p0 $0x0  }
0x63: {  	[sflag:s0] =	ssyncadd.s32 @!p0 s1  }
0x64: {  	[bflag:$0x3] =	sbarrier.arrive $0xFFFF  }
0x65: {  	_ =	shalt  }

// kernel: kernel.32.cloned.1.call-start
scs
__scs_entry_jumppad:
0x0: {  	(pc) =	sbr.rel $0x88, $3  }
0x1: {  	(tag) =	ssettag $0x0;
	lr =	simm.s32 $0x1  }
0x2: {  	[smem:$0x3F78] =	sst lr;
	_ =	strace $0xD0000000  }
0x3: {  	_ = 	snop  }
0x4: {  	_ = 	snop  }
0x5: {  	_ = 	snop  }
0x6: {  	_ = 	snop  }
0x7: {  	_ = 	snop  }
__scs_overlays_trampoline_lowered:
0x8: {  	[smem:$0x3F87] =	sst s0  }
0x9: {  	[smem:$0x3F88] =	sst s1  }
0xa: {  	[smem:$0x3F89] =	sst s2  }
0xb: {  	[smem:$0x3F8A] =	sst s3  }
0xc: {  	[smem:$0x3F8B] =	sst s4  }
0xd: {  	[smem:$0x3F8C] =	sst s5  }
0xe: {  	[smem:$0x3F8D] =	sst s6  }
0xf: {  	[smem:$0x3F8E] =	sst s7  }
0x10: {  	[smem:$0x3F8F] =	sst s8  }
0x11: {  	[smem:$0x3F90] =	sst s9;
	s0 =	simm.s32 @!p0 $0x0  }
0x12: {  	s1 =	sld [smem:$0x3F76];
	s0 =	simm.s32 @p0 $0x1  }
0x13: {  	[smem:$0x3F91] =	sst s0;
	s0 =	simm.s32 @!p1 $0x0  }
0x14: {  	s2 =	sld [smem:$0x3F75];
	s0 =	simm.s32 @p1 $0x1  }
0x15: {  	[smem:$0x3F92] =	sst s0;
	s0 =	simm.s32 @!p2 $0x0  }
0x16: {  	s3 =	sld [smem:$0x3FDB];
	s0 =	simm.s32 @p2 $0x1  }
0x17: {  	s4 =	simm.s32 $0x1BF5;
	[smem:$0x3F94] =	sst s0  }
0x18: {  	s0 =	sld [smem:$0x3F77];
	_ =	swait.ge [sflag:s4], $0x0  }
0x19: {  	s7 =	sld [smem:$0x3F78]  }
0x1a: {  	s8 =	sadd.s32 $0xFFFFE003, lr  }
0x1b: {  	s9 =	sadd.s32 $0xFFFFFEF7, lr;
	s5 =	simm.s32 $0xFFFFFFFF;
	p2 =	slt.u32 s8, $0xFFFFF086  }
0x1c: {  	p1 =	slt.u32 s9, $0xF7A;
	s5 =	simm.s32 @!p2 $0x0  }
0x1d: {  	s5 =	simm.s32 @p1 $0x1;
	p0 =	seq.s32 s7, s2  }
0x1e: {  	s7 =	smul.u32 @!p0 $0xF7A, s2;
	p2 =	seq.s32 @!p0 s5, $0x0  }
0x1f: {  	s9 =	smul.u32 $0xF7A, s1;
	s8 =	simm.s32 @!p0 $0x1BF5;
	p2 =	por !p2, p0  }
0x20: {  	[sflag:s8] =	ssyncset.s32 @!p0 $0xFFFFF086;
	s6 =	sadd.s32 @!p0 s3, s7;
	s7 =	simm.s32 @!p0 $0x108  }
0x21: {  	s3 =	sadd.s32 s3, s9;
	s6 =	sadd.s32 @!p0 $0x88, s6;
	s7 =	simm.s32 @p2 $0x1082  }
0x22: {  	[simem:s7], [sflag:s8] =	dma.local @!p0 [hbm:s6], $0xF7A  }
0x23: {  	s9 =	sor.u32 $0xD0000000, s2;
	s6 =	simm.s32 $0x108;
	_ =	swait.ge @!p0 [sflag:s8], $0x0  }
0x24: {  	s3 =	sadd.s32 $0x88, s3;
	s6 =	simm.s32 @!p1 $0x1082;
	[sflag:s4] =	ssyncset.s32 $0xFFFFF086  }
0x25: {  	[simem:s6], [sflag:s4] =	dma.local [hbm:s3], $0xF7A  }
0x26: {  	[smem:$0x3F78] =	sst s1;
	(tag) =	ssettag s2;
	_ =	strace s9  }
0x27: {  	s1 =	sld [smem:$0x3F88]  }
0x28: {  	s2 =	sld [smem:$0x3F89]  }
0x29: {  	s4 =	sld [smem:$0x3F8B]  }
0x2a: {  	p0 =	seq.s32 s5, $0x0;
	s5 =	sld [smem:$0x3F8C]  }
0x2b: {  	s6 =	sld [smem:$0x3F8D]  }
0x2c: {  	s7 =	sld [smem:$0x3F8E]  }
0x2d: {  	s3 =	simm.s32 $0x108;
	s8 =	sld [smem:$0x3F8F]  }
0x2e: {  	s3 =	simm.s32 @!p0 $0x1082;
	s9 =	sld [smem:$0x3F90]  }
0x2f: {  	lr =	sadd.s32 s0, s3;
	s0 =	sld [smem:$0x3F87]  }
0x30: {  	s3 =	sld [smem:$0x3F8A]  }
0x31: {  	[smem:$0x3F93] =	sst s10  }
0x32: {  	s10 =	sld [smem:$0x3F91];
	_ =	sdelay $0x3  }
0x33: {  	p0 =	seq.s32 s10, $0x1;
	s10 =	sld [smem:$0x3F93];
	_ =	sdelay $0x3  }
0x34: {  	[smem:$0x3F93] =	sst s10  }
0x35: {  	s10 =	sld [smem:$0x3F92];
	_ =	sdelay $0x3  }
0x36: {  	p1 =	seq.s32 s10, $0x1;
	s10 =	sld [smem:$0x3F93];
	_ =	sdelay $0x3  }
0x37: {  	[smem:$0x3F93] =	sst s10  }
0x38: {  	s10 =	sld [smem:$0x3F94]  }
0x39: {  	_ = 	snop;
	(pc) =	sbr.ind lr, $3  }
0x3a: {  	_ = 	snop  }
0x3b: {  	_ = 	snop  }
0x3c: {  	p2 =	seq.s32 s10, $0x1;
	s10 =	sld [smem:$0x3F93]  }
0x3d: {  	_ =	shalt  }
0x3e: {  	_ =	shalt  }
0x3f: {  	_ =	shalt  }
0x40: {  	_ =	shalt  }
0x41: {  	_ =	shalt  }
0x42: {  	_ =	shalt  }
0x43: {  	_ =	shalt  }
0x44: {  	_ =	shalt  }
0x45: {  	_ =	shalt  }
0x46: {  	_ =	shalt  }
0x47: {  	_ =	shalt  }
0x48: {  	_ =	shalt  }
0x49: {  	_ =	shalt  }
0x4a: {  	_ =	shalt  }
0x4b: {  	_ =	shalt  }
0x4c: {  	_ =	shalt  }
0x4d: {  	_ =	shalt  }
0x4e: {  	_ =	shalt  }
0x4f: {  	_ =	shalt  }
0x50: {  	_ =	shalt  }
0x51: {  	_ =	shalt  }
0x52: {  	_ =	shalt  }
0x53: {  	_ =	shalt  }
0x54: {  	_ =	shalt  }
0x55: {  	_ =	shalt  }
0x56: {  	_ =	shalt  }
0x57: {  	_ =	shalt  }
0x58: {  	_ =	shalt  }
0x59: {  	_ =	shalt  }
0x5a: {  	_ =	shalt  }
0x5b: {  	_ =	shalt  }
0x5c: {  	_ =	shalt  }
0x5d: {  	_ =	shalt  }
0x5e: {  	_ =	shalt  }
0x5f: {  	_ =	shalt  }
0x60: {  	_ =	shalt  }
0x61: {  	_ =	shalt  }
0x62: {  	_ =	shalt  }
0x63: {  	_ =	shalt  }
0x64: {  	_ =	shalt  }
0x65: {  	_ =	shalt  }
0x66: {  	_ =	shalt  }
0x67: {  	_ =	shalt  }
0x68: {  	_ =	shalt  }
0x69: {  	_ =	shalt  }
0x6a: {  	_ =	shalt  }
0x6b: {  	_ =	shalt  }
0x6c: {  	_ =	shalt  }
0x6d: {  	_ =	shalt  }
0x6e: {  	_ =	shalt  }
0x6f: {  	_ =	shalt  }
0x70: {  	_ =	shalt  }
0x71: {  	_ =	shalt  }
0x72: {  	_ =	shalt  }
0x73: {  	_ =	shalt  }
0x74: {  	_ =	shalt  }
0x75: {  	_ =	shalt  }
0x76: {  	_ =	shalt  }
0x77: {  	_ =	shalt  }
0x78: {  	_ =	shalt  }
0x79: {  	_ =	shalt  }
0x7a: {  	_ =	shalt  }
0x7b: {  	_ =	shalt  }
0x7c: {  	_ =	shalt  }
0x7d: {  	_ =	shalt  }
0x7e: {  	_ =	shalt  }
0x7f: {  	_ =	shalt  }
0x80: {  	_ =	shalt  }
0x81: {  	_ =	shalt  }
0x82: {  	_ =	shalt  }
0x83: {  	_ =	shalt  }
0x84: {  	_ =	shalt  }
0x85: {  	_ =	shalt  }
0x86: {  	_ =	shalt  }
0x87: {  	_ =	shalt  }
.Lfunc_end0:
.L_simem_size_0:
called_computation.4_lowered:
.L_overlay_start_0:
0x88: {  	s2 =	sld [smem:$0x3FD9]  }
0x89: {  	s3 =	sld [smem:$0x3FFE];
	_ =	sdelay $0x1  }
0x8a: {  	s1 =	srdreg.scid  }
0x8b: {  	s0 =	sand.u32 $0x1, s1  }
0x8c: {  	s16 =	sshll.u32 s0, $0xA;
	s2 =	sadd.s32 s3, s2  }
0x8d: {  	s2 =	sadd.s32 s2, s16  }
0x8e: {  	[smem:$0x3F9F] =	sst s2  }
0x8f: {  	_ = 	snop  }
0x90: {  	(tm) =	ssettm $0x1  }
0x91: {  	s17 =	sld [smem:$0x3FFB];
	_ =	sdelay $0x3  }
0x92: {  	_ =	strace s17  }
0x93: {  	s2 =	sld [smem:$0x3FFC];
	_ =	sdelay $0x3  }
0x94: {  	_ =	strace s2  }
0x95: {  	s2 =	sld [smem:$0x3FFD];
	_ =	sdelay $0x3  }
0x96: {  	_ =	strace s2  }
0x97: {  	_ =	strace $0x8FFFFFFF  }
0x98: {  	s18 =	sld [smem:$0x3FDB];
	_ =	sdelay $0x1  }
0x99: {  	s19 =	simm.s32 $_scs_section_size  }
0x9a: {  	s4 =	simm.s32 $_size__tile_overlayer_lowered;
	s5 =	simm.s32 $_tile_overlayer_lowered  }
0x9b: {  	s22 =	simm.s32 $0x1BFF;
	s21 =	sshll.u32 s5, $0x1;
	s2 =	sadd.s32 s19, s18  }
0x9c: {  	s6 =	simm.s32 $0x0;
	s20 =	sshll.u32 s4, $0x1;
	s4 =	sadd.s32 s21, s2  }
0x9d: {  	[timem:s6], [sflag:s22] =	dma.local [hbm:s4], s20  }
0x9e: {  	_ =	swait.ge [sflag:s22], s20  }
0x9f: {  	s3 =	ssub.s32 $0x0, s20;
	[sflag:s22] =	ssyncset.done $0x0  }
0xa0: {  	[sflag:s22] =	ssyncadd.s32 s3;
	_ =	sdelay $0x1  }
0xa1: {  	s23 =	simm.s32 $0x1B8B  }
0xa2: {  	_ =	swait.ge [sflag:s23], $0x1  }
0xa3: {  	[sflag:s23] =	ssyncset.done $0x0  }
0xa4: {  	s25 =	simm.s32 $0x1B8E;
	s24 =	sld [smem:$0x3FFE];
	[sflag:s23] =	ssyncadd.s32 $0xFFFFFFFF  }
0xa5: {  	s26 =	simm.s32 $execute0_lowered;
	[smem:$0x3FD2] =	sst s25  }
0xa6: {  	s4 =	sshll.u32 s26, $0x1;
	_ =	strace $0x80000052;
	[dreg:$0x1] =	wrdreg $0xFFFFFFFF  }
0xa7: {  	s28 =	simm.s32 $_size_execute0_lowered;
	s2 =	sadd.s32 s2, s4;
	[dreg:$0x0] =	wrdreg $0x0  }
0xa8: {  	s4 =	sshll.u32 s28, $0x1;
	[dreg:$0x2] =	wrdreg s2  }
0xa9: {  	[dreg:$0x3] =	wrdreg s4  }
0xaa: {  	[dreg:$0x4] =	wrdreg $0xC0  }
0xab: {  	_ =	task [dreg:s6], $0x5FFFF  }
0xac: {  	[dreg:$0x1] =	wrdreg $0xFFFFFFFF  }
0xad: {  	[dreg:$0x0] =	wrdreg $0x60  }
0xae: {  	[dreg:$0x2] =	wrdreg s24  }
0xaf: {  	[dreg:$0x3] =	wrdreg $0x42680  }
0xb0: {  	[dreg:$0x4] =	wrdreg $0x9  }
0xb1: {  	_ =	task.clear_ibuf [dreg:s6], $0x5FFFF;
	_ =	strace $0x90000052  }
0xb2: {  	s29 =	simm.s32 $0x9;
	_ =	strace $0x80000054  }
0xb3: {  	_ =	swait.ge [sflag:s29], $0x1  }
0xb4: {  	[sflag:s29] =	ssyncadd.s32 $0xFFFFFFFF  }
0xb5: {  	_ =	strace $0x90000054  }
0xb6: {  	_ =	sfence  }
0xb7: {  	s30 =	sld [smem:$0x0];
	_ =	sdelay $0x2  }
0xb8: {  	s31 =	sshll.u32 s1, $0xD;
	s1 =	sshrl.u32 s1, $0x2  }
0xb9: {  	s3 =	sand.u32 $0x4000, s31;
	s1 =	sadd.s32 s1, s30  }
0xba: {  	s0 =	sor.u32 s3, s0;
	s1 =	sshll.u32 s1, $0x11  }
0xbb: {  	s0 =	sor.u32 s1, s0  }
0xbc: {  	s0 =	sadd.s32 $0x8F2B, s0  }
0xbd: {  	[sflag:s0] =	ssyncadd.remote.s32 $0x1  }
0xbe: {  	_ =	sfence.sel $0xFFFF  }
0xbf: {  	[dreg:$0x0] =	wrdreg $0xFFFFFFFF;
	(pc) =	sbr.abs _section_cstart, $3  }
0xc0: {  	[dreg:$0x1] =	wrdreg $0xFFFFFFFF  }
0xc1: {  	_ =	task.clear_ibuf [dreg:s6], $0x2FFFF;
	_ =	strace $0x9FFFFFFF  }
0xc2: {  	(tm) =	ssettm $0x7FFFFFFF  }
0xc3: {  	_ =	shalt  }
tec
execute0_lowered:
.L_overlay_start_1:
0x0: {  	(tag) =	ssettag $0x1  }
0x1: {  	s1 =	srdreg.scid;
	s6 =	rddreg [dreg:$0x0]  }
0x2: {  	s0 =	stileid.u32;
	s2 =	rddreg [dreg:$0x1]  }
0x3: {  	s3 =	simm.s32 $0x0;
	s12 =	simm.s32 $0x3E8;
	s5 =	smul.u32 $0xC350, s0  }
0x4: {  	s4 =	sand.u32 $0x1, s1;
	s8 =	smul.u32 $0x61A8, s0;
	s1 =	rddreg [dreg:$0x2]  }
0x5: {  	s13 =	simm.s32 $0x0;
	[smem:$0x7FF] =	sst s3;
	s7 =	smul.u32 $0x61A80, s4  }
0x6: {  	s31 =	sshll.u32 s0, $0x6;
	s9 =	smul.u32 $0xC3500, s4;
	s4 =	ssub.s32 $0x2, s4  }
0x7: {  	_ =	strace $0x80000053;
	s28 =	sshrl.u32 s5, $0x3;
	s11 =	sshrl.u32 s4, $0x1  }
0x8: {  	s30 =	sadd.s32 s5, s2;
	s7 =	sadd.s32 s8, s7;
	s26 =	sadd.s32 s5, s9  }
0x9: {  	s29 =	ssub.s32 s4, s11;
	s5 =	sor.u32 $0x1C01, s31;
	s7 =	sshrl.u32 s7, $0x3  }
0xa: {  	s9 =	sadd.s32 s26, s6;
	s8 =	sshrl.u32 s26, $0x3;
	s10 =	sadd.s32 s7, s6  }
0xb: {  	s7 =	sadd.s32 s28, s6;
	s6 =	sadd.s32 s8, s6;
	s8 =	sadd.s32 $0x3EA00, s9  }
0xc: {  	s11 =	simm.s32 $0x1;
	s4 =	sadd.s32 $0x1C5400, s7;
	s6 =	sadd.s32 $0x1DDC00, s6  }
0xd: {  	s7 =	smax.u32 s29, $0x1;
	s9 =	sadd.s32 $0x25200, s10;
	s10 =	sshrl.u32 s30, $0x3  }
.LBB2_1:
0xe: {  	[spmem:s10], [sflag:s5] =	dma.local [hbm:s4], $0x186A  }
0xf: {  	_ =	swait.ge [sflag:s11], $0x186A  }
0x10: {  	[sflag:s11] =	ssyncset.done $0x0  }
0x11: {  	[sflag:s11] =	ssyncadd.s32 $0xFFFFE796  }
0x12: {  	s14 =	sadd.s32 $0x0, s9;
	[bflag:$0x0] =	sbarrier.arrive $0xFFFF  }
0x13: {  	[tilespmem:s3], [sflag:$0x1] =	stream.linear.gather [hbm4b:s14+s3], $0x3E8, $0x38;
	[tilespmem:$0x105B8] =	vst v63  }
0x14: {  	_ =	swait.ge [sflag:s11], $0x3E8  }
0x15: {  	[sflag:s11] =	ssyncset.done $0x0  }
0x16: {  	[sflag:s11] =	ssyncadd.s32 $0xFFFFFC18  }
0x17: {  	[tilespmem:s12], [sflag:$0x1] =	stream.linear.gather [hbm4b:s8+s3], $0x3E80, $0x38;
	[tilespmem:$0x105B8] =	vst v63  }
0x18: {  	_ =	swait.ge [sflag:s11], $0x3E80  }
0x19: {  	[sflag:s11] =	ssyncset.done $0x0  }
0x1a: {  	[sflag:s11] =	ssyncadd.s32 $0xFFFFC180  }
0x1b: {  	[spmem:s2] =	stream.indirect.scatter.add.f32 [tilespmem:s12], [sflag:$0x1], $0x10, s3, s12, $0xb8;
	[tilespmem:$0x105B8] =	vst v63  }
0x1c: {  	s15 =	simm.s32 $0x7D;
	_ =	swait.ge [sflag:s11], $0x3E80  }
0x1d: {  	s16 =	simm.s32 $0xFA;
	s14 =	sadd.s32 $0x7D0, s8;
	[sflag:s11] =	ssyncset.done $0x0  }
.LBB2_2:
0x1e: {  	s17 =	sadd.s32 s15, s9  }
0x1f: {  	[sflag:s11] =	ssyncadd.s32 $0xFFFFC180;
	s15 =	smov.u32 s16;
	s18 =	sadd.s32 $0x7D, s16  }
0x20: {  	[tilespmem:s3], [sflag:$0x1] =	stream.linear.gather [hbm4b:s17+s3], $0x3E8, $0x38;
	[tilespmem:$0x105B8] =	vst v63  }
0x21: {  	p0 =	sne.s32 s16, $0xBB8;
	_ =	swait.ge [sflag:s11], $0x3E8  }
0x22: {  	[sflag:s11] =	ssyncset.done $0x0  }
0x23: {  	[sflag:s11] =	ssyncadd.s32 $0xFFFFFC18  }
0x24: {  	[tilespmem:s12], [sflag:$0x1] =	stream.linear.gather [hbm4b:s14+s3], $0x3E80, $0x38;
	[tilespmem:$0x105B8] =	vst v63  }
0x25: {  	_ =	swait.ge [sflag:s11], $0x3E80  }
.Ltmp0:
0x26: {  	[sflag:s11] =	ssyncset.done $0x0;
	(pc) =	sbr.rel @p0 .LBB2_2-.Ltmp0, $4  }
0x27: {  	[sflag:s11] =	ssyncadd.s32 $0xFFFFC180  }
0x28: {  	[spmem:s2] =	stream.indirect.scatter.add.f32 [tilespmem:s12], [sflag:$0x1], $0x10, s3, s12, $0xb8;
	[tilespmem:$0x105B8] =	vst v63  }
0x29: {  	_ =	swait.ge [sflag:s11], $0x3E80  }
0x2a: {  	s16 =	smov.u32 s18;
	s14 =	sadd.s32 $0x7D0, s14;
	[sflag:s11] =	ssyncset.done $0x0  }
0x2b: {  	s15 =	sadd.s32 s15, s9;
	[sflag:s11] =	ssyncadd.s32 $0xFFFFC180  }
0x2c: {  	[tilespmem:s3], [sflag:$0x1] =	stream.linear.gather [hbm4b:s15+s3], $0x3E8, $0x38;
	[tilespmem:$0x105B8] =	vst v63  }
0x2d: {  	_ =	swait.ge [sflag:s11], $0x3E8  }
0x2e: {  	[sflag:s11] =	ssyncset.done $0x0  }
0x2f: {  	[sflag:s11] =	ssyncadd.s32 $0xFFFFFC18  }
0x30: {  	[tilespmem:s12], [sflag:$0x1] =	stream.linear.gather [hbm4b:s14+s3], $0x3E80, $0x38;
	[tilespmem:$0x105B8] =	vst v63  }
0x31: {  	_ =	swait.ge [sflag:s11], $0x3E80  }
0x32: {  	[sflag:s11] =	ssyncset.done $0x0  }
0x33: {  	[sflag:s11] =	ssyncadd.s32 $0xFFFFC180  }
0x34: {  	[spmem:s2] =	stream.indirect.scatter.add.f32 [tilespmem:s12], [sflag:$0x1], $0x10, s3, s12, $0xb8;
	[tilespmem:$0x105B8] =	vst v63  }
0x35: {  	_ =	swait.ge [sflag:s11], $0x3E80  }
0x36: {  	s13 =	sadd.s32 $0x1, s13;
	[sflag:s11] =	ssyncset.done $0x0  }
0x37: {  	p0 =	sne.s32 s13, s7;
	[sflag:s11] =	ssyncadd.s32 $0xFFFFC180  }
.Ltmp1:
0x38: {  	[bflag:$0x0] =	sbarrier.arrive $0xFFFF;
	(pc) =	sbr.rel @p0 .LBB2_1-.Ltmp1, $4  }
0x39: {  	[hbm:s6], [sflag:s5] =	dma.local [spmem:s10], $0x186A  }
0x3a: {  	_ =	swait.ge [sflag:s11], $0x186A  }
0x3b: {  	[sflag:s11] =	ssyncset.done $0x0  }
0x3c: {  	[sflag:s11] =	ssyncadd.s32 $0xFFFFE796  }
0x3d: {  	_ =	sfence.sel $0x180000  }
0x3e: {  	[bflag:$0x0] =	sbarrier.arrive $0xFFFF  }
0x3f: {  	p0 =	sne.s32 s0, $0x0;
	_ =	strace $0x90000053  }
0x40: {  	s0 =	sadd.s32 @!p0 $0x100000, s1;
	[bflag:$0x2] =	sbarrier.arrive $0xFFFF  }
0x41: {  	[sflag:s0] =	ssyncadd.tile.s32 @!p0 $0x1;
	_ =	shalt  }
.Lfunc_end2:
_tile_overlayer_lowered:
.L_overlay_start_2:
0x42: {  	(tag) =	ssettag $0x2  }
0x43: {  	s0 =	rddreg [dreg:$0x0];
	s2 =	stileid.u32  }
0x44: {  	s1 =	rddreg [dreg:$0x1];
	p0 =	sne.s32 s2, $0x0  }
0x45: {  	s3 =	rddreg [dreg:$0x2];
	[bflag:$0x3] =	sbarrier.arrive $0xFFFF;
	s2 =	simm.s32 @!p0 $0x1C01  }
0x46: {  	[timem:s3], [sflag:s2] =	dma.local @!p0 [hbm:s0], s1  }
0x47: {  	s0 =	simm.s32 @!p0 $0x1  }
0x48: {  	_ =	swait.ge @!p0 [sflag:s0], s1  }
0x49: {  	s1 =	ssub.s32 @!p0 $0x0, s1;
	[sflag:s0] =	ssyncset.done @!p0 $0x0  }
0x4a: {  	[sflag:s0] =	ssyncadd.s32 @!p0 s1  }
0x4b: {  	[bflag:$0x3] =	sbarrier.arrive $0xFFFF  }
0x4c: {  	_ =	shalt  }

// kernel: kernel.35.cloned.1.call-start
scs
__scs_entry_jumppad:
0x0: {  	(pc) =	sbr.rel $0x88, $3  }
0x1: {  	(tag) =	ssettag $0x0;
	lr =	simm.s32 $0x1  }
0x2: {  	[smem:$0x3F78] =	sst lr;
	_ =	strace $0xD0000000  }
0x3: {  	_ = 	snop  }
0x4: {  	_ = 	snop  }
0x5: {  	_ = 	snop  }
0x6: {  	_ = 	snop  }
0x7: {  	_ = 	snop  }
__scs_overlays_trampoline_lowered:
0x8: {  	[smem:$0x3F87] =	sst s0  }
0x9: {  	[smem:$0x3F88] =	sst s1  }
0xa: {  	[smem:$0x3F89] =	sst s2  }
0xb: {  	[smem:$0x3F8A] =	sst s3  }
0xc: {  	[smem:$0x3F8B] =	sst s4  }
0xd: {  	[smem:$0x3F8C] =	sst s5  }
0xe: {  	[smem:$0x3F8D] =	sst s6  }
0xf: {  	[smem:$0x3F8E] =	sst s7  }
0x10: {  	[smem:$0x3F8F] =	sst s8  }
0x11: {  	[smem:$0x3F90] =	sst s9;
	s0 =	simm.s32 @!p0 $0x0  }
0x12: {  	s1 =	sld [smem:$0x3F76];
	s0 =	simm.s32 @p0 $0x1  }
0x13: {  	[smem:$0x3F91] =	sst s0;
	s0 =	simm.s32 @!p1 $0x0  }
0x14: {  	s2 =	sld [smem:$0x3F75];
	s0 =	simm.s32 @p1 $0x1  }
0x15: {  	[smem:$0x3F92] =	sst s0;
	s0 =	simm.s32 @!p2 $0x0  }
0x16: {  	s3 =	sld [smem:$0x3FDB];
	s0 =	simm.s32 @p2 $0x1  }
0x17: {  	s4 =	simm.s32 $0x1BF5;
	[smem:$0x3F94] =	sst s0  }
0x18: {  	s0 =	sld [smem:$0x3F77];
	_ =	swait.ge [sflag:s4], $0x0  }
0x19: {  	s7 =	sld [smem:$0x3F78]  }
0x1a: {  	s8 =	sadd.s32 $0xFFFFE003, lr  }
0x1b: {  	s9 =	sadd.s32 $0xFFFFFEF7, lr;
	s5 =	simm.s32 $0xFFFFFFFF;
	p2 =	slt.u32 s8, $0xFFFFF086  }
0x1c: {  	p1 =	slt.u32 s9, $0xF7A;
	s5 =	simm.s32 @!p2 $0x0  }
0x1d: {  	s5 =	simm.s32 @p1 $0x1;
	p0 =	seq.s32 s7, s2  }
0x1e: {  	s7 =	smul.u32 @!p0 $0xF7A, s2;
	p2 =	seq.s32 @!p0 s5, $0x0  }
0x1f: {  	s9 =	smul.u32 $0xF7A, s1;
	s8 =	simm.s32 @!p0 $0x1BF5;
	p2 =	por !p2, p0  }
0x20: {  	[sflag:s8] =	ssyncset.s32 @!p0 $0xFFFFF086;
	s6 =	sadd.s32 @!p0 s3, s7;
	s7 =	simm.s32 @!p0 $0x108  }
0x21: {  	s3 =	sadd.s32 s3, s9;
	s6 =	sadd.s32 @!p0 $0x88, s6;
	s7 =	simm.s32 @p2 $0x1082  }
0x22: {  	[simem:s7], [sflag:s8] =	dma.local @!p0 [hbm:s6], $0xF7A  }
0x23: {  	s9 =	sor.u32 $0xD0000000, s2;
	s6 =	simm.s32 $0x108;
	_ =	swait.ge @!p0 [sflag:s8], $0x0  }
0x24: {  	s3 =	sadd.s32 $0x88, s3;
	s6 =	simm.s32 @!p1 $0x1082;
	[sflag:s4] =	ssyncset.s32 $0xFFFFF086  }
0x25: {  	[simem:s6], [sflag:s4] =	dma.local [hbm:s3], $0xF7A  }
0x26: {  	[smem:$0x3F78] =	sst s1;
	(tag) =	ssettag s2;
	_ =	strace s9  }
0x27: {  	s1 =	sld [smem:$0x3F88]  }
0x28: {  	s2 =	sld [smem:$0x3F89]  }
0x29: {  	s4 =	sld [smem:$0x3F8B]  }
0x2a: {  	p0 =	seq.s32 s5, $0x0;
	s5 =	sld [smem:$0x3F8C]  }
0x2b: {  	s6 =	sld [smem:$0x3F8D]  }
0x2c: {  	s7 =	sld [smem:$0x3F8E]  }
0x2d: {  	s3 =	simm.s32 $0x108;
	s8 =	sld [smem:$0x3F8F]  }
0x2e: {  	s3 =	simm.s32 @!p0 $0x1082;
	s9 =	sld [smem:$0x3F90]  }
0x2f: {  	lr =	sadd.s32 s0, s3;
	s0 =	sld [smem:$0x3F87]  }
0x30: {  	s3 =	sld [smem:$0x3F8A]  }
0x31: {  	[smem:$0x3F93] =	sst s10  }
0x32: {  	s10 =	sld [smem:$0x3F91];
	_ =	sdelay $0x3  }
0x33: {  	p0 =	seq.s32 s10, $0x1;
	s10 =	sld [smem:$0x3F93];
	_ =	sdelay $0x3  }
0x34: {  	[smem:$0x3F93] =	sst s10  }
0x35: {  	s10 =	sld [smem:$0x3F92];
	_ =	sdelay $0x3  }
0x36: {  	p1 =	seq.s32 s10, $0x1;
	s10 =	sld [smem:$0x3F93];
	_ =	sdelay $0x3  }
0x37: {  	[smem:$0x3F93] =	sst s10  }
0x38: {  	s10 =	sld [smem:$0x3F94]  }
0x39: {  	_ = 	snop;
	(pc) =	sbr.ind lr, $3  }
0x3a: {  	_ = 	snop  }
0x3b: {  	_ = 	snop  }
0x3c: {  	p2 =	seq.s32 s10, $0x1;
	s10 =	sld [smem:$0x3F93]  }
0x3d: {  	_ =	shalt  }
0x3e: {  	_ =	shalt  }
0x3f: {  	_ =	shalt  }
0x40: {  	_ =	shalt  }
0x41: {  	_ =	shalt  }
0x42: {  	_ =	shalt  }
0x43: {  	_ =	shalt  }
0x44: {  	_ =	shalt  }
0x45: {  	_ =	shalt  }
0x46: {  	_ =	shalt  }
0x47: {  	_ =	shalt  }
0x48: {  	_ =	shalt  }
0x49: {  	_ =	shalt  }
0x4a: {  	_ =	shalt  }
0x4b: {  	_ =	shalt  }
0x4c: {  	_ =	shalt  }
0x4d: {  	_ =	shalt  }
0x4e: {  	_ =	shalt  }
0x4f: {  	_ =	shalt  }
0x50: {  	_ =	shalt  }
0x51: {  	_ =	shalt  }
0x52: {  	_ =	shalt  }
0x53: {  	_ =	shalt  }
0x54: {  	_ =	shalt  }
0x55: {  	_ =	shalt  }
0x56: {  	_ =	shalt  }
0x57: {  	_ =	shalt  }
0x58: {  	_ =	shalt  }
0x59: {  	_ =	shalt  }
0x5a: {  	_ =	shalt  }
0x5b: {  	_ =	shalt  }
0x5c: {  	_ =	shalt  }
0x5d: {  	_ =	shalt  }
0x5e: {  	_ =	shalt  }
0x5f: {  	_ =	shalt  }
0x60: {  	_ =	shalt  }
0x61: {  	_ =	shalt  }
0x62: {  	_ =	shalt  }
0x63: {  	_ =	shalt  }
0x64: {  	_ =	shalt  }
0x65: {  	_ =	shalt  }
0x66: {  	_ =	shalt  }
0x67: {  	_ =	shalt  }
0x68: {  	_ =	shalt  }
0x69: {  	_ =	shalt  }
0x6a: {  	_ =	shalt  }
0x6b: {  	_ =	shalt  }
0x6c: {  	_ =	shalt  }
0x6d: {  	_ =	shalt  }
0x6e: {  	_ =	shalt  }
0x6f: {  	_ =	shalt  }
0x70: {  	_ =	shalt  }
0x71: {  	_ =	shalt  }
0x72: {  	_ =	shalt  }
0x73: {  	_ =	shalt  }
0x74: {  	_ =	shalt  }
0x75: {  	_ =	shalt  }
0x76: {  	_ =	shalt  }
0x77: {  	_ =	shalt  }
0x78: {  	_ =	shalt  }
0x79: {  	_ =	shalt  }
0x7a: {  	_ =	shalt  }
0x7b: {  	_ =	shalt  }
0x7c: {  	_ =	shalt  }
0x7d: {  	_ =	shalt  }
0x7e: {  	_ =	shalt  }
0x7f: {  	_ =	shalt  }
0x80: {  	_ =	shalt  }
0x81: {  	_ =	shalt  }
0x82: {  	_ =	shalt  }
0x83: {  	_ =	shalt  }
0x84: {  	_ =	shalt  }
0x85: {  	_ =	shalt  }
0x86: {  	_ =	shalt  }
0x87: {  	_ =	shalt  }
.Lfunc_end0:
.L_simem_size_0:
called_computation.5_lowered:
.L_overlay_start_0:
0x88: {  	s2 =	sld [smem:$0x3FD9]  }
0x89: {  	s3 =	sld [smem:$0x3FFE];
	_ =	sdelay $0x1  }
0x8a: {  	s1 =	srdreg.scid  }
0x8b: {  	s0 =	sand.u32 $0x1, s1  }
0x8c: {  	s16 =	sshll.u32 s0, $0xA;
	s2 =	sadd.s32 s3, s2  }
0x8d: {  	s2 =	sadd.s32 s2, s16  }
0x8e: {  	[smem:$0x3F9F] =	sst s2  }
0x8f: {  	_ = 	snop  }
0x90: {  	(tm) =	ssettm $0x1  }
0x91: {  	s17 =	sld [smem:$0x3FFB];
	_ =	sdelay $0x3  }
0x92: {  	_ =	strace s17  }
0x93: {  	s2 =	sld [smem:$0x3FFC];
	_ =	sdelay $0x3  }
0x94: {  	_ =	strace s2  }
0x95: {  	s2 =	sld [smem:$0x3FFD];
	_ =	sdelay $0x3  }
0x96: {  	_ =	strace s2  }
0x97: {  	_ =	strace $0x8FFFFFFF  }
0x98: {  	s18 =	sld [smem:$0x3FDB];
	_ =	sdelay $0x1  }
0x99: {  	s19 =	simm.s32 $_scs_section_size  }
0x9a: {  	s4 =	simm.s32 $_size__tile_overlayer_lowered;
	s5 =	simm.s32 $_tile_overlayer_lowered  }
0x9b: {  	s22 =	simm.s32 $0x1BFF;
	s21 =	sshll.u32 s5, $0x1;
	s2 =	sadd.s32 s19, s18  }
0x9c: {  	s6 =	simm.s32 $0x0;
	s20 =	sshll.u32 s4, $0x1;
	s4 =	sadd.s32 s21, s2  }
0x9d: {  	[timem:s6], [sflag:s22] =	dma.local [hbm:s4], s20  }
0x9e: {  	_ =	swait.ge [sflag:s22], s20  }
0x9f: {  	s3 =	ssub.s32 $0x0, s20;
	[sflag:s22] =	ssyncset.done $0x0  }
0xa0: {  	[sflag:s22] =	ssyncadd.s32 s3;
	_ =	sdelay $0x1  }
0xa1: {  	s23 =	simm.s32 $0x1B8B  }
0xa2: {  	_ =	swait.ge [sflag:s23], $0x1  }
0xa3: {  	[sflag:s23] =	ssyncset.done $0x0  }
0xa4: {  	s25 =	simm.s32 $0x1B8E;
	s24 =	sld [smem:$0x3FFE];
	[sflag:s23] =	ssyncadd.s32 $0xFFFFFFFF  }
0xa5: {  	s26 =	simm.s32 $execute0_lowered;
	[smem:$0x3FD2] =	sst s25  }
0xa6: {  	s4 =	sshll.u32 s26, $0x1;
	_ =	strace $0x80000055;
	[dreg:$0x1] =	wrdreg $0xFFFFFFFF  }
0xa7: {  	s28 =	simm.s32 $_size_execute0_lowered;
	s2 =	sadd.s32 s2, s4;
	[dreg:$0x0] =	wrdreg $0x0  }
0xa8: {  	s4 =	sshll.u32 s28, $0x1;
	[dreg:$0x2] =	wrdreg s2  }
0xa9: {  	[dreg:$0x3] =	wrdreg s4  }
0xaa: {  	[dreg:$0x4] =	wrdreg $0xC0  }
0xab: {  	_ =	task [dreg:s6], $0x5FFFF  }
0xac: {  	[dreg:$0x1] =	wrdreg $0xFFFFFFFF  }
0xad: {  	[dreg:$0x0] =	wrdreg $0x60  }
0xae: {  	[dreg:$0x2] =	wrdreg s24  }
0xaf: {  	[dreg:$0x3] =	wrdreg $0x9  }
0xb0: {  	_ =	task.clear_ibuf [dreg:s6], $0x4FFFF;
	_ =	strace $0x90000055  }
0xb1: {  	s29 =	simm.s32 $0x9;
	_ =	strace $0x80000057  }
0xb2: {  	_ =	swait.ge [sflag:s29], $0x1  }
0xb3: {  	[sflag:s29] =	ssyncadd.s32 $0xFFFFFFFF  }
0xb4: {  	_ =	strace $0x90000057  }
0xb5: {  	_ =	sfence  }
0xb6: {  	s30 =	sld [smem:$0x0];
	_ =	sdelay $0x2  }
0xb7: {  	s31 =	sshll.u32 s1, $0xD;
	s1 =	sshrl.u32 s1, $0x2  }
0xb8: {  	s3 =	sand.u32 $0x4000, s31;
	s1 =	sadd.s32 s1, s30  }
0xb9: {  	s0 =	sor.u32 s3, s0;
	s1 =	sshll.u32 s1, $0x11  }
0xba: {  	s0 =	sor.u32 s1, s0  }
0xbb: {  	s0 =	sadd.s32 $0x8F2B, s0  }
0xbc: {  	[sflag:s0] =	ssyncadd.remote.s32 $0x1  }
0xbd: {  	_ =	sfence.sel $0xFFFF  }
0xbe: {  	[dreg:$0x0] =	wrdreg $0xFFFFFFFF;
	(pc) =	sbr.abs _section_cstart, $3  }
0xbf: {  	[dreg:$0x1] =	wrdreg $0xFFFFFFFF  }
0xc0: {  	_ =	task.clear_ibuf [dreg:s6], $0x2FFFF;
	_ =	strace $0x9FFFFFFF  }
0xc1: {  	(tm) =	ssettm $0x7FFFFFFF  }
tec
execute0_lowered:
.L_overlay_start_1:
0x0: {  	(tag) =	ssettag $0x1  }
0x1: {  	s4 =	rddreg [dreg:$0x0]  }
0x2: {  	s0 =	rddreg [dreg:$0x1];
	s1 =	srdreg.scid  }
0x3: {  	s2 =	simm.s32 $0x0;
	s11 =	simm.s32 $0x1;
	s5 =	sand.u32 $0x1, s1  }
0x4: {  	s12 =	simm.s32 $0x0;
	s1 =	stileid.u32;
	s6 =	smul.u32 $0x61A80, s5  }
0x5: {  	[smem:$0x7FF] =	sst s2;
	s3 =	sadd.s32 $0x102000, s4;
	s7 =	smul.u32 $0x61A8, s1  }
0x6: {  	_ =	strace $0x80000056;
	s8 =	smul.u32 $0x186A00, s5;
	s5 =	ssub.s32 $0x2, s5  }
0x7: {  	s29 =	smul.u32 $0x186A0, s1;
	s9 =	sshrl.u32 s5, $0x1;
	s6 =	sadd.s32 s7, s6  }
0x8: {  	s8 =	sadd.s32 s8, s4;
	s30 =	ssub.s32 s5, s9;
	s6 =	sshrl.u32 s6, $0x3  }
0x9: {  	s9 =	simm.s32 $0x2;
	s31 =	sadd.s32 s29, s8;
	s10 =	sadd.s32 s6, s4  }
0xa: {  	s4 =	smax.u32 s30, $0x1;
	s5 =	sadd.s32 $0x1DDC00, s31;
	s6 =	sadd.s32 $0x5999C00, s31  }
0xb: {  	s7 =	sadd.s32 $0x25200, s10;
	s8 =	sadd.s32 $0xCA00, s10;
	s10 =	simm.s32 $0x3E8  }
.LBB2_1:
0xc: {  	s13 =	sadd.s32 $0x0, s8  }
0xd: {  	[tilespmem:s2], [sflag:$0x2] =	stream.linear.gather [hbm4b:s13+s2], $0x3E8, $0x38;
	[tilespmem:$0x80E8] =	vst v63  }
0xe: {  	_ =	swait.ge [sflag:s9], $0x3E8  }
0xf: {  	[sflag:s9] =	ssyncset.done $0x0  }
0x10: {  	[sflag:s9] =	ssyncadd.s32 $0xFFFFFC18  }
0x11: {  	[tilespmem:s10], [sflag:$0x1] =	stream.indirect.gather [hbm4b:s3+s10], $0x20, s2, s10, $0xb8;
	[tilespmem:$0x80E8] =	vst v63  }
0x12: {  	_ =	swait.ge [sflag:s11], $0x7D00  }
0x13: {  	[sflag:s11] =	ssyncset.done $0x0  }
0x14: {  	[sflag:s11] =	ssyncadd.s32 $0xFFFF8300  }
0x15: {  	[hbm4b:s6+s2] =	stream.linear.scatter [tilespmem:s10], [sflag:$0x2], $0x7D00, $0x38;
	[tilespmem:$0x80E8] =	vst v63  }
0x16: {  	_ =	swait.ge [sflag:s9], $0x7D00  }
0x17: {  	[sflag:s9] =	ssyncset.done $0x0  }
0x18: {  	s31 =	sadd.s32 $0x0, s7;
	[sflag:s9] =	ssyncadd.s32 $0xFFFF8300  }
0x19: {  	[tilespmem:s2], [sflag:$0x2] =	stream.linear.gather [hbm4b:s31+s2], $0x3E8, $0x38;
	[tilespmem:$0x80E8] =	vst v63  }
0x1a: {  	_ =	swait.ge [sflag:s9], $0x3E8  }
0x1b: {  	[sflag:s9] =	ssyncset.done $0x0  }
0x1c: {  	[sflag:s9] =	ssyncadd.s32 $0xFFFFFC18  }
0x1d: {  	[tilespmem:s10], [sflag:$0x1] =	stream.indirect.gather [hbm4b:s3+s10], $0x20, s2, s10, $0xb8;
	[tilespmem:$0x80E8] =	vst v63  }
0x1e: {  	_ =	swait.ge [sflag:s11], $0x7D00  }
0x1f: {  	[sflag:s11] =	ssyncset.done $0x0  }
0x20: {  	[sflag:s11] =	ssyncadd.s32 $0xFFFF8300  }
0x21: {  	[hbm4b:s5+s2] =	stream.linear.scatter [tilespmem:s10], [sflag:$0x2], $0x7D00, $0x38;
	[tilespmem:$0x80E8] =	vst v63  }
0x22: {  	s14 =	simm.s32 $0x7D;
	s16 =	simm.s32 $0xFA;
	_ =	swait.ge [sflag:s9], $0x7D00  }
0x23: {  	s15 =	sadd.s32 $0xFA0, s6;
	s13 =	sadd.s32 $0xFA0, s5;
	[sflag:s9] =	ssyncset.done $0x0  }
.LBB2_2:
0x24: {  	s17 =	sadd.s32 s14, s8  }
0x25: {  	[sflag:s9] =	ssyncadd.s32 $0xFFFF8300;
	s18 =	smov.u32 s16;
	s19 =	sadd.s32 $0x7D, s16  }
0x26: {  	[tilespmem:s2], [sflag:$0x2] =	stream.linear.gather [hbm4b:s17+s2], $0x3E8, $0x38;
	[tilespmem:$0x80E8] =	vst v63  }
0x27: {  	p0 =	sne.s32 s16, $0xBB8;
	_ =	swait.ge [sflag:s9], $0x3E8  }
0x28: {  	[sflag:s9] =	ssyncset.done $0x0  }
0x29: {  	[sflag:s9] =	ssyncadd.s32 $0xFFFFFC18  }
0x2a: {  	[tilespmem:s10], [sflag:$0x1] =	stream.indirect.gather [hbm4b:s3+s10], $0x20, s2, s10, $0xb8;
	[tilespmem:$0x80E8] =	vst v63  }
0x2b: {  	_ =	swait.ge [sflag:s11], $0x7D00  }
0x2c: {  	[sflag:s11] =	ssyncset.done $0x0  }
0x2d: {  	[sflag:s11] =	ssyncadd.s32 $0xFFFF8300  }
0x2e: {  	[hbm4b:s15+s2] =	stream.linear.scatter [tilespmem:s10], [sflag:$0x2], $0x7D00, $0x38;
	[tilespmem:$0x80E8] =	vst v63  }
0x2f: {  	_ =	swait.ge [sflag:s9], $0x7D00  }
0x30: {  	[sflag:s9] =	ssyncset.done $0x0  }
0x31: {  	s16 =	sadd.s32 s14, s7;
	s14 =	smov.u32 s18;
	[sflag:s9] =	ssyncadd.s32 $0xFFFF8300  }
0x32: {  	[tilespmem:s2], [sflag:$0x2] =	stream.linear.gather [hbm4b:s16+s2], $0x3E8, $0x38;
	[tilespmem:$0x80E8] =	vst v63  }
0x33: {  	_ =	swait.ge [sflag:s9], $0x3E8  }
0x34: {  	[sflag:s9] =	ssyncset.done $0x0  }
0x35: {  	[sflag:s9] =	ssyncadd.s32 $0xFFFFFC18  }
0x36: {  	[tilespmem:s10], [sflag:$0x1] =	stream.indirect.gather [hbm4b:s3+s10], $0x20, s2, s10, $0xb8;
	[tilespmem:$0x80E8] =	vst v63  }
0x37: {  	_ =	swait.ge [sflag:s11], $0x7D00  }
.Ltmp0:
0x38: {  	[sflag:s11] =	ssyncset.done $0x0;
	(pc) =	sbr.rel @p0 .LBB2_2-.Ltmp0, $4  }
0x39: {  	[sflag:s11] =	ssyncadd.s32 $0xFFFF8300  }
0x3a: {  	[hbm4b:s13+s2] =	stream.linear.scatter [tilespmem:s10], [sflag:$0x2], $0x7D00, $0x38;
	[tilespmem:$0x80E8] =	vst v63  }
0x3b: {  	s15 =	sadd.s32 $0xFA0, s15;
	_ =	swait.ge [sflag:s9], $0x7D00  }
0x3c: {  	s16 =	smov.u32 s19;
	s13 =	sadd.s32 $0xFA0, s13;
	[sflag:s9] =	ssyncset.done $0x0  }
0x3d: {  	s16 =	sadd.s32 s14, s8;
	[sflag:s9] =	ssyncadd.s32 $0xFFFF8300  }
0x3e: {  	[tilespmem:s2], [sflag:$0x2] =	stream.linear.gather [hbm4b:s16+s2], $0x3E8, $0x38;
	[tilespmem:$0x80E8] =	vst v63  }
0x3f: {  	_ =	swait.ge [sflag:s9], $0x3E8  }
0x40: {  	[sflag:s9] =	ssyncset.done $0x0  }
0x41: {  	[sflag:s9] =	ssyncadd.s32 $0xFFFFFC18  }
0x42: {  	[tilespmem:s10], [sflag:$0x1] =	stream.indirect.gather [hbm4b:s3+s10], $0x20, s2, s10, $0xb8;
	[tilespmem:$0x80E8] =	vst v63  }
0x43: {  	_ =	swait.ge [sflag:s11], $0x7D00  }
0x44: {  	[sflag:s11] =	ssyncset.done $0x0  }
0x45: {  	[sflag:s11] =	ssyncadd.s32 $0xFFFF8300  }
0x46: {  	[hbm4b:s15+s2] =	stream.linear.scatter [tilespmem:s10], [sflag:$0x2], $0x7D00, $0x38;
	[tilespmem:$0x80E8] =	vst v63  }
0x47: {  	_ =	swait.ge [sflag:s9], $0x7D00  }
0x48: {  	[sflag:s9] =	ssyncset.done $0x0  }
0x49: {  	s31 =	sadd.s32 s14, s7;
	[sflag:s9] =	ssyncadd.s32 $0xFFFF8300  }
0x4a: {  	[tilespmem:s2], [sflag:$0x2] =	stream.linear.gather [hbm4b:s31+s2], $0x3E8, $0x38;
	[tilespmem:$0x80E8] =	vst v63  }
0x4b: {  	_ =	swait.ge [sflag:s9], $0x3E8  }
0x4c: {  	[sflag:s9] =	ssyncset.done $0x0  }
0x4d: {  	[sflag:s9] =	ssyncadd.s32 $0xFFFFFC18  }
0x4e: {  	[tilespmem:s10], [sflag:$0x1] =	stream.indirect.gather [hbm4b:s3+s10], $0x20, s2, s10, $0xb8;
	[tilespmem:$0x80E8] =	vst v63  }
0x4f: {  	s12 =	sadd.s32 $0x1, s12;
	_ =	swait.ge [sflag:s11], $0x7D00  }
0x50: {  	p0 =	sne.s32 s12, s4;
	[sflag:s11] =	ssyncset.done $0x0  }
.Ltmp1:
0x51: {  	[sflag:s11] =	ssyncadd.s32 $0xFFFF8300;
	(pc) =	sbr.rel @p0 .LBB2_1-.Ltmp1, $4  }
0x52: {  	[hbm4b:s13+s2] =	stream.linear.scatter [tilespmem:s10], [sflag:$0x2], $0x7D00, $0x38;
	[tilespmem:$0x80E8] =	vst v63  }
0x53: {  	_ =	swait.ge [sflag:s9], $0x7D00  }
0x54: {  	[sflag:s9] =	ssyncset.done $0x0  }
0x55: {  	[sflag:s9] =	ssyncadd.s32 $0xFFFF8300  }
0x56: {  	_ =	sfence.sel $0x180000  }
0x57: {  	[bflag:$0x0] =	sbarrier.arrive $0xFFFF  }
0x58: {  	p0 =	sne.s32 s1, $0x0;
	_ =	strace $0x90000056  }
0x59: {  	s0 =	sadd.s32 @!p0 $0x100000, s0;
	[bflag:$0x2] =	sbarrier.arrive $0xFFFF  }
0x5a: {  	[sflag:s0] =	ssyncadd.tile.s32 @!p0 $0x1;
	_ =	shalt  }
.Lfunc_end2:
_tile_overlayer_lowered:
.L_overlay_start_2:
0x5b: {  	(tag) =	ssettag $0x2  }
0x5c: {  	s0 =	rddreg [dreg:$0x0];
	s2 =	stileid.u32  }
0x5d: {  	s1 =	rddreg [dreg:$0x1];
	p0 =	sne.s32 s2, $0x0  }
0x5e: {  	s3 =	rddreg [dreg:$0x2];
	[bflag:$0x3] =	sbarrier.arrive $0xFFFF;
	s2 =	simm.s32 @!p0 $0x1C02  }
0x5f: {  	[timem:s3], [sflag:s2] =	dma.local @!p0 [hbm:s0], s1  }
0x60: {  	s0 =	simm.s32 @!p0 $0x2  }
0x61: {  	_ =	swait.ge @!p0 [sflag:s0], s1  }
0x62: {  	s1 =	ssub.s32 @!p0 $0x0, s1;
	[sflag:s0] =	ssyncset.done @!p0 $0x0  }
0x63: {  	[sflag:s0] =	ssyncadd.s32 @!p0 s1  }
0x64: {  	[bflag:$0x3] =	sbarrier.arrive $0xFFFF  }
0x65: {  	_ =	shalt  }

// kernel: kernel.38.cloned.1.call-start
scs
__scs_entry_jumppad:
0x0: {  	(pc) =	sbr.rel $0x88, $3  }
0x1: {  	(tag) =	ssettag $0x0;
	lr =	simm.s32 $0x1  }
0x2: {  	[smem:$0x3F78] =	sst lr;
	_ =	strace $0xD0000000  }
0x3: {  	_ = 	snop  }
0x4: {  	_ = 	snop  }
0x5: {  	_ = 	snop  }
0x6: {  	_ = 	snop  }
0x7: {  	_ = 	snop  }
__scs_overlays_trampoline_lowered:
0x8: {  	[smem:$0x3F87] =	sst s0  }
0x9: {  	[smem:$0x3F88] =	sst s1  }
0xa: {  	[smem:$0x3F89] =	sst s2  }
0xb: {  	[smem:$0x3F8A] =	sst s3  }
0xc: {  	[smem:$0x3F8B] =	sst s4  }
0xd: {  	[smem:$0x3F8C] =	sst s5  }
0xe: {  	[smem:$0x3F8D] =	sst s6  }
0xf: {  	[smem:$0x3F8E] =	sst s7  }
0x10: {  	[smem:$0x3F8F] =	sst s8  }
0x11: {  	[smem:$0x3F90] =	sst s9;
	s0 =	simm.s32 @!p0 $0x0  }
0x12: {  	s1 =	sld [smem:$0x3F76];
	s0 =	simm.s32 @p0 $0x1  }
0x13: {  	[smem:$0x3F91] =	sst s0;
	s0 =	simm.s32 @!p1 $0x0  }
0x14: {  	s2 =	sld [smem:$0x3F75];
	s0 =	simm.s32 @p1 $0x1  }
0x15: {  	[smem:$0x3F92] =	sst s0;
	s0 =	simm.s32 @!p2 $0x0  }
0x16: {  	s3 =	sld [smem:$0x3FDB];
	s0 =	simm.s32 @p2 $0x1  }
0x17: {  	s4 =	simm.s32 $0x1BF5;
	[smem:$0x3F94] =	sst s0  }
0x18: {  	s0 =	sld [smem:$0x3F77];
	_ =	swait.ge [sflag:s4], $0x0  }
0x19: {  	s7 =	sld [smem:$0x3F78]  }
0x1a: {  	s8 =	sadd.s32 $0xFFFFE003, lr  }
0x1b: {  	s9 =	sadd.s32 $0xFFFFFEF7, lr;
	s5 =	simm.s32 $0xFFFFFFFF;
	p2 =	slt.u32 s8, $0xFFFFF086  }
0x1c: {  	p1 =	slt.u32 s9, $0xF7A;
	s5 =	simm.s32 @!p2 $0x0  }
0x1d: {  	s5 =	simm.s32 @p1 $0x1;
	p0 =	seq.s32 s7, s2  }
0x1e: {  	s7 =	smul.u32 @!p0 $0xF7A, s2;
	p2 =	seq.s32 @!p0 s5, $0x0  }
0x1f: {  	s9 =	smul.u32 $0xF7A, s1;
	s8 =	simm.s32 @!p0 $0x1BF5;
	p2 =	por !p2, p0  }
0x20: {  	[sflag:s8] =	ssyncset.s32 @!p0 $0xFFFFF086;
	s6 =	sadd.s32 @!p0 s3, s7;
	s7 =	simm.s32 @!p0 $0x108  }
0x21: {  	s3 =	sadd.s32 s3, s9;
	s6 =	sadd.s32 @!p0 $0x88, s6;
	s7 =	simm.s32 @p2 $0x1082  }
0x22: {  	[simem:s7], [sflag:s8] =	dma.local @!p0 [hbm:s6], $0xF7A  }
0x23: {  	s9 =	sor.u32 $0xD0000000, s2;
	s6 =	simm.s32 $0x108;
	_ =	swait.ge @!p0 [sflag:s8], $0x0  }
0x24: {  	s3 =	sadd.s32 $0x88, s3;
	s6 =	simm.s32 @!p1 $0x1082;
	[sflag:s4] =	ssyncset.s32 $0xFFFFF086  }
0x25: {  	[simem:s6], [sflag:s4] =	dma.local [hbm:s3], $0xF7A  }
0x26: {  	[smem:$0x3F78] =	sst s1;
	(tag) =	ssettag s2;
	_ =	strace s9  }
0x27: {  	s1 =	sld [smem:$0x3F88]  }
0x28: {  	s2 =	sld [smem:$0x3F89]  }
0x29: {  	s4 =	sld [smem:$0x3F8B]  }
0x2a: {  	p0 =	seq.s32 s5, $0x0;
	s5 =	sld [smem:$0x3F8C]  }
0x2b: {  	s6 =	sld [smem:$0x3F8D]  }
0x2c: {  	s7 =	sld [smem:$0x3F8E]  }
0x2d: {  	s3 =	simm.s32 $0x108;
	s8 =	sld [smem:$0x3F8F]  }
0x2e: {  	s3 =	simm.s32 @!p0 $0x1082;
	s9 =	sld [smem:$0x3F90]  }
0x2f: {  	lr =	sadd.s32 s0, s3;
	s0 =	sld [smem:$0x3F87]  }
0x30: {  	s3 =	sld [smem:$0x3F8A]  }
0x31: {  	[smem:$0x3F93] =	sst s10  }
0x32: {  	s10 =	sld [smem:$0x3F91];
	_ =	sdelay $0x3  }
0x33: {  	p0 =	seq.s32 s10, $0x1;
	s10 =	sld [smem:$0x3F93];
	_ =	sdelay $0x3  }
0x34: {  	[smem:$0x3F93] =	sst s10  }
0x35: {  	s10 =	sld [smem:$0x3F92];
	_ =	sdelay $0x3  }
0x36: {  	p1 =	seq.s32 s10, $0x1;
	s10 =	sld [smem:$0x3F93];
	_ =	sdelay $0x3  }
0x37: {  	[smem:$0x3F93] =	sst s10  }
0x38: {  	s10 =	sld [smem:$0x3F94]  }
0x39: {  	_ = 	snop;
	(pc) =	sbr.ind lr, $3  }
0x3a: {  	_ = 	snop  }
0x3b: {  	_ = 	snop  }
0x3c: {  	p2 =	seq.s32 s10, $0x1;
	s10 =	sld [smem:$0x3F93]  }
0x3d: {  	_ =	shalt  }
0x3e: {  	_ =	shalt  }
0x3f: {  	_ =	shalt  }
0x40: {  	_ =	shalt  }
0x41: {  	_ =	shalt  }
0x42: {  	_ =	shalt  }
0x43: {  	_ =	shalt  }
0x44: {  	_ =	shalt  }
0x45: {  	_ =	shalt  }
0x46: {  	_ =	shalt  }
0x47: {  	_ =	shalt  }
0x48: {  	_ =	shalt  }
0x49: {  	_ =	shalt  }
0x4a: {  	_ =	shalt  }
0x4b: {  	_ =	shalt  }
0x4c: {  	_ =	shalt  }
0x4d: {  	_ =	shalt  }
0x4e: {  	_ =	shalt  }
0x4f: {  	_ =	shalt  }
0x50: {  	_ =	shalt  }
0x51: {  	_ =	shalt  }
0x52: {  	_ =	shalt  }
0x53: {  	_ =	shalt  }
0x54: {  	_ =	shalt  }
0x55: {  	_ =	shalt  }
0x56: {  	_ =	shalt  }
0x57: {  	_ =	shalt  }
0x58: {  	_ =	shalt  }
0x59: {  	_ =	shalt  }
0x5a: {  	_ =	shalt  }
0x5b: {  	_ =	shalt  }
0x5c: {  	_ =	shalt  }
0x5d: {  	_ =	shalt  }
0x5e: {  	_ =	shalt  }
0x5f: {  	_ =	shalt  }
0x60: {  	_ =	shalt  }
0x61: {  	_ =	shalt  }
0x62: {  	_ =	shalt  }
0x63: {  	_ =	shalt  }
0x64: {  	_ =	shalt  }
0x65: {  	_ =	shalt  }
0x66: {  	_ =	shalt  }
0x67: {  	_ =	shalt  }
0x68: {  	_ =	shalt  }
0x69: {  	_ =	shalt  }
0x6a: {  	_ =	shalt  }
0x6b: {  	_ =	shalt  }
0x6c: {  	_ =	shalt  }
0x6d: {  	_ =	shalt  }
0x6e: {  	_ =	shalt  }
0x6f: {  	_ =	shalt  }
0x70: {  	_ =	shalt  }
0x71: {  	_ =	shalt  }
0x72: {  	_ =	shalt  }
0x73: {  	_ =	shalt  }
0x74: {  	_ =	shalt  }
0x75: {  	_ =	shalt  }
0x76: {  	_ =	shalt  }
0x77: {  	_ =	shalt  }
0x78: {  	_ =	shalt  }
0x79: {  	_ =	shalt  }
0x7a: {  	_ =	shalt  }
0x7b: {  	_ =	shalt  }
0x7c: {  	_ =	shalt  }
0x7d: {  	_ =	shalt  }
0x7e: {  	_ =	shalt  }
0x7f: {  	_ =	shalt  }
0x80: {  	_ =	shalt  }
0x81: {  	_ =	shalt  }
0x82: {  	_ =	shalt  }
0x83: {  	_ =	shalt  }
0x84: {  	_ =	shalt  }
0x85: {  	_ =	shalt  }
0x86: {  	_ =	shalt  }
0x87: {  	_ =	shalt  }
.Lfunc_end0:
.L_simem_size_0:
called_computation.6_lowered:
.L_overlay_start_0:
0x88: {  	s2 =	sld [smem:$0x3FD9]  }
0x89: {  	s3 =	sld [smem:$0x3FFE];
	_ =	sdelay $0x1  }
0x8a: {  	s1 =	srdreg.scid  }
0x8b: {  	s0 =	sand.u32 $0x1, s1  }
0x8c: {  	s16 =	sshll.u32 s0, $0xA;
	s2 =	sadd.s32 s3, s2  }
0x8d: {  	s2 =	sadd.s32 s2, s16  }
0x8e: {  	[smem:$0x3F9F] =	sst s2  }
0x8f: {  	_ = 	snop  }
0x90: {  	(tm) =	ssettm $0x1  }
0x91: {  	s17 =	sld [smem:$0x3FFB];
	_ =	sdelay $0x3  }
0x92: {  	_ =	strace s17  }
0x93: {  	s2 =	sld [smem:$0x3FFC];
	_ =	sdelay $0x3  }
0x94: {  	_ =	strace s2  }
0x95: {  	s2 =	sld [smem:$0x3FFD];
	_ =	sdelay $0x3  }
0x96: {  	_ =	strace s2  }
0x97: {  	_ =	strace $0x8FFFFFFF  }
0x98: {  	s18 =	sld [smem:$0x3FDB];
	_ =	sdelay $0x1  }
0x99: {  	s19 =	simm.s32 $_scs_section_size  }
0x9a: {  	s4 =	simm.s32 $_size__tile_overlayer_lowered;
	s5 =	simm.s32 $_tile_overlayer_lowered  }
0x9b: {  	s22 =	simm.s32 $0x1BFF;
	s21 =	sshll.u32 s5, $0x1;
	s2 =	sadd.s32 s19, s18  }
0x9c: {  	s6 =	simm.s32 $0x0;
	s20 =	sshll.u32 s4, $0x1;
	s4 =	sadd.s32 s21, s2  }
0x9d: {  	[timem:s6], [sflag:s22] =	dma.local [hbm:s4], s20  }
0x9e: {  	_ =	swait.ge [sflag:s22], s20  }
0x9f: {  	s3 =	ssub.s32 $0x0, s20;
	[sflag:s22] =	ssyncset.done $0x0  }
0xa0: {  	[sflag:s22] =	ssyncadd.s32 s3;
	_ =	sdelay $0x1  }
0xa1: {  	s23 =	simm.s32 $0x1B8B  }
0xa2: {  	_ =	swait.ge [sflag:s23], $0x1  }
0xa3: {  	[sflag:s23] =	ssyncset.done $0x0  }
0xa4: {  	s25 =	simm.s32 $0x1B8E;
	s24 =	sld [smem:$0x3FFE];
	[sflag:s23] =	ssyncadd.s32 $0xFFFFFFFF  }
0xa5: {  	s26 =	simm.s32 $execute0_lowered;
	[smem:$0x3FD2] =	sst s25  }
0xa6: {  	s4 =	sshll.u32 s26, $0x1;
	_ =	strace $0x80000058;
	[dreg:$0x1] =	wrdreg $0xFFFFFFFF  }
0xa7: {  	s28 =	simm.s32 $_size_execute0_lowered;
	s2 =	sadd.s32 s2, s4;
	[dreg:$0x0] =	wrdreg $0x0  }
0xa8: {  	s4 =	sshll.u32 s28, $0x1;
	[dreg:$0x2] =	wrdreg s2  }
0xa9: {  	[dreg:$0x3] =	wrdreg s4  }
0xaa: {  	[dreg:$0x4] =	wrdreg $0xC0  }
0xab: {  	_ =	task [dreg:s6], $0x5FFFF  }
0xac: {  	[dreg:$0x1] =	wrdreg $0xFFFFFFFF  }
0xad: {  	[dreg:$0x0] =	wrdreg $0x60  }
0xae: {  	[dreg:$0x2] =	wrdreg s24  }
0xaf: {  	[dreg:$0x3] =	wrdreg $0x42680  }
0xb0: {  	[dreg:$0x4] =	wrdreg $0x9  }
0xb1: {  	_ =	task.clear_ibuf [dreg:s6], $0x5FFFF;
	_ =	strace $0x90000058  }
0xb2: {  	s29 =	simm.s32 $0x9;
	_ =	strace $0x8000005A  }
0xb3: {  	_ =	swait.ge [sflag:s29], $0x1  }
0xb4: {  	[sflag:s29] =	ssyncadd.s32 $0xFFFFFFFF  }
0xb5: {  	_ =	strace $0x9000005A  }
0xb6: {  	_ =	sfence  }
0xb7: {  	s30 =	sld [smem:$0x0];
	_ =	sdelay $0x2  }
0xb8: {  	s31 =	sshll.u32 s1, $0xD;
	s1 =	sshrl.u32 s1, $0x2  }
0xb9: {  	s3 =	sand.u32 $0x4000, s31;
	s1 =	sadd.s32 s1, s30  }
0xba: {  	s0 =	sor.u32 s3, s0;
	s1 =	sshll.u32 s1, $0x11  }
0xbb: {  	s0 =	sor.u32 s1, s0  }
0xbc: {  	s0 =	sadd.s32 $0x8F2B, s0  }
0xbd: {  	[sflag:s0] =	ssyncadd.remote.s32 $0x1  }
0xbe: {  	_ =	sfence.sel $0xFFFF  }
0xbf: {  	[dreg:$0x0] =	wrdreg $0xFFFFFFFF;
	(pc) =	sbr.abs _section_cstart, $3  }
0xc0: {  	[dreg:$0x1] =	wrdreg $0xFFFFFFFF  }
0xc1: {  	_ =	task.clear_ibuf [dreg:s6], $0x2FFFF;
	_ =	strace $0x9FFFFFFF  }
0xc2: {  	(tm) =	ssettm $0x7FFFFFFF  }
0xc3: {  	_ =	shalt  }
tec
execute0_lowered:
.L_overlay_start_1:
0x0: {  	(tag) =	ssettag $0x1  }
0x1: {  	s1 =	srdreg.scid;
	s6 =	rddreg [dreg:$0x0]  }
0x2: {  	s0 =	stileid.u32;
	s2 =	rddreg [dreg:$0x1]  }
0x3: {  	s3 =	simm.s32 $0x0;
	s12 =	simm.s32 $0x3E8;
	s5 =	smul.u32 $0xC350, s0  }
0x4: {  	s4 =	sand.u32 $0x1, s1;
	s8 =	smul.u32 $0x61A8, s0;
	s1 =	rddreg [dreg:$0x2]  }
0x5: {  	s13 =	simm.s32 $0x0;
	[smem:$0x7FF] =	sst s3;
	s7 =	smul.u32 $0x61A80, s4  }
0x6: {  	s31 =	sshll.u32 s0, $0x6;
	s9 =	smul.u32 $0xC3500, s4;
	s4 =	ssub.s32 $0x2, s4  }
0x7: {  	_ =	strace $0x80000059;
	s28 =	sshrl.u32 s5, $0x3;
	s11 =	sshrl.u32 s4, $0x1  }
0x8: {  	s30 =	sadd.s32 s5, s2;
	s7 =	sadd.s32 s8, s7;
	s26 =	sadd.s32 s5, s9  }
0x9: {  	s29 =	ssub.s32 s4, s11;
	s5 =	sor.u32 $0x1C01, s31;
	s7 =	sshrl.u32 s7, $0x3  }
0xa: {  	s9 =	sadd.s32 s26, s6;
	s8 =	sshrl.u32 s26, $0x3;
	s10 =	sadd.s32 s7, s6  }
0xb: {  	s7 =	sadd.s32 s28, s6;
	s6 =	sadd.s32 s8, s6;
	s8 =	sadd.s32 $0x1DDC00, s9  }
0xc: {  	s11 =	simm.s32 $0x1;
	s4 =	sadd.s32 $0x1C5400, s7;
	s6 =	sadd.s32 $0x102000, s6  }
0xd: {  	s7 =	smax.u32 s29, $0x1;
	s9 =	sadd.s32 $0x25200, s10;
	s10 =	sshrl.u32 s30, $0x3  }
.LBB2_1:
0xe: {  	[spmem:s10], [sflag:s5] =	dma.local [hbm:s4], $0x186A  }
0xf: {  	_ =	swait.ge [sflag:s11], $0x186A  }
0x10: {  	[sflag:s11] =	ssyncset.done $0x0  }
0x11: {  	[sflag:s11] =	ssyncadd.s32 $0xFFFFE796  }
0x12: {  	s14 =	sadd.s32 $0x0, s9;
	[bflag:$0x0] =	sbarrier.arrive $0xFFFF  }
0x13: {  	[tilespmem:s3], [sflag:$0x1] =	stream.linear.gather [hbm4b:s14+s3], $0x3E8, $0x38;
	[tilespmem:$0x105B8] =	vst v63  }
0x14: {  	_ =	swait.ge [sflag:s11], $0x3E8  }
0x15: {  	[sflag:s11] =	ssyncset.done $0x0  }
0x16: {  	[sflag:s11] =	ssyncadd.s32 $0xFFFFFC18  }
0x17: {  	[tilespmem:s12], [sflag:$0x1] =	stream.linear.gather [hbm4b:s8+s3], $0x3E80, $0x38;
	[tilespmem:$0x105B8] =	vst v63  }
0x18: {  	_ =	swait.ge [sflag:s11], $0x3E80  }
0x19: {  	[sflag:s11] =	ssyncset.done $0x0  }
0x1a: {  	[sflag:s11] =	ssyncadd.s32 $0xFFFFC180  }
0x1b: {  	[spmem:s2] =	stream.indirect.scatter.add.f32 [tilespmem:s12], [sflag:$0x1], $0x10, s3, s12, $0xb8;
	[tilespmem:$0x105B8] =	vst v63  }
0x1c: {  	s15 =	simm.s32 $0x7D;
	_ =	swait.ge [sflag:s11], $0x3E80  }
0x1d: {  	s16 =	simm.s32 $0xFA;
	s14 =	sadd.s32 $0x7D0, s8;
	[sflag:s11] =	ssyncset.done $0x0  }
.LBB2_2:
0x1e: {  	s17 =	sadd.s32 s15, s9  }
0x1f: {  	[sflag:s11] =	ssyncadd.s32 $0xFFFFC180;
	s15 =	smov.u32 s16;
	s18 =	sadd.s32 $0x7D, s16  }
0x20: {  	[tilespmem:s3], [sflag:$0x1] =	stream.linear.gather [hbm4b:s17+s3], $0x3E8, $0x38;
	[tilespmem:$0x105B8] =	vst v63  }
0x21: {  	p0 =	sne.s32 s16, $0xBB8;
	_ =	swait.ge [sflag:s11], $0x3E8  }
0x22: {  	[sflag:s11] =	ssyncset.done $0x0  }
0x23: {  	[sflag:s11] =	ssyncadd.s32 $0xFFFFFC18  }
0x24: {  	[tilespmem:s12], [sflag:$0x1] =	stream.linear.gather [hbm4b:s14+s3], $0x3E80, $0x38;
	[tilespmem:$0x105B8] =	vst v63  }
0x25: {  	_ =	swait.ge [sflag:s11], $0x3E80  }
.Ltmp0:
0x26: {  	[sflag:s11] =	ssyncset.done $0x0;
	(pc) =	sbr.rel @p0 .LBB2_2-.Ltmp0, $4  }
0x27: {  	[sflag:s11] =	ssyncadd.s32 $0xFFFFC180  }
0x28: {  	[spmem:s2] =	stream.indirect.scatter.add.f32 [tilespmem:s12], [sflag:$0x1], $0x10, s3, s12, $0xb8;
	[tilespmem:$0x105B8] =	vst v63  }
0x29: {  	_ =	swait.ge [sflag:s11], $0x3E80  }
0x2a: {  	s16 =	smov.u32 s18;
	s14 =	sadd.s32 $0x7D0, s14;
	[sflag:s11] =	ssyncset.done $0x0  }
0x2b: {  	s15 =	sadd.s32 s15, s9;
	[sflag:s11] =	ssyncadd.s32 $0xFFFFC180  }
0x2c: {  	[tilespmem:s3], [sflag:$0x1] =	stream.linear.gather [hbm4b:s15+s3], $0x3E8, $0x38;
	[tilespmem:$0x105B8] =	vst v63  }
0x2d: {  	_ =	swait.ge [sflag:s11], $0x3E8  }
0x2e: {  	[sflag:s11] =	ssyncset.done $0x0  }
0x2f: {  	[sflag:s11] =	ssyncadd.s32 $0xFFFFFC18  }
0x30: {  	[tilespmem:s12], [sflag:$0x1] =	stream.linear.gather [hbm4b:s14+s3], $0x3E80, $0x38;
	[tilespmem:$0x105B8] =	vst v63  }
0x31: {  	_ =	swait.ge [sflag:s11], $0x3E80  }
0x32: {  	[sflag:s11] =	ssyncset.done $0x0  }
0x33: {  	[sflag:s11] =	ssyncadd.s32 $0xFFFFC180  }
0x34: {  	[spmem:s2] =	stream.indirect.scatter.add.f32 [tilespmem:s12], [sflag:$0x1], $0x10, s3, s12, $0xb8;
	[tilespmem:$0x105B8] =	vst v63  }
0x35: {  	_ =	swait.ge [sflag:s11], $0x3E80  }
0x36: {  	s13 =	sadd.s32 $0x1, s13;
	[sflag:s11] =	ssyncset.done $0x0  }
0x37: {  	p0 =	sne.s32 s13, s7;
	[sflag:s11] =	ssyncadd.s32 $0xFFFFC180  }
.Ltmp1:
0x38: {  	[bflag:$0x0] =	sbarrier.arrive $0xFFFF;
	(pc) =	sbr.rel @p0 .LBB2_1-.Ltmp1, $4  }
0x39: {  	[hbm:s6], [sflag:s5] =	dma.local [spmem:s10], $0x186A  }
0x3a: {  	_ =	swait.ge [sflag:s11], $0x186A  }
0x3b: {  	[sflag:s11] =	ssyncset.done $0x0  }
0x3c: {  	[sflag:s11] =	ssyncadd.s32 $0xFFFFE796  }
0x3d: {  	_ =	sfence.sel $0x180000  }
0x3e: {  	[bflag:$0x0] =	sbarrier.arrive $0xFFFF  }
0x3f: {  	p0 =	sne.s32 s0, $0x0;
	_ =	strace $0x90000059  }
0x40: {  	s0 =	sadd.s32 @!p0 $0x100000, s1;
	[bflag:$0x2] =	sbarrier.arrive $0xFFFF  }
0x41: {  	[sflag:s0] =	ssyncadd.tile.s32 @!p0 $0x1;
	_ =	shalt  }
.Lfunc_end2:
_tile_overlayer_lowered:
.L_overlay_start_2:
0x42: {  	(tag) =	ssettag $0x2  }
0x43: {  	s0 =	rddreg [dreg:$0x0];
	s2 =	stileid.u32  }
0x44: {  	s1 =	rddreg [dreg:$0x1];
	p0 =	sne.s32 s2, $0x0  }
0x45: {  	s3 =	rddreg [dreg:$0x2];
	[bflag:$0x3] =	sbarrier.arrive $0xFFFF;
	s2 =	simm.s32 @!p0 $0x1C01  }
0x46: {  	[timem:s3], [sflag:s2] =	dma.local @!p0 [hbm:s0], s1  }
0x47: {  	s0 =	simm.s32 @!p0 $0x1  }
0x48: {  	_ =	swait.ge @!p0 [sflag:s0], s1  }
0x49: {  	s1 =	ssub.s32 @!p0 $0x0, s1;
	[sflag:s0] =	ssyncset.done @!p0 $0x0  }
0x4a: {  	[sflag:s0] =	ssyncadd.s32 @!p0 s1  }
0x4b: {  	[bflag:$0x3] =	sbarrier.arrive $0xFFFF  }
0x4c: {  	_ =	shalt  }

// kernel: kernel.41.cloned.1.call-start
scs
__scs_entry_jumppad:
0x0: {  	(pc) =	sbr.rel $0x88, $3  }
0x1: {  	(tag) =	ssettag $0x0;
	lr =	simm.s32 $0x1  }
0x2: {  	[smem:$0x3F78] =	sst lr;
	_ =	strace $0xD0000000  }
0x3: {  	_ = 	snop  }
0x4: {  	_ = 	snop  }
0x5: {  	_ = 	snop  }
0x6: {  	_ = 	snop  }
0x7: {  	_ = 	snop  }
__scs_overlays_trampoline_lowered:
0x8: {  	[smem:$0x3F87] =	sst s0  }
0x9: {  	[smem:$0x3F88] =	sst s1  }
0xa: {  	[smem:$0x3F89] =	sst s2  }
0xb: {  	[smem:$0x3F8A] =	sst s3  }
0xc: {  	[smem:$0x3F8B] =	sst s4  }
0xd: {  	[smem:$0x3F8C] =	sst s5  }
0xe: {  	[smem:$0x3F8D] =	sst s6  }
0xf: {  	[smem:$0x3F8E] =	sst s7  }
0x10: {  	[smem:$0x3F8F] =	sst s8  }
0x11: {  	[smem:$0x3F90] =	sst s9;
	s0 =	simm.s32 @!p0 $0x0  }
0x12: {  	s1 =	sld [smem:$0x3F76];
	s0 =	simm.s32 @p0 $0x1  }
0x13: {  	[smem:$0x3F91] =	sst s0;
	s0 =	simm.s32 @!p1 $0x0  }
0x14: {  	s2 =	sld [smem:$0x3F75];
	s0 =	simm.s32 @p1 $0x1  }
0x15: {  	[smem:$0x3F92] =	sst s0;
	s0 =	simm.s32 @!p2 $0x0  }
0x16: {  	s3 =	sld [smem:$0x3FDB];
	s0 =	simm.s32 @p2 $0x1  }
0x17: {  	s4 =	simm.s32 $0x1BF5;
	[smem:$0x3F94] =	sst s0  }
0x18: {  	s0 =	sld [smem:$0x3F77];
	_ =	swait.ge [sflag:s4], $0x0  }
0x19: {  	s7 =	sld [smem:$0x3F78]  }
0x1a: {  	s8 =	sadd.s32 $0xFFFFE003, lr  }
0x1b: {  	s9 =	sadd.s32 $0xFFFFFEF7, lr;
	s5 =	simm.s32 $0xFFFFFFFF;
	p2 =	slt.u32 s8, $0xFFFFF086  }
0x1c: {  	p1 =	slt.u32 s9, $0xF7A;
	s5 =	simm.s32 @!p2 $0x0  }
0x1d: {  	s5 =	simm.s32 @p1 $0x1;
	p0 =	seq.s32 s7, s2  }
0x1e: {  	s7 =	smul.u32 @!p0 $0xF7A, s2;
	p2 =	seq.s32 @!p0 s5, $0x0  }
0x1f: {  	s9 =	smul.u32 $0xF7A, s1;
	s8 =	simm.s32 @!p0 $0x1BF5;
	p2 =	por !p2, p0  }
0x20: {  	[sflag:s8] =	ssyncset.s32 @!p0 $0xFFFFF086;
	s6 =	sadd.s32 @!p0 s3, s7;
	s7 =	simm.s32 @!p0 $0x108  }
0x21: {  	s3 =	sadd.s32 s3, s9;
	s6 =	sadd.s32 @!p0 $0x88, s6;
	s7 =	simm.s32 @p2 $0x1082  }
0x22: {  	[simem:s7], [sflag:s8] =	dma.local @!p0 [hbm:s6], $0xF7A  }
0x23: {  	s9 =	sor.u32 $0xD0000000, s2;
	s6 =	simm.s32 $0x108;
	_ =	swait.ge @!p0 [sflag:s8], $0x0  }
0x24: {  	s3 =	sadd.s32 $0x88, s3;
	s6 =	simm.s32 @!p1 $0x1082;
	[sflag:s4] =	ssyncset.s32 $0xFFFFF086  }
0x25: {  	[simem:s6], [sflag:s4] =	dma.local [hbm:s3], $0xF7A  }
0x26: {  	[smem:$0x3F78] =	sst s1;
	(tag) =	ssettag s2;
	_ =	strace s9  }
0x27: {  	s1 =	sld [smem:$0x3F88]  }
0x28: {  	s2 =	sld [smem:$0x3F89]  }
0x29: {  	s4 =	sld [smem:$0x3F8B]  }
0x2a: {  	p0 =	seq.s32 s5, $0x0;
	s5 =	sld [smem:$0x3F8C]  }
0x2b: {  	s6 =	sld [smem:$0x3F8D]  }
0x2c: {  	s7 =	sld [smem:$0x3F8E]  }
0x2d: {  	s3 =	simm.s32 $0x108;
	s8 =	sld [smem:$0x3F8F]  }
0x2e: {  	s3 =	simm.s32 @!p0 $0x1082;
	s9 =	sld [smem:$0x3F90]  }
0x2f: {  	lr =	sadd.s32 s0, s3;
	s0 =	sld [smem:$0x3F87]  }
0x30: {  	s3 =	sld [smem:$0x3F8A]  }
0x31: {  	[smem:$0x3F93] =	sst s10  }
0x32: {  	s10 =	sld [smem:$0x3F91];
	_ =	sdelay $0x3  }
0x33: {  	p0 =	seq.s32 s10, $0x1;
	s10 =	sld [smem:$0x3F93];
	_ =	sdelay $0x3  }
0x34: {  	[smem:$0x3F93] =	sst s10  }
0x35: {  	s10 =	sld [smem:$0x3F92];
	_ =	sdelay $0x3  }
0x36: {  	p1 =	seq.s32 s10, $0x1;
	s10 =	sld [smem:$0x3F93];
	_ =	sdelay $0x3  }
0x37: {  	[smem:$0x3F93] =	sst s10  }
0x38: {  	s10 =	sld [smem:$0x3F94]  }
0x39: {  	_ = 	snop;
	(pc) =	sbr.ind lr, $3  }
0x3a: {  	_ = 	snop  }
0x3b: {  	_ = 	snop  }
0x3c: {  	p2 =	seq.s32 s10, $0x1;
	s10 =	sld [smem:$0x3F93]  }
0x3d: {  	_ =	shalt  }
0x3e: {  	_ =	shalt  }
0x3f: {  	_ =	shalt  }
0x40: {  	_ =	shalt  }
0x41: {  	_ =	shalt  }
0x42: {  	_ =	shalt  }
0x43: {  	_ =	shalt  }
0x44: {  	_ =	shalt  }
0x45: {  	_ =	shalt  }
0x46: {  	_ =	shalt  }
0x47: {  	_ =	shalt  }
0x48: {  	_ =	shalt  }
0x49: {  	_ =	shalt  }
0x4a: {  	_ =	shalt  }
0x4b: {  	_ =	shalt  }
0x4c: {  	_ =	shalt  }
0x4d: {  	_ =	shalt  }
0x4e: {  	_ =	shalt  }
0x4f: {  	_ =	shalt  }
0x50: {  	_ =	shalt  }
0x51: {  	_ =	shalt  }
0x52: {  	_ =	shalt  }
0x53: {  	_ =	shalt  }
0x54: {  	_ =	shalt  }
0x55: {  	_ =	shalt  }
0x56: {  	_ =	shalt  }
0x57: {  	_ =	shalt  }
0x58: {  	_ =	shalt  }
0x59: {  	_ =	shalt  }
0x5a: {  	_ =	shalt  }
0x5b: {  	_ =	shalt  }
0x5c: {  	_ =	shalt  }
0x5d: {  	_ =	shalt  }
0x5e: {  	_ =	shalt  }
0x5f: {  	_ =	shalt  }
0x60: {  	_ =	shalt  }
0x61: {  	_ =	shalt  }
0x62: {  	_ =	shalt  }
0x63: {  	_ =	shalt  }
0x64: {  	_ =	shalt  }
0x65: {  	_ =	shalt  }
0x66: {  	_ =	shalt  }
0x67: {  	_ =	shalt  }
0x68: {  	_ =	shalt  }
0x69: {  	_ =	shalt  }
0x6a: {  	_ =	shalt  }
0x6b: {  	_ =	shalt  }
0x6c: {  	_ =	shalt  }
0x6d: {  	_ =	shalt  }
0x6e: {  	_ =	shalt  }
0x6f: {  	_ =	shalt  }
0x70: {  	_ =	shalt  }
0x71: {  	_ =	shalt  }
0x72: {  	_ =	shalt  }
0x73: {  	_ =	shalt  }
0x74: {  	_ =	shalt  }
0x75: {  	_ =	shalt  }
0x76: {  	_ =	shalt  }
0x77: {  	_ =	shalt  }
0x78: {  	_ =	shalt  }
0x79: {  	_ =	shalt  }
0x7a: {  	_ =	shalt  }
0x7b: {  	_ =	shalt  }
0x7c: {  	_ =	shalt  }
0x7d: {  	_ =	shalt  }
0x7e: {  	_ =	shalt  }
0x7f: {  	_ =	shalt  }
0x80: {  	_ =	shalt  }
0x81: {  	_ =	shalt  }
0x82: {  	_ =	shalt  }
0x83: {  	_ =	shalt  }
0x84: {  	_ =	shalt  }
0x85: {  	_ =	shalt  }
0x86: {  	_ =	shalt  }
0x87: {  	_ =	shalt  }
.Lfunc_end0:
.L_simem_size_0:
called_computation.7_lowered:
.L_overlay_start_0:
0x88: {  	s2 =	sld [smem:$0x3FD9]  }
0x89: {  	s3 =	sld [smem:$0x3FFE];
	_ =	sdelay $0x1  }
0x8a: {  	s1 =	srdreg.scid  }
0x8b: {  	s0 =	sand.u32 $0x1, s1  }
0x8c: {  	s16 =	sshll.u32 s0, $0xA;
	s2 =	sadd.s32 s3, s2  }
0x8d: {  	s2 =	sadd.s32 s2, s16  }
0x8e: {  	[smem:$0x3F9F] =	sst s2  }
0x8f: {  	_ = 	snop  }
0x90: {  	(tm) =	ssettm $0x1  }
0x91: {  	s17 =	sld [smem:$0x3FFB];
	_ =	sdelay $0x3  }
0x92: {  	_ =	strace s17  }
0x93: {  	s2 =	sld [smem:$0x3FFC];
	_ =	sdelay $0x3  }
0x94: {  	_ =	strace s2  }
0x95: {  	s2 =	sld [smem:$0x3FFD];
	_ =	sdelay $0x3  }
0x96: {  	_ =	strace s2  }
0x97: {  	_ =	strace $0x8FFFFFFF  }
0x98: {  	s18 =	sld [smem:$0x3FDB];
	_ =	sdelay $0x1  }
0x99: {  	s19 =	simm.s32 $_scs_section_size  }
0x9a: {  	s4 =	simm.s32 $_size__tile_overlayer_lowered;
	s5 =	simm.s32 $_tile_overlayer_lowered  }
0x9b: {  	s22 =	simm.s32 $0x1BFF;
	s21 =	sshll.u32 s5, $0x1;
	s2 =	sadd.s32 s19, s18  }
0x9c: {  	s6 =	simm.s32 $0x0;
	s20 =	sshll.u32 s4, $0x1;
	s4 =	sadd.s32 s21, s2  }
0x9d: {  	[timem:s6], [sflag:s22] =	dma.local [hbm:s4], s20  }
0x9e: {  	_ =	swait.ge [sflag:s22], s20  }
0x9f: {  	s3 =	ssub.s32 $0x0, s20;
	[sflag:s22] =	ssyncset.done $0x0  }
0xa0: {  	[sflag:s22] =	ssyncadd.s32 s3;
	_ =	sdelay $0x1  }
0xa1: {  	s23 =	simm.s32 $0x1B8B  }
0xa2: {  	_ =	swait.ge [sflag:s23], $0x1  }
0xa3: {  	[sflag:s23] =	ssyncset.done $0x0  }
0xa4: {  	s25 =	simm.s32 $0x1B8E;
	s24 =	sld [smem:$0x3FFE];
	[sflag:s23] =	ssyncadd.s32 $0xFFFFFFFF  }
0xa5: {  	s26 =	simm.s32 $execute0_lowered;
	[smem:$0x3FD2] =	sst s25  }
0xa6: {  	s4 =	sshll.u32 s26, $0x1;
	_ =	strace $0x8000005B;
	[dreg:$0x1] =	wrdreg $0xFFFFFFFF  }
0xa7: {  	s28 =	simm.s32 $_size_execute0_lowered;
	s2 =	sadd.s32 s2, s4;
	[dreg:$0x0] =	wrdreg $0x0  }
0xa8: {  	s4 =	sshll.u32 s28, $0x1;
	[dreg:$0x2] =	wrdreg s2  }
0xa9: {  	[dreg:$0x3] =	wrdreg s4  }
0xaa: {  	[dreg:$0x4] =	wrdreg $0xC0  }
0xab: {  	_ =	task [dreg:s6], $0x5FFFF  }
0xac: {  	[dreg:$0x1] =	wrdreg $0xFFFFFFFF  }
0xad: {  	[dreg:$0x0] =	wrdreg $0x60  }
0xae: {  	[dreg:$0x2] =	wrdreg s24  }
0xaf: {  	[dreg:$0x3] =	wrdreg $0x9  }
0xb0: {  	_ =	task.clear_ibuf [dreg:s6], $0x4FFFF;
	_ =	strace $0x9000005B  }
0xb1: {  	s29 =	simm.s32 $0x9;
	_ =	strace $0x8000005D  }
0xb2: {  	_ =	swait.ge [sflag:s29], $0x1  }
0xb3: {  	[sflag:s29] =	ssyncadd.s32 $0xFFFFFFFF  }
0xb4: {  	_ =	strace $0x9000005D  }
0xb5: {  	_ =	sfence  }
0xb6: {  	s30 =	sld [smem:$0x0];
	_ =	sdelay $0x2  }
0xb7: {  	s31 =	sshll.u32 s1, $0xD;
	s1 =	sshrl.u32 s1, $0x2  }
0xb8: {  	s3 =	sand.u32 $0x4000, s31;
	s1 =	sadd.s32 s1, s30  }
0xb9: {  	s0 =	sor.u32 s3, s0;
	s1 =	sshll.u32 s1, $0x11  }
0xba: {  	s0 =	sor.u32 s1, s0  }
0xbb: {  	s0 =	sadd.s32 $0x8F2B, s0  }
0xbc: {  	[sflag:s0] =	ssyncadd.remote.s32 $0x1  }
0xbd: {  	_ =	sfence.sel $0xFFFF  }
0xbe: {  	[dreg:$0x0] =	wrdreg $0xFFFFFFFF;
	(pc) =	sbr.abs _section_cstart, $3  }
0xbf: {  	[dreg:$0x1] =	wrdreg $0xFFFFFFFF  }
0xc0: {  	_ =	task.clear_ibuf [dreg:s6], $0x2FFFF;
	_ =	strace $0x9FFFFFFF  }
0xc1: {  	(tm) =	ssettm $0x7FFFFFFF  }
tec
execute0_lowered:
.L_overlay_start_1:
0x0: {  	(tag) =	ssettag $0x1  }
0x1: {  	s4 =	rddreg [dreg:$0x0]  }
0x2: {  	s0 =	rddreg [dreg:$0x1];
	s1 =	srdreg.scid  }
0x3: {  	s2 =	simm.s32 $0x0;
	s11 =	simm.s32 $0x1;
	s5 =	sand.u32 $0x1, s1  }
0x4: {  	s12 =	simm.s32 $0x0;
	s1 =	stileid.u32;
	s6 =	smul.u32 $0x61A80, s5  }
0x5: {  	[smem:$0x7FF] =	sst s2;
	s3 =	sadd.s32 $0x3EA00, s4;
	s7 =	smul.u32 $0x61A8, s1  }
0x6: {  	_ =	strace $0x8000005C;
	s8 =	smul.u32 $0x186A00, s5;
	s5 =	ssub.s32 $0x2, s5  }
0x7: {  	s29 =	smul.u32 $0x186A0, s1;
	s9 =	sshrl.u32 s5, $0x1;
	s6 =	sadd.s32 s7, s6  }
0x8: {  	s8 =	sadd.s32 s8, s4;
	s30 =	ssub.s32 s5, s9;
	s6 =	sshrl.u32 s6, $0x3  }
0x9: {  	s9 =	simm.s32 $0x2;
	s31 =	sadd.s32 s29, s8;
	s10 =	sadd.s32 s6, s4  }
0xa: {  	s4 =	smax.u32 s30, $0x1;
	s5 =	sadd.s32 $0x2A64E00, s31;
	s6 =	sadd.s32 $0x2D72200, s31  }
0xb: {  	s7 =	sadd.s32 $0x25200, s10;
	s8 =	sadd.s32 $0xCA00, s10;
	s10 =	simm.s32 $0x3E8  }
.LBB2_1:
0xc: {  	s13 =	sadd.s32 $0x0, s8  }
0xd: {  	[tilespmem:s2], [sflag:$0x2] =	stream.linear.gather [hbm4b:s13+s2], $0x3E8, $0x38;
	[tilespmem:$0x80E8] =	vst v63  }
0xe: {  	_ =	swait.ge [sflag:s9], $0x3E8  }
0xf: {  	[sflag:s9] =	ssyncset.done $0x0  }
0x10: {  	[sflag:s9] =	ssyncadd.s32 $0xFFFFFC18  }
0x11: {  	[tilespmem:s10], [sflag:$0x1] =	stream.indirect.gather [hbm4b:s3+s10], $0x20, s2, s10, $0xb8;
	[tilespmem:$0x80E8] =	vst v63  }
0x12: {  	_ =	swait.ge [sflag:s11], $0x7D00  }
0x13: {  	[sflag:s11] =	ssyncset.done $0x0  }
0x14: {  	[sflag:s11] =	ssyncadd.s32 $0xFFFF8300  }
0x15: {  	[hbm4b:s6+s2] =	stream.linear.scatter [tilespmem:s10], [sflag:$0x2], $0x7D00, $0x38;
	[tilespmem:$0x80E8] =	vst v63  }
0x16: {  	_ =	swait.ge [sflag:s9], $0x7D00  }
0x17: {  	[sflag:s9] =	ssyncset.done $0x0  }
0x18: {  	s31 =	sadd.s32 $0x0, s7;
	[sflag:s9] =	ssyncadd.s32 $0xFFFF8300  }
0x19: {  	[tilespmem:s2], [sflag:$0x2] =	stream.linear.gather [hbm4b:s31+s2], $0x3E8, $0x38;
	[tilespmem:$0x80E8] =	vst v63  }
0x1a: {  	_ =	swait.ge [sflag:s9], $0x3E8  }
0x1b: {  	[sflag:s9] =	ssyncset.done $0x0  }
0x1c: {  	[sflag:s9] =	ssyncadd.s32 $0xFFFFFC18  }
0x1d: {  	[tilespmem:s10], [sflag:$0x1] =	stream.indirect.gather [hbm4b:s3+s10], $0x20, s2, s10, $0xb8;
	[tilespmem:$0x80E8] =	vst v63  }
0x1e: {  	_ =	swait.ge [sflag:s11], $0x7D00  }
0x1f: {  	[sflag:s11] =	ssyncset.done $0x0  }
0x20: {  	[sflag:s11] =	ssyncadd.s32 $0xFFFF8300  }
0x21: {  	[hbm4b:s5+s2] =	stream.linear.scatter [tilespmem:s10], [sflag:$0x2], $0x7D00, $0x38;
	[tilespmem:$0x80E8] =	vst v63  }
0x22: {  	s14 =	simm.s32 $0x7D;
	s16 =	simm.s32 $0xFA;
	_ =	swait.ge [sflag:s9], $0x7D00  }
0x23: {  	s15 =	sadd.s32 $0xFA0, s6;
	s13 =	sadd.s32 $0xFA0, s5;
	[sflag:s9] =	ssyncset.done $0x0  }
.LBB2_2:
0x24: {  	s17 =	sadd.s32 s14, s8  }
0x25: {  	[sflag:s9] =	ssyncadd.s32 $0xFFFF8300;
	s18 =	smov.u32 s16;
	s19 =	sadd.s32 $0x7D, s16  }
0x26: {  	[tilespmem:s2], [sflag:$0x2] =	stream.linear.gather [hbm4b:s17+s2], $0x3E8, $0x38;
	[tilespmem:$0x80E8] =	vst v63  }
0x27: {  	p0 =	sne.s32 s16, $0xBB8;
	_ =	swait.ge [sflag:s9], $0x3E8  }
0x28: {  	[sflag:s9] =	ssyncset.done $0x0  }
0x29: {  	[sflag:s9] =	ssyncadd.s32 $0xFFFFFC18  }
0x2a: {  	[tilespmem:s10], [sflag:$0x1] =	stream.indirect.gather [hbm4b:s3+s10], $0x20, s2, s10, $0xb8;
	[tilespmem:$0x80E8] =	vst v63  }
0x2b: {  	_ =	swait.ge [sflag:s11], $0x7D00  }
0x2c: {  	[sflag:s11] =	ssyncset.done $0x0  }
0x2d: {  	[sflag:s11] =	ssyncadd.s32 $0xFFFF8300  }
0x2e: {  	[hbm4b:s15+s2] =	stream.linear.scatter [tilespmem:s10], [sflag:$0x2], $0x7D00, $0x38;
	[tilespmem:$0x80E8] =	vst v63  }
0x2f: {  	_ =	swait.ge [sflag:s9], $0x7D00  }
0x30: {  	[sflag:s9] =	ssyncset.done $0x0  }
0x31: {  	s16 =	sadd.s32 s14, s7;
	s14 =	smov.u32 s18;
	[sflag:s9] =	ssyncadd.s32 $0xFFFF8300  }
0x32: {  	[tilespmem:s2], [sflag:$0x2] =	stream.linear.gather [hbm4b:s16+s2], $0x3E8, $0x38;
	[tilespmem:$0x80E8] =	vst v63  }
0x33: {  	_ =	swait.ge [sflag:s9], $0x3E8  }
0x34: {  	[sflag:s9] =	ssyncset.done $0x0  }
0x35: {  	[sflag:s9] =	ssyncadd.s32 $0xFFFFFC18  }
0x36: {  	[tilespmem:s10], [sflag:$0x1] =	stream.indirect.gather [hbm4b:s3+s10], $0x20, s2, s10, $0xb8;
	[tilespmem:$0x80E8] =	vst v63  }
0x37: {  	_ =	swait.ge [sflag:s11], $0x7D00  }
.Ltmp0:
0x38: {  	[sflag:s11] =	ssyncset.done $0x0;
	(pc) =	sbr.rel @p0 .LBB2_2-.Ltmp0, $4  }
0x39: {  	[sflag:s11] =	ssyncadd.s32 $0xFFFF8300  }
0x3a: {  	[hbm4b:s13+s2] =	stream.linear.scatter [tilespmem:s10], [sflag:$0x2], $0x7D00, $0x38;
	[tilespmem:$0x80E8] =	vst v63  }
0x3b: {  	s15 =	sadd.s32 $0xFA0, s15;
	_ =	swait.ge [sflag:s9], $0x7D00  }
0x3c: {  	s16 =	smov.u32 s19;
	s13 =	sadd.s32 $0xFA0, s13;
	[sflag:s9] =	ssyncset.done $0x0  }
0x3d: {  	s16 =	sadd.s32 s14, s8;
	[sflag:s9] =	ssyncadd.s32 $0xFFFF8300  }
0x3e: {  	[tilespmem:s2], [sflag:$0x2] =	stream.linear.gather [hbm4b:s16+s2], $0x3E8, $0x38;
	[tilespmem:$0x80E8] =	vst v63  }
0x3f: {  	_ =	swait.ge [sflag:s9], $0x3E8  }
0x40: {  	[sflag:s9] =	ssyncset.done $0x0  }
0x41: {  	[sflag:s9] =	ssyncadd.s32 $0xFFFFFC18  }
0x42: {  	[tilespmem:s10], [sflag:$0x1] =	stream.indirect.gather [hbm4b:s3+s10], $0x20, s2, s10, $0xb8;
	[tilespmem:$0x80E8] =	vst v63  }
0x43: {  	_ =	swait.ge [sflag:s11], $0x7D00  }
0x44: {  	[sflag:s11] =	ssyncset.done $0x0  }
0x45: {  	[sflag:s11] =	ssyncadd.s32 $0xFFFF8300  }
0x46: {  	[hbm4b:s15+s2] =	stream.linear.scatter [tilespmem:s10], [sflag:$0x2], $0x7D00, $0x38;
	[tilespmem:$0x80E8] =	vst v63  }
0x47: {  	_ =	swait.ge [sflag:s9], $0x7D00  }
0x48: {  	[sflag:s9] =	ssyncset.done $0x0  }
0x49: {  	s31 =	sadd.s32 s14, s7;
	[sflag:s9] =	ssyncadd.s32 $0xFFFF8300  }
0x4a: {  	[tilespmem:s2], [sflag:$0x2] =	stream.linear.gather [hbm4b:s31+s2], $0x3E8, $0x38;
	[tilespmem:$0x80E8] =	vst v63  }
0x4b: {  	_ =	swait.ge [sflag:s9], $0x3E8  }
0x4c: {  	[sflag:s9] =	ssyncset.done $0x0  }
0x4d: {  	[sflag:s9] =	ssyncadd.s32 $0xFFFFFC18  }
0x4e: {  	[tilespmem:s10], [sflag:$0x1] =	stream.indirect.gather [hbm4b:s3+s10], $0x20, s2, s10, $0xb8;
	[tilespmem:$0x80E8] =	vst v63  }
0x4f: {  	s12 =	sadd.s32 $0x1, s12;
	_ =	swait.ge [sflag:s11], $0x7D00  }
0x50: {  	p0 =	sne.s32 s12, s4;
	[sflag:s11] =	ssyncset.done $0x0  }
.Ltmp1:
0x51: {  	[sflag:s11] =	ssyncadd.s32 $0xFFFF8300;
	(pc) =	sbr.rel @p0 .LBB2_1-.Ltmp1, $4  }
0x52: {  	[hbm4b:s13+s2] =	stream.linear.scatter [tilespmem:s10], [sflag:$0x2], $0x7D00, $0x38;
	[tilespmem:$0x80E8] =	vst v63  }
0x53: {  	_ =	swait.ge [sflag:s9], $0x7D00  }
0x54: {  	[sflag:s9] =	ssyncset.done $0x0  }
0x55: {  	[sflag:s9] =	ssyncadd.s32 $0xFFFF8300  }
0x56: {  	_ =	sfence.sel $0x180000  }
0x57: {  	[bflag:$0x0] =	sbarrier.arrive $0xFFFF  }
0x58: {  	p0 =	sne.s32 s1, $0x0;
	_ =	strace $0x9000005C  }
0x59: {  	s0 =	sadd.s32 @!p0 $0x100000, s0;
	[bflag:$0x2] =	sbarrier.arrive $0xFFFF  }
0x5a: {  	[sflag:s0] =	ssyncadd.tile.s32 @!p0 $0x1;
	_ =	shalt  }
.Lfunc_end2:
_tile_overlayer_lowered:
.L_overlay_start_2:
0x5b: {  	(tag) =	ssettag $0x2  }
0x5c: {  	s0 =	rddreg [dreg:$0x0];
	s2 =	stileid.u32  }
0x5d: {  	s1 =	rddreg [dreg:$0x1];
	p0 =	sne.s32 s2, $0x0  }
0x5e: {  	s3 =	rddreg [dreg:$0x2];
	[bflag:$0x3] =	sbarrier.arrive $0xFFFF;
	s2 =	simm.s32 @!p0 $0x1C02  }
0x5f: {  	[timem:s3], [sflag:s2] =	dma.local @!p0 [hbm:s0], s1  }
0x60: {  	s0 =	simm.s32 @!p0 $0x2  }
0x61: {  	_ =	swait.ge @!p0 [sflag:s0], s1  }
0x62: {  	s1 =	ssub.s32 @!p0 $0x0, s1;
	[sflag:s0] =	ssyncset.done @!p0 $0x0  }
0x63: {  	[sflag:s0] =	ssyncadd.s32 @!p0 s1  }
0x64: {  	[bflag:$0x3] =	sbarrier.arrive $0xFFFF  }
0x65: {  	_ =	shalt  }

// kernel: kernel.44.cloned.1.call-start
scs
__scs_entry_jumppad:
0x0: {  	(pc) =	sbr.rel $0x88, $3  }
0x1: {  	(tag) =	ssettag $0x0;
	lr =	simm.s32 $0x1  }
0x2: {  	[smem:$0x3F78] =	sst lr;
	_ =	strace $0xD0000000  }
0x3: {  	_ = 	snop  }
0x4: {  	_ = 	snop  }
0x5: {  	_ = 	snop  }
0x6: {  	_ = 	snop  }
0x7: {  	_ = 	snop  }
__scs_overlays_trampoline_lowered:
0x8: {  	[smem:$0x3F87] =	sst s0  }
0x9: {  	[smem:$0x3F88] =	sst s1  }
0xa: {  	[smem:$0x3F89] =	sst s2  }
0xb: {  	[smem:$0x3F8A] =	sst s3  }
0xc: {  	[smem:$0x3F8B] =	sst s4  }
0xd: {  	[smem:$0x3F8C] =	sst s5  }
0xe: {  	[smem:$0x3F8D] =	sst s6  }
0xf: {  	[smem:$0x3F8E] =	sst s7  }
0x10: {  	[smem:$0x3F8F] =	sst s8  }
0x11: {  	[smem:$0x3F90] =	sst s9;
	s0 =	simm.s32 @!p0 $0x0  }
0x12: {  	s1 =	sld [smem:$0x3F76];
	s0 =	simm.s32 @p0 $0x1  }
0x13: {  	[smem:$0x3F91] =	sst s0;
	s0 =	simm.s32 @!p1 $0x0  }
0x14: {  	s2 =	sld [smem:$0x3F75];
	s0 =	simm.s32 @p1 $0x1  }
0x15: {  	[smem:$0x3F92] =	sst s0;
	s0 =	simm.s32 @!p2 $0x0  }
0x16: {  	s3 =	sld [smem:$0x3FDB];
	s0 =	simm.s32 @p2 $0x1  }
0x17: {  	s4 =	simm.s32 $0x1BF5;
	[smem:$0x3F94] =	sst s0  }
0x18: {  	s0 =	sld [smem:$0x3F77];
	_ =	swait.ge [sflag:s4], $0x0  }
0x19: {  	s7 =	sld [smem:$0x3F78]  }
0x1a: {  	s8 =	sadd.s32 $0xFFFFE003, lr  }
0x1b: {  	s9 =	sadd.s32 $0xFFFFFEF7, lr;
	s5 =	simm.s32 $0xFFFFFFFF;
	p2 =	slt.u32 s8, $0xFFFFF086  }
0x1c: {  	p1 =	slt.u32 s9, $0xF7A;
	s5 =	simm.s32 @!p2 $0x0  }
0x1d: {  	s5 =	simm.s32 @p1 $0x1;
	p0 =	seq.s32 s7, s2  }
0x1e: {  	s7 =	smul.u32 @!p0 $0xF7A, s2;
	p2 =	seq.s32 @!p0 s5, $0x0  }
0x1f: {  	s9 =	smul.u32 $0xF7A, s1;
	s8 =	simm.s32 @!p0 $0x1BF5;
	p2 =	por !p2, p0  }
0x20: {  	[sflag:s8] =	ssyncset.s32 @!p0 $0xFFFFF086;
	s6 =	sadd.s32 @!p0 s3, s7;
	s7 =	simm.s32 @!p0 $0x108  }
0x21: {  	s3 =	sadd.s32 s3, s9;
	s6 =	sadd.s32 @!p0 $0x88, s6;
	s7 =	simm.s32 @p2 $0x1082  }
0x22: {  	[simem:s7], [sflag:s8] =	dma.local @!p0 [hbm:s6], $0xF7A  }
0x23: {  	s9 =	sor.u32 $0xD0000000, s2;
	s6 =	simm.s32 $0x108;
	_ =	swait.ge @!p0 [sflag:s8], $0x0  }
0x24: {  	s3 =	sadd.s32 $0x88, s3;
	s6 =	simm.s32 @!p1 $0x1082;
	[sflag:s4] =	ssyncset.s32 $0xFFFFF086  }
0x25: {  	[simem:s6], [sflag:s4] =	dma.local [hbm:s3], $0xF7A  }
0x26: {  	[smem:$0x3F78] =	sst s1;
	(tag) =	ssettag s2;
	_ =	strace s9  }
0x27: {  	s1 =	sld [smem:$0x3F88]  }
0x28: {  	s2 =	sld [smem:$0x3F89]  }
0x29: {  	s4 =	sld [smem:$0x3F8B]  }
0x2a: {  	p0 =	seq.s32 s5, $0x0;
	s5 =	sld [smem:$0x3F8C]  }
0x2b: {  	s6 =	sld [smem:$0x3F8D]  }
0x2c: {  	s7 =	sld [smem:$0x3F8E]  }
0x2d: {  	s3 =	simm.s32 $0x108;
	s8 =	sld [smem:$0x3F8F]  }
0x2e: {  	s3 =	simm.s32 @!p0 $0x1082;
	s9 =	sld [smem:$0x3F90]  }
0x2f: {  	lr =	sadd.s32 s0, s3;
	s0 =	sld [smem:$0x3F87]  }
0x30: {  	s3 =	sld [smem:$0x3F8A]  }
0x31: {  	[smem:$0x3F93] =	sst s10  }
0x32: {  	s10 =	sld [smem:$0x3F91];
	_ =	sdelay $0x3  }
0x33: {  	p0 =	seq.s32 s10, $0x1;
	s10 =	sld [smem:$0x3F93];
	_ =	sdelay $0x3  }
0x34: {  	[smem:$0x3F93] =	sst s10  }
0x35: {  	s10 =	sld [smem:$0x3F92];
	_ =	sdelay $0x3  }
0x36: {  	p1 =	seq.s32 s10, $0x1;
	s10 =	sld [smem:$0x3F93];
	_ =	sdelay $0x3  }
0x37: {  	[smem:$0x3F93] =	sst s10  }
0x38: {  	s10 =	sld [smem:$0x3F94]  }
0x39: {  	_ = 	snop;
	(pc) =	sbr.ind lr, $3  }
0x3a: {  	_ = 	snop  }
0x3b: {  	_ = 	snop  }
0x3c: {  	p2 =	seq.s32 s10, $0x1;
	s10 =	sld [smem:$0x3F93]  }
0x3d: {  	_ =	shalt  }
0x3e: {  	_ =	shalt  }
0x3f: {  	_ =	shalt  }
0x40: {  	_ =	shalt  }
0x41: {  	_ =	shalt  }
0x42: {  	_ =	shalt  }
0x43: {  	_ =	shalt  }
0x44: {  	_ =	shalt  }
0x45: {  	_ =	shalt  }
0x46: {  	_ =	shalt  }
0x47: {  	_ =	shalt  }
0x48: {  	_ =	shalt  }
0x49: {  	_ =	shalt  }
0x4a: {  	_ =	shalt  }
0x4b: {  	_ =	shalt  }
0x4c: {  	_ =	shalt  }
0x4d: {  	_ =	shalt  }
0x4e: {  	_ =	shalt  }
0x4f: {  	_ =	shalt  }
0x50: {  	_ =	shalt  }
0x51: {  	_ =	shalt  }
0x52: {  	_ =	shalt  }
0x53: {  	_ =	shalt  }
0x54: {  	_ =	shalt  }
0x55: {  	_ =	shalt  }
0x56: {  	_ =	shalt  }
0x57: {  	_ =	shalt  }
0x58: {  	_ =	shalt  }
0x59: {  	_ =	shalt  }
0x5a: {  	_ =	shalt  }
0x5b: {  	_ =	shalt  }
0x5c: {  	_ =	shalt  }
0x5d: {  	_ =	shalt  }
0x5e: {  	_ =	shalt  }
0x5f: {  	_ =	shalt  }
0x60: {  	_ =	shalt  }
0x61: {  	_ =	shalt  }
0x62: {  	_ =	shalt  }
0x63: {  	_ =	shalt  }
0x64: {  	_ =	shalt  }
0x65: {  	_ =	shalt  }
0x66: {  	_ =	shalt  }
0x67: {  	_ =	shalt  }
0x68: {  	_ =	shalt  }
0x69: {  	_ =	shalt  }
0x6a: {  	_ =	shalt  }
0x6b: {  	_ =	shalt  }
0x6c: {  	_ =	shalt  }
0x6d: {  	_ =	shalt  }
0x6e: {  	_ =	shalt  }
0x6f: {  	_ =	shalt  }
0x70: {  	_ =	shalt  }
0x71: {  	_ =	shalt  }
0x72: {  	_ =	shalt  }
0x73: {  	_ =	shalt  }
0x74: {  	_ =	shalt  }
0x75: {  	_ =	shalt  }
0x76: {  	_ =	shalt  }
0x77: {  	_ =	shalt  }
0x78: {  	_ =	shalt  }
0x79: {  	_ =	shalt  }
0x7a: {  	_ =	shalt  }
0x7b: {  	_ =	shalt  }
0x7c: {  	_ =	shalt  }
0x7d: {  	_ =	shalt  }
0x7e: {  	_ =	shalt  }
0x7f: {  	_ =	shalt  }
0x80: {  	_ =	shalt  }
0x81: {  	_ =	shalt  }
0x82: {  	_ =	shalt  }
0x83: {  	_ =	shalt  }
0x84: {  	_ =	shalt  }
0x85: {  	_ =	shalt  }
0x86: {  	_ =	shalt  }
0x87: {  	_ =	shalt  }
.Lfunc_end0:
.L_simem_size_0:
called_computation.8_lowered:
.L_overlay_start_0:
0x88: {  	s2 =	sld [smem:$0x3FD9]  }
0x89: {  	s3 =	sld [smem:$0x3FFE];
	_ =	sdelay $0x1  }
0x8a: {  	s1 =	srdreg.scid  }
0x8b: {  	s0 =	sand.u32 $0x1, s1  }
0x8c: {  	s16 =	sshll.u32 s0, $0xA;
	s2 =	sadd.s32 s3, s2  }
0x8d: {  	s2 =	sadd.s32 s2, s16  }
0x8e: {  	[smem:$0x3F9F] =	sst s2  }
0x8f: {  	_ = 	snop  }
0x90: {  	(tm) =	ssettm $0x1  }
0x91: {  	s17 =	sld [smem:$0x3FFB];
	_ =	sdelay $0x3  }
0x92: {  	_ =	strace s17  }
0x93: {  	s2 =	sld [smem:$0x3FFC];
	_ =	sdelay $0x3  }
0x94: {  	_ =	strace s2  }
0x95: {  	s2 =	sld [smem:$0x3FFD];
	_ =	sdelay $0x3  }
0x96: {  	_ =	strace s2  }
0x97: {  	_ =	strace $0x8FFFFFFF  }
0x98: {  	s18 =	sld [smem:$0x3FDB];
	_ =	sdelay $0x1  }
0x99: {  	s19 =	simm.s32 $_scs_section_size  }
0x9a: {  	s4 =	simm.s32 $_size__tile_overlayer_lowered;
	s5 =	simm.s32 $_tile_overlayer_lowered  }
0x9b: {  	s22 =	simm.s32 $0x1BFF;
	s21 =	sshll.u32 s5, $0x1;
	s2 =	sadd.s32 s19, s18  }
0x9c: {  	s6 =	simm.s32 $0x0;
	s20 =	sshll.u32 s4, $0x1;
	s4 =	sadd.s32 s21, s2  }
0x9d: {  	[timem:s6], [sflag:s22] =	dma.local [hbm:s4], s20  }
0x9e: {  	_ =	swait.ge [sflag:s22], s20  }
0x9f: {  	s3 =	ssub.s32 $0x0, s20;
	[sflag:s22] =	ssyncset.done $0x0  }
0xa0: {  	[sflag:s22] =	ssyncadd.s32 s3;
	_ =	sdelay $0x1  }
0xa1: {  	s23 =	simm.s32 $0x1B8B  }
0xa2: {  	_ =	swait.ge [sflag:s23], $0x1  }
0xa3: {  	[sflag:s23] =	ssyncset.done $0x0  }
0xa4: {  	s25 =	simm.s32 $0x1B8E;
	s24 =	sld [smem:$0x3FFE];
	[sflag:s23] =	ssyncadd.s32 $0xFFFFFFFF  }
0xa5: {  	s26 =	simm.s32 $execute0_lowered;
	[smem:$0x3FD2] =	sst s25  }
0xa6: {  	s4 =	sshll.u32 s26, $0x1;
	_ =	strace $0x8000005E;
	[dreg:$0x1] =	wrdreg $0xFFFFFFFF  }
0xa7: {  	s28 =	simm.s32 $_size_execute0_lowered;
	s2 =	sadd.s32 s2, s4;
	[dreg:$0x0] =	wrdreg $0x0  }
0xa8: {  	s4 =	sshll.u32 s28, $0x1;
	[dreg:$0x2] =	wrdreg s2  }
0xa9: {  	[dreg:$0x3] =	wrdreg s4  }
0xaa: {  	[dreg:$0x4] =	wrdreg $0xC0  }
0xab: {  	_ =	task [dreg:s6], $0x5FFFF  }
0xac: {  	[dreg:$0x1] =	wrdreg $0xFFFFFFFF  }
0xad: {  	[dreg:$0x0] =	wrdreg $0x60  }
0xae: {  	[dreg:$0x2] =	wrdreg s24  }
0xaf: {  	[dreg:$0x3] =	wrdreg $0x42680  }
0xb0: {  	[dreg:$0x4] =	wrdreg $0x9  }
0xb1: {  	_ =	task.clear_ibuf [dreg:s6], $0x5FFFF;
	_ =	strace $0x9000005E  }
0xb2: {  	s29 =	simm.s32 $0x9;
	_ =	strace $0x80000060  }
0xb3: {  	_ =	swait.ge [sflag:s29], $0x1  }
0xb4: {  	[sflag:s29] =	ssyncadd.s32 $0xFFFFFFFF  }
0xb5: {  	_ =	strace $0x90000060  }
0xb6: {  	_ =	sfence  }
0xb7: {  	s30 =	sld [smem:$0x0];
	_ =	sdelay $0x2  }
0xb8: {  	s31 =	sshll.u32 s1, $0xD;
	s1 =	sshrl.u32 s1, $0x2  }
0xb9: {  	s3 =	sand.u32 $0x4000, s31;
	s1 =	sadd.s32 s1, s30  }
0xba: {  	s0 =	sor.u32 s3, s0;
	s1 =	sshll.u32 s1, $0x11  }
0xbb: {  	s0 =	sor.u32 s1, s0  }
0xbc: {  	s0 =	sadd.s32 $0x8F2B, s0  }
0xbd: {  	[sflag:s0] =	ssyncadd.remote.s32 $0x1  }
0xbe: {  	_ =	sfence.sel $0xFFFF  }
0xbf: {  	[dreg:$0x0] =	wrdreg $0xFFFFFFFF;
	(pc) =	sbr.abs _section_cstart, $3  }
0xc0: {  	[dreg:$0x1] =	wrdreg $0xFFFFFFFF  }
0xc1: {  	_ =	task.clear_ibuf [dreg:s6], $0x2FFFF;
	_ =	strace $0x9FFFFFFF  }
0xc2: {  	(tm) =	ssettm $0x7FFFFFFF  }
0xc3: {  	_ =	shalt  }
tec
execute0_lowered:
.L_overlay_start_1:
0x0: {  	(tag) =	ssettag $0x1  }
0x1: {  	s1 =	srdreg.scid;
	s6 =	rddreg [dreg:$0x0]  }
0x2: {  	s0 =	stileid.u32;
	s2 =	rddreg [dreg:$0x1]  }
0x3: {  	s3 =	simm.s32 $0x0;
	s12 =	simm.s32 $0x3E8;
	s5 =	smul.u32 $0xC350, s0  }
0x4: {  	s4 =	sand.u32 $0x1, s1;
	s8 =	smul.u32 $0x61A8, s0;
	s1 =	rddreg [dreg:$0x2]  }
0x5: {  	s13 =	simm.s32 $0x0;
	[smem:$0x7FF] =	sst s3;
	s7 =	smul.u32 $0x61A80, s4  }
0x6: {  	s31 =	sshll.u32 s0, $0x6;
	s9 =	smul.u32 $0xC3500, s4;
	s4 =	ssub.s32 $0x2, s4  }
0x7: {  	_ =	strace $0x8000005F;
	s28 =	sshrl.u32 s5, $0x3;
	s11 =	sshrl.u32 s4, $0x1  }
0x8: {  	s30 =	sadd.s32 s5, s2;
	s7 =	sadd.s32 s8, s7;
	s26 =	sadd.s32 s5, s9  }
0x9: {  	s29 =	ssub.s32 s4, s11;
	s5 =	sor.u32 $0x1C01, s31;
	s7 =	sshrl.u32 s7, $0x3  }
0xa: {  	s9 =	sadd.s32 s26, s6;
	s8 =	sshrl.u32 s26, $0x3;
	s10 =	sadd.s32 s7, s6  }
0xb: {  	s7 =	sadd.s32 s28, s6;
	s6 =	sadd.s32 s8, s6;
	s8 =	sadd.s32 $0x3DA00, s9  }
0xc: {  	s11 =	simm.s32 $0x1;
	s4 =	sadd.s32 $0x1C5400, s7;
	s6 =	sadd.s32 $0x2A1200, s6  }
0xd: {  	s7 =	smax.u32 s29, $0x1;
	s9 =	sadd.s32 $0x25200, s10;
	s10 =	sshrl.u32 s30, $0x3  }
.LBB2_1:
0xe: {  	[spmem:s10], [sflag:s5] =	dma.local [hbm:s4], $0x186A  }
0xf: {  	_ =	swait.ge [sflag:s11], $0x186A  }
0x10: {  	[sflag:s11] =	ssyncset.done $0x0  }
0x11: {  	[sflag:s11] =	ssyncadd.s32 $0xFFFFE796  }
0x12: {  	s14 =	sadd.s32 $0x0, s9;
	[bflag:$0x0] =	sbarrier.arrive $0xFFFF  }
0x13: {  	[tilespmem:s3], [sflag:$0x1] =	stream.linear.gather [hbm4b:s14+s3], $0x3E8, $0x38;
	[tilespmem:$0x105B8] =	vst v63  }
0x14: {  	_ =	swait.ge [sflag:s11], $0x3E8  }
0x15: {  	[sflag:s11] =	ssyncset.done $0x0  }
0x16: {  	[sflag:s11] =	ssyncadd.s32 $0xFFFFFC18  }
0x17: {  	[tilespmem:s12], [sflag:$0x1] =	stream.linear.gather [hbm4b:s8+s3], $0x3E80, $0x38;
	[tilespmem:$0x105B8] =	vst v63  }
0x18: {  	_ =	swait.ge [sflag:s11], $0x3E80  }
0x19: {  	[sflag:s11] =	ssyncset.done $0x0  }
0x1a: {  	[sflag:s11] =	ssyncadd.s32 $0xFFFFC180  }
0x1b: {  	[spmem:s2] =	stream.indirect.scatter.add.f32 [tilespmem:s12], [sflag:$0x1], $0x10, s3, s12, $0xb8;
	[tilespmem:$0x105B8] =	vst v63  }
0x1c: {  	s15 =	simm.s32 $0x7D;
	_ =	swait.ge [sflag:s11], $0x3E80  }
0x1d: {  	s16 =	simm.s32 $0xFA;
	s14 =	sadd.s32 $0x7D0, s8;
	[sflag:s11] =	ssyncset.done $0x0  }
.LBB2_2:
0x1e: {  	s17 =	sadd.s32 s15, s9  }
0x1f: {  	[sflag:s11] =	ssyncadd.s32 $0xFFFFC180;
	s15 =	smov.u32 s16;
	s18 =	sadd.s32 $0x7D, s16  }
0x20: {  	[tilespmem:s3], [sflag:$0x1] =	stream.linear.gather [hbm4b:s17+s3], $0x3E8, $0x38;
	[tilespmem:$0x105B8] =	vst v63  }
0x21: {  	p0 =	sne.s32 s16, $0xBB8;
	_ =	swait.ge [sflag:s11], $0x3E8  }
0x22: {  	[sflag:s11] =	ssyncset.done $0x0  }
0x23: {  	[sflag:s11] =	ssyncadd.s32 $0xFFFFFC18  }
0x24: {  	[tilespmem:s12], [sflag:$0x1] =	stream.linear.gather [hbm4b:s14+s3], $0x3E80, $0x38;
	[tilespmem:$0x105B8] =	vst v63  }
0x25: {  	_ =	swait.ge [sflag:s11], $0x3E80  }
.Ltmp0:
0x26: {  	[sflag:s11] =	ssyncset.done $0x0;
	(pc) =	sbr.rel @p0 .LBB2_2-.Ltmp0, $4  }
0x27: {  	[sflag:s11] =	ssyncadd.s32 $0xFFFFC180  }
0x28: {  	[spmem:s2] =	stream.indirect.scatter.add.f32 [tilespmem:s12], [sflag:$0x1], $0x10, s3, s12, $0xb8;
	[tilespmem:$0x105B8] =	vst v63  }
0x29: {  	_ =	swait.ge [sflag:s11], $0x3E80  }
0x2a: {  	s16 =	smov.u32 s18;
	s14 =	sadd.s32 $0x7D0, s14;
	[sflag:s11] =	ssyncset.done $0x0  }
0x2b: {  	s15 =	sadd.s32 s15, s9;
	[sflag:s11] =	ssyncadd.s32 $0xFFFFC180  }
0x2c: {  	[tilespmem:s3], [sflag:$0x1] =	stream.linear.gather [hbm4b:s15+s3], $0x3E8, $0x38;
	[tilespmem:$0x105B8] =	vst v63  }
0x2d: {  	_ =	swait.ge [sflag:s11], $0x3E8  }
0x2e: {  	[sflag:s11] =	ssyncset.done $0x0  }
0x2f: {  	[sflag:s11] =	ssyncadd.s32 $0xFFFFFC18  }
0x30: {  	[tilespmem:s12], [sflag:$0x1] =	stream.linear.gather [hbm4b:s14+s3], $0x3E80, $0x38;
	[tilespmem:$0x105B8] =	vst v63  }
0x31: {  	_ =	swait.ge [sflag:s11], $0x3E80  }
0x32: {  	[sflag:s11] =	ssyncset.done $0x0  }
0x33: {  	[sflag:s11] =	ssyncadd.s32 $0xFFFFC180  }
0x34: {  	[spmem:s2] =	stream.indirect.scatter.add.f32 [tilespmem:s12], [sflag:$0x1], $0x10, s3, s12, $0xb8;
	[tilespmem:$0x105B8] =	vst v63  }
0x35: {  	_ =	swait.ge [sflag:s11], $0x3E80  }
0x36: {  	s13 =	sadd.s32 $0x1, s13;
	[sflag:s11] =	ssyncset.done $0x0  }
0x37: {  	p0 =	sne.s32 s13, s7;
	[sflag:s11] =	ssyncadd.s32 $0xFFFFC180  }
.Ltmp1:
0x38: {  	[bflag:$0x0] =	sbarrier.arrive $0xFFFF;
	(pc) =	sbr.rel @p0 .LBB2_1-.Ltmp1, $4  }
0x39: {  	[hbm:s6], [sflag:s5] =	dma.local [spmem:s10], $0x186A  }
0x3a: {  	_ =	swait.ge [sflag:s11], $0x186A  }
0x3b: {  	[sflag:s11] =	ssyncset.done $0x0  }
0x3c: {  	[sflag:s11] =	ssyncadd.s32 $0xFFFFE796  }
0x3d: {  	_ =	sfence.sel $0x180000  }
0x3e: {  	[bflag:$0x0] =	sbarrier.arrive $0xFFFF  }
0x3f: {  	p0 =	sne.s32 s0, $0x0;
	_ =	strace $0x9000005F  }
0x40: {  	s0 =	sadd.s32 @!p0 $0x100000, s1;
	[bflag:$0x2] =	sbarrier.arrive $0xFFFF  }
0x41: {  	[sflag:s0] =	ssyncadd.tile.s32 @!p0 $0x1;
	_ =	shalt  }
.Lfunc_end2:
_tile_overlayer_lowered:
.L_overlay_start_2:
0x42: {  	(tag) =	ssettag $0x2  }
0x43: {  	s0 =	rddreg [dreg:$0x0];
	s2 =	stileid.u32  }
0x44: {  	s1 =	rddreg [dreg:$0x1];
	p0 =	sne.s32 s2, $0x0  }
0x45: {  	s3 =	rddreg [dreg:$0x2];
	[bflag:$0x3] =	sbarrier.arrive $0xFFFF;
	s2 =	simm.s32 @!p0 $0x1C01  }
0x46: {  	[timem:s3], [sflag:s2] =	dma.local @!p0 [hbm:s0], s1  }
0x47: {  	s0 =	simm.s32 @!p0 $0x1  }
0x48: {  	_ =	swait.ge @!p0 [sflag:s0], s1  }
0x49: {  	s1 =	ssub.s32 @!p0 $0x0, s1;
	[sflag:s0] =	ssyncset.done @!p0 $0x0  }
0x4a: {  	[sflag:s0] =	ssyncadd.s32 @!p0 s1  }
0x4b: {  	[bflag:$0x3] =	sbarrier.arrive $0xFFFF  }
0x4c: {  	_ =	shalt  }

</sc_bundles>
